<compile_context>
chip_gen: v7x
topology: tpu7x:2x2x1
jax: 0.10.2.dev20260603
libtpu: 0.0.44.dev20260713+nightly
codegen_flags: <defaults>
</compile_context>

<pallas_src>
import jax
import jax.numpy as jnp
from jax import lax
from jax.experimental import pallas as pl
from jax.experimental.pallas import tpu as pltpu
from jax.experimental.pallas import tpu_sc as plsc

_NC = 2
_NS = 16
_NW = _NC * _NS
_C = 80
_G = 16
_NBUF = 4
_NIB = 8
_GPD = 2
_IPD = 6


def _ab_kernel(h_ref, w_ref, b_ref, d_ref, out_ref):
    ab = lax.dot_general(
        w_ref[...], h_ref[...], (((1,), (1,)), ((), ())),
        preferred_element_type=jnp.float32)
    out_ref[0:2, :] = ab + b_ref[...]
    out_ref[2, :] = d_ref[...]


def _combine_kernel(p_ref, out_ref):
    out_ref[...] = p_ref[0] + p_ref[1]


def _make_gate_kernel(n, ept, nedges):
    nchunk = ept // _C

    def _gate_kernel(abd_hbm, ei_hbm, out3_hbm, abd_v, idx_v, out_v, sem):
        cid = lax.axis_index("c")
        sid = lax.axis_index("s")
        wid = sid * _NC + cid

        off = pl.multiple_of(wid * ept, 8)
        cp1 = pltpu.make_async_copy(abd_hbm, abd_v, sem)
        cp2 = pltpu.make_async_copy(
            ei_hbm.at[pl.ds(off, ept)], idx_v.at[pl.ds(0, ept)], sem)
        cp3 = pltpu.make_async_copy(
            ei_hbm.at[pl.ds(nedges + off, ept)], idx_v.at[pl.ds(ept, ept)],
            sem)
        cp1.start()
        cp2.start()
        cp3.start()
        cp1.wait()
        cp2.wait()
        cp3.wait()

        def chunk(c, carry):
            for g in range(_C // _G):
                sl = pl.ds(g * _G, _G)
                si = idx_v[pl.ds(c * _C + g * _G, _G)]
                di = idx_v[pl.ds(ept + c * _C + g * _G, _G)]
                av = plsc.load_gather(abd_v, [di])
                bv = plsc.load_gather(abd_v, [si + n])
                dd = plsc.load_gather(abd_v, [di + 2 * n])
                ds_ = plsc.load_gather(abd_v, [si + 2 * n])
                u = jnp.exp(2.0 * (av + bv))
                t = 1.0 - 2.0 / (u + 1.0)
                ev = t * dd * ds_
                out_v[c, 0, sl] = si
                out_v[c, 1, sl] = di
                out_v[c, 2, sl] = plsc.bitcast(ev, jnp.int32)
            return carry

        lax.fori_loop(0, nchunk, chunk, 0, unroll=4)
        pltpu.sync_copy(out_v, out3_hbm.at[wid])

    return _gate_kernel


def _make_scatter_kernel(n, d_feat, ept):
    nchunk = ept // _C
    rpt = (n // _NS) // 8 * 8
    rem = n - rpt * _NS

    zrows = n // _NS
    nzc = zrows // _C
    zrem = zrows - nzc * _C

    def _scatter_kernel(h_hbm, eidx_hbm, out_hbm,
                        idx_v, rows_v, z_sh, sem_i, sem_g, sem_s):
        cid = lax.axis_index("c")
        sid = lax.axis_index("s")
        wid = sid * _NC + cid

        def zrow(j, carry):
            for k in range(d_feat // _G):
                rows_v[0, j, pl.ds(k * _G, _G)] = jnp.zeros(
                    (_G,), jnp.float32)
            return carry

        lax.fori_loop(0, _C, zrow, 0, unroll=4)

        def zcopy(q, carry):
            pltpu.sync_copy(rows_v.at[0],
                            z_sh.at[pl.ds(sid * zrows + q * _C, _C)])
            return carry

        lax.fori_loop(0, nzc, zcopy, 0)
        if zrem:
            pltpu.sync_copy(
                rows_v.at[0, pl.ds(0, zrem)],
                z_sh.at[pl.ds(sid * zrows + nzc * _C, zrem)])
        plsc.subcore_barrier()

        def idx_start(c, bi):
            pltpu.async_copy(eidx_hbm.at[wid, c], idx_v.at[bi],
                             sem_i.at[bi])

        def idx_wait(c, bi):
            pltpu.make_async_copy(eidx_hbm.at[wid, c], idx_v.at[bi],
                                  sem_i.at[bi]).wait()

        def gather_start(c, b, bi):
            pltpu.async_copy(h_hbm.at[idx_v.at[bi, 0]], rows_v.at[b],
                             sem_g.at[b])

        def gather_wait(c, b, bi):
            pltpu.make_async_copy(h_hbm.at[idx_v.at[bi, 0]], rows_v.at[b],
                                  sem_g.at[b]).wait()

        def scatter_start(c, b, bi):
            pltpu.async_copy(rows_v.at[b], z_sh.at[idx_v.at[bi, 1]],
                             sem_s.at[b], add=True)

        def scatter_wait(c, b, bi):
            pltpu.make_async_copy(rows_v.at[b], z_sh.at[idx_v.at[bi, 1]],
                                  sem_s.at[b]).wait()

        def compute_chunk(c, b, bi):
            def scale_row(j, c2):
                bev_i = plsc.load_gather(
                    idx_v, [jnp.full((_G,), bi, jnp.int32),
                            jnp.full((_G,), 2, jnp.int32),
                            jnp.full((_G,), j, jnp.int32)])
                bev = plsc.bitcast(bev_i, jnp.float32)
                for k in range(d_feat // _G):
                    sl = pl.ds(k * _G, _G)
                    rows_v[b, j, sl] = rows_v[b, j, sl] * bev
                return c2

            lax.fori_loop(0, _C, scale_row, 0, unroll=4)

        def _pro_idx(c, carry):
            idx_start(c, c)
            return carry

        lax.fori_loop(0, min(_IPD, nchunk), _pro_idx, 0)

        def _pro_gather(c, carry):
            idx_wait(c, c)
            gather_start(c, c, c)
            return carry

        lax.fori_loop(0, min(_GPD, nchunk), _pro_gather, 0)

        def step(c, carry):
            b = lax.rem(c, _NBUF)
            bi = lax.rem(c, _NIB)

            @pl.when(c >= 2)
            def _drain():
                scatter_wait(c - 2, lax.rem(c - 2, _NBUF),
                             lax.rem(c - 2, _NIB))

            @pl.when(c + _IPD < nchunk)
            def _refill():
                idx_start(c + _IPD, lax.rem(c + _IPD, _NIB))

            @pl.when(c + _GPD < nchunk)
            def _prefetch():
                bg = lax.rem(c + _GPD, _NBUF)
                big = lax.rem(c + _GPD, _NIB)
                idx_wait(c + _GPD, big)
                gather_start(c + _GPD, bg, big)

            gather_wait(c, b, bi)
            compute_chunk(c, b, bi)
            scatter_start(c, b, bi)
            return carry

        lax.fori_loop(0, nchunk, step, 0)
        def _final_drain(c, carry):
            scatter_wait(c, lax.rem(c, _NBUF), lax.rem(c, _NIB))
            return carry

        lax.fori_loop(max(0, nchunk - 2), nchunk, _final_drain, 0)

        plsc.subcore_barrier()
        woff = pl.multiple_of(sid * rpt, 8)
        pltpu.sync_copy(z_sh.at[pl.ds(woff, rpt)],
                        out_hbm.at[cid, pl.ds(woff, rpt)])
        if rem:
            @pl.when(sid == _NS - 1)
            def _write_tail():
                pltpu.sync_copy(z_sh.at[pl.ds(rpt * _NS, rem)],
                                out_hbm.at[cid, pl.ds(rpt * _NS, rem)])

    return _scatter_kernel


def kernel(h, d, edge_index, gate_w, gate_b):
    n, d_feat = h.shape
    e = edge_index.shape[1]
    ept = e // _NW
    nchunk = ept // _C

    ei = edge_index.astype(jnp.int32).reshape(2 * e)

    w2r = gate_w.reshape(2, d_feat)
    bias2 = jnp.concatenate([gate_b, jnp.zeros((1,), jnp.float32)])
    bias2 = bias2.reshape(2, 1)

    abd = pl.pallas_call(
        _ab_kernel,
        out_shape=jax.ShapeDtypeStruct((3, n), jnp.float32),
    )(h, w2r, bias2, d.astype(jnp.float32)).reshape(3 * n)

    mesh = plsc.VectorSubcoreMesh(core_axis_name="c", subcore_axis_name="s")

    eidx3 = pl.kernel(
        _make_gate_kernel(n, ept, e),
        out_type=jax.ShapeDtypeStruct((_NW, nchunk, 4, _C), jnp.int32),
        mesh=mesh,
        scratch_types=[
            pltpu.VMEM((3 * n,), jnp.float32),
            pltpu.VMEM((2 * ept,), jnp.int32),
            pltpu.VMEM((nchunk, 4, _C), jnp.int32),
            pltpu.SemaphoreType.DMA,
        ],
        compiler_params=pltpu.CompilerParams(needs_layout_passes=False),
    )(abd, ei)

    partials = pl.kernel(
        _make_scatter_kernel(n, d_feat, ept),
        out_type=jax.ShapeDtypeStruct((_NC, n, d_feat), jnp.float32),
        mesh=mesh,
        scratch_types=[
            pltpu.VMEM((_NIB, 4, _C), jnp.int32),
            pltpu.VMEM((_NBUF, _C, d_feat), jnp.float32),
            pltpu.VMEM_SHARED((n, d_feat), jnp.float32),
            pltpu.SemaphoreType.DMA((_NIB,)),
            pltpu.SemaphoreType.DMA((_NBUF,)),
            pltpu.SemaphoreType.DMA((_NBUF,)),
        ],
        compiler_params=pltpu.CompilerParams(needs_layout_passes=False),
    )(h, eidx3)

    z = pl.pallas_call(
        _combine_kernel,
        out_shape=jax.ShapeDtypeStruct((n, d_feat), jnp.float32),
    )(partials)
    return z

# --- scband reference (transcript-rebuilt; emitter-appended) ---
"""Pipeline reference for scband-malayer-54296976556533 (READ-ONLY COPY).

The authoritative reference and input builder live on the scoring server;
editing this copy changes nothing except your own understanding.
"""

import jax, jax.numpy as jnp
import numpy as np

N_NODES = 10000
N_EDGES = 320000
D_FEAT = 128

def setup_inputs(seed: int = 0) -> dict:
    key = jax.random.key(seed)
    k_h, k_d, k_e, k_w = jax.random.split(key, 4)
    h = jax.random.normal(k_h, (N_NODES, D_FEAT), dtype=jnp.float32)
    # per-node degree normalization term (g.ndata['d'] in FAGCN-style layers)
    d = jax.random.uniform(k_d, (N_NODES,), dtype=jnp.float32)
    edge_index = jax.random.randint(k_e, (2, N_EDGES), 0, N_NODES, dtype=jnp.int64)
    # gate = nn.Linear(2*in_dim, 1), xavier_normal init gain=1.414
    fan_in, fan_out = 2 * D_FEAT, 1
    std = 1.414 * np.sqrt(2.0 / (fan_in + fan_out))
    gate_w = jax.random.normal(k_w, (1, 2 * D_FEAT), dtype=jnp.float32) * std
    gate_b = jnp.zeros((1,), dtype=jnp.float32)
    return {"h": h, "d": d, "edge_index": edge_index, "gate_w": gate_w, "gate_b": gate_b}

def reference(h, d, edge_index, gate_w, gate_b):
    # eval mode: dropedge Dropout is identity
    src = edge_index[0]
    dst = edge_index[1]
    h_src = jnp.take(h, src, axis=0)           # gather src features [E, d]
    h_dst = jnp.take(h, dst, axis=0)           # gather dst features [E, d]
    h2 = jnp.concatenate([h_dst, h_src], axis=1)  # [E, 2d]
    g = jnp.tanh(h2 @ gate_w.T + gate_b).squeeze(-1)  # [E]
    e = g * jnp.take(d, dst) * jnp.take(d, src)       # [E]
    msg = h_src * e[:, None]                   # u_mul_e('h','e')
    z = jnp.zeros_like(h).at[dst].add(msg)     # fn.sum into dst nodes
    return z

if __name__ == "__main__":
    import jax
    _d = setup_inputs()
    print(jax.jit(kernel)(*tuple(_d.values())))

</pallas_src>

<mosaic_0001>
#map = affine_map<(d0, d1) -> (0)>
#map1 = affine_map<(d0, d1) -> (0, 0, 0, 0)>
module attributes {stable_mosaic.version = 14 : i64} {
  func.func @_gate_kernel(%arg0: i32, %arg1: i32, %arg2: memref<30000xf32, #tpu.memory_space<hbm>>, %arg3: memref<640000xi32, #tpu.memory_space<hbm>>, %arg4: memref<32x125x4x80xi32, #tpu.memory_space<hbm>>, %arg5: memref<30000xf32, #tpu.memory_space<vmem>>, %arg6: memref<20000xi32, #tpu.memory_space<vmem>>, %arg7: memref<125x4x80xi32, #tpu.memory_space<vmem>>, %arg8: memref<!tpu.dma_semaphore, #tpu.memory_space<semaphore_mem>>) attributes {dimension_semantics = [#tpu.dimension_semantics<core_parallel>, #tpu.dimension_semantics<subcore_parallel>], iteration_bounds = array<i64: 2, 16>, scalar_prefetch = 0 : i64, scratch_operands = 4 : i64, tpu.core_type = #tpu.core_type<sc_vector_subcore>, window_params = [{transform_indices = #map}, {transform_indices = #map}, {transform_indices = #map1}]} {
    %mul3A = arith.constant 2 : i32
    %mul3A_0 = arith.muli %arg1, %mul3A : i32
    %add3A = arith.addi %mul3A_0, %arg0 : i32
    %mul3A_1 = arith.constant 10000 : i32
    %mul3A_2 = arith.muli %add3A, %mul3A_1 : i32
    %multiple_of3A = tpu.assume_multiple %mul3A_2, 8 : i32
    %add3A_3 = arith.constant 320000 : i32
    %add3A_4 = arith.addi %add3A_3, %multiple_of3A : i32
    tpu.enqueue_dma source(%arg2 : memref<30000xf32, #tpu.memory_space<hbm>>) target(%arg5 : memref<30000xf32, #tpu.memory_space<vmem>>) target_semaphore(%arg8 : memref<!tpu.dma_semaphore, #tpu.memory_space<semaphore_mem>>)
    %dma_start3A = arith.constant 0 : i32
    %dma_start3A_5 = tpu.memref_slice %arg6[%dma_start3A] : memref<20000xi32, #tpu.memory_space<vmem>> -> memref<10000xi32, #tpu.memory_space<vmem>>
    %dma_start3A_6 = tpu.memref_slice %arg3[%multiple_of3A] : memref<640000xi32, #tpu.memory_space<hbm>> -> memref<10000xi32, #tpu.memory_space<hbm>>
    %dma_start3A_7 = arith.constant 0 : i32
    %dma_start3A_8 = tpu.memref_slice %arg6[%dma_start3A_7] : memref<20000xi32, #tpu.memory_space<vmem>> -> memref<10000xi32, #tpu.memory_space<vmem>>
    %dma_start3A_9 = tpu.memref_slice %arg3[%multiple_of3A] : memref<640000xi32, #tpu.memory_space<hbm>> -> memref<10000xi32, #tpu.memory_space<hbm>>
    tpu.enqueue_dma source(%dma_start3A_9 : memref<10000xi32, #tpu.memory_space<hbm>>) target(%dma_start3A_8 : memref<10000xi32, #tpu.memory_space<vmem>>) target_semaphore(%arg8 : memref<!tpu.dma_semaphore, #tpu.memory_space<semaphore_mem>>)
    %dma_start3A_10 = arith.constant 10000 : i32
    %dma_start3A_11 = tpu.memref_slice %arg6[%dma_start3A_10] : memref<20000xi32, #tpu.memory_space<vmem>> -> memref<10000xi32, #tpu.memory_space<vmem>>
    %dma_start3A_12 = tpu.memref_slice %arg3[%add3A_4] : memref<640000xi32, #tpu.memory_space<hbm>> -> memref<10000xi32, #tpu.memory_space<hbm>>
    %dma_start3A_13 = arith.constant 10000 : i32
    %dma_start3A_14 = tpu.memref_slice %arg6[%dma_start3A_13] : memref<20000xi32, #tpu.memory_space<vmem>> -> memref<10000xi32, #tpu.memory_space<vmem>>
    %dma_start3A_15 = tpu.memref_slice %arg3[%add3A_4] : memref<640000xi32, #tpu.memory_space<hbm>> -> memref<10000xi32, #tpu.memory_space<hbm>>
    tpu.enqueue_dma source(%dma_start3A_15 : memref<10000xi32, #tpu.memory_space<hbm>>) target(%dma_start3A_14 : memref<10000xi32, #tpu.memory_space<vmem>>) target_semaphore(%arg8 : memref<!tpu.dma_semaphore, #tpu.memory_space<semaphore_mem>>)
    tpu.wait_dma2 semaphore(%arg8 : memref<!tpu.dma_semaphore, #tpu.memory_space<semaphore_mem>>) src(%arg2 : memref<30000xf32, #tpu.memory_space<hbm>>) dst(%arg5 : memref<30000xf32, #tpu.memory_space<vmem>>)
    %dma_wait3A = arith.constant 0 : i32
    %dma_wait3A_16 = tpu.memref_slice %arg6[%dma_wait3A] : memref<20000xi32, #tpu.memory_space<vmem>> -> memref<10000xi32, #tpu.memory_space<vmem>>
    %dma_wait3A_17 = tpu.memref_slice %arg3[%multiple_of3A] : memref<640000xi32, #tpu.memory_space<hbm>> -> memref<10000xi32, #tpu.memory_space<hbm>>
    %dma_wait3A_18 = arith.constant 0 : i32
    %dma_wait3A_19 = tpu.memref_slice %arg6[%dma_wait3A_18] : memref<20000xi32, #tpu.memory_space<vmem>> -> memref<10000xi32, #tpu.memory_space<vmem>>
    %dma_wait3A_20 = tpu.memref_slice %arg3[%multiple_of3A] : memref<640000xi32, #tpu.memory_space<hbm>> -> memref<10000xi32, #tpu.memory_space<hbm>>
    tpu.wait_dma2 semaphore(%arg8 : memref<!tpu.dma_semaphore, #tpu.memory_space<semaphore_mem>>) src(%dma_wait3A_20 : memref<10000xi32, #tpu.memory_space<hbm>>) dst(%dma_wait3A_19 : memref<10000xi32, #tpu.memory_space<vmem>>)
    %dma_wait3A_21 = arith.constant 10000 : i32
    %dma_wait3A_22 = tpu.memref_slice %arg6[%dma_wait3A_21] : memref<20000xi32, #tpu.memory_space<vmem>> -> memref<10000xi32, #tpu.memory_space<vmem>>
    %dma_wait3A_23 = tpu.memref_slice %arg3[%add3A_4] : memref<640000xi32, #tpu.memory_space<hbm>> -> memref<10000xi32, #tpu.memory_space<hbm>>
    %dma_wait3A_24 = arith.constant 10000 : i32
    %dma_wait3A_25 = tpu.memref_slice %arg6[%dma_wait3A_24] : memref<20000xi32, #tpu.memory_space<vmem>> -> memref<10000xi32, #tpu.memory_space<vmem>>
    %dma_wait3A_26 = tpu.memref_slice %arg3[%add3A_4] : memref<640000xi32, #tpu.memory_space<hbm>> -> memref<10000xi32, #tpu.memory_space<hbm>>
    tpu.wait_dma2 semaphore(%arg8 : memref<!tpu.dma_semaphore, #tpu.memory_space<semaphore_mem>>) src(%dma_wait3A_26 : memref<10000xi32, #tpu.memory_space<hbm>>) dst(%dma_wait3A_25 : memref<10000xi32, #tpu.memory_space<vmem>>)
    %scan3A = arith.constant 0 : i32
    %scan3A_27 = arith.constant 0 : i32
    %scan3A_28 = arith.constant 124 : i32
    %scan3A_29 = arith.addi %scan3A_27, %scan3A_28 : i32
    %scan3A_30 = arith.constant 4 : i32
    scf.for %scan3A_322 = %scan3A_27 to %scan3A_29 step %scan3A_30  : i32 {
      %mul3A_323 = arith.constant 80 : i32
      %mul3A_324 = arith.muli %scan3A_322, %mul3A_323 : i32
      %add3A_325 = arith.constant 0 : i32
      %add3A_326 = arith.addi %mul3A_324, %add3A_325 : i32
      %get3A_327 = arith.index_cast %add3A_326 : i32 to index
      %get3A_328 = tpu.vector_load %arg6[%get3A_327] {strides = array<i32>} : memref<20000xi32, #tpu.memory_space<vmem>>, vector<16xi32>,
      %mul3A_329 = arith.constant 80 : i32
      %mul3A_330 = arith.muli %scan3A_322, %mul3A_329 : i32
      %add3A_331 = arith.constant 10000 : i32
      %add3A_332 = arith.addi %add3A_331, %mul3A_330 : i32
      %add3A_333 = arith.constant 0 : i32
      %add3A_334 = arith.addi %add3A_332, %add3A_333 : i32
      %get3A_335 = arith.index_cast %add3A_334 : i32 to index
      %get3A_336 = tpu.vector_load %arg6[%get3A_335] {strides = array<i32>} : memref<20000xi32, #tpu.memory_space<vmem>>, vector<16xi32>,
      %gather3A_337 = tpu.vector_load_idx %arg5[%get3A_336] : memref<30000xf32, #tpu.memory_space<vmem>>[vector<16xi32>], vector<16xf32>,
      %add3A_338 = arith.constant 10000 : i32
      %add3A_339 = vector.broadcast %add3A_338 : i32 to vector<16xi32>
      %add3A_340 = arith.addi %get3A_328, %add3A_339 : vector<16xi32>
      %gather3A_341 = tpu.vector_load_idx %arg5[%add3A_340] : memref<30000xf32, #tpu.memory_space<vmem>>[vector<16xi32>], vector<16xf32>,
      %add3A_342 = arith.constant 20000 : i32
      %add3A_343 = vector.broadcast %add3A_342 : i32 to vector<16xi32>
      %add3A_344 = arith.addi %get3A_336, %add3A_343 : vector<16xi32>
      %gather3A_345 = tpu.vector_load_idx %arg5[%add3A_344] : memref<30000xf32, #tpu.memory_space<vmem>>[vector<16xi32>], vector<16xf32>,
      %add3A_346 = arith.constant 20000 : i32
      %add3A_347 = vector.broadcast %add3A_346 : i32 to vector<16xi32>
      %add3A_348 = arith.addi %get3A_328, %add3A_347 : vector<16xi32>
      %gather3A_349 = tpu.vector_load_idx %arg5[%add3A_348] : memref<30000xf32, #tpu.memory_space<vmem>>[vector<16xi32>], vector<16xf32>,
      %add3A_350 = arith.addf %gather3A_337, %gather3A_341 : vector<16xf32>
      %mul3A_351 = arith.constant 2.000000e+00 : f32
      %mul3A_352 = vector.broadcast %mul3A_351 : f32 to vector<16xf32>
      %mul3A_353 = arith.mulf %mul3A_352, %add3A_350 : vector<16xf32>
      %exp3A_354 = math.exp %mul3A_353 : vector<16xf32>
      %add3A_355 = arith.constant 1.000000e+00 : f32
      %add3A_356 = vector.broadcast %add3A_355 : f32 to vector<16xf32>
      %add3A_357 = arith.addf %exp3A_354, %add3A_356 : vector<16xf32>
      %div3A_358 = arith.constant 2.000000e+00 : f32
      %div3A_359 = vector.broadcast %div3A_358 : f32 to vector<16xf32>
      %div3A_360 = arith.divf %div3A_359, %add3A_357 : vector<16xf32>
      %sub3A_361 = arith.constant 1.000000e+00 : f32
      %sub3A_362 = vector.broadcast %sub3A_361 : f32 to vector<16xf32>
      %sub3A_363 = arith.subf %sub3A_362, %div3A_360 : vector<16xf32>
      %mul3A_364 = arith.mulf %sub3A_363, %gather3A_345 : vector<16xf32>
      %mul3A_365 = arith.mulf %mul3A_364, %gather3A_349 : vector<16xf32>
      %swap3A_366 = arith.constant 0 : i32
      %swap3A_367 = arith.index_cast %scan3A_322 : i32 to index
      %swap3A_368 = arith.index_cast %swap3A_366 : i32 to index
      %swap3A_369 = arith.constant 0 : index
      %swap3A_370 = tpu.vector_load %arg7[%swap3A_367, %swap3A_368, %swap3A_369] {strides = array<i32>} : memref<125x4x80xi32, #tpu.memory_space<vmem>>, vector<16xi32>,
      tpu.vector_store %arg7[%swap3A_367, %swap3A_368, %swap3A_369], %get3A_328 {strides = array<i32>} : memref<125x4x80xi32, #tpu.memory_space<vmem>>, vector<16xi32>,
      %swap3A_371 = arith.constant 1 : i32
      %swap3A_372 = arith.index_cast %scan3A_322 : i32 to index
      %swap3A_373 = arith.index_cast %swap3A_371 : i32 to index
      %swap3A_374 = arith.constant 0 : index
      %swap3A_375 = tpu.vector_load %arg7[%swap3A_372, %swap3A_373, %swap3A_374] {strides = array<i32>} : memref<125x4x80xi32, #tpu.memory_space<vmem>>, vector<16xi32>,
      tpu.vector_store %arg7[%swap3A_372, %swap3A_373, %swap3A_374], %get3A_336 {strides = array<i32>} : memref<125x4x80xi32, #tpu.memory_space<vmem>>, vector<16xi32>,
      %bitcast3A_376 = vector.bitcast %mul3A_365 : vector<16xf32> to vector<16xi32>
      %swap3A_377 = arith.constant 2 : i32
      %swap3A_378 = arith.index_cast %scan3A_322 : i32 to index
      %swap3A_379 = arith.index_cast %swap3A_377 : i32 to index
      %swap3A_380 = arith.constant 0 : index
      %swap3A_381 = tpu.vector_load %arg7[%swap3A_378, %swap3A_379, %swap3A_380] {strides = array<i32>} : memref<125x4x80xi32, #tpu.memory_space<vmem>>, vector<16xi32>,
      tpu.vector_store %arg7[%swap3A_378, %swap3A_379, %swap3A_380], %bitcast3A_376 {strides = array<i32>} : memref<125x4x80xi32, #tpu.memory_space<vmem>>, vector<16xi32>,
      %mul3A_382 = arith.constant 80 : i32
      %mul3A_383 = arith.muli %scan3A_322, %mul3A_382 : i32
      %add3A_384 = arith.constant 16 : i32
      %add3A_385 = arith.addi %mul3A_383, %add3A_384 : i32
      %get3A_386 = arith.index_cast %add3A_385 : i32 to index
      %get3A_387 = tpu.vector_load %arg6[%get3A_386] {strides = array<i32>} : memref<20000xi32, #tpu.memory_space<vmem>>, vector<16xi32>,
      %mul3A_388 = arith.constant 80 : i32
      %mul3A_389 = arith.muli %scan3A_322, %mul3A_388 : i32
      %add3A_390 = arith.constant 10000 : i32
      %add3A_391 = arith.addi %add3A_390, %mul3A_389 : i32
      %add3A_392 = arith.constant 16 : i32
      %add3A_393 = arith.addi %add3A_391, %add3A_392 : i32
      %get3A_394 = arith.index_cast %add3A_393 : i32 to index
      %get3A_395 = tpu.vector_load %arg6[%get3A_394] {strides = array<i32>} : memref<20000xi32, #tpu.memory_space<vmem>>, vector<16xi32>,
      %gather3A_396 = tpu.vector_load_idx %arg5[%get3A_395] : memref<30000xf32, #tpu.memory_space<vmem>>[vector<16xi32>], vector<16xf32>,
      %add3A_397 = arith.constant 10000 : i32
      %add3A_398 = vector.broadcast %add3A_397 : i32 to vector<16xi32>
      %add3A_399 = arith.addi %get3A_387, %add3A_398 : vector<16xi32>
      %gather3A_400 = tpu.vector_load_idx %arg5[%add3A_399] : memref<30000xf32, #tpu.memory_space<vmem>>[vector<16xi32>], vector<16xf32>,
      %add3A_401 = arith.constant 20000 : i32
      %add3A_402 = vector.broadcast %add3A_401 : i32 to vector<16xi32>
      %add3A_403 = arith.addi %get3A_395, %add3A_402 : vector<16xi32>
      %gather3A_404 = tpu.vector_load_idx %arg5[%add3A_403] : memref<30000xf32, #tpu.memory_space<vmem>>[vector<16xi32>], vector<16xf32>,
      %add3A_405 = arith.constant 20000 : i32
      %add3A_406 = vector.broadcast %add3A_405 : i32 to vector<16xi32>
      %add3A_407 = arith.addi %get3A_387, %add3A_406 : vector<16xi32>
      %gather3A_408 = tpu.vector_load_idx %arg5[%add3A_407] : memref<30000xf32, #tpu.memory_space<vmem>>[vector<16xi32>], vector<16xf32>,
      %add3A_409 = arith.addf %gather3A_396, %gather3A_400 : vector<16xf32>
      %mul3A_410 = arith.constant 2.000000e+00 : f32
      %mul3A_411 = vector.broadcast %mul3A_410 : f32 to vector<16xf32>
      %mul3A_412 = arith.mulf %mul3A_411, %add3A_409 : vector<16xf32>
      %exp3A_413 = math.exp %mul3A_412 : vector<16xf32>
      %add3A_414 = arith.constant 1.000000e+00 : f32
      %add3A_415 = vector.broadcast %add3A_414 : f32 to vector<16xf32>
      %add3A_416 = arith.addf %exp3A_413, %add3A_415 : vector<16xf32>
      %div3A_417 = arith.constant 2.000000e+00 : f32
      %div3A_418 = vector.broadcast %div3A_417 : f32 to vector<16xf32>
      %div3A_419 = arith.divf %div3A_418, %add3A_416 : vector<16xf32>
      %sub3A_420 = arith.constant 1.000000e+00 : f32
      %sub3A_421 = vector.broadcast %sub3A_420 : f32 to vector<16xf32>
      %sub3A_422 = arith.subf %sub3A_421, %div3A_419 : vector<16xf32>
      %mul3A_423 = arith.mulf %sub3A_422, %gather3A_404 : vector<16xf32>
      %mul3A_424 = arith.mulf %mul3A_423, %gather3A_408 : vector<16xf32>
      %swap3A_425 = arith.constant 0 : i32
      %swap3A_426 = arith.index_cast %scan3A_322 : i32 to index
      %swap3A_427 = arith.index_cast %swap3A_425 : i32 to index
      %swap3A_428 = arith.constant 16 : index
      %swap3A_429 = tpu.vector_load %arg7[%swap3A_426, %swap3A_427, %swap3A_428] {strides = array<i32>} : memref<125x4x80xi32, #tpu.memory_space<vmem>>, vector<16xi32>,
      tpu.vector_store %arg7[%swap3A_426, %swap3A_427, %swap3A_428], %get3A_387 {strides = array<i32>} : memref<125x4x80xi32, #tpu.memory_space<vmem>>, vector<16xi32>,
      %swap3A_430 = arith.constant 1 : i32
      %swap3A_431 = arith.index_cast %scan3A_322 : i32 to index
      %swap3A_432 = arith.index_cast %swap3A_430 : i32 to index
      %swap3A_433 = arith.constant 16 : index
      %swap3A_434 = tpu.vector_load %arg7[%swap3A_431, %swap3A_432, %swap3A_433] {strides = array<i32>} : memref<125x4x80xi32, #tpu.memory_space<vmem>>, vector<16xi32>,
      tpu.vector_store %arg7[%swap3A_431, %swap3A_432, %swap3A_433], %get3A_395 {strides = array<i32>} : memref<125x4x80xi32, #tpu.memory_space<vmem>>, vector<16xi32>,
      %bitcast3A_435 = vector.bitcast %mul3A_424 : vector<16xf32> to vector<16xi32>
      %swap3A_436 = arith.constant 2 : i32
      %swap3A_437 = arith.index_cast %scan3A_322 : i32 to index
      %swap3A_438 = arith.index_cast %swap3A_436 : i32 to index
      %swap3A_439 = arith.constant 16 : index
      %swap3A_440 = tpu.vector_load %arg7[%swap3A_437, %swap3A_438, %swap3A_439] {strides = array<i32>} : memref<125x4x80xi32, #tpu.memory_space<vmem>>, vector<16xi32>,
      tpu.vector_store %arg7[%swap3A_437, %swap3A_438, %swap3A_439], %bitcast3A_435 {strides = array<i32>} : memref<125x4x80xi32, #tpu.memory_space<vmem>>, vector<16xi32>,
      %mul3A_441 = arith.constant 80 : i32
      %mul3A_442 = arith.muli %scan3A_322, %mul3A_441 : i32
      %add3A_443 = arith.constant 32 : i32
      %add3A_444 = arith.addi %mul3A_442, %add3A_443 : i32
      %get3A_445 = arith.index_cast %add3A_444 : i32 to index
      %get3A_446 = tpu.vector_load %arg6[%get3A_445] {strides = array<i32>} : memref<20000xi32, #tpu.memory_space<vmem>>, vector<16xi32>,
      %mul3A_447 = arith.constant 80 : i32
      %mul3A_448 = arith.muli %scan3A_322, %mul3A_447 : i32
      %add3A_449 = arith.constant 10000 : i32
      %add3A_450 = arith.addi %add3A_449, %mul3A_448 : i32
      %add3A_451 = arith.constant 32 : i32
      %add3A_452 = arith.addi %add3A_450, %add3A_451 : i32
      %get3A_453 = arith.index_cast %add3A_452 : i32 to index
      %get3A_454 = tpu.vector_load %arg6[%get3A_453] {strides = array<i32>} : memref<20000xi32, #tpu.memory_space<vmem>>, vector<16xi32>,
      %gather3A_455 = tpu.vector_load_idx %arg5[%get3A_454] : memref<30000xf32, #tpu.memory_space<vmem>>[vector<16xi32>], vector<16xf32>,
      %add3A_456 = arith.constant 10000 : i32
      %add3A_457 = vector.broadcast %add3A_456 : i32 to vector<16xi32>
      %add3A_458 = arith.addi %get3A_446, %add3A_457 : vector<16xi32>
      %gather3A_459 = tpu.vector_load_idx %arg5[%add3A_458] : memref<30000xf32, #tpu.memory_space<vmem>>[vector<16xi32>], vector<16xf32>,
      %add3A_460 = arith.constant 20000 : i32
      %add3A_461 = vector.broadcast %add3A_460 : i32 to vector<16xi32>
      %add3A_462 = arith.addi %get3A_454, %add3A_461 : vector<16xi32>
      %gather3A_463 = tpu.vector_load_idx %arg5[%add3A_462] : memref<30000xf32, #tpu.memory_space<vmem>>[vector<16xi32>], vector<16xf32>,
      %add3A_464 = arith.constant 20000 : i32
      %add3A_465 = vector.broadcast %add3A_464 : i32 to vector<16xi32>
      %add3A_466 = arith.addi %get3A_446, %add3A_465 : vector<16xi32>
      %gather3A_467 = tpu.vector_load_idx %arg5[%add3A_466] : memref<30000xf32, #tpu.memory_space<vmem>>[vector<16xi32>], vector<16xf32>,
      %add3A_468 = arith.addf %gather3A_455, %gather3A_459 : vector<16xf32>
      %mul3A_469 = arith.constant 2.000000e+00 : f32
      %mul3A_470 = vector.broadcast %mul3A_469 : f32 to vector<16xf32>
      %mul3A_471 = arith.mulf %mul3A_470, %add3A_468 : vector<16xf32>
      %exp3A_472 = math.exp %mul3A_471 : vector<16xf32>
      %add3A_473 = arith.constant 1.000000e+00 : f32
      %add3A_474 = vector.broadcast %add3A_473 : f32 to vector<16xf32>
      %add3A_475 = arith.addf %exp3A_472, %add3A_474 : vector<16xf32>
      %div3A_476 = arith.constant 2.000000e+00 : f32
      %div3A_477 = vector.broadcast %div3A_476 : f32 to vector<16xf32>
      %div3A_478 = arith.divf %div3A_477, %add3A_475 : vector<16xf32>
      %sub3A_479 = arith.constant 1.000000e+00 : f32
      %sub3A_480 = vector.broadcast %sub3A_479 : f32 to vector<16xf32>
      %sub3A_481 = arith.subf %sub3A_480, %div3A_478 : vector<16xf32>
      %mul3A_482 = arith.mulf %sub3A_481, %gather3A_463 : vector<16xf32>
      %mul3A_483 = arith.mulf %mul3A_482, %gather3A_467 : vector<16xf32>
      %swap3A_484 = arith.constant 0 : i32
      %swap3A_485 = arith.index_cast %scan3A_322 : i32 to index
      %swap3A_486 = arith.index_cast %swap3A_484 : i32 to index
      %swap3A_487 = arith.constant 32 : index
      %swap3A_488 = tpu.vector_load %arg7[%swap3A_485, %swap3A_486, %swap3A_487] {strides = array<i32>} : memref<125x4x80xi32, #tpu.memory_space<vmem>>, vector<16xi32>,
      tpu.vector_store %arg7[%swap3A_485, %swap3A_486, %swap3A_487], %get3A_446 {strides = array<i32>} : memref<125x4x80xi32, #tpu.memory_space<vmem>>, vector<16xi32>,
      %swap3A_489 = arith.constant 1 : i32
      %swap3A_490 = arith.index_cast %scan3A_322 : i32 to index
      %swap3A_491 = arith.index_cast %swap3A_489 : i32 to index
      %swap3A_492 = arith.constant 32 : index
      %swap3A_493 = tpu.vector_load %arg7[%swap3A_490, %swap3A_491, %swap3A_492] {strides = array<i32>} : memref<125x4x80xi32, #tpu.memory_space<vmem>>, vector<16xi32>,
      tpu.vector_store %arg7[%swap3A_490, %swap3A_491, %swap3A_492], %get3A_454 {strides = array<i32>} : memref<125x4x80xi32, #tpu.memory_space<vmem>>, vector<16xi32>,
      %bitcast3A_494 = vector.bitcast %mul3A_483 : vector<16xf32> to vector<16xi32>
      %swap3A_495 = arith.constant 2 : i32
      %swap3A_496 = arith.index_cast %scan3A_322 : i32 to index
      %swap3A_497 = arith.index_cast %swap3A_495 : i32 to index
      %swap3A_498 = arith.constant 32 : index
      %swap3A_499 = tpu.vector_load %arg7[%swap3A_496, %swap3A_497, %swap3A_498] {strides = array<i32>} : memref<125x4x80xi32, #tpu.memory_space<vmem>>, vector<16xi32>,
      tpu.vector_store %arg7[%swap3A_496, %swap3A_497, %swap3A_498], %bitcast3A_494 {strides = array<i32>} : memref<125x4x80xi32, #tpu.memory_space<vmem>>, vector<16xi32>,
      %mul3A_500 = arith.constant 80 : i32
      %mul3A_501 = arith.muli %scan3A_322, %mul3A_500 : i32
      %add3A_502 = arith.constant 48 : i32
      %add3A_503 = arith.addi %mul3A_501, %add3A_502 : i32
      %get3A_504 = arith.index_cast %add3A_503 : i32 to index
      %get3A_505 = tpu.vector_load %arg6[%get3A_504] {strides = array<i32>} : memref<20000xi32, #tpu.memory_space<vmem>>, vector<16xi32>,
      %mul3A_506 = arith.constant 80 : i32
      %mul3A_507 = arith.muli %scan3A_322, %mul3A_506 : i32
      %add3A_508 = arith.constant 10000 : i32
      %add3A_509 = arith.addi %add3A_508, %mul3A_507 : i32
      %add3A_510 = arith.constant 48 : i32
      %add3A_511 = arith.addi %add3A_509, %add3A_510 : i32
      %get3A_512 = arith.index_cast %add3A_511 : i32 to index
      %get3A_513 = tpu.vector_load %arg6[%get3A_512] {strides = array<i32>} : memref<20000xi32, #tpu.memory_space<vmem>>, vector<16xi32>,
      %gather3A_514 = tpu.vector_load_idx %arg5[%get3A_513] : memref<30000xf32, #tpu.memory_space<vmem>>[vector<16xi32>], vector<16xf32>,
      %add3A_515 = arith.constant 10000 : i32
      %add3A_516 = vector.broadcast %add3A_515 : i32 to vector<16xi32>
      %add3A_517 = arith.addi %get3A_505, %add3A_516 : vector<16xi32>
      %gather3A_518 = tpu.vector_load_idx %arg5[%add3A_517] : memref<30000xf32, #tpu.memory_space<vmem>>[vector<16xi32>], vector<16xf32>,
      %add3A_519 = arith.constant 20000 : i32
      %add3A_520 = vector.broadcast %add3A_519 : i32 to vector<16xi32>
      %add3A_521 = arith.addi %get3A_513, %add3A_520 : vector<16xi32>
      %gather3A_522 = tpu.vector_load_idx %arg5[%add3A_521] : memref<30000xf32, #tpu.memory_space<vmem>>[vector<16xi32>], vector<16xf32>,
      %add3A_523 = arith.constant 20000 : i32
      %add3A_524 = vector.broadcast %add3A_523 : i32 to vector<16xi32>
      %add3A_525 = arith.addi %get3A_505, %add3A_524 : vector<16xi32>
      %gather3A_526 = tpu.vector_load_idx %arg5[%add3A_525] : memref<30000xf32, #tpu.memory_space<vmem>>[vector<16xi32>], vector<16xf32>,
      %add3A_527 = arith.addf %gather3A_514, %gather3A_518 : vector<16xf32>
      %mul3A_528 = arith.constant 2.000000e+00 : f32
      %mul3A_529 = vector.broadcast %mul3A_528 : f32 to vector<16xf32>
      %mul3A_530 = arith.mulf %mul3A_529, %add3A_527 : vector<16xf32>
      %exp3A_531 = math.exp %mul3A_530 : vector<16xf32>
      %add3A_532 = arith.constant 1.000000e+00 : f32
      %add3A_533 = vector.broadcast %add3A_532 : f32 to vector<16xf32>
      %add3A_534 = arith.addf %exp3A_531, %add3A_533 : vector<16xf32>
      %div3A_535 = arith.constant 2.000000e+00 : f32
      %div3A_536 = vector.broadcast %div3A_535 : f32 to vector<16xf32>
      %div3A_537 = arith.divf %div3A_536, %add3A_534 : vector<16xf32>
      %sub3A_538 = arith.constant 1.000000e+00 : f32
      %sub3A_539 = vector.broadcast %sub3A_538 : f32 to vector<16xf32>
      %sub3A_540 = arith.subf %sub3A_539, %div3A_537 : vector<16xf32>
      %mul3A_541 = arith.mulf %sub3A_540, %gather3A_522 : vector<16xf32>
      %mul3A_542 = arith.mulf %mul3A_541, %gather3A_526 : vector<16xf32>
      %swap3A_543 = arith.constant 0 : i32
      %swap3A_544 = arith.index_cast %scan3A_322 : i32 to index
      %swap3A_545 = arith.index_cast %swap3A_543 : i32 to index
      %swap3A_546 = arith.constant 48 : index
      %swap3A_547 = tpu.vector_load %arg7[%swap3A_544, %swap3A_545, %swap3A_546] {strides = array<i32>} : memref<125x4x80xi32, #tpu.memory_space<vmem>>, vector<16xi32>,
      tpu.vector_store %arg7[%swap3A_544, %swap3A_545, %swap3A_546], %get3A_505 {strides = array<i32>} : memref<125x4x80xi32, #tpu.memory_space<vmem>>, vector<16xi32>,
      %swap3A_548 = arith.constant 1 : i32
      %swap3A_549 = arith.index_cast %scan3A_322 : i32 to index
      %swap3A_550 = arith.index_cast %swap3A_548 : i32 to index
      %swap3A_551 = arith.constant 48 : index
      %swap3A_552 = tpu.vector_load %arg7[%swap3A_549, %swap3A_550, %swap3A_551] {strides = array<i32>} : memref<125x4x80xi32, #tpu.memory_space<vmem>>, vector<16xi32>,
      tpu.vector_store %arg7[%swap3A_549, %swap3A_550, %swap3A_551], %get3A_513 {strides = array<i32>} : memref<125x4x80xi32, #tpu.memory_space<vmem>>, vector<16xi32>,
      %bitcast3A_553 = vector.bitcast %mul3A_542 : vector<16xf32> to vector<16xi32>
      %swap3A_554 = arith.constant 2 : i32
      %swap3A_555 = arith.index_cast %scan3A_322 : i32 to index
      %swap3A_556 = arith.index_cast %swap3A_554 : i32 to index
      %swap3A_557 = arith.constant 48 : index
      %swap3A_558 = tpu.vector_load %arg7[%swap3A_555, %swap3A_556, %swap3A_557] {strides = array<i32>} : memref<125x4x80xi32, #tpu.memory_space<vmem>>, vector<16xi32>,
      tpu.vector_store %arg7[%swap3A_555, %swap3A_556, %swap3A_557], %bitcast3A_553 {strides = array<i32>} : memref<125x4x80xi32, #tpu.memory_space<vmem>>, vector<16xi32>,
      %mul3A_559 = arith.constant 80 : i32
      %mul3A_560 = arith.muli %scan3A_322, %mul3A_559 : i32
      %add3A_561 = arith.constant 64 : i32
      %add3A_562 = arith.addi %mul3A_560, %add3A_561 : i32
      %get3A_563 = arith.index_cast %add3A_562 : i32 to index
      %get3A_564 = tpu.vector_load %arg6[%get3A_563] {strides = array<i32>} : memref<20000xi32, #tpu.memory_space<vmem>>, vector<16xi32>,
      %mul3A_565 = arith.constant 80 : i32
      %mul3A_566 = arith.muli %scan3A_322, %mul3A_565 : i32
      %add3A_567 = arith.constant 10000 : i32
      %add3A_568 = arith.addi %add3A_567, %mul3A_566 : i32
      %add3A_569 = arith.constant 64 : i32
      %add3A_570 = arith.addi %add3A_568, %add3A_569 : i32
      %get3A_571 = arith.index_cast %add3A_570 : i32 to index
      %get3A_572 = tpu.vector_load %arg6[%get3A_571] {strides = array<i32>} : memref<20000xi32, #tpu.memory_space<vmem>>, vector<16xi32>,
      %gather3A_573 = tpu.vector_load_idx %arg5[%get3A_572] : memref<30000xf32, #tpu.memory_space<vmem>>[vector<16xi32>], vector<16xf32>,
      %add3A_574 = arith.constant 10000 : i32
      %add3A_575 = vector.broadcast %add3A_574 : i32 to vector<16xi32>
      %add3A_576 = arith.addi %get3A_564, %add3A_575 : vector<16xi32>
      %gather3A_577 = tpu.vector_load_idx %arg5[%add3A_576] : memref<30000xf32, #tpu.memory_space<vmem>>[vector<16xi32>], vector<16xf32>,
      %add3A_578 = arith.constant 20000 : i32
      %add3A_579 = vector.broadcast %add3A_578 : i32 to vector<16xi32>
      %add3A_580 = arith.addi %get3A_572, %add3A_579 : vector<16xi32>
      %gather3A_581 = tpu.vector_load_idx %arg5[%add3A_580] : memref<30000xf32, #tpu.memory_space<vmem>>[vector<16xi32>], vector<16xf32>,
      %add3A_582 = arith.constant 20000 : i32
      %add3A_583 = vector.broadcast %add3A_582 : i32 to vector<16xi32>
      %add3A_584 = arith.addi %get3A_564, %add3A_583 : vector<16xi32>
      %gather3A_585 = tpu.vector_load_idx %arg5[%add3A_584] : memref<30000xf32, #tpu.memory_space<vmem>>[vector<16xi32>], vector<16xf32>,
      %add3A_586 = arith.addf %gather3A_573, %gather3A_577 : vector<16xf32>
      %mul3A_587 = arith.constant 2.000000e+00 : f32
      %mul3A_588 = vector.broadcast %mul3A_587 : f32 to vector<16xf32>
      %mul3A_589 = arith.mulf %mul3A_588, %add3A_586 : vector<16xf32>
      %exp3A_590 = math.exp %mul3A_589 : vector<16xf32>
      %add3A_591 = arith.constant 1.000000e+00 : f32
      %add3A_592 = vector.broadcast %add3A_591 : f32 to vector<16xf32>
      %add3A_593 = arith.addf %exp3A_590, %add3A_592 : vector<16xf32>
      %div3A_594 = arith.constant 2.000000e+00 : f32
      %div3A_595 = vector.broadcast %div3A_594 : f32 to vector<16xf32>
      %div3A_596 = arith.divf %div3A_595, %add3A_593 : vector<16xf32>
      %sub3A_597 = arith.constant 1.000000e+00 : f32
      %sub3A_598 = vector.broadcast %sub3A_597 : f32 to vector<16xf32>
      %sub3A_599 = arith.subf %sub3A_598, %div3A_596 : vector<16xf32>
      %mul3A_600 = arith.mulf %sub3A_599, %gather3A_581 : vector<16xf32>
      %mul3A_601 = arith.mulf %mul3A_600, %gather3A_585 : vector<16xf32>
      %swap3A_602 = arith.constant 0 : i32
      %swap3A_603 = arith.index_cast %scan3A_322 : i32 to index
      %swap3A_604 = arith.index_cast %swap3A_602 : i32 to index
      %swap3A_605 = arith.constant 64 : index
      %swap3A_606 = tpu.vector_load %arg7[%swap3A_603, %swap3A_604, %swap3A_605] {strides = array<i32>} : memref<125x4x80xi32, #tpu.memory_space<vmem>>, vector<16xi32>,
      tpu.vector_store %arg7[%swap3A_603, %swap3A_604, %swap3A_605], %get3A_564 {strides = array<i32>} : memref<125x4x80xi32, #tpu.memory_space<vmem>>, vector<16xi32>,
      %swap3A_607 = arith.constant 1 : i32
      %swap3A_608 = arith.index_cast %scan3A_322 : i32 to index
      %swap3A_609 = arith.index_cast %swap3A_607 : i32 to index
      %swap3A_610 = arith.constant 64 : index
      %swap3A_611 = tpu.vector_load %arg7[%swap3A_608, %swap3A_609, %swap3A_610] {strides = array<i32>} : memref<125x4x80xi32, #tpu.memory_space<vmem>>, vector<16xi32>,
      tpu.vector_store %arg7[%swap3A_608, %swap3A_609, %swap3A_610], %get3A_572 {strides = array<i32>} : memref<125x4x80xi32, #tpu.memory_space<vmem>>, vector<16xi32>,
      %bitcast3A_612 = vector.bitcast %mul3A_601 : vector<16xf32> to vector<16xi32>
      %swap3A_613 = arith.constant 2 : i32
      %swap3A_614 = arith.index_cast %scan3A_322 : i32 to index
      %swap3A_615 = arith.index_cast %swap3A_613 : i32 to index
      %swap3A_616 = arith.constant 64 : index
      %swap3A_617 = tpu.vector_load %arg7[%swap3A_614, %swap3A_615, %swap3A_616] {strides = array<i32>} : memref<125x4x80xi32, #tpu.memory_space<vmem>>, vector<16xi32>,
      tpu.vector_store %arg7[%swap3A_614, %swap3A_615, %swap3A_616], %bitcast3A_612 {strides = array<i32>} : memref<125x4x80xi32, #tpu.memory_space<vmem>>, vector<16xi32>,
      %scan3A_618 = arith.constant 1 : i32
      %scan3A_619 = arith.addi %scan3A_322, %scan3A_618 : i32
      %mul3A_620 = arith.constant 80 : i32
      %mul3A_621 = arith.muli %scan3A_619, %mul3A_620 : i32
      %add3A_622 = arith.constant 0 : i32
      %add3A_623 = arith.addi %mul3A_621, %add3A_622 : i32
      %get3A_624 = arith.index_cast %add3A_623 : i32 to index
      %get3A_625 = tpu.vector_load %arg6[%get3A_624] {strides = array<i32>} : memref<20000xi32, #tpu.memory_space<vmem>>, vector<16xi32>,
      %mul3A_626 = arith.constant 80 : i32
      %mul3A_627 = arith.muli %scan3A_619, %mul3A_626 : i32
      %add3A_628 = arith.constant 10000 : i32
      %add3A_629 = arith.addi %add3A_628, %mul3A_627 : i32
      %add3A_630 = arith.constant 0 : i32
      %add3A_631 = arith.addi %add3A_629, %add3A_630 : i32
      %get3A_632 = arith.index_cast %add3A_631 : i32 to index
      %get3A_633 = tpu.vector_load %arg6[%get3A_632] {strides = array<i32>} : memref<20000xi32, #tpu.memory_space<vmem>>, vector<16xi32>,
      %gather3A_634 = tpu.vector_load_idx %arg5[%get3A_633] : memref<30000xf32, #tpu.memory_space<vmem>>[vector<16xi32>], vector<16xf32>,
      %add3A_635 = arith.constant 10000 : i32
      %add3A_636 = vector.broadcast %add3A_635 : i32 to vector<16xi32>
      %add3A_637 = arith.addi %get3A_625, %add3A_636 : vector<16xi32>
      %gather3A_638 = tpu.vector_load_idx %arg5[%add3A_637] : memref<30000xf32, #tpu.memory_space<vmem>>[vector<16xi32>], vector<16xf32>,
      %add3A_639 = arith.constant 20000 : i32
      %add3A_640 = vector.broadcast %add3A_639 : i32 to vector<16xi32>
      %add3A_641 = arith.addi %get3A_633, %add3A_640 : vector<16xi32>
      %gather3A_642 = tpu.vector_load_idx %arg5[%add3A_641] : memref<30000xf32, #tpu.memory_space<vmem>>[vector<16xi32>], vector<16xf32>,
      %add3A_643 = arith.constant 20000 : i32
      %add3A_644 = vector.broadcast %add3A_643 : i32 to vector<16xi32>
      %add3A_645 = arith.addi %get3A_625, %add3A_644 : vector<16xi32>
      %gather3A_646 = tpu.vector_load_idx %arg5[%add3A_645] : memref<30000xf32, #tpu.memory_space<vmem>>[vector<16xi32>], vector<16xf32>,
      %add3A_647 = arith.addf %gather3A_634, %gather3A_638 : vector<16xf32>
      %mul3A_648 = arith.constant 2.000000e+00 : f32
      %mul3A_649 = vector.broadcast %mul3A_648 : f32 to vector<16xf32>
      %mul3A_650 = arith.mulf %mul3A_649, %add3A_647 : vector<16xf32>
      %exp3A_651 = math.exp %mul3A_650 : vector<16xf32>
      %add3A_652 = arith.constant 1.000000e+00 : f32
      %add3A_653 = vector.broadcast %add3A_652 : f32 to vector<16xf32>
      %add3A_654 = arith.addf %exp3A_651, %add3A_653 : vector<16xf32>
      %div3A_655 = arith.constant 2.000000e+00 : f32
      %div3A_656 = vector.broadcast %div3A_655 : f32 to vector<16xf32>
      %div3A_657 = arith.divf %div3A_656, %add3A_654 : vector<16xf32>
      %sub3A_658 = arith.constant 1.000000e+00 : f32
      %sub3A_659 = vector.broadcast %sub3A_658 : f32 to vector<16xf32>
      %sub3A_660 = arith.subf %sub3A_659, %div3A_657 : vector<16xf32>
      %mul3A_661 = arith.mulf %sub3A_660, %gather3A_642 : vector<16xf32>
      %mul3A_662 = arith.mulf %mul3A_661, %gather3A_646 : vector<16xf32>
      %swap3A_663 = arith.constant 0 : i32
      %swap3A_664 = arith.index_cast %scan3A_619 : i32 to index
      %swap3A_665 = arith.index_cast %swap3A_663 : i32 to index
      %swap3A_666 = arith.constant 0 : index
      %swap3A_667 = tpu.vector_load %arg7[%swap3A_664, %swap3A_665, %swap3A_666] {strides = array<i32>} : memref<125x4x80xi32, #tpu.memory_space<vmem>>, vector<16xi32>,
      tpu.vector_store %arg7[%swap3A_664, %swap3A_665, %swap3A_666], %get3A_625 {strides = array<i32>} : memref<125x4x80xi32, #tpu.memory_space<vmem>>, vector<16xi32>,
      %swap3A_668 = arith.constant 1 : i32
      %swap3A_669 = arith.index_cast %scan3A_619 : i32 to index
      %swap3A_670 = arith.index_cast %swap3A_668 : i32 to index
      %swap3A_671 = arith.constant 0 : index
      %swap3A_672 = tpu.vector_load %arg7[%swap3A_669, %swap3A_670, %swap3A_671] {strides = array<i32>} : memref<125x4x80xi32, #tpu.memory_space<vmem>>, vector<16xi32>,
      tpu.vector_store %arg7[%swap3A_669, %swap3A_670, %swap3A_671], %get3A_633 {strides = array<i32>} : memref<125x4x80xi32, #tpu.memory_space<vmem>>, vector<16xi32>,
      %bitcast3A_673 = vector.bitcast %mul3A_662 : vector<16xf32> to vector<16xi32>
      %swap3A_674 = arith.constant 2 : i32
      %swap3A_675 = arith.index_cast %scan3A_619 : i32 to index
      %swap3A_676 = arith.index_cast %swap3A_674 : i32 to index
      %swap3A_677 = arith.constant 0 : index
      %swap3A_678 = tpu.vector_load %arg7[%swap3A_675, %swap3A_676, %swap3A_677] {strides = array<i32>} : memref<125x4x80xi32, #tpu.memory_space<vmem>>, vector<16xi32>,
      tpu.vector_store %arg7[%swap3A_675, %swap3A_676, %swap3A_677], %bitcast3A_673 {strides = array<i32>} : memref<125x4x80xi32, #tpu.memory_space<vmem>>, vector<16xi32>,
      %mul3A_679 = arith.constant 80 : i32
      %mul3A_680 = arith.muli %scan3A_619, %mul3A_679 : i32
      %add3A_681 = arith.constant 16 : i32
      %add3A_682 = arith.addi %mul3A_680, %add3A_681 : i32
      %get3A_683 = arith.index_cast %add3A_682 : i32 to index
      %get3A_684 = tpu.vector_load %arg6[%get3A_683] {strides = array<i32>} : memref<20000xi32, #tpu.memory_space<vmem>>, vector<16xi32>,
      %mul3A_685 = arith.constant 80 : i32
      %mul3A_686 = arith.muli %scan3A_619, %mul3A_685 : i32
      %add3A_687 = arith.constant 10000 : i32
      %add3A_688 = arith.addi %add3A_687, %mul3A_686 : i32
      %add3A_689 = arith.constant 16 : i32
      %add3A_690 = arith.addi %add3A_688, %add3A_689 : i32
      %get3A_691 = arith.index_cast %add3A_690 : i32 to index
      %get3A_692 = tpu.vector_load %arg6[%get3A_691] {strides = array<i32>} : memref<20000xi32, #tpu.memory_space<vmem>>, vector<16xi32>,
      %gather3A_693 = tpu.vector_load_idx %arg5[%get3A_692] : memref<30000xf32, #tpu.memory_space<vmem>>[vector<16xi32>], vector<16xf32>,
      %add3A_694 = arith.constant 10000 : i32
      %add3A_695 = vector.broadcast %add3A_694 : i32 to vector<16xi32>
      %add3A_696 = arith.addi %get3A_684, %add3A_695 : vector<16xi32>
      %gather3A_697 = tpu.vector_load_idx %arg5[%add3A_696] : memref<30000xf32, #tpu.memory_space<vmem>>[vector<16xi32>], vector<16xf32>,
      %add3A_698 = arith.constant 20000 : i32
      %add3A_699 = vector.broadcast %add3A_698 : i32 to vector<16xi32>
      %add3A_700 = arith.addi %get3A_692, %add3A_699 : vector<16xi32>
      %gather3A_701 = tpu.vector_load_idx %arg5[%add3A_700] : memref<30000xf32, #tpu.memory_space<vmem>>[vector<16xi32>], vector<16xf32>,
      %add3A_702 = arith.constant 20000 : i32
      %add3A_703 = vector.broadcast %add3A_702 : i32 to vector<16xi32>
      %add3A_704 = arith.addi %get3A_684, %add3A_703 : vector<16xi32>
      %gather3A_705 = tpu.vector_load_idx %arg5[%add3A_704] : memref<30000xf32, #tpu.memory_space<vmem>>[vector<16xi32>], vector<16xf32>,
      %add3A_706 = arith.addf %gather3A_693, %gather3A_697 : vector<16xf32>
      %mul3A_707 = arith.constant 2.000000e+00 : f32
      %mul3A_708 = vector.broadcast %mul3A_707 : f32 to vector<16xf32>
      %mul3A_709 = arith.mulf %mul3A_708, %add3A_706 : vector<16xf32>
      %exp3A_710 = math.exp %mul3A_709 : vector<16xf32>
      %add3A_711 = arith.constant 1.000000e+00 : f32
      %add3A_712 = vector.broadcast %add3A_711 : f32 to vector<16xf32>
      %add3A_713 = arith.addf %exp3A_710, %add3A_712 : vector<16xf32>
      %div3A_714 = arith.constant 2.000000e+00 : f32
      %div3A_715 = vector.broadcast %div3A_714 : f32 to vector<16xf32>
      %div3A_716 = arith.divf %div3A_715, %add3A_713 : vector<16xf32>
      %sub3A_717 = arith.constant 1.000000e+00 : f32
      %sub3A_718 = vector.broadcast %sub3A_717 : f32 to vector<16xf32>
      %sub3A_719 = arith.subf %sub3A_718, %div3A_716 : vector<16xf32>
      %mul3A_720 = arith.mulf %sub3A_719, %gather3A_701 : vector<16xf32>
      %mul3A_721 = arith.mulf %mul3A_720, %gather3A_705 : vector<16xf32>
      %swap3A_722 = arith.constant 0 : i32
      %swap3A_723 = arith.index_cast %scan3A_619 : i32 to index
      %swap3A_724 = arith.index_cast %swap3A_722 : i32 to index
      %swap3A_725 = arith.constant 16 : index
      %swap3A_726 = tpu.vector_load %arg7[%swap3A_723, %swap3A_724, %swap3A_725] {strides = array<i32>} : memref<125x4x80xi32, #tpu.memory_space<vmem>>, vector<16xi32>,
      tpu.vector_store %arg7[%swap3A_723, %swap3A_724, %swap3A_725], %get3A_684 {strides = array<i32>} : memref<125x4x80xi32, #tpu.memory_space<vmem>>, vector<16xi32>,
      %swap3A_727 = arith.constant 1 : i32
      %swap3A_728 = arith.index_cast %scan3A_619 : i32 to index
      %swap3A_729 = arith.index_cast %swap3A_727 : i32 to index
      %swap3A_730 = arith.constant 16 : index
      %swap3A_731 = tpu.vector_load %arg7[%swap3A_728, %swap3A_729, %swap3A_730] {strides = array<i32>} : memref<125x4x80xi32, #tpu.memory_space<vmem>>, vector<16xi32>,
      tpu.vector_store %arg7[%swap3A_728, %swap3A_729, %swap3A_730], %get3A_692 {strides = array<i32>} : memref<125x4x80xi32, #tpu.memory_space<vmem>>, vector<16xi32>,
      %bitcast3A_732 = vector.bitcast %mul3A_721 : vector<16xf32> to vector<16xi32>
      %swap3A_733 = arith.constant 2 : i32
      %swap3A_734 = arith.index_cast %scan3A_619 : i32 to index
      %swap3A_735 = arith.index_cast %swap3A_733 : i32 to index
      %swap3A_736 = arith.constant 16 : index
      %swap3A_737 = tpu.vector_load %arg7[%swap3A_734, %swap3A_735, %swap3A_736] {strides = array<i32>} : memref<125x4x80xi32, #tpu.memory_space<vmem>>, vector<16xi32>,
      tpu.vector_store %arg7[%swap3A_734, %swap3A_735, %swap3A_736], %bitcast3A_732 {strides = array<i32>} : memref<125x4x80xi32, #tpu.memory_space<vmem>>, vector<16xi32>,
      %mul3A_738 = arith.constant 80 : i32
      %mul3A_739 = arith.muli %scan3A_619, %mul3A_738 : i32
      %add3A_740 = arith.constant 32 : i32
      %add3A_741 = arith.addi %mul3A_739, %add3A_740 : i32
      %get3A_742 = arith.index_cast %add3A_741 : i32 to index
      %get3A_743 = tpu.vector_load %arg6[%get3A_742] {strides = array<i32>} : memref<20000xi32, #tpu.memory_space<vmem>>, vector<16xi32>,
      %mul3A_744 = arith.constant 80 : i32
      %mul3A_745 = arith.muli %scan3A_619, %mul3A_744 : i32
      %add3A_746 = arith.constant 10000 : i32
      %add3A_747 = arith.addi %add3A_746, %mul3A_745 : i32
      %add3A_748 = arith.constant 32 : i32
      %add3A_749 = arith.addi %add3A_747, %add3A_748 : i32
      %get3A_750 = arith.index_cast %add3A_749 : i32 to index
      %get3A_751 = tpu.vector_load %arg6[%get3A_750] {strides = array<i32>} : memref<20000xi32, #tpu.memory_space<vmem>>, vector<16xi32>,
      %gather3A_752 = tpu.vector_load_idx %arg5[%get3A_751] : memref<30000xf32, #tpu.memory_space<vmem>>[vector<16xi32>], vector<16xf32>,
      %add3A_753 = arith.constant 10000 : i32
      %add3A_754 = vector.broadcast %add3A_753 : i32 to vector<16xi32>
      %add3A_755 = arith.addi %get3A_743, %add3A_754 : vector<16xi32>
      %gather3A_756 = tpu.vector_load_idx %arg5[%add3A_755] : memref<30000xf32, #tpu.memory_space<vmem>>[vector<16xi32>], vector<16xf32>,
      %add3A_757 = arith.constant 20000 : i32
      %add3A_758 = vector.broadcast %add3A_757 : i32 to vector<16xi32>
      %add3A_759 = arith.addi %get3A_751, %add3A_758 : vector<16xi32>
      %gather3A_760 = tpu.vector_load_idx %arg5[%add3A_759] : memref<30000xf32, #tpu.memory_space<vmem>>[vector<16xi32>], vector<16xf32>,
      %add3A_761 = arith.constant 20000 : i32
      %add3A_762 = vector.broadcast %add3A_761 : i32 to vector<16xi32>
      %add3A_763 = arith.addi %get3A_743, %add3A_762 : vector<16xi32>
      %gather3A_764 = tpu.vector_load_idx %arg5[%add3A_763] : memref<30000xf32, #tpu.memory_space<vmem>>[vector<16xi32>], vector<16xf32>,
      %add3A_765 = arith.addf %gather3A_752, %gather3A_756 : vector<16xf32>
      %mul3A_766 = arith.constant 2.000000e+00 : f32
      %mul3A_767 = vector.broadcast %mul3A_766 : f32 to vector<16xf32>
      %mul3A_768 = arith.mulf %mul3A_767, %add3A_765 : vector<16xf32>
      %exp3A_769 = math.exp %mul3A_768 : vector<16xf32>
      %add3A_770 = arith.constant 1.000000e+00 : f32
      %add3A_771 = vector.broadcast %add3A_770 : f32 to vector<16xf32>
      %add3A_772 = arith.addf %exp3A_769, %add3A_771 : vector<16xf32>
      %div3A_773 = arith.constant 2.000000e+00 : f32
      %div3A_774 = vector.broadcast %div3A_773 : f32 to vector<16xf32>
      %div3A_775 = arith.divf %div3A_774, %add3A_772 : vector<16xf32>
      %sub3A_776 = arith.constant 1.000000e+00 : f32
      %sub3A_777 = vector.broadcast %sub3A_776 : f32 to vector<16xf32>
      %sub3A_778 = arith.subf %sub3A_777, %div3A_775 : vector<16xf32>
      %mul3A_779 = arith.mulf %sub3A_778, %gather3A_760 : vector<16xf32>
      %mul3A_780 = arith.mulf %mul3A_779, %gather3A_764 : vector<16xf32>
      %swap3A_781 = arith.constant 0 : i32
      %swap3A_782 = arith.index_cast %scan3A_619 : i32 to index
      %swap3A_783 = arith.index_cast %swap3A_781 : i32 to index
      %swap3A_784 = arith.constant 32 : index
      %swap3A_785 = tpu.vector_load %arg7[%swap3A_782, %swap3A_783, %swap3A_784] {strides = array<i32>} : memref<125x4x80xi32, #tpu.memory_space<vmem>>, vector<16xi32>,
      tpu.vector_store %arg7[%swap3A_782, %swap3A_783, %swap3A_784], %get3A_743 {strides = array<i32>} : memref<125x4x80xi32, #tpu.memory_space<vmem>>, vector<16xi32>,
      %swap3A_786 = arith.constant 1 : i32
      %swap3A_787 = arith.index_cast %scan3A_619 : i32 to index
      %swap3A_788 = arith.index_cast %swap3A_786 : i32 to index
      %swap3A_789 = arith.constant 32 : index
      %swap3A_790 = tpu.vector_load %arg7[%swap3A_787, %swap3A_788, %swap3A_789] {strides = array<i32>} : memref<125x4x80xi32, #tpu.memory_space<vmem>>, vector<16xi32>,
      tpu.vector_store %arg7[%swap3A_787, %swap3A_788, %swap3A_789], %get3A_751 {strides = array<i32>} : memref<125x4x80xi32, #tpu.memory_space<vmem>>, vector<16xi32>,
      %bitcast3A_791 = vector.bitcast %mul3A_780 : vector<16xf32> to vector<16xi32>
      %swap3A_792 = arith.constant 2 : i32
      %swap3A_793 = arith.index_cast %scan3A_619 : i32 to index
      %swap3A_794 = arith.index_cast %swap3A_792 : i32 to index
      %swap3A_795 = arith.constant 32 : index
      %swap3A_796 = tpu.vector_load %arg7[%swap3A_793, %swap3A_794, %swap3A_795] {strides = array<i32>} : memref<125x4x80xi32, #tpu.memory_space<vmem>>, vector<16xi32>,
      tpu.vector_store %arg7[%swap3A_793, %swap3A_794, %swap3A_795], %bitcast3A_791 {strides = array<i32>} : memref<125x4x80xi32, #tpu.memory_space<vmem>>, vector<16xi32>,
      %mul3A_797 = arith.constant 80 : i32
      %mul3A_798 = arith.muli %scan3A_619, %mul3A_797 : i32
      %add3A_799 = arith.constant 48 : i32
      %add3A_800 = arith.addi %mul3A_798, %add3A_799 : i32
      %get3A_801 = arith.index_cast %add3A_800 : i32 to index
      %get3A_802 = tpu.vector_load %arg6[%get3A_801] {strides = array<i32>} : memref<20000xi32, #tpu.memory_space<vmem>>, vector<16xi32>,
      %mul3A_803 = arith.constant 80 : i32
      %mul3A_804 = arith.muli %scan3A_619, %mul3A_803 : i32
      %add3A_805 = arith.constant 10000 : i32
      %add3A_806 = arith.addi %add3A_805, %mul3A_804 : i32
      %add3A_807 = arith.constant 48 : i32
      %add3A_808 = arith.addi %add3A_806, %add3A_807 : i32
      %get3A_809 = arith.index_cast %add3A_808 : i32 to index
      %get3A_810 = tpu.vector_load %arg6[%get3A_809] {strides = array<i32>} : memref<20000xi32, #tpu.memory_space<vmem>>, vector<16xi32>,
      %gather3A_811 = tpu.vector_load_idx %arg5[%get3A_810] : memref<30000xf32, #tpu.memory_space<vmem>>[vector<16xi32>], vector<16xf32>,
      %add3A_812 = arith.constant 10000 : i32
      %add3A_813 = vector.broadcast %add3A_812 : i32 to vector<16xi32>
      %add3A_814 = arith.addi %get3A_802, %add3A_813 : vector<16xi32>
      %gather3A_815 = tpu.vector_load_idx %arg5[%add3A_814] : memref<30000xf32, #tpu.memory_space<vmem>>[vector<16xi32>], vector<16xf32>,
      %add3A_816 = arith.constant 20000 : i32
      %add3A_817 = vector.broadcast %add3A_816 : i32 to vector<16xi32>
      %add3A_818 = arith.addi %get3A_810, %add3A_817 : vector<16xi32>
      %gather3A_819 = tpu.vector_load_idx %arg5[%add3A_818] : memref<30000xf32, #tpu.memory_space<vmem>>[vector<16xi32>], vector<16xf32>,
      %add3A_820 = arith.constant 20000 : i32
      %add3A_821 = vector.broadcast %add3A_820 : i32 to vector<16xi32>
      %add3A_822 = arith.addi %get3A_802, %add3A_821 : vector<16xi32>
      %gather3A_823 = tpu.vector_load_idx %arg5[%add3A_822] : memref<30000xf32, #tpu.memory_space<vmem>>[vector<16xi32>], vector<16xf32>,
      %add3A_824 = arith.addf %gather3A_811, %gather3A_815 : vector<16xf32>
      %mul3A_825 = arith.constant 2.000000e+00 : f32
      %mul3A_826 = vector.broadcast %mul3A_825 : f32 to vector<16xf32>
      %mul3A_827 = arith.mulf %mul3A_826, %add3A_824 : vector<16xf32>
      %exp3A_828 = math.exp %mul3A_827 : vector<16xf32>
      %add3A_829 = arith.constant 1.000000e+00 : f32
      %add3A_830 = vector.broadcast %add3A_829 : f32 to vector<16xf32>
      %add3A_831 = arith.addf %exp3A_828, %add3A_830 : vector<16xf32>
      %div3A_832 = arith.constant 2.000000e+00 : f32
      %div3A_833 = vector.broadcast %div3A_832 : f32 to vector<16xf32>
      %div3A_834 = arith.divf %div3A_833, %add3A_831 : vector<16xf32>
      %sub3A_835 = arith.constant 1.000000e+00 : f32
      %sub3A_836 = vector.broadcast %sub3A_835 : f32 to vector<16xf32>
      %sub3A_837 = arith.subf %sub3A_836, %div3A_834 : vector<16xf32>
      %mul3A_838 = arith.mulf %sub3A_837, %gather3A_819 : vector<16xf32>
      %mul3A_839 = arith.mulf %mul3A_838, %gather3A_823 : vector<16xf32>
      %swap3A_840 = arith.constant 0 : i32
      %swap3A_841 = arith.index_cast %scan3A_619 : i32 to index
      %swap3A_842 = arith.index_cast %swap3A_840 : i32 to index
      %swap3A_843 = arith.constant 48 : index
      %swap3A_844 = tpu.vector_load %arg7[%swap3A_841, %swap3A_842, %swap3A_843] {strides = array<i32>} : memref<125x4x80xi32, #tpu.memory_space<vmem>>, vector<16xi32>,
      tpu.vector_store %arg7[%swap3A_841, %swap3A_842, %swap3A_843], %get3A_802 {strides = array<i32>} : memref<125x4x80xi32, #tpu.memory_space<vmem>>, vector<16xi32>,
      %swap3A_845 = arith.constant 1 : i32
      %swap3A_846 = arith.index_cast %scan3A_619 : i32 to index
      %swap3A_847 = arith.index_cast %swap3A_845 : i32 to index
      %swap3A_848 = arith.constant 48 : index
      %swap3A_849 = tpu.vector_load %arg7[%swap3A_846, %swap3A_847, %swap3A_848] {strides = array<i32>} : memref<125x4x80xi32, #tpu.memory_space<vmem>>, vector<16xi32>,
      tpu.vector_store %arg7[%swap3A_846, %swap3A_847, %swap3A_848], %get3A_810 {strides = array<i32>} : memref<125x4x80xi32, #tpu.memory_space<vmem>>, vector<16xi32>,
      %bitcast3A_850 = vector.bitcast %mul3A_839 : vector<16xf32> to vector<16xi32>
      %swap3A_851 = arith.constant 2 : i32
      %swap3A_852 = arith.index_cast %scan3A_619 : i32 to index
      %swap3A_853 = arith.index_cast %swap3A_851 : i32 to index
      %swap3A_854 = arith.constant 48 : index
      %swap3A_855 = tpu.vector_load %arg7[%swap3A_852, %swap3A_853, %swap3A_854] {strides = array<i32>} : memref<125x4x80xi32, #tpu.memory_space<vmem>>, vector<16xi32>,
      tpu.vector_store %arg7[%swap3A_852, %swap3A_853, %swap3A_854], %bitcast3A_850 {strides = array<i32>} : memref<125x4x80xi32, #tpu.memory_space<vmem>>, vector<16xi32>,
      %mul3A_856 = arith.constant 80 : i32
      %mul3A_857 = arith.muli %scan3A_619, %mul3A_856 : i32
      %add3A_858 = arith.constant 64 : i32
      %add3A_859 = arith.addi %mul3A_857, %add3A_858 : i32
      %get3A_860 = arith.index_cast %add3A_859 : i32 to index
      %get3A_861 = tpu.vector_load %arg6[%get3A_860] {strides = array<i32>} : memref<20000xi32, #tpu.memory_space<vmem>>, vector<16xi32>,
      %mul3A_862 = arith.constant 80 : i32
      %mul3A_863 = arith.muli %scan3A_619, %mul3A_862 : i32
      %add3A_864 = arith.constant 10000 : i32
      %add3A_865 = arith.addi %add3A_864, %mul3A_863 : i32
      %add3A_866 = arith.constant 64 : i32
      %add3A_867 = arith.addi %add3A_865, %add3A_866 : i32
      %get3A_868 = arith.index_cast %add3A_867 : i32 to index
      %get3A_869 = tpu.vector_load %arg6[%get3A_868] {strides = array<i32>} : memref<20000xi32, #tpu.memory_space<vmem>>, vector<16xi32>,
      %gather3A_870 = tpu.vector_load_idx %arg5[%get3A_869] : memref<30000xf32, #tpu.memory_space<vmem>>[vector<16xi32>], vector<16xf32>,
      %add3A_871 = arith.constant 10000 : i32
      %add3A_872 = vector.broadcast %add3A_871 : i32 to vector<16xi32>
      %add3A_873 = arith.addi %get3A_861, %add3A_872 : vector<16xi32>
      %gather3A_874 = tpu.vector_load_idx %arg5[%add3A_873] : memref<30000xf32, #tpu.memory_space<vmem>>[vector<16xi32>], vector<16xf32>,
      %add3A_875 = arith.constant 20000 : i32
      %add3A_876 = vector.broadcast %add3A_875 : i32 to vector<16xi32>
      %add3A_877 = arith.addi %get3A_869, %add3A_876 : vector<16xi32>
      %gather3A_878 = tpu.vector_load_idx %arg5[%add3A_877] : memref<30000xf32, #tpu.memory_space<vmem>>[vector<16xi32>], vector<16xf32>,
      %add3A_879 = arith.constant 20000 : i32
      %add3A_880 = vector.broadcast %add3A_879 : i32 to vector<16xi32>
      %add3A_881 = arith.addi %get3A_861, %add3A_880 : vector<16xi32>
      %gather3A_882 = tpu.vector_load_idx %arg5[%add3A_881] : memref<30000xf32, #tpu.memory_space<vmem>>[vector<16xi32>], vector<16xf32>,
      %add3A_883 = arith.addf %gather3A_870, %gather3A_874 : vector<16xf32>
      %mul3A_884 = arith.constant 2.000000e+00 : f32
      %mul3A_885 = vector.broadcast %mul3A_884 : f32 to vector<16xf32>
      %mul3A_886 = arith.mulf %mul3A_885, %add3A_883 : vector<16xf32>
      %exp3A_887 = math.exp %mul3A_886 : vector<16xf32>
      %add3A_888 = arith.constant 1.000000e+00 : f32
      %add3A_889 = vector.broadcast %add3A_888 : f32 to vector<16xf32>
      %add3A_890 = arith.addf %exp3A_887, %add3A_889 : vector<16xf32>
      %div3A_891 = arith.constant 2.000000e+00 : f32
      %div3A_892 = vector.broadcast %div3A_891 : f32 to vector<16xf32>
      %div3A_893 = arith.divf %div3A_892, %add3A_890 : vector<16xf32>
      %sub3A_894 = arith.constant 1.000000e+00 : f32
      %sub3A_895 = vector.broadcast %sub3A_894 : f32 to vector<16xf32>
      %sub3A_896 = arith.subf %sub3A_895, %div3A_893 : vector<16xf32>
      %mul3A_897 = arith.mulf %sub3A_896, %gather3A_878 : vector<16xf32>
      %mul3A_898 = arith.mulf %mul3A_897, %gather3A_882 : vector<16xf32>
      %swap3A_899 = arith.constant 0 : i32
      %swap3A_900 = arith.index_cast %scan3A_619 : i32 to index
      %swap3A_901 = arith.index_cast %swap3A_899 : i32 to index
      %swap3A_902 = arith.constant 64 : index
      %swap3A_903 = tpu.vector_load %arg7[%swap3A_900, %swap3A_901, %swap3A_902] {strides = array<i32>} : memref<125x4x80xi32, #tpu.memory_space<vmem>>, vector<16xi32>,
      tpu.vector_store %arg7[%swap3A_900, %swap3A_901, %swap3A_902], %get3A_861 {strides = array<i32>} : memref<125x4x80xi32, #tpu.memory_space<vmem>>, vector<16xi32>,
      %swap3A_904 = arith.constant 1 : i32
      %swap3A_905 = arith.index_cast %scan3A_619 : i32 to index
      %swap3A_906 = arith.index_cast %swap3A_904 : i32 to index
      %swap3A_907 = arith.constant 64 : index
      %swap3A_908 = tpu.vector_load %arg7[%swap3A_905, %swap3A_906, %swap3A_907] {strides = array<i32>} : memref<125x4x80xi32, #tpu.memory_space<vmem>>, vector<16xi32>,
      tpu.vector_store %arg7[%swap3A_905, %swap3A_906, %swap3A_907], %get3A_869 {strides = array<i32>} : memref<125x4x80xi32, #tpu.memory_space<vmem>>, vector<16xi32>,
      %bitcast3A_909 = vector.bitcast %mul3A_898 : vector<16xf32> to vector<16xi32>
      %swap3A_910 = arith.constant 2 : i32
      %swap3A_911 = arith.index_cast %scan3A_619 : i32 to index
      %swap3A_912 = arith.index_cast %swap3A_910 : i32 to index
      %swap3A_913 = arith.constant 64 : index
      %swap3A_914 = tpu.vector_load %arg7[%swap3A_911, %swap3A_912, %swap3A_913] {strides = array<i32>} : memref<125x4x80xi32, #tpu.memory_space<vmem>>, vector<16xi32>,
      tpu.vector_store %arg7[%swap3A_911, %swap3A_912, %swap3A_913], %bitcast3A_909 {strides = array<i32>} : memref<125x4x80xi32, #tpu.memory_space<vmem>>, vector<16xi32>,
      %scan3A_915 = arith.constant 2 : i32
      %scan3A_916 = arith.addi %scan3A_322, %scan3A_915 : i32
      %mul3A_917 = arith.constant 80 : i32
      %mul3A_918 = arith.muli %scan3A_916, %mul3A_917 : i32
      %add3A_919 = arith.constant 0 : i32
      %add3A_920 = arith.addi %mul3A_918, %add3A_919 : i32
      %get3A_921 = arith.index_cast %add3A_920 : i32 to index
      %get3A_922 = tpu.vector_load %arg6[%get3A_921] {strides = array<i32>} : memref<20000xi32, #tpu.memory_space<vmem>>, vector<16xi32>,
      %mul3A_923 = arith.constant 80 : i32
      %mul3A_924 = arith.muli %scan3A_916, %mul3A_923 : i32
      %add3A_925 = arith.constant 10000 : i32
      %add3A_926 = arith.addi %add3A_925, %mul3A_924 : i32
      %add3A_927 = arith.constant 0 : i32
      %add3A_928 = arith.addi %add3A_926, %add3A_927 : i32
      %get3A_929 = arith.index_cast %add3A_928 : i32 to index
      %get3A_930 = tpu.vector_load %arg6[%get3A_929] {strides = array<i32>} : memref<20000xi32, #tpu.memory_space<vmem>>, vector<16xi32>,
      %gather3A_931 = tpu.vector_load_idx %arg5[%get3A_930] : memref<30000xf32, #tpu.memory_space<vmem>>[vector<16xi32>], vector<16xf32>,
      %add3A_932 = arith.constant 10000 : i32
      %add3A_933 = vector.broadcast %add3A_932 : i32 to vector<16xi32>
      %add3A_934 = arith.addi %get3A_922, %add3A_933 : vector<16xi32>
      %gather3A_935 = tpu.vector_load_idx %arg5[%add3A_934] : memref<30000xf32, #tpu.memory_space<vmem>>[vector<16xi32>], vector<16xf32>,
      %add3A_936 = arith.constant 20000 : i32
      %add3A_937 = vector.broadcast %add3A_936 : i32 to vector<16xi32>
      %add3A_938 = arith.addi %get3A_930, %add3A_937 : vector<16xi32>
      %gather3A_939 = tpu.vector_load_idx %arg5[%add3A_938] : memref<30000xf32, #tpu.memory_space<vmem>>[vector<16xi32>], vector<16xf32>,
      %add3A_940 = arith.constant 20000 : i32
      %add3A_941 = vector.broadcast %add3A_940 : i32 to vector<16xi32>
      %add3A_942 = arith.addi %get3A_922, %add3A_941 : vector<16xi32>
      %gather3A_943 = tpu.vector_load_idx %arg5[%add3A_942] : memref<30000xf32, #tpu.memory_space<vmem>>[vector<16xi32>], vector<16xf32>,
      %add3A_944 = arith.addf %gather3A_931, %gather3A_935 : vector<16xf32>
      %mul3A_945 = arith.constant 2.000000e+00 : f32
      %mul3A_946 = vector.broadcast %mul3A_945 : f32 to vector<16xf32>
      %mul3A_947 = arith.mulf %mul3A_946, %add3A_944 : vector<16xf32>
      %exp3A_948 = math.exp %mul3A_947 : vector<16xf32>
      %add3A_949 = arith.constant 1.000000e+00 : f32
      %add3A_950 = vector.broadcast %add3A_949 : f32 to vector<16xf32>
      %add3A_951 = arith.addf %exp3A_948, %add3A_950 : vector<16xf32>
      %div3A_952 = arith.constant 2.000000e+00 : f32
      %div3A_953 = vector.broadcast %div3A_952 : f32 to vector<16xf32>
      %div3A_954 = arith.divf %div3A_953, %add3A_951 : vector<16xf32>
      %sub3A_955 = arith.constant 1.000000e+00 : f32
      %sub3A_956 = vector.broadcast %sub3A_955 : f32 to vector<16xf32>
      %sub3A_957 = arith.subf %sub3A_956, %div3A_954 : vector<16xf32>
      %mul3A_958 = arith.mulf %sub3A_957, %gather3A_939 : vector<16xf32>
      %mul3A_959 = arith.mulf %mul3A_958, %gather3A_943 : vector<16xf32>
      %swap3A_960 = arith.constant 0 : i32
      %swap3A_961 = arith.index_cast %scan3A_916 : i32 to index
      %swap3A_962 = arith.index_cast %swap3A_960 : i32 to index
      %swap3A_963 = arith.constant 0 : index
      %swap3A_964 = tpu.vector_load %arg7[%swap3A_961, %swap3A_962, %swap3A_963] {strides = array<i32>} : memref<125x4x80xi32, #tpu.memory_space<vmem>>, vector<16xi32>,
      tpu.vector_store %arg7[%swap3A_961, %swap3A_962, %swap3A_963], %get3A_922 {strides = array<i32>} : memref<125x4x80xi32, #tpu.memory_space<vmem>>, vector<16xi32>,
      %swap3A_965 = arith.constant 1 : i32
      %swap3A_966 = arith.index_cast %scan3A_916 : i32 to index
      %swap3A_967 = arith.index_cast %swap3A_965 : i32 to index
      %swap3A_968 = arith.constant 0 : index
      %swap3A_969 = tpu.vector_load %arg7[%swap3A_966, %swap3A_967, %swap3A_968] {strides = array<i32>} : memref<125x4x80xi32, #tpu.memory_space<vmem>>, vector<16xi32>,
      tpu.vector_store %arg7[%swap3A_966, %swap3A_967, %swap3A_968], %get3A_930 {strides = array<i32>} : memref<125x4x80xi32, #tpu.memory_space<vmem>>, vector<16xi32>,
      %bitcast3A_970 = vector.bitcast %mul3A_959 : vector<16xf32> to vector<16xi32>
      %swap3A_971 = arith.constant 2 : i32
      %swap3A_972 = arith.index_cast %scan3A_916 : i32 to index
      %swap3A_973 = arith.index_cast %swap3A_971 : i32 to index
      %swap3A_974 = arith.constant 0 : index
      %swap3A_975 = tpu.vector_load %arg7[%swap3A_972, %swap3A_973, %swap3A_974] {strides = array<i32>} : memref<125x4x80xi32, #tpu.memory_space<vmem>>, vector<16xi32>,
      tpu.vector_store %arg7[%swap3A_972, %swap3A_973, %swap3A_974], %bitcast3A_970 {strides = array<i32>} : memref<125x4x80xi32, #tpu.memory_space<vmem>>, vector<16xi32>,
      %mul3A_976 = arith.constant 80 : i32
      %mul3A_977 = arith.muli %scan3A_916, %mul3A_976 : i32
      %add3A_978 = arith.constant 16 : i32
      %add3A_979 = arith.addi %mul3A_977, %add3A_978 : i32
      %get3A_980 = arith.index_cast %add3A_979 : i32 to index
      %get3A_981 = tpu.vector_load %arg6[%get3A_980] {strides = array<i32>} : memref<20000xi32, #tpu.memory_space<vmem>>, vector<16xi32>,
      %mul3A_982 = arith.constant 80 : i32
      %mul3A_983 = arith.muli %scan3A_916, %mul3A_982 : i32
      %add3A_984 = arith.constant 10000 : i32
      %add3A_985 = arith.addi %add3A_984, %mul3A_983 : i32
      %add3A_986 = arith.constant 16 : i32
      %add3A_987 = arith.addi %add3A_985, %add3A_986 : i32
      %get3A_988 = arith.index_cast %add3A_987 : i32 to index
      %get3A_989 = tpu.vector_load %arg6[%get3A_988] {strides = array<i32>} : memref<20000xi32, #tpu.memory_space<vmem>>, vector<16xi32>,
      %gather3A_990 = tpu.vector_load_idx %arg5[%get3A_989] : memref<30000xf32, #tpu.memory_space<vmem>>[vector<16xi32>], vector<16xf32>,
      %add3A_991 = arith.constant 10000 : i32
      %add3A_992 = vector.broadcast %add3A_991 : i32 to vector<16xi32>
      %add3A_993 = arith.addi %get3A_981, %add3A_992 : vector<16xi32>
      %gather3A_994 = tpu.vector_load_idx %arg5[%add3A_993] : memref<30000xf32, #tpu.memory_space<vmem>>[vector<16xi32>], vector<16xf32>,
      %add3A_995 = arith.constant 20000 : i32
      %add3A_996 = vector.broadcast %add3A_995 : i32 to vector<16xi32>
      %add3A_997 = arith.addi %get3A_989, %add3A_996 : vector<16xi32>
      %gather3A_998 = tpu.vector_load_idx %arg5[%add3A_997] : memref<30000xf32, #tpu.memory_space<vmem>>[vector<16xi32>], vector<16xf32>,
      %add3A_999 = arith.constant 20000 : i32
      %add3A_1000 = vector.broadcast %add3A_999 : i32 to vector<16xi32>
      %add3A_1001 = arith.addi %get3A_981, %add3A_1000 : vector<16xi32>
      %gather3A_1002 = tpu.vector_load_idx %arg5[%add3A_1001] : memref<30000xf32, #tpu.memory_space<vmem>>[vector<16xi32>], vector<16xf32>,
      %add3A_1003 = arith.addf %gather3A_990, %gather3A_994 : vector<16xf32>
      %mul3A_1004 = arith.constant 2.000000e+00 : f32
      %mul3A_1005 = vector.broadcast %mul3A_1004 : f32 to vector<16xf32>
      %mul3A_1006 = arith.mulf %mul3A_1005, %add3A_1003 : vector<16xf32>
      %exp3A_1007 = math.exp %mul3A_1006 : vector<16xf32>
      %add3A_1008 = arith.constant 1.000000e+00 : f32
      %add3A_1009 = vector.broadcast %add3A_1008 : f32 to vector<16xf32>
      %add3A_1010 = arith.addf %exp3A_1007, %add3A_1009 : vector<16xf32>
      %div3A_1011 = arith.constant 2.000000e+00 : f32
      %div3A_1012 = vector.broadcast %div3A_1011 : f32 to vector<16xf32>
      %div3A_1013 = arith.divf %div3A_1012, %add3A_1010 : vector<16xf32>
      %sub3A_1014 = arith.constant 1.000000e+00 : f32
      %sub3A_1015 = vector.broadcast %sub3A_1014 : f32 to vector<16xf32>
      %sub3A_1016 = arith.subf %sub3A_1015, %div3A_1013 : vector<16xf32>
      %mul3A_1017 = arith.mulf %sub3A_1016, %gather3A_998 : vector<16xf32>
      %mul3A_1018 = arith.mulf %mul3A_1017, %gather3A_1002 : vector<16xf32>
      %swap3A_1019 = arith.constant 0 : i32
      %swap3A_1020 = arith.index_cast %scan3A_916 : i32 to index
      %swap3A_1021 = arith.index_cast %swap3A_1019 : i32 to index
      %swap3A_1022 = arith.constant 16 : index
      %swap3A_1023 = tpu.vector_load %arg7[%swap3A_1020, %swap3A_1021, %swap3A_1022] {strides = array<i32>} : memref<125x4x80xi32, #tpu.memory_space<vmem>>, vector<16xi32>,
      tpu.vector_store %arg7[%swap3A_1020, %swap3A_1021, %swap3A_1022], %get3A_981 {strides = array<i32>} : memref<125x4x80xi32, #tpu.memory_space<vmem>>, vector<16xi32>,
      %swap3A_1024 = arith.constant 1 : i32
      %swap3A_1025 = arith.index_cast %scan3A_916 : i32 to index
      %swap3A_1026 = arith.index_cast %swap3A_1024 : i32 to index
      %swap3A_1027 = arith.constant 16 : index
      %swap3A_1028 = tpu.vector_load %arg7[%swap3A_1025, %swap3A_1026, %swap3A_1027] {strides = array<i32>} : memref<125x4x80xi32, #tpu.memory_space<vmem>>, vector<16xi32>,
      tpu.vector_store %arg7[%swap3A_1025, %swap3A_1026, %swap3A_1027], %get3A_989 {strides = array<i32>} : memref<125x4x80xi32, #tpu.memory_space<vmem>>, vector<16xi32>,
      %bitcast3A_1029 = vector.bitcast %mul3A_1018 : vector<16xf32> to vector<16xi32>
      %swap3A_1030 = arith.constant 2 : i32
      %swap3A_1031 = arith.index_cast %scan3A_916 : i32 to index
      %swap3A_1032 = arith.index_cast %swap3A_1030 : i32 to index
      %swap3A_1033 = arith.constant 16 : index
      %swap3A_1034 = tpu.vector_load %arg7[%swap3A_1031, %swap3A_1032, %swap3A_1033] {strides = array<i32>} : memref<125x4x80xi32, #tpu.memory_space<vmem>>, vector<16xi32>,
      tpu.vector_store %arg7[%swap3A_1031, %swap3A_1032, %swap3A_1033], %bitcast3A_1029 {strides = array<i32>} : memref<125x4x80xi32, #tpu.memory_space<vmem>>, vector<16xi32>,
      %mul3A_1035 = arith.constant 80 : i32
      %mul3A_1036 = arith.muli %scan3A_916, %mul3A_1035 : i32
      %add3A_1037 = arith.constant 32 : i32
      %add3A_1038 = arith.addi %mul3A_1036, %add3A_1037 : i32
      %get3A_1039 = arith.index_cast %add3A_1038 : i32 to index
      %get3A_1040 = tpu.vector_load %arg6[%get3A_1039] {strides = array<i32>} : memref<20000xi32, #tpu.memory_space<vmem>>, vector<16xi32>,
      %mul3A_1041 = arith.constant 80 : i32
      %mul3A_1042 = arith.muli %scan3A_916, %mul3A_1041 : i32
      %add3A_1043 = arith.constant 10000 : i32
      %add3A_1044 = arith.addi %add3A_1043, %mul3A_1042 : i32
      %add3A_1045 = arith.constant 32 : i32
      %add3A_1046 = arith.addi %add3A_1044, %add3A_1045 : i32
      %get3A_1047 = arith.index_cast %add3A_1046 : i32 to index
      %get3A_1048 = tpu.vector_load %arg6[%get3A_1047] {strides = array<i32>} : memref<20000xi32, #tpu.memory_space<vmem>>, vector<16xi32>,
      %gather3A_1049 = tpu.vector_load_idx %arg5[%get3A_1048] : memref<30000xf32, #tpu.memory_space<vmem>>[vector<16xi32>], vector<16xf32>,
      %add3A_1050 = arith.constant 10000 : i32
      %add3A_1051 = vector.broadcast %add3A_1050 : i32 to vector<16xi32>
      %add3A_1052 = arith.addi %get3A_1040, %add3A_1051 : vector<16xi32>
      %gather3A_1053 = tpu.vector_load_idx %arg5[%add3A_1052] : memref<30000xf32, #tpu.memory_space<vmem>>[vector<16xi32>], vector<16xf32>,
      %add3A_1054 = arith.constant 20000 : i32
      %add3A_1055 = vector.broadcast %add3A_1054 : i32 to vector<16xi32>
      %add3A_1056 = arith.addi %get3A_1048, %add3A_1055 : vector<16xi32>
      %gather3A_1057 = tpu.vector_load_idx %arg5[%add3A_1056] : memref<30000xf32, #tpu.memory_space<vmem>>[vector<16xi32>], vector<16xf32>,
      %add3A_1058 = arith.constant 20000 : i32
      %add3A_1059 = vector.broadcast %add3A_1058 : i32 to vector<16xi32>
      %add3A_1060 = arith.addi %get3A_1040, %add3A_1059 : vector<16xi32>
      %gather3A_1061 = tpu.vector_load_idx %arg5[%add3A_1060] : memref<30000xf32, #tpu.memory_space<vmem>>[vector<16xi32>], vector<16xf32>,
      %add3A_1062 = arith.addf %gather3A_1049, %gather3A_1053 : vector<16xf32>
      %mul3A_1063 = arith.constant 2.000000e+00 : f32
      %mul3A_1064 = vector.broadcast %mul3A_1063 : f32 to vector<16xf32>
      %mul3A_1065 = arith.mulf %mul3A_1064, %add3A_1062 : vector<16xf32>
      %exp3A_1066 = math.exp %mul3A_1065 : vector<16xf32>
      %add3A_1067 = arith.constant 1.000000e+00 : f32
      %add3A_1068 = vector.broadcast %add3A_1067 : f32 to vector<16xf32>
      %add3A_1069 = arith.addf %exp3A_1066, %add3A_1068 : vector<16xf32>
      %div3A_1070 = arith.constant 2.000000e+00 : f32
      %div3A_1071 = vector.broadcast %div3A_1070 : f32 to vector<16xf32>
      %div3A_1072 = arith.divf %div3A_1071, %add3A_1069 : vector<16xf32>
      %sub3A_1073 = arith.constant 1.000000e+00 : f32
      %sub3A_1074 = vector.broadcast %sub3A_1073 : f32 to vector<16xf32>
      %sub3A_1075 = arith.subf %sub3A_1074, %div3A_1072 : vector<16xf32>
      %mul3A_1076 = arith.mulf %sub3A_1075, %gather3A_1057 : vector<16xf32>
      %mul3A_1077 = arith.mulf %mul3A_1076, %gather3A_1061 : vector<16xf32>
      %swap3A_1078 = arith.constant 0 : i32
      %swap3A_1079 = arith.index_cast %scan3A_916 : i32 to index
      %swap3A_1080 = arith.index_cast %swap3A_1078 : i32 to index
      %swap3A_1081 = arith.constant 32 : index
      %swap3A_1082 = tpu.vector_load %arg7[%swap3A_1079, %swap3A_1080, %swap3A_1081] {strides = array<i32>} : memref<125x4x80xi32, #tpu.memory_space<vmem>>, vector<16xi32>,
      tpu.vector_store %arg7[%swap3A_1079, %swap3A_1080, %swap3A_1081], %get3A_1040 {strides = array<i32>} : memref<125x4x80xi32, #tpu.memory_space<vmem>>, vector<16xi32>,
      %swap3A_1083 = arith.constant 1 : i32
      %swap3A_1084 = arith.index_cast %scan3A_916 : i32 to index
      %swap3A_1085 = arith.index_cast %swap3A_1083 : i32 to index
      %swap3A_1086 = arith.constant 32 : index
      %swap3A_1087 = tpu.vector_load %arg7[%swap3A_1084, %swap3A_1085, %swap3A_1086] {strides = array<i32>} : memref<125x4x80xi32, #tpu.memory_space<vmem>>, vector<16xi32>,
      tpu.vector_store %arg7[%swap3A_1084, %swap3A_1085, %swap3A_1086], %get3A_1048 {strides = array<i32>} : memref<125x4x80xi32, #tpu.memory_space<vmem>>, vector<16xi32>,
      %bitcast3A_1088 = vector.bitcast %mul3A_1077 : vector<16xf32> to vector<16xi32>
      %swap3A_1089 = arith.constant 2 : i32
      %swap3A_1090 = arith.index_cast %scan3A_916 : i32 to index
      %swap3A_1091 = arith.index_cast %swap3A_1089 : i32 to index
      %swap3A_1092 = arith.constant 32 : index
      %swap3A_1093 = tpu.vector_load %arg7[%swap3A_1090, %swap3A_1091, %swap3A_1092] {strides = array<i32>} : memref<125x4x80xi32, #tpu.memory_space<vmem>>, vector<16xi32>,
      tpu.vector_store %arg7[%swap3A_1090, %swap3A_1091, %swap3A_1092], %bitcast3A_1088 {strides = array<i32>} : memref<125x4x80xi32, #tpu.memory_space<vmem>>, vector<16xi32>,
      %mul3A_1094 = arith.constant 80 : i32
      %mul3A_1095 = arith.muli %scan3A_916, %mul3A_1094 : i32
      %add3A_1096 = arith.constant 48 : i32
      %add3A_1097 = arith.addi %mul3A_1095, %add3A_1096 : i32
      %get3A_1098 = arith.index_cast %add3A_1097 : i32 to index
      %get3A_1099 = tpu.vector_load %arg6[%get3A_1098] {strides = array<i32>} : memref<20000xi32, #tpu.memory_space<vmem>>, vector<16xi32>,
      %mul3A_1100 = arith.constant 80 : i32
      %mul3A_1101 = arith.muli %scan3A_916, %mul3A_1100 : i32
      %add3A_1102 = arith.constant 10000 : i32
      %add3A_1103 = arith.addi %add3A_1102, %mul3A_1101 : i32
      %add3A_1104 = arith.constant 48 : i32
      %add3A_1105 = arith.addi %add3A_1103, %add3A_1104 : i32
      %get3A_1106 = arith.index_cast %add3A_1105 : i32 to index
      %get3A_1107 = tpu.vector_load %arg6[%get3A_1106] {strides = array<i32>} : memref<20000xi32, #tpu.memory_space<vmem>>, vector<16xi32>,
      %gather3A_1108 = tpu.vector_load_idx %arg5[%get3A_1107] : memref<30000xf32, #tpu.memory_space<vmem>>[vector<16xi32>], vector<16xf32>,
      %add3A_1109 = arith.constant 10000 : i32
      %add3A_1110 = vector.broadcast %add3A_1109 : i32 to vector<16xi32>
      %add3A_1111 = arith.addi %get3A_1099, %add3A_1110 : vector<16xi32>
      %gather3A_1112 = tpu.vector_load_idx %arg5[%add3A_1111] : memref<30000xf32, #tpu.memory_space<vmem>>[vector<16xi32>], vector<16xf32>,
      %add3A_1113 = arith.constant 20000 : i32
      %add3A_1114 = vector.broadcast %add3A_1113 : i32 to vector<16xi32>
      %add3A_1115 = arith.addi %get3A_1107, %add3A_1114 : vector<16xi32>
      %gather3A_1116 = tpu.vector_load_idx %arg5[%add3A_1115] : memref<30000xf32, #tpu.memory_space<vmem>>[vector<16xi32>], vector<16xf32>,
      %add3A_1117 = arith.constant 20000 : i32
      %add3A_1118 = vector.broadcast %add3A_1117 : i32 to vector<16xi32>
      %add3A_1119 = arith.addi %get3A_1099, %add3A_1118 : vector<16xi32>
      %gather3A_1120 = tpu.vector_load_idx %arg5[%add3A_1119] : memref<30000xf32, #tpu.memory_space<vmem>>[vector<16xi32>], vector<16xf32>,
      %add3A_1121 = arith.addf %gather3A_1108, %gather3A_1112 : vector<16xf32>
      %mul3A_1122 = arith.constant 2.000000e+00 : f32
      %mul3A_1123 = vector.broadcast %mul3A_1122 : f32 to vector<16xf32>
      %mul3A_1124 = arith.mulf %mul3A_1123, %add3A_1121 : vector<16xf32>
      %exp3A_1125 = math.exp %mul3A_1124 : vector<16xf32>
      %add3A_1126 = arith.constant 1.000000e+00 : f32
      %add3A_1127 = vector.broadcast %add3A_1126 : f32 to vector<16xf32>
      %add3A_1128 = arith.addf %exp3A_1125, %add3A_1127 : vector<16xf32>
      %div3A_1129 = arith.constant 2.000000e+00 : f32
      %div3A_1130 = vector.broadcast %div3A_1129 : f32 to vector<16xf32>
      %div3A_1131 = arith.divf %div3A_1130, %add3A_1128 : vector<16xf32>
      %sub3A_1132 = arith.constant 1.000000e+00 : f32
      %sub3A_1133 = vector.broadcast %sub3A_1132 : f32 to vector<16xf32>
      %sub3A_1134 = arith.subf %sub3A_1133, %div3A_1131 : vector<16xf32>
      %mul3A_1135 = arith.mulf %sub3A_1134, %gather3A_1116 : vector<16xf32>
      %mul3A_1136 = arith.mulf %mul3A_1135, %gather3A_1120 : vector<16xf32>
      %swap3A_1137 = arith.constant 0 : i32
      %swap3A_1138 = arith.index_cast %scan3A_916 : i32 to index
      %swap3A_1139 = arith.index_cast %swap3A_1137 : i32 to index
      %swap3A_1140 = arith.constant 48 : index
      %swap3A_1141 = tpu.vector_load %arg7[%swap3A_1138, %swap3A_1139, %swap3A_1140] {strides = array<i32>} : memref<125x4x80xi32, #tpu.memory_space<vmem>>, vector<16xi32>,
      tpu.vector_store %arg7[%swap3A_1138, %swap3A_1139, %swap3A_1140], %get3A_1099 {strides = array<i32>} : memref<125x4x80xi32, #tpu.memory_space<vmem>>, vector<16xi32>,
      %swap3A_1142 = arith.constant 1 : i32
      %swap3A_1143 = arith.index_cast %scan3A_916 : i32 to index
      %swap3A_1144 = arith.index_cast %swap3A_1142 : i32 to index
      %swap3A_1145 = arith.constant 48 : index
      %swap3A_1146 = tpu.vector_load %arg7[%swap3A_1143, %swap3A_1144, %swap3A_1145] {strides = array<i32>} : memref<125x4x80xi32, #tpu.memory_space<vmem>>, vector<16xi32>,
      tpu.vector_store %arg7[%swap3A_1143, %swap3A_1144, %swap3A_1145], %get3A_1107 {strides = array<i32>} : memref<125x4x80xi32, #tpu.memory_space<vmem>>, vector<16xi32>,
      %bitcast3A_1147 = vector.bitcast %mul3A_1136 : vector<16xf32> to vector<16xi32>
      %swap3A_1148 = arith.constant 2 : i32
      %swap3A_1149 = arith.index_cast %scan3A_916 : i32 to index
      %swap3A_1150 = arith.index_cast %swap3A_1148 : i32 to index
      %swap3A_1151 = arith.constant 48 : index
      %swap3A_1152 = tpu.vector_load %arg7[%swap3A_1149, %swap3A_1150, %swap3A_1151] {strides = array<i32>} : memref<125x4x80xi32, #tpu.memory_space<vmem>>, vector<16xi32>,
      tpu.vector_store %arg7[%swap3A_1149, %swap3A_1150, %swap3A_1151], %bitcast3A_1147 {strides = array<i32>} : memref<125x4x80xi32, #tpu.memory_space<vmem>>, vector<16xi32>,
      %mul3A_1153 = arith.constant 80 : i32
      %mul3A_1154 = arith.muli %scan3A_916, %mul3A_1153 : i32
      %add3A_1155 = arith.constant 64 : i32
      %add3A_1156 = arith.addi %mul3A_1154, %add3A_1155 : i32
      %get3A_1157 = arith.index_cast %add3A_1156 : i32 to index
      %get3A_1158 = tpu.vector_load %arg6[%get3A_1157] {strides = array<i32>} : memref<20000xi32, #tpu.memory_space<vmem>>, vector<16xi32>,
      %mul3A_1159 = arith.constant 80 : i32
      %mul3A_1160 = arith.muli %scan3A_916, %mul3A_1159 : i32
      %add3A_1161 = arith.constant 10000 : i32
      %add3A_1162 = arith.addi %add3A_1161, %mul3A_1160 : i32
      %add3A_1163 = arith.constant 64 : i32
      %add3A_1164 = arith.addi %add3A_1162, %add3A_1163 : i32
      %get3A_1165 = arith.index_cast %add3A_1164 : i32 to index
      %get3A_1166 = tpu.vector_load %arg6[%get3A_1165] {strides = array<i32>} : memref<20000xi32, #tpu.memory_space<vmem>>, vector<16xi32>,
      %gather3A_1167 = tpu.vector_load_idx %arg5[%get3A_1166] : memref<30000xf32, #tpu.memory_space<vmem>>[vector<16xi32>], vector<16xf32>,
      %add3A_1168 = arith.constant 10000 : i32
      %add3A_1169 = vector.broadcast %add3A_1168 : i32 to vector<16xi32>
      %add3A_1170 = arith.addi %get3A_1158, %add3A_1169 : vector<16xi32>
      %gather3A_1171 = tpu.vector_load_idx %arg5[%add3A_1170] : memref<30000xf32, #tpu.memory_space<vmem>>[vector<16xi32>], vector<16xf32>,
      %add3A_1172 = arith.constant 20000 : i32
      %add3A_1173 = vector.broadcast %add3A_1172 : i32 to vector<16xi32>
      %add3A_1174 = arith.addi %get3A_1166, %add3A_1173 : vector<16xi32>
      %gather3A_1175 = tpu.vector_load_idx %arg5[%add3A_1174] : memref<30000xf32, #tpu.memory_space<vmem>>[vector<16xi32>], vector<16xf32>,
      %add3A_1176 = arith.constant 20000 : i32
      %add3A_1177 = vector.broadcast %add3A_1176 : i32 to vector<16xi32>
      %add3A_1178 = arith.addi %get3A_1158, %add3A_1177 : vector<16xi32>
      %gather3A_1179 = tpu.vector_load_idx %arg5[%add3A_1178] : memref<30000xf32, #tpu.memory_space<vmem>>[vector<16xi32>], vector<16xf32>,
      %add3A_1180 = arith.addf %gather3A_1167, %gather3A_1171 : vector<16xf32>
      %mul3A_1181 = arith.constant 2.000000e+00 : f32
      %mul3A_1182 = vector.broadcast %mul3A_1181 : f32 to vector<16xf32>
      %mul3A_1183 = arith.mulf %mul3A_1182, %add3A_1180 : vector<16xf32>
      %exp3A_1184 = math.exp %mul3A_1183 : vector<16xf32>
      %add3A_1185 = arith.constant 1.000000e+00 : f32
      %add3A_1186 = vector.broadcast %add3A_1185 : f32 to vector<16xf32>
      %add3A_1187 = arith.addf %exp3A_1184, %add3A_1186 : vector<16xf32>
      %div3A_1188 = arith.constant 2.000000e+00 : f32
      %div3A_1189 = vector.broadcast %div3A_1188 : f32 to vector<16xf32>
      %div3A_1190 = arith.divf %div3A_1189, %add3A_1187 : vector<16xf32>
      %sub3A_1191 = arith.constant 1.000000e+00 : f32
      %sub3A_1192 = vector.broadcast %sub3A_1191 : f32 to vector<16xf32>
      %sub3A_1193 = arith.subf %sub3A_1192, %div3A_1190 : vector<16xf32>
      %mul3A_1194 = arith.mulf %sub3A_1193, %gather3A_1175 : vector<16xf32>
      %mul3A_1195 = arith.mulf %mul3A_1194, %gather3A_1179 : vector<16xf32>
      %swap3A_1196 = arith.constant 0 : i32
      %swap3A_1197 = arith.index_cast %scan3A_916 : i32 to index
      %swap3A_1198 = arith.index_cast %swap3A_1196 : i32 to index
      %swap3A_1199 = arith.constant 64 : index
      %swap3A_1200 = tpu.vector_load %arg7[%swap3A_1197, %swap3A_1198, %swap3A_1199] {strides = array<i32>} : memref<125x4x80xi32, #tpu.memory_space<vmem>>, vector<16xi32>,
      tpu.vector_store %arg7[%swap3A_1197, %swap3A_1198, %swap3A_1199], %get3A_1158 {strides = array<i32>} : memref<125x4x80xi32, #tpu.memory_space<vmem>>, vector<16xi32>,
      %swap3A_1201 = arith.constant 1 : i32
      %swap3A_1202 = arith.index_cast %scan3A_916 : i32 to index
      %swap3A_1203 = arith.index_cast %swap3A_1201 : i32 to index
      %swap3A_1204 = arith.constant 64 : index
      %swap3A_1205 = tpu.vector_load %arg7[%swap3A_1202, %swap3A_1203, %swap3A_1204] {strides = array<i32>} : memref<125x4x80xi32, #tpu.memory_space<vmem>>, vector<16xi32>,
      tpu.vector_store %arg7[%swap3A_1202, %swap3A_1203, %swap3A_1204], %get3A_1166 {strides = array<i32>} : memref<125x4x80xi32, #tpu.memory_space<vmem>>, vector<16xi32>,
      %bitcast3A_1206 = vector.bitcast %mul3A_1195 : vector<16xf32> to vector<16xi32>
      %swap3A_1207 = arith.constant 2 : i32
      %swap3A_1208 = arith.index_cast %scan3A_916 : i32 to index
      %swap3A_1209 = arith.index_cast %swap3A_1207 : i32 to index
      %swap3A_1210 = arith.constant 64 : index
      %swap3A_1211 = tpu.vector_load %arg7[%swap3A_1208, %swap3A_1209, %swap3A_1210] {strides = array<i32>} : memref<125x4x80xi32, #tpu.memory_space<vmem>>, vector<16xi32>,
      tpu.vector_store %arg7[%swap3A_1208, %swap3A_1209, %swap3A_1210], %bitcast3A_1206 {strides = array<i32>} : memref<125x4x80xi32, #tpu.memory_space<vmem>>, vector<16xi32>,
      %scan3A_1212 = arith.constant 3 : i32
      %scan3A_1213 = arith.addi %scan3A_322, %scan3A_1212 : i32
      %mul3A_1214 = arith.constant 80 : i32
      %mul3A_1215 = arith.muli %scan3A_1213, %mul3A_1214 : i32
      %add3A_1216 = arith.constant 0 : i32
      %add3A_1217 = arith.addi %mul3A_1215, %add3A_1216 : i32
      %get3A_1218 = arith.index_cast %add3A_1217 : i32 to index
      %get3A_1219 = tpu.vector_load %arg6[%get3A_1218] {strides = array<i32>} : memref<20000xi32, #tpu.memory_space<vmem>>, vector<16xi32>,
      %mul3A_1220 = arith.constant 80 : i32
      %mul3A_1221 = arith.muli %scan3A_1213, %mul3A_1220 : i32
      %add3A_1222 = arith.constant 10000 : i32
      %add3A_1223 = arith.addi %add3A_1222, %mul3A_1221 : i32
      %add3A_1224 = arith.constant 0 : i32
      %add3A_1225 = arith.addi %add3A_1223, %add3A_1224 : i32
      %get3A_1226 = arith.index_cast %add3A_1225 : i32 to index
      %get3A_1227 = tpu.vector_load %arg6[%get3A_1226] {strides = array<i32>} : memref<20000xi32, #tpu.memory_space<vmem>>, vector<16xi32>,
      %gather3A_1228 = tpu.vector_load_idx %arg5[%get3A_1227] : memref<30000xf32, #tpu.memory_space<vmem>>[vector<16xi32>], vector<16xf32>,
      %add3A_1229 = arith.constant 10000 : i32
      %add3A_1230 = vector.broadcast %add3A_1229 : i32 to vector<16xi32>
      %add3A_1231 = arith.addi %get3A_1219, %add3A_1230 : vector<16xi32>
      %gather3A_1232 = tpu.vector_load_idx %arg5[%add3A_1231] : memref<30000xf32, #tpu.memory_space<vmem>>[vector<16xi32>], vector<16xf32>,
      %add3A_1233 = arith.constant 20000 : i32
      %add3A_1234 = vector.broadcast %add3A_1233 : i32 to vector<16xi32>
      %add3A_1235 = arith.addi %get3A_1227, %add3A_1234 : vector<16xi32>
      %gather3A_1236 = tpu.vector_load_idx %arg5[%add3A_1235] : memref<30000xf32, #tpu.memory_space<vmem>>[vector<16xi32>], vector<16xf32>,
      %add3A_1237 = arith.constant 20000 : i32
      %add3A_1238 = vector.broadcast %add3A_1237 : i32 to vector<16xi32>
      %add3A_1239 = arith.addi %get3A_1219, %add3A_1238 : vector<16xi32>
      %gather3A_1240 = tpu.vector_load_idx %arg5[%add3A_1239] : memref<30000xf32, #tpu.memory_space<vmem>>[vector<16xi32>], vector<16xf32>,
      %add3A_1241 = arith.addf %gather3A_1228, %gather3A_1232 : vector<16xf32>
      %mul3A_1242 = arith.constant 2.000000e+00 : f32
      %mul3A_1243 = vector.broadcast %mul3A_1242 : f32 to vector<16xf32>
      %mul3A_1244 = arith.mulf %mul3A_1243, %add3A_1241 : vector<16xf32>
      %exp3A_1245 = math.exp %mul3A_1244 : vector<16xf32>
      %add3A_1246 = arith.constant 1.000000e+00 : f32
      %add3A_1247 = vector.broadcast %add3A_1246 : f32 to vector<16xf32>
      %add3A_1248 = arith.addf %exp3A_1245, %add3A_1247 : vector<16xf32>
      %div3A_1249 = arith.constant 2.000000e+00 : f32
      %div3A_1250 = vector.broadcast %div3A_1249 : f32 to vector<16xf32>
      %div3A_1251 = arith.divf %div3A_1250, %add3A_1248 : vector<16xf32>
      %sub3A_1252 = arith.constant 1.000000e+00 : f32
      %sub3A_1253 = vector.broadcast %sub3A_1252 : f32 to vector<16xf32>
      %sub3A_1254 = arith.subf %sub3A_1253, %div3A_1251 : vector<16xf32>
      %mul3A_1255 = arith.mulf %sub3A_1254, %gather3A_1236 : vector<16xf32>
      %mul3A_1256 = arith.mulf %mul3A_1255, %gather3A_1240 : vector<16xf32>
      %swap3A_1257 = arith.constant 0 : i32
      %swap3A_1258 = arith.index_cast %scan3A_1213 : i32 to index
      %swap3A_1259 = arith.index_cast %swap3A_1257 : i32 to index
      %swap3A_1260 = arith.constant 0 : index
      %swap3A_1261 = tpu.vector_load %arg7[%swap3A_1258, %swap3A_1259, %swap3A_1260] {strides = array<i32>} : memref<125x4x80xi32, #tpu.memory_space<vmem>>, vector<16xi32>,
      tpu.vector_store %arg7[%swap3A_1258, %swap3A_1259, %swap3A_1260], %get3A_1219 {strides = array<i32>} : memref<125x4x80xi32, #tpu.memory_space<vmem>>, vector<16xi32>,
      %swap3A_1262 = arith.constant 1 : i32
      %swap3A_1263 = arith.index_cast %scan3A_1213 : i32 to index
      %swap3A_1264 = arith.index_cast %swap3A_1262 : i32 to index
      %swap3A_1265 = arith.constant 0 : index
      %swap3A_1266 = tpu.vector_load %arg7[%swap3A_1263, %swap3A_1264, %swap3A_1265] {strides = array<i32>} : memref<125x4x80xi32, #tpu.memory_space<vmem>>, vector<16xi32>,
      tpu.vector_store %arg7[%swap3A_1263, %swap3A_1264, %swap3A_1265], %get3A_1227 {strides = array<i32>} : memref<125x4x80xi32, #tpu.memory_space<vmem>>, vector<16xi32>,
      %bitcast3A_1267 = vector.bitcast %mul3A_1256 : vector<16xf32> to vector<16xi32>
      %swap3A_1268 = arith.constant 2 : i32
      %swap3A_1269 = arith.index_cast %scan3A_1213 : i32 to index
      %swap3A_1270 = arith.index_cast %swap3A_1268 : i32 to index
      %swap3A_1271 = arith.constant 0 : index
      %swap3A_1272 = tpu.vector_load %arg7[%swap3A_1269, %swap3A_1270, %swap3A_1271] {strides = array<i32>} : memref<125x4x80xi32, #tpu.memory_space<vmem>>, vector<16xi32>,
      tpu.vector_store %arg7[%swap3A_1269, %swap3A_1270, %swap3A_1271], %bitcast3A_1267 {strides = array<i32>} : memref<125x4x80xi32, #tpu.memory_space<vmem>>, vector<16xi32>,
      %mul3A_1273 = arith.constant 80 : i32
      %mul3A_1274 = arith.muli %scan3A_1213, %mul3A_1273 : i32
      %add3A_1275 = arith.constant 16 : i32
      %add3A_1276 = arith.addi %mul3A_1274, %add3A_1275 : i32
      %get3A_1277 = arith.index_cast %add3A_1276 : i32 to index
      %get3A_1278 = tpu.vector_load %arg6[%get3A_1277] {strides = array<i32>} : memref<20000xi32, #tpu.memory_space<vmem>>, vector<16xi32>,
      %mul3A_1279 = arith.constant 80 : i32
      %mul3A_1280 = arith.muli %scan3A_1213, %mul3A_1279 : i32
      %add3A_1281 = arith.constant 10000 : i32
      %add3A_1282 = arith.addi %add3A_1281, %mul3A_1280 : i32
      %add3A_1283 = arith.constant 16 : i32
      %add3A_1284 = arith.addi %add3A_1282, %add3A_1283 : i32
      %get3A_1285 = arith.index_cast %add3A_1284 : i32 to index
      %get3A_1286 = tpu.vector_load %arg6[%get3A_1285] {strides = array<i32>} : memref<20000xi32, #tpu.memory_space<vmem>>, vector<16xi32>,
      %gather3A_1287 = tpu.vector_load_idx %arg5[%get3A_1286] : memref<30000xf32, #tpu.memory_space<vmem>>[vector<16xi32>], vector<16xf32>,
      %add3A_1288 = arith.constant 10000 : i32
      %add3A_1289 = vector.broadcast %add3A_1288 : i32 to vector<16xi32>
      %add3A_1290 = arith.addi %get3A_1278, %add3A_1289 : vector<16xi32>
      %gather3A_1291 = tpu.vector_load_idx %arg5[%add3A_1290] : memref<30000xf32, #tpu.memory_space<vmem>>[vector<16xi32>], vector<16xf32>,
      %add3A_1292 = arith.constant 20000 : i32
      %add3A_1293 = vector.broadcast %add3A_1292 : i32 to vector<16xi32>
      %add3A_1294 = arith.addi %get3A_1286, %add3A_1293 : vector<16xi32>
      %gather3A_1295 = tpu.vector_load_idx %arg5[%add3A_1294] : memref<30000xf32, #tpu.memory_space<vmem>>[vector<16xi32>], vector<16xf32>,
      %add3A_1296 = arith.constant 20000 : i32
      %add3A_1297 = vector.broadcast %add3A_1296 : i32 to vector<16xi32>
      %add3A_1298 = arith.addi %get3A_1278, %add3A_1297 : vector<16xi32>
      %gather3A_1299 = tpu.vector_load_idx %arg5[%add3A_1298] : memref<30000xf32, #tpu.memory_space<vmem>>[vector<16xi32>], vector<16xf32>,
      %add3A_1300 = arith.addf %gather3A_1287, %gather3A_1291 : vector<16xf32>
      %mul3A_1301 = arith.constant 2.000000e+00 : f32
      %mul3A_1302 = vector.broadcast %mul3A_1301 : f32 to vector<16xf32>
      %mul3A_1303 = arith.mulf %mul3A_1302, %add3A_1300 : vector<16xf32>
      %exp3A_1304 = math.exp %mul3A_1303 : vector<16xf32>
      %add3A_1305 = arith.constant 1.000000e+00 : f32
      %add3A_1306 = vector.broadcast %add3A_1305 : f32 to vector<16xf32>
      %add3A_1307 = arith.addf %exp3A_1304, %add3A_1306 : vector<16xf32>
      %div3A_1308 = arith.constant 2.000000e+00 : f32
      %div3A_1309 = vector.broadcast %div3A_1308 : f32 to vector<16xf32>
      %div3A_1310 = arith.divf %div3A_1309, %add3A_1307 : vector<16xf32>
      %sub3A_1311 = arith.constant 1.000000e+00 : f32
      %sub3A_1312 = vector.broadcast %sub3A_1311 : f32 to vector<16xf32>
      %sub3A_1313 = arith.subf %sub3A_1312, %div3A_1310 : vector<16xf32>
      %mul3A_1314 = arith.mulf %sub3A_1313, %gather3A_1295 : vector<16xf32>
      %mul3A_1315 = arith.mulf %mul3A_1314, %gather3A_1299 : vector<16xf32>
      %swap3A_1316 = arith.constant 0 : i32
      %swap3A_1317 = arith.index_cast %scan3A_1213 : i32 to index
      %swap3A_1318 = arith.index_cast %swap3A_1316 : i32 to index
      %swap3A_1319 = arith.constant 16 : index
      %swap3A_1320 = tpu.vector_load %arg7[%swap3A_1317, %swap3A_1318, %swap3A_1319] {strides = array<i32>} : memref<125x4x80xi32, #tpu.memory_space<vmem>>, vector<16xi32>,
      tpu.vector_store %arg7[%swap3A_1317, %swap3A_1318, %swap3A_1319], %get3A_1278 {strides = array<i32>} : memref<125x4x80xi32, #tpu.memory_space<vmem>>, vector<16xi32>,
      %swap3A_1321 = arith.constant 1 : i32
      %swap3A_1322 = arith.index_cast %scan3A_1213 : i32 to index
      %swap3A_1323 = arith.index_cast %swap3A_1321 : i32 to index
      %swap3A_1324 = arith.constant 16 : index
      %swap3A_1325 = tpu.vector_load %arg7[%swap3A_1322, %swap3A_1323, %swap3A_1324] {strides = array<i32>} : memref<125x4x80xi32, #tpu.memory_space<vmem>>, vector<16xi32>,
      tpu.vector_store %arg7[%swap3A_1322, %swap3A_1323, %swap3A_1324], %get3A_1286 {strides = array<i32>} : memref<125x4x80xi32, #tpu.memory_space<vmem>>, vector<16xi32>,
      %bitcast3A_1326 = vector.bitcast %mul3A_1315 : vector<16xf32> to vector<16xi32>
      %swap3A_1327 = arith.constant 2 : i32
      %swap3A_1328 = arith.index_cast %scan3A_1213 : i32 to index
      %swap3A_1329 = arith.index_cast %swap3A_1327 : i32 to index
      %swap3A_1330 = arith.constant 16 : index
      %swap3A_1331 = tpu.vector_load %arg7[%swap3A_1328, %swap3A_1329, %swap3A_1330] {strides = array<i32>} : memref<125x4x80xi32, #tpu.memory_space<vmem>>, vector<16xi32>,
      tpu.vector_store %arg7[%swap3A_1328, %swap3A_1329, %swap3A_1330], %bitcast3A_1326 {strides = array<i32>} : memref<125x4x80xi32, #tpu.memory_space<vmem>>, vector<16xi32>,
      %mul3A_1332 = arith.constant 80 : i32
      %mul3A_1333 = arith.muli %scan3A_1213, %mul3A_1332 : i32
      %add3A_1334 = arith.constant 32 : i32
      %add3A_1335 = arith.addi %mul3A_1333, %add3A_1334 : i32
      %get3A_1336 = arith.index_cast %add3A_1335 : i32 to index
      %get3A_1337 = tpu.vector_load %arg6[%get3A_1336] {strides = array<i32>} : memref<20000xi32, #tpu.memory_space<vmem>>, vector<16xi32>,
      %mul3A_1338 = arith.constant 80 : i32
      %mul3A_1339 = arith.muli %scan3A_1213, %mul3A_1338 : i32
      %add3A_1340 = arith.constant 10000 : i32
      %add3A_1341 = arith.addi %add3A_1340, %mul3A_1339 : i32
      %add3A_1342 = arith.constant 32 : i32
      %add3A_1343 = arith.addi %add3A_1341, %add3A_1342 : i32
      %get3A_1344 = arith.index_cast %add3A_1343 : i32 to index
      %get3A_1345 = tpu.vector_load %arg6[%get3A_1344] {strides = array<i32>} : memref<20000xi32, #tpu.memory_space<vmem>>, vector<16xi32>,
      %gather3A_1346 = tpu.vector_load_idx %arg5[%get3A_1345] : memref<30000xf32, #tpu.memory_space<vmem>>[vector<16xi32>], vector<16xf32>,
      %add3A_1347 = arith.constant 10000 : i32
      %add3A_1348 = vector.broadcast %add3A_1347 : i32 to vector<16xi32>
      %add3A_1349 = arith.addi %get3A_1337, %add3A_1348 : vector<16xi32>
      %gather3A_1350 = tpu.vector_load_idx %arg5[%add3A_1349] : memref<30000xf32, #tpu.memory_space<vmem>>[vector<16xi32>], vector<16xf32>,
      %add3A_1351 = arith.constant 20000 : i32
      %add3A_1352 = vector.broadcast %add3A_1351 : i32 to vector<16xi32>
      %add3A_1353 = arith.addi %get3A_1345, %add3A_1352 : vector<16xi32>
      %gather3A_1354 = tpu.vector_load_idx %arg5[%add3A_1353] : memref<30000xf32, #tpu.memory_space<vmem>>[vector<16xi32>], vector<16xf32>,
      %add3A_1355 = arith.constant 20000 : i32
      %add3A_1356 = vector.broadcast %add3A_1355 : i32 to vector<16xi32>
      %add3A_1357 = arith.addi %get3A_1337, %add3A_1356 : vector<16xi32>
      %gather3A_1358 = tpu.vector_load_idx %arg5[%add3A_1357] : memref<30000xf32, #tpu.memory_space<vmem>>[vector<16xi32>], vector<16xf32>,
      %add3A_1359 = arith.addf %gather3A_1346, %gather3A_1350 : vector<16xf32>
      %mul3A_1360 = arith.constant 2.000000e+00 : f32
      %mul3A_1361 = vector.broadcast %mul3A_1360 : f32 to vector<16xf32>
      %mul3A_1362 = arith.mulf %mul3A_1361, %add3A_1359 : vector<16xf32>
      %exp3A_1363 = math.exp %mul3A_1362 : vector<16xf32>
      %add3A_1364 = arith.constant 1.000000e+00 : f32
      %add3A_1365 = vector.broadcast %add3A_1364 : f32 to vector<16xf32>
      %add3A_1366 = arith.addf %exp3A_1363, %add3A_1365 : vector<16xf32>
      %div3A_1367 = arith.constant 2.000000e+00 : f32
      %div3A_1368 = vector.broadcast %div3A_1367 : f32 to vector<16xf32>
      %div3A_1369 = arith.divf %div3A_1368, %add3A_1366 : vector<16xf32>
      %sub3A_1370 = arith.constant 1.000000e+00 : f32
      %sub3A_1371 = vector.broadcast %sub3A_1370 : f32 to vector<16xf32>
      %sub3A_1372 = arith.subf %sub3A_1371, %div3A_1369 : vector<16xf32>
      %mul3A_1373 = arith.mulf %sub3A_1372, %gather3A_1354 : vector<16xf32>
      %mul3A_1374 = arith.mulf %mul3A_1373, %gather3A_1358 : vector<16xf32>
      %swap3A_1375 = arith.constant 0 : i32
      %swap3A_1376 = arith.index_cast %scan3A_1213 : i32 to index
      %swap3A_1377 = arith.index_cast %swap3A_1375 : i32 to index
      %swap3A_1378 = arith.constant 32 : index
      %swap3A_1379 = tpu.vector_load %arg7[%swap3A_1376, %swap3A_1377, %swap3A_1378] {strides = array<i32>} : memref<125x4x80xi32, #tpu.memory_space<vmem>>, vector<16xi32>,
      tpu.vector_store %arg7[%swap3A_1376, %swap3A_1377, %swap3A_1378], %get3A_1337 {strides = array<i32>} : memref<125x4x80xi32, #tpu.memory_space<vmem>>, vector<16xi32>,
      %swap3A_1380 = arith.constant 1 : i32
      %swap3A_1381 = arith.index_cast %scan3A_1213 : i32 to index
      %swap3A_1382 = arith.index_cast %swap3A_1380 : i32 to index
      %swap3A_1383 = arith.constant 32 : index
      %swap3A_1384 = tpu.vector_load %arg7[%swap3A_1381, %swap3A_1382, %swap3A_1383] {strides = array<i32>} : memref<125x4x80xi32, #tpu.memory_space<vmem>>, vector<16xi32>,
      tpu.vector_store %arg7[%swap3A_1381, %swap3A_1382, %swap3A_1383], %get3A_1345 {strides = array<i32>} : memref<125x4x80xi32, #tpu.memory_space<vmem>>, vector<16xi32>,
      %bitcast3A_1385 = vector.bitcast %mul3A_1374 : vector<16xf32> to vector<16xi32>
      %swap3A_1386 = arith.constant 2 : i32
      %swap3A_1387 = arith.index_cast %scan3A_1213 : i32 to index
      %swap3A_1388 = arith.index_cast %swap3A_1386 : i32 to index
      %swap3A_1389 = arith.constant 32 : index
      %swap3A_1390 = tpu.vector_load %arg7[%swap3A_1387, %swap3A_1388, %swap3A_1389] {strides = array<i32>} : memref<125x4x80xi32, #tpu.memory_space<vmem>>, vector<16xi32>,
      tpu.vector_store %arg7[%swap3A_1387, %swap3A_1388, %swap3A_1389], %bitcast3A_1385 {strides = array<i32>} : memref<125x4x80xi32, #tpu.memory_space<vmem>>, vector<16xi32>,
      %mul3A_1391 = arith.constant 80 : i32
      %mul3A_1392 = arith.muli %scan3A_1213, %mul3A_1391 : i32
      %add3A_1393 = arith.constant 48 : i32
      %add3A_1394 = arith.addi %mul3A_1392, %add3A_1393 : i32
      %get3A_1395 = arith.index_cast %add3A_1394 : i32 to index
      %get3A_1396 = tpu.vector_load %arg6[%get3A_1395] {strides = array<i32>} : memref<20000xi32, #tpu.memory_space<vmem>>, vector<16xi32>,
      %mul3A_1397 = arith.constant 80 : i32
      %mul3A_1398 = arith.muli %scan3A_1213, %mul3A_1397 : i32
      %add3A_1399 = arith.constant 10000 : i32
      %add3A_1400 = arith.addi %add3A_1399, %mul3A_1398 : i32
      %add3A_1401 = arith.constant 48 : i32
      %add3A_1402 = arith.addi %add3A_1400, %add3A_1401 : i32
      %get3A_1403 = arith.index_cast %add3A_1402 : i32 to index
      %get3A_1404 = tpu.vector_load %arg6[%get3A_1403] {strides = array<i32>} : memref<20000xi32, #tpu.memory_space<vmem>>, vector<16xi32>,
      %gather3A_1405 = tpu.vector_load_idx %arg5[%get3A_1404] : memref<30000xf32, #tpu.memory_space<vmem>>[vector<16xi32>], vector<16xf32>,
      %add3A_1406 = arith.constant 10000 : i32
      %add3A_1407 = vector.broadcast %add3A_1406 : i32 to vector<16xi32>
      %add3A_1408 = arith.addi %get3A_1396, %add3A_1407 : vector<16xi32>
      %gather3A_1409 = tpu.vector_load_idx %arg5[%add3A_1408] : memref<30000xf32, #tpu.memory_space<vmem>>[vector<16xi32>], vector<16xf32>,
      %add3A_1410 = arith.constant 20000 : i32
      %add3A_1411 = vector.broadcast %add3A_1410 : i32 to vector<16xi32>
      %add3A_1412 = arith.addi %get3A_1404, %add3A_1411 : vector<16xi32>
      %gather3A_1413 = tpu.vector_load_idx %arg5[%add3A_1412] : memref<30000xf32, #tpu.memory_space<vmem>>[vector<16xi32>], vector<16xf32>,
      %add3A_1414 = arith.constant 20000 : i32
      %add3A_1415 = vector.broadcast %add3A_1414 : i32 to vector<16xi32>
      %add3A_1416 = arith.addi %get3A_1396, %add3A_1415 : vector<16xi32>
      %gather3A_1417 = tpu.vector_load_idx %arg5[%add3A_1416] : memref<30000xf32, #tpu.memory_space<vmem>>[vector<16xi32>], vector<16xf32>,
      %add3A_1418 = arith.addf %gather3A_1405, %gather3A_1409 : vector<16xf32>
      %mul3A_1419 = arith.constant 2.000000e+00 : f32
      %mul3A_1420 = vector.broadcast %mul3A_1419 : f32 to vector<16xf32>
      %mul3A_1421 = arith.mulf %mul3A_1420, %add3A_1418 : vector<16xf32>
      %exp3A_1422 = math.exp %mul3A_1421 : vector<16xf32>
      %add3A_1423 = arith.constant 1.000000e+00 : f32
      %add3A_1424 = vector.broadcast %add3A_1423 : f32 to vector<16xf32>
      %add3A_1425 = arith.addf %exp3A_1422, %add3A_1424 : vector<16xf32>
      %div3A_1426 = arith.constant 2.000000e+00 : f32
      %div3A_1427 = vector.broadcast %div3A_1426 : f32 to vector<16xf32>
      %div3A_1428 = arith.divf %div3A_1427, %add3A_1425 : vector<16xf32>
      %sub3A_1429 = arith.constant 1.000000e+00 : f32
      %sub3A_1430 = vector.broadcast %sub3A_1429 : f32 to vector<16xf32>
      %sub3A_1431 = arith.subf %sub3A_1430, %div3A_1428 : vector<16xf32>
      %mul3A_1432 = arith.mulf %sub3A_1431, %gather3A_1413 : vector<16xf32>
      %mul3A_1433 = arith.mulf %mul3A_1432, %gather3A_1417 : vector<16xf32>
      %swap3A_1434 = arith.constant 0 : i32
      %swap3A_1435 = arith.index_cast %scan3A_1213 : i32 to index
      %swap3A_1436 = arith.index_cast %swap3A_1434 : i32 to index
      %swap3A_1437 = arith.constant 48 : index
      %swap3A_1438 = tpu.vector_load %arg7[%swap3A_1435, %swap3A_1436, %swap3A_1437] {strides = array<i32>} : memref<125x4x80xi32, #tpu.memory_space<vmem>>, vector<16xi32>,
      tpu.vector_store %arg7[%swap3A_1435, %swap3A_1436, %swap3A_1437], %get3A_1396 {strides = array<i32>} : memref<125x4x80xi32, #tpu.memory_space<vmem>>, vector<16xi32>,
      %swap3A_1439 = arith.constant 1 : i32
      %swap3A_1440 = arith.index_cast %scan3A_1213 : i32 to index
      %swap3A_1441 = arith.index_cast %swap3A_1439 : i32 to index
      %swap3A_1442 = arith.constant 48 : index
      %swap3A_1443 = tpu.vector_load %arg7[%swap3A_1440, %swap3A_1441, %swap3A_1442] {strides = array<i32>} : memref<125x4x80xi32, #tpu.memory_space<vmem>>, vector<16xi32>,
      tpu.vector_store %arg7[%swap3A_1440, %swap3A_1441, %swap3A_1442], %get3A_1404 {strides = array<i32>} : memref<125x4x80xi32, #tpu.memory_space<vmem>>, vector<16xi32>,
      %bitcast3A_1444 = vector.bitcast %mul3A_1433 : vector<16xf32> to vector<16xi32>
      %swap3A_1445 = arith.constant 2 : i32
      %swap3A_1446 = arith.index_cast %scan3A_1213 : i32 to index
      %swap3A_1447 = arith.index_cast %swap3A_1445 : i32 to index
      %swap3A_1448 = arith.constant 48 : index
      %swap3A_1449 = tpu.vector_load %arg7[%swap3A_1446, %swap3A_1447, %swap3A_1448] {strides = array<i32>} : memref<125x4x80xi32, #tpu.memory_space<vmem>>, vector<16xi32>,
      tpu.vector_store %arg7[%swap3A_1446, %swap3A_1447, %swap3A_1448], %bitcast3A_1444 {strides = array<i32>} : memref<125x4x80xi32, #tpu.memory_space<vmem>>, vector<16xi32>,
      %mul3A_1450 = arith.constant 80 : i32
      %mul3A_1451 = arith.muli %scan3A_1213, %mul3A_1450 : i32
      %add3A_1452 = arith.constant 64 : i32
      %add3A_1453 = arith.addi %mul3A_1451, %add3A_1452 : i32
      %get3A_1454 = arith.index_cast %add3A_1453 : i32 to index
      %get3A_1455 = tpu.vector_load %arg6[%get3A_1454] {strides = array<i32>} : memref<20000xi32, #tpu.memory_space<vmem>>, vector<16xi32>,
      %mul3A_1456 = arith.constant 80 : i32
      %mul3A_1457 = arith.muli %scan3A_1213, %mul3A_1456 : i32
      %add3A_1458 = arith.constant 10000 : i32
      %add3A_1459 = arith.addi %add3A_1458, %mul3A_1457 : i32
      %add3A_1460 = arith.constant 64 : i32
      %add3A_1461 = arith.addi %add3A_1459, %add3A_1460 : i32
      %get3A_1462 = arith.index_cast %add3A_1461 : i32 to index
      %get3A_1463 = tpu.vector_load %arg6[%get3A_1462] {strides = array<i32>} : memref<20000xi32, #tpu.memory_space<vmem>>, vector<16xi32>,
      %gather3A_1464 = tpu.vector_load_idx %arg5[%get3A_1463] : memref<30000xf32, #tpu.memory_space<vmem>>[vector<16xi32>], vector<16xf32>,
      %add3A_1465 = arith.constant 10000 : i32
      %add3A_1466 = vector.broadcast %add3A_1465 : i32 to vector<16xi32>
      %add3A_1467 = arith.addi %get3A_1455, %add3A_1466 : vector<16xi32>
      %gather3A_1468 = tpu.vector_load_idx %arg5[%add3A_1467] : memref<30000xf32, #tpu.memory_space<vmem>>[vector<16xi32>], vector<16xf32>,
      %add3A_1469 = arith.constant 20000 : i32
      %add3A_1470 = vector.broadcast %add3A_1469 : i32 to vector<16xi32>
      %add3A_1471 = arith.addi %get3A_1463, %add3A_1470 : vector<16xi32>
      %gather3A_1472 = tpu.vector_load_idx %arg5[%add3A_1471] : memref<30000xf32, #tpu.memory_space<vmem>>[vector<16xi32>], vector<16xf32>,
      %add3A_1473 = arith.constant 20000 : i32
      %add3A_1474 = vector.broadcast %add3A_1473 : i32 to vector<16xi32>
      %add3A_1475 = arith.addi %get3A_1455, %add3A_1474 : vector<16xi32>
      %gather3A_1476 = tpu.vector_load_idx %arg5[%add3A_1475] : memref<30000xf32, #tpu.memory_space<vmem>>[vector<16xi32>], vector<16xf32>,
      %add3A_1477 = arith.addf %gather3A_1464, %gather3A_1468 : vector<16xf32>
      %mul3A_1478 = arith.constant 2.000000e+00 : f32
      %mul3A_1479 = vector.broadcast %mul3A_1478 : f32 to vector<16xf32>
      %mul3A_1480 = arith.mulf %mul3A_1479, %add3A_1477 : vector<16xf32>
      %exp3A_1481 = math.exp %mul3A_1480 : vector<16xf32>
      %add3A_1482 = arith.constant 1.000000e+00 : f32
      %add3A_1483 = vector.broadcast %add3A_1482 : f32 to vector<16xf32>
      %add3A_1484 = arith.addf %exp3A_1481, %add3A_1483 : vector<16xf32>
      %div3A_1485 = arith.constant 2.000000e+00 : f32
      %div3A_1486 = vector.broadcast %div3A_1485 : f32 to vector<16xf32>
      %div3A_1487 = arith.divf %div3A_1486, %add3A_1484 : vector<16xf32>
      %sub3A_1488 = arith.constant 1.000000e+00 : f32
      %sub3A_1489 = vector.broadcast %sub3A_1488 : f32 to vector<16xf32>
      %sub3A_1490 = arith.subf %sub3A_1489, %div3A_1487 : vector<16xf32>
      %mul3A_1491 = arith.mulf %sub3A_1490, %gather3A_1472 : vector<16xf32>
      %mul3A_1492 = arith.mulf %mul3A_1491, %gather3A_1476 : vector<16xf32>
      %swap3A_1493 = arith.constant 0 : i32
      %swap3A_1494 = arith.index_cast %scan3A_1213 : i32 to index
      %swap3A_1495 = arith.index_cast %swap3A_1493 : i32 to index
      %swap3A_1496 = arith.constant 64 : index
      %swap3A_1497 = tpu.vector_load %arg7[%swap3A_1494, %swap3A_1495, %swap3A_1496] {strides = array<i32>} : memref<125x4x80xi32, #tpu.memory_space<vmem>>, vector<16xi32>,
      tpu.vector_store %arg7[%swap3A_1494, %swap3A_1495, %swap3A_1496], %get3A_1455 {strides = array<i32>} : memref<125x4x80xi32, #tpu.memory_space<vmem>>, vector<16xi32>,
      %swap3A_1498 = arith.constant 1 : i32
      %swap3A_1499 = arith.index_cast %scan3A_1213 : i32 to index
      %swap3A_1500 = arith.index_cast %swap3A_1498 : i32 to index
      %swap3A_1501 = arith.constant 64 : index
      %swap3A_1502 = tpu.vector_load %arg7[%swap3A_1499, %swap3A_1500, %swap3A_1501] {strides = array<i32>} : memref<125x4x80xi32, #tpu.memory_space<vmem>>, vector<16xi32>,
      tpu.vector_store %arg7[%swap3A_1499, %swap3A_1500, %swap3A_1501], %get3A_1463 {strides = array<i32>} : memref<125x4x80xi32, #tpu.memory_space<vmem>>, vector<16xi32>,
      %bitcast3A_1503 = vector.bitcast %mul3A_1492 : vector<16xf32> to vector<16xi32>
      %swap3A_1504 = arith.constant 2 : i32
      %swap3A_1505 = arith.index_cast %scan3A_1213 : i32 to index
      %swap3A_1506 = arith.index_cast %swap3A_1504 : i32 to index
      %swap3A_1507 = arith.constant 64 : index
      %swap3A_1508 = tpu.vector_load %arg7[%swap3A_1505, %swap3A_1506, %swap3A_1507] {strides = array<i32>} : memref<125x4x80xi32, #tpu.memory_space<vmem>>, vector<16xi32>,
      tpu.vector_store %arg7[%swap3A_1505, %swap3A_1506, %swap3A_1507], %bitcast3A_1503 {strides = array<i32>} : memref<125x4x80xi32, #tpu.memory_space<vmem>>, vector<16xi32>,
    }
    %scan3A_31 = arith.constant 124 : i32
    %scan3A_32 = arith.addi %scan3A_27, %scan3A_31 : i32
    %mul3A_33 = arith.constant 80 : i32
    %mul3A_34 = arith.muli %scan3A_32, %mul3A_33 : i32
    %add3A_35 = arith.constant 0 : i32
    %add3A_36 = arith.addi %mul3A_34, %add3A_35 : i32
    %get3A = arith.index_cast %add3A_36 : i32 to index
    %get3A_37 = tpu.vector_load %arg6[%get3A] {strides = array<i32>} : memref<20000xi32, #tpu.memory_space<vmem>>, vector<16xi32>,
    %mul3A_38 = arith.constant 80 : i32
    %mul3A_39 = arith.muli %scan3A_32, %mul3A_38 : i32
    %add3A_40 = arith.constant 10000 : i32
    %add3A_41 = arith.addi %add3A_40, %mul3A_39 : i32
    %add3A_42 = arith.constant 0 : i32
    %add3A_43 = arith.addi %add3A_41, %add3A_42 : i32
    %get3A_44 = arith.index_cast %add3A_43 : i32 to index
    %get3A_45 = tpu.vector_load %arg6[%get3A_44] {strides = array<i32>} : memref<20000xi32, #tpu.memory_space<vmem>>, vector<16xi32>,
    %gather3A = tpu.vector_load_idx %arg5[%get3A_45] : memref<30000xf32, #tpu.memory_space<vmem>>[vector<16xi32>], vector<16xf32>,
    %add3A_46 = arith.constant 10000 : i32
    %add3A_47 = vector.broadcast %add3A_46 : i32 to vector<16xi32>
    %add3A_48 = arith.addi %get3A_37, %add3A_47 : vector<16xi32>
    %gather3A_49 = tpu.vector_load_idx %arg5[%add3A_48] : memref<30000xf32, #tpu.memory_space<vmem>>[vector<16xi32>], vector<16xf32>,
    %add3A_50 = arith.constant 20000 : i32
    %add3A_51 = vector.broadcast %add3A_50 : i32 to vector<16xi32>
    %add3A_52 = arith.addi %get3A_45, %add3A_51 : vector<16xi32>
    %gather3A_53 = tpu.vector_load_idx %arg5[%add3A_52] : memref<30000xf32, #tpu.memory_space<vmem>>[vector<16xi32>], vector<16xf32>,
    %add3A_54 = arith.constant 20000 : i32
    %add3A_55 = vector.broadcast %add3A_54 : i32 to vector<16xi32>
    %add3A_56 = arith.addi %get3A_37, %add3A_55 : vector<16xi32>
    %gather3A_57 = tpu.vector_load_idx %arg5[%add3A_56] : memref<30000xf32, #tpu.memory_space<vmem>>[vector<16xi32>], vector<16xf32>,
    %add3A_58 = arith.addf %gather3A, %gather3A_49 : vector<16xf32>
    %mul3A_59 = arith.constant 2.000000e+00 : f32
    %mul3A_60 = vector.broadcast %mul3A_59 : f32 to vector<16xf32>
    %mul3A_61 = arith.mulf %mul3A_60, %add3A_58 : vector<16xf32>
    %exp3A = math.exp %mul3A_61 : vector<16xf32>
    %add3A_62 = arith.constant 1.000000e+00 : f32
    %add3A_63 = vector.broadcast %add3A_62 : f32 to vector<16xf32>
    %add3A_64 = arith.addf %exp3A, %add3A_63 : vector<16xf32>
    %div3A = arith.constant 2.000000e+00 : f32
    %div3A_65 = vector.broadcast %div3A : f32 to vector<16xf32>
    %div3A_66 = arith.divf %div3A_65, %add3A_64 : vector<16xf32>
    %sub3A = arith.constant 1.000000e+00 : f32
    %sub3A_67 = vector.broadcast %sub3A : f32 to vector<16xf32>
    %sub3A_68 = arith.subf %sub3A_67, %div3A_66 : vector<16xf32>
    %mul3A_69 = arith.mulf %sub3A_68, %gather3A_53 : vector<16xf32>
    %mul3A_70 = arith.mulf %mul3A_69, %gather3A_57 : vector<16xf32>
    %swap3A = arith.constant 0 : i32
    %swap3A_71 = arith.index_cast %scan3A_32 : i32 to index
    %swap3A_72 = arith.index_cast %swap3A : i32 to index
    %swap3A_73 = arith.constant 0 : index
    %swap3A_74 = tpu.vector_load %arg7[%swap3A_71, %swap3A_72, %swap3A_73] {strides = array<i32>} : memref<125x4x80xi32, #tpu.memory_space<vmem>>, vector<16xi32>,
    tpu.vector_store %arg7[%swap3A_71, %swap3A_72, %swap3A_73], %get3A_37 {strides = array<i32>} : memref<125x4x80xi32, #tpu.memory_space<vmem>>, vector<16xi32>,
    %swap3A_75 = arith.constant 1 : i32
    %swap3A_76 = arith.index_cast %scan3A_32 : i32 to index
    %swap3A_77 = arith.index_cast %swap3A_75 : i32 to index
    %swap3A_78 = arith.constant 0 : index
    %swap3A_79 = tpu.vector_load %arg7[%swap3A_76, %swap3A_77, %swap3A_78] {strides = array<i32>} : memref<125x4x80xi32, #tpu.memory_space<vmem>>, vector<16xi32>,
    tpu.vector_store %arg7[%swap3A_76, %swap3A_77, %swap3A_78], %get3A_45 {strides = array<i32>} : memref<125x4x80xi32, #tpu.memory_space<vmem>>, vector<16xi32>,
    %bitcast3A = vector.bitcast %mul3A_70 : vector<16xf32> to vector<16xi32>
    %swap3A_80 = arith.constant 2 : i32
    %swap3A_81 = arith.index_cast %scan3A_32 : i32 to index
    %swap3A_82 = arith.index_cast %swap3A_80 : i32 to index
    %swap3A_83 = arith.constant 0 : index
    %swap3A_84 = tpu.vector_load %arg7[%swap3A_81, %swap3A_82, %swap3A_83] {strides = array<i32>} : memref<125x4x80xi32, #tpu.memory_space<vmem>>, vector<16xi32>,
    tpu.vector_store %arg7[%swap3A_81, %swap3A_82, %swap3A_83], %bitcast3A {strides = array<i32>} : memref<125x4x80xi32, #tpu.memory_space<vmem>>, vector<16xi32>,
    %mul3A_85 = arith.constant 80 : i32
    %mul3A_86 = arith.muli %scan3A_32, %mul3A_85 : i32
    %add3A_87 = arith.constant 16 : i32
    %add3A_88 = arith.addi %mul3A_86, %add3A_87 : i32
    %get3A_89 = arith.index_cast %add3A_88 : i32 to index
    %get3A_90 = tpu.vector_load %arg6[%get3A_89] {strides = array<i32>} : memref<20000xi32, #tpu.memory_space<vmem>>, vector<16xi32>,
    %mul3A_91 = arith.constant 80 : i32
    %mul3A_92 = arith.muli %scan3A_32, %mul3A_91 : i32
    %add3A_93 = arith.constant 10000 : i32
    %add3A_94 = arith.addi %add3A_93, %mul3A_92 : i32
    %add3A_95 = arith.constant 16 : i32
    %add3A_96 = arith.addi %add3A_94, %add3A_95 : i32
    %get3A_97 = arith.index_cast %add3A_96 : i32 to index
    %get3A_98 = tpu.vector_load %arg6[%get3A_97] {strides = array<i32>} : memref<20000xi32, #tpu.memory_space<vmem>>, vector<16xi32>,
    %gather3A_99 = tpu.vector_load_idx %arg5[%get3A_98] : memref<30000xf32, #tpu.memory_space<vmem>>[vector<16xi32>], vector<16xf32>,
    %add3A_100 = arith.constant 10000 : i32
    %add3A_101 = vector.broadcast %add3A_100 : i32 to vector<16xi32>
    %add3A_102 = arith.addi %get3A_90, %add3A_101 : vector<16xi32>
    %gather3A_103 = tpu.vector_load_idx %arg5[%add3A_102] : memref<30000xf32, #tpu.memory_space<vmem>>[vector<16xi32>], vector<16xf32>,
    %add3A_104 = arith.constant 20000 : i32
    %add3A_105 = vector.broadcast %add3A_104 : i32 to vector<16xi32>
    %add3A_106 = arith.addi %get3A_98, %add3A_105 : vector<16xi32>
    %gather3A_107 = tpu.vector_load_idx %arg5[%add3A_106] : memref<30000xf32, #tpu.memory_space<vmem>>[vector<16xi32>], vector<16xf32>,
    %add3A_108 = arith.constant 20000 : i32
    %add3A_109 = vector.broadcast %add3A_108 : i32 to vector<16xi32>
    %add3A_110 = arith.addi %get3A_90, %add3A_109 : vector<16xi32>
    %gather3A_111 = tpu.vector_load_idx %arg5[%add3A_110] : memref<30000xf32, #tpu.memory_space<vmem>>[vector<16xi32>], vector<16xf32>,
    %add3A_112 = arith.addf %gather3A_99, %gather3A_103 : vector<16xf32>
    %mul3A_113 = arith.constant 2.000000e+00 : f32
    %mul3A_114 = vector.broadcast %mul3A_113 : f32 to vector<16xf32>
    %mul3A_115 = arith.mulf %mul3A_114, %add3A_112 : vector<16xf32>
    %exp3A_116 = math.exp %mul3A_115 : vector<16xf32>
    %add3A_117 = arith.constant 1.000000e+00 : f32
    %add3A_118 = vector.broadcast %add3A_117 : f32 to vector<16xf32>
    %add3A_119 = arith.addf %exp3A_116, %add3A_118 : vector<16xf32>
    %div3A_120 = arith.constant 2.000000e+00 : f32
    %div3A_121 = vector.broadcast %div3A_120 : f32 to vector<16xf32>
    %div3A_122 = arith.divf %div3A_121, %add3A_119 : vector<16xf32>
    %sub3A_123 = arith.constant 1.000000e+00 : f32
    %sub3A_124 = vector.broadcast %sub3A_123 : f32 to vector<16xf32>
    %sub3A_125 = arith.subf %sub3A_124, %div3A_122 : vector<16xf32>
    %mul3A_126 = arith.mulf %sub3A_125, %gather3A_107 : vector<16xf32>
    %mul3A_127 = arith.mulf %mul3A_126, %gather3A_111 : vector<16xf32>
    %swap3A_128 = arith.constant 0 : i32
    %swap3A_129 = arith.index_cast %scan3A_32 : i32 to index
    %swap3A_130 = arith.index_cast %swap3A_128 : i32 to index
    %swap3A_131 = arith.constant 16 : index
    %swap3A_132 = tpu.vector_load %arg7[%swap3A_129, %swap3A_130, %swap3A_131] {strides = array<i32>} : memref<125x4x80xi32, #tpu.memory_space<vmem>>, vector<16xi32>,
    tpu.vector_store %arg7[%swap3A_129, %swap3A_130, %swap3A_131], %get3A_90 {strides = array<i32>} : memref<125x4x80xi32, #tpu.memory_space<vmem>>, vector<16xi32>,
    %swap3A_133 = arith.constant 1 : i32
    %swap3A_134 = arith.index_cast %scan3A_32 : i32 to index
    %swap3A_135 = arith.index_cast %swap3A_133 : i32 to index
    %swap3A_136 = arith.constant 16 : index
    %swap3A_137 = tpu.vector_load %arg7[%swap3A_134, %swap3A_135, %swap3A_136] {strides = array<i32>} : memref<125x4x80xi32, #tpu.memory_space<vmem>>, vector<16xi32>,
    tpu.vector_store %arg7[%swap3A_134, %swap3A_135, %swap3A_136], %get3A_98 {strides = array<i32>} : memref<125x4x80xi32, #tpu.memory_space<vmem>>, vector<16xi32>,
    %bitcast3A_138 = vector.bitcast %mul3A_127 : vector<16xf32> to vector<16xi32>
    %swap3A_139 = arith.constant 2 : i32
    %swap3A_140 = arith.index_cast %scan3A_32 : i32 to index
    %swap3A_141 = arith.index_cast %swap3A_139 : i32 to index
    %swap3A_142 = arith.constant 16 : index
    %swap3A_143 = tpu.vector_load %arg7[%swap3A_140, %swap3A_141, %swap3A_142] {strides = array<i32>} : memref<125x4x80xi32, #tpu.memory_space<vmem>>, vector<16xi32>,
    tpu.vector_store %arg7[%swap3A_140, %swap3A_141, %swap3A_142], %bitcast3A_138 {strides = array<i32>} : memref<125x4x80xi32, #tpu.memory_space<vmem>>, vector<16xi32>,
    %mul3A_144 = arith.constant 80 : i32
    %mul3A_145 = arith.muli %scan3A_32, %mul3A_144 : i32
    %add3A_146 = arith.constant 32 : i32
    %add3A_147 = arith.addi %mul3A_145, %add3A_146 : i32
    %get3A_148 = arith.index_cast %add3A_147 : i32 to index
    %get3A_149 = tpu.vector_load %arg6[%get3A_148] {strides = array<i32>} : memref<20000xi32, #tpu.memory_space<vmem>>, vector<16xi32>,
    %mul3A_150 = arith.constant 80 : i32
    %mul3A_151 = arith.muli %scan3A_32, %mul3A_150 : i32
    %add3A_152 = arith.constant 10000 : i32
    %add3A_153 = arith.addi %add3A_152, %mul3A_151 : i32
    %add3A_154 = arith.constant 32 : i32
    %add3A_155 = arith.addi %add3A_153, %add3A_154 : i32
    %get3A_156 = arith.index_cast %add3A_155 : i32 to index
    %get3A_157 = tpu.vector_load %arg6[%get3A_156] {strides = array<i32>} : memref<20000xi32, #tpu.memory_space<vmem>>, vector<16xi32>,
    %gather3A_158 = tpu.vector_load_idx %arg5[%get3A_157] : memref<30000xf32, #tpu.memory_space<vmem>>[vector<16xi32>], vector<16xf32>,
    %add3A_159 = arith.constant 10000 : i32
    %add3A_160 = vector.broadcast %add3A_159 : i32 to vector<16xi32>
    %add3A_161 = arith.addi %get3A_149, %add3A_160 : vector<16xi32>
    %gather3A_162 = tpu.vector_load_idx %arg5[%add3A_161] : memref<30000xf32, #tpu.memory_space<vmem>>[vector<16xi32>], vector<16xf32>,
    %add3A_163 = arith.constant 20000 : i32
    %add3A_164 = vector.broadcast %add3A_163 : i32 to vector<16xi32>
    %add3A_165 = arith.addi %get3A_157, %add3A_164 : vector<16xi32>
    %gather3A_166 = tpu.vector_load_idx %arg5[%add3A_165] : memref<30000xf32, #tpu.memory_space<vmem>>[vector<16xi32>], vector<16xf32>,
    %add3A_167 = arith.constant 20000 : i32
    %add3A_168 = vector.broadcast %add3A_167 : i32 to vector<16xi32>
    %add3A_169 = arith.addi %get3A_149, %add3A_168 : vector<16xi32>
    %gather3A_170 = tpu.vector_load_idx %arg5[%add3A_169] : memref<30000xf32, #tpu.memory_space<vmem>>[vector<16xi32>], vector<16xf32>,
    %add3A_171 = arith.addf %gather3A_158, %gather3A_162 : vector<16xf32>
    %mul3A_172 = arith.constant 2.000000e+00 : f32
    %mul3A_173 = vector.broadcast %mul3A_172 : f32 to vector<16xf32>
    %mul3A_174 = arith.mulf %mul3A_173, %add3A_171 : vector<16xf32>
    %exp3A_175 = math.exp %mul3A_174 : vector<16xf32>
    %add3A_176 = arith.constant 1.000000e+00 : f32
    %add3A_177 = vector.broadcast %add3A_176 : f32 to vector<16xf32>
    %add3A_178 = arith.addf %exp3A_175, %add3A_177 : vector<16xf32>
    %div3A_179 = arith.constant 2.000000e+00 : f32
    %div3A_180 = vector.broadcast %div3A_179 : f32 to vector<16xf32>
    %div3A_181 = arith.divf %div3A_180, %add3A_178 : vector<16xf32>
    %sub3A_182 = arith.constant 1.000000e+00 : f32
    %sub3A_183 = vector.broadcast %sub3A_182 : f32 to vector<16xf32>
    %sub3A_184 = arith.subf %sub3A_183, %div3A_181 : vector<16xf32>
    %mul3A_185 = arith.mulf %sub3A_184, %gather3A_166 : vector<16xf32>
    %mul3A_186 = arith.mulf %mul3A_185, %gather3A_170 : vector<16xf32>
    %swap3A_187 = arith.constant 0 : i32
    %swap3A_188 = arith.index_cast %scan3A_32 : i32 to index
    %swap3A_189 = arith.index_cast %swap3A_187 : i32 to index
    %swap3A_190 = arith.constant 32 : index
    %swap3A_191 = tpu.vector_load %arg7[%swap3A_188, %swap3A_189, %swap3A_190] {strides = array<i32>} : memref<125x4x80xi32, #tpu.memory_space<vmem>>, vector<16xi32>,
    tpu.vector_store %arg7[%swap3A_188, %swap3A_189, %swap3A_190], %get3A_149 {strides = array<i32>} : memref<125x4x80xi32, #tpu.memory_space<vmem>>, vector<16xi32>,
    %swap3A_192 = arith.constant 1 : i32
    %swap3A_193 = arith.index_cast %scan3A_32 : i32 to index
    %swap3A_194 = arith.index_cast %swap3A_192 : i32 to index
    %swap3A_195 = arith.constant 32 : index
    %swap3A_196 = tpu.vector_load %arg7[%swap3A_193, %swap3A_194, %swap3A_195] {strides = array<i32>} : memref<125x4x80xi32, #tpu.memory_space<vmem>>, vector<16xi32>,
    tpu.vector_store %arg7[%swap3A_193, %swap3A_194, %swap3A_195], %get3A_157 {strides = array<i32>} : memref<125x4x80xi32, #tpu.memory_space<vmem>>, vector<16xi32>,
    %bitcast3A_197 = vector.bitcast %mul3A_186 : vector<16xf32> to vector<16xi32>
    %swap3A_198 = arith.constant 2 : i32
    %swap3A_199 = arith.index_cast %scan3A_32 : i32 to index
    %swap3A_200 = arith.index_cast %swap3A_198 : i32 to index
    %swap3A_201 = arith.constant 32 : index
    %swap3A_202 = tpu.vector_load %arg7[%swap3A_199, %swap3A_200, %swap3A_201] {strides = array<i32>} : memref<125x4x80xi32, #tpu.memory_space<vmem>>, vector<16xi32>,
    tpu.vector_store %arg7[%swap3A_199, %swap3A_200, %swap3A_201], %bitcast3A_197 {strides = array<i32>} : memref<125x4x80xi32, #tpu.memory_space<vmem>>, vector<16xi32>,
    %mul3A_203 = arith.constant 80 : i32
    %mul3A_204 = arith.muli %scan3A_32, %mul3A_203 : i32
    %add3A_205 = arith.constant 48 : i32
    %add3A_206 = arith.addi %mul3A_204, %add3A_205 : i32
    %get3A_207 = arith.index_cast %add3A_206 : i32 to index
    %get3A_208 = tpu.vector_load %arg6[%get3A_207] {strides = array<i32>} : memref<20000xi32, #tpu.memory_space<vmem>>, vector<16xi32>,
    %mul3A_209 = arith.constant 80 : i32
    %mul3A_210 = arith.muli %scan3A_32, %mul3A_209 : i32
    %add3A_211 = arith.constant 10000 : i32
    %add3A_212 = arith.addi %add3A_211, %mul3A_210 : i32
    %add3A_213 = arith.constant 48 : i32
    %add3A_214 = arith.addi %add3A_212, %add3A_213 : i32
    %get3A_215 = arith.index_cast %add3A_214 : i32 to index
    %get3A_216 = tpu.vector_load %arg6[%get3A_215] {strides = array<i32>} : memref<20000xi32, #tpu.memory_space<vmem>>, vector<16xi32>,
    %gather3A_217 = tpu.vector_load_idx %arg5[%get3A_216] : memref<30000xf32, #tpu.memory_space<vmem>>[vector<16xi32>], vector<16xf32>,
    %add3A_218 = arith.constant 10000 : i32
    %add3A_219 = vector.broadcast %add3A_218 : i32 to vector<16xi32>
    %add3A_220 = arith.addi %get3A_208, %add3A_219 : vector<16xi32>
    %gather3A_221 = tpu.vector_load_idx %arg5[%add3A_220] : memref<30000xf32, #tpu.memory_space<vmem>>[vector<16xi32>], vector<16xf32>,
    %add3A_222 = arith.constant 20000 : i32
    %add3A_223 = vector.broadcast %add3A_222 : i32 to vector<16xi32>
    %add3A_224 = arith.addi %get3A_216, %add3A_223 : vector<16xi32>
    %gather3A_225 = tpu.vector_load_idx %arg5[%add3A_224] : memref<30000xf32, #tpu.memory_space<vmem>>[vector<16xi32>], vector<16xf32>,
    %add3A_226 = arith.constant 20000 : i32
    %add3A_227 = vector.broadcast %add3A_226 : i32 to vector<16xi32>
    %add3A_228 = arith.addi %get3A_208, %add3A_227 : vector<16xi32>
    %gather3A_229 = tpu.vector_load_idx %arg5[%add3A_228] : memref<30000xf32, #tpu.memory_space<vmem>>[vector<16xi32>], vector<16xf32>,
    %add3A_230 = arith.addf %gather3A_217, %gather3A_221 : vector<16xf32>
    %mul3A_231 = arith.constant 2.000000e+00 : f32
    %mul3A_232 = vector.broadcast %mul3A_231 : f32 to vector<16xf32>
    %mul3A_233 = arith.mulf %mul3A_232, %add3A_230 : vector<16xf32>
    %exp3A_234 = math.exp %mul3A_233 : vector<16xf32>
    %add3A_235 = arith.constant 1.000000e+00 : f32
    %add3A_236 = vector.broadcast %add3A_235 : f32 to vector<16xf32>
    %add3A_237 = arith.addf %exp3A_234, %add3A_236 : vector<16xf32>
    %div3A_238 = arith.constant 2.000000e+00 : f32
    %div3A_239 = vector.broadcast %div3A_238 : f32 to vector<16xf32>
    %div3A_240 = arith.divf %div3A_239, %add3A_237 : vector<16xf32>
    %sub3A_241 = arith.constant 1.000000e+00 : f32
    %sub3A_242 = vector.broadcast %sub3A_241 : f32 to vector<16xf32>
    %sub3A_243 = arith.subf %sub3A_242, %div3A_240 : vector<16xf32>
    %mul3A_244 = arith.mulf %sub3A_243, %gather3A_225 : vector<16xf32>
    %mul3A_245 = arith.mulf %mul3A_244, %gather3A_229 : vector<16xf32>
    %swap3A_246 = arith.constant 0 : i32
    %swap3A_247 = arith.index_cast %scan3A_32 : i32 to index
    %swap3A_248 = arith.index_cast %swap3A_246 : i32 to index
    %swap3A_249 = arith.constant 48 : index
    %swap3A_250 = tpu.vector_load %arg7[%swap3A_247, %swap3A_248, %swap3A_249] {strides = array<i32>} : memref<125x4x80xi32, #tpu.memory_space<vmem>>, vector<16xi32>,
    tpu.vector_store %arg7[%swap3A_247, %swap3A_248, %swap3A_249], %get3A_208 {strides = array<i32>} : memref<125x4x80xi32, #tpu.memory_space<vmem>>, vector<16xi32>,
    %swap3A_251 = arith.constant 1 : i32
    %swap3A_252 = arith.index_cast %scan3A_32 : i32 to index
    %swap3A_253 = arith.index_cast %swap3A_251 : i32 to index
    %swap3A_254 = arith.constant 48 : index
    %swap3A_255 = tpu.vector_load %arg7[%swap3A_252, %swap3A_253, %swap3A_254] {strides = array<i32>} : memref<125x4x80xi32, #tpu.memory_space<vmem>>, vector<16xi32>,
    tpu.vector_store %arg7[%swap3A_252, %swap3A_253, %swap3A_254], %get3A_216 {strides = array<i32>} : memref<125x4x80xi32, #tpu.memory_space<vmem>>, vector<16xi32>,
    %bitcast3A_256 = vector.bitcast %mul3A_245 : vector<16xf32> to vector<16xi32>
    %swap3A_257 = arith.constant 2 : i32
    %swap3A_258 = arith.index_cast %scan3A_32 : i32 to index
    %swap3A_259 = arith.index_cast %swap3A_257 : i32 to index
    %swap3A_260 = arith.constant 48 : index
    %swap3A_261 = tpu.vector_load %arg7[%swap3A_258, %swap3A_259, %swap3A_260] {strides = array<i32>} : memref<125x4x80xi32, #tpu.memory_space<vmem>>, vector<16xi32>,
    tpu.vector_store %arg7[%swap3A_258, %swap3A_259, %swap3A_260], %bitcast3A_256 {strides = array<i32>} : memref<125x4x80xi32, #tpu.memory_space<vmem>>, vector<16xi32>,
    %mul3A_262 = arith.constant 80 : i32
    %mul3A_263 = arith.muli %scan3A_32, %mul3A_262 : i32
    %add3A_264 = arith.constant 64 : i32
    %add3A_265 = arith.addi %mul3A_263, %add3A_264 : i32
    %get3A_266 = arith.index_cast %add3A_265 : i32 to index
    %get3A_267 = tpu.vector_load %arg6[%get3A_266] {strides = array<i32>} : memref<20000xi32, #tpu.memory_space<vmem>>, vector<16xi32>,
    %mul3A_268 = arith.constant 80 : i32
    %mul3A_269 = arith.muli %scan3A_32, %mul3A_268 : i32
    %add3A_270 = arith.constant 10000 : i32
    %add3A_271 = arith.addi %add3A_270, %mul3A_269 : i32
    %add3A_272 = arith.constant 64 : i32
    %add3A_273 = arith.addi %add3A_271, %add3A_272 : i32
    %get3A_274 = arith.index_cast %add3A_273 : i32 to index
    %get3A_275 = tpu.vector_load %arg6[%get3A_274] {strides = array<i32>} : memref<20000xi32, #tpu.memory_space<vmem>>, vector<16xi32>,
    %gather3A_276 = tpu.vector_load_idx %arg5[%get3A_275] : memref<30000xf32, #tpu.memory_space<vmem>>[vector<16xi32>], vector<16xf32>,
    %add3A_277 = arith.constant 10000 : i32
    %add3A_278 = vector.broadcast %add3A_277 : i32 to vector<16xi32>
    %add3A_279 = arith.addi %get3A_267, %add3A_278 : vector<16xi32>
    %gather3A_280 = tpu.vector_load_idx %arg5[%add3A_279] : memref<30000xf32, #tpu.memory_space<vmem>>[vector<16xi32>], vector<16xf32>,
    %add3A_281 = arith.constant 20000 : i32
    %add3A_282 = vector.broadcast %add3A_281 : i32 to vector<16xi32>
    %add3A_283 = arith.addi %get3A_275, %add3A_282 : vector<16xi32>
    %gather3A_284 = tpu.vector_load_idx %arg5[%add3A_283] : memref<30000xf32, #tpu.memory_space<vmem>>[vector<16xi32>], vector<16xf32>,
    %add3A_285 = arith.constant 20000 : i32
    %add3A_286 = vector.broadcast %add3A_285 : i32 to vector<16xi32>
    %add3A_287 = arith.addi %get3A_267, %add3A_286 : vector<16xi32>
    %gather3A_288 = tpu.vector_load_idx %arg5[%add3A_287] : memref<30000xf32, #tpu.memory_space<vmem>>[vector<16xi32>], vector<16xf32>,
    %add3A_289 = arith.addf %gather3A_276, %gather3A_280 : vector<16xf32>
    %mul3A_290 = arith.constant 2.000000e+00 : f32
    %mul3A_291 = vector.broadcast %mul3A_290 : f32 to vector<16xf32>
    %mul3A_292 = arith.mulf %mul3A_291, %add3A_289 : vector<16xf32>
    %exp3A_293 = math.exp %mul3A_292 : vector<16xf32>
    %add3A_294 = arith.constant 1.000000e+00 : f32
    %add3A_295 = vector.broadcast %add3A_294 : f32 to vector<16xf32>
    %add3A_296 = arith.addf %exp3A_293, %add3A_295 : vector<16xf32>
    %div3A_297 = arith.constant 2.000000e+00 : f32
    %div3A_298 = vector.broadcast %div3A_297 : f32 to vector<16xf32>
    %div3A_299 = arith.divf %div3A_298, %add3A_296 : vector<16xf32>
    %sub3A_300 = arith.constant 1.000000e+00 : f32
    %sub3A_301 = vector.broadcast %sub3A_300 : f32 to vector<16xf32>
    %sub3A_302 = arith.subf %sub3A_301, %div3A_299 : vector<16xf32>
    %mul3A_303 = arith.mulf %sub3A_302, %gather3A_284 : vector<16xf32>
    %mul3A_304 = arith.mulf %mul3A_303, %gather3A_288 : vector<16xf32>
    %swap3A_305 = arith.constant 0 : i32
    %swap3A_306 = arith.index_cast %scan3A_32 : i32 to index
    %swap3A_307 = arith.index_cast %swap3A_305 : i32 to index
    %swap3A_308 = arith.constant 64 : index
    %swap3A_309 = tpu.vector_load %arg7[%swap3A_306, %swap3A_307, %swap3A_308] {strides = array<i32>} : memref<125x4x80xi32, #tpu.memory_space<vmem>>, vector<16xi32>,
    tpu.vector_store %arg7[%swap3A_306, %swap3A_307, %swap3A_308], %get3A_267 {strides = array<i32>} : memref<125x4x80xi32, #tpu.memory_space<vmem>>, vector<16xi32>,
    %swap3A_310 = arith.constant 1 : i32
    %swap3A_311 = arith.index_cast %scan3A_32 : i32 to index
    %swap3A_312 = arith.index_cast %swap3A_310 : i32 to index
    %swap3A_313 = arith.constant 64 : index
    %swap3A_314 = tpu.vector_load %arg7[%swap3A_311, %swap3A_312, %swap3A_313] {strides = array<i32>} : memref<125x4x80xi32, #tpu.memory_space<vmem>>, vector<16xi32>,
    tpu.vector_store %arg7[%swap3A_311, %swap3A_312, %swap3A_313], %get3A_275 {strides = array<i32>} : memref<125x4x80xi32, #tpu.memory_space<vmem>>, vector<16xi32>,
    %bitcast3A_315 = vector.bitcast %mul3A_304 : vector<16xf32> to vector<16xi32>
    %swap3A_316 = arith.constant 2 : i32
    %swap3A_317 = arith.index_cast %scan3A_32 : i32 to index
    %swap3A_318 = arith.index_cast %swap3A_316 : i32 to index
    %swap3A_319 = arith.constant 64 : index
    %swap3A_320 = tpu.vector_load %arg7[%swap3A_317, %swap3A_318, %swap3A_319] {strides = array<i32>} : memref<125x4x80xi32, #tpu.memory_space<vmem>>, vector<16xi32>,
    tpu.vector_store %arg7[%swap3A_317, %swap3A_318, %swap3A_319], %bitcast3A_315 {strides = array<i32>} : memref<125x4x80xi32, #tpu.memory_space<vmem>>, vector<16xi32>,
    %scan3A_321 = arith.constant 125 : i32
    "tpu.region"() ({
      %run_scoped3A = tpu.sem_alloc : memref<!tpu.dma_semaphore, #tpu.memory_space<semaphore_mem>>
      %dma_start3A_322 = arith.constant 0 : i32
      %dma_start3A_323 = arith.constant 0 : i32
      %dma_start3A_324 = arith.constant 0 : i32
      %dma_start3A_325 = tpu.memref_slice %arg4[%add3A, %dma_start3A_322, %dma_start3A_323, %dma_start3A_324] : memref<32x125x4x80xi32, #tpu.memory_space<hbm>> -> memref<1x125x4x80xi32, #tpu.memory_space<hbm>>
      %dma_start3A_326 = tpu.memref_squeeze %dma_start3A_325 : memref<1x125x4x80xi32, #tpu.memory_space<hbm>> -> memref<125x4x80xi32, #tpu.memory_space<hbm>>
      %dma_start3A_327 = arith.constant 0 : i32
      %dma_start3A_328 = arith.constant 0 : i32
      %dma_start3A_329 = arith.constant 0 : i32
      %dma_start3A_330 = tpu.memref_slice %arg4[%add3A, %dma_start3A_327, %dma_start3A_328, %dma_start3A_329] : memref<32x125x4x80xi32, #tpu.memory_space<hbm>> -> memref<1x125x4x80xi32, #tpu.memory_space<hbm>>
      %dma_start3A_331 = tpu.memref_squeeze %dma_start3A_330 : memref<1x125x4x80xi32, #tpu.memory_space<hbm>> -> memref<125x4x80xi32, #tpu.memory_space<hbm>>
      tpu.enqueue_dma source(%arg7 : memref<125x4x80xi32, #tpu.memory_space<vmem>>) target(%dma_start3A_331 : memref<125x4x80xi32, #tpu.memory_space<hbm>>) target_semaphore(%run_scoped3A : memref<!tpu.dma_semaphore, #tpu.memory_space<semaphore_mem>>)
      %dma_wait3A_332 = arith.constant 0 : i32
      %dma_wait3A_333 = arith.constant 0 : i32
      %dma_wait3A_334 = arith.constant 0 : i32
      %dma_wait3A_335 = tpu.memref_slice %arg4[%add3A, %dma_wait3A_332, %dma_wait3A_333, %dma_wait3A_334] : memref<32x125x4x80xi32, #tpu.memory_space<hbm>> -> memref<1x125x4x80xi32, #tpu.memory_space<hbm>>
      %dma_wait3A_336 = tpu.memref_squeeze %dma_wait3A_335 : memref<1x125x4x80xi32, #tpu.memory_space<hbm>> -> memref<125x4x80xi32, #tpu.memory_space<hbm>>
      %dma_wait3A_337 = arith.constant 0 : i32
      %dma_wait3A_338 = arith.constant 0 : i32
      %dma_wait3A_339 = arith.constant 0 : i32
      %dma_wait3A_340 = tpu.memref_slice %arg4[%add3A, %dma_wait3A_337, %dma_wait3A_338, %dma_wait3A_339] : memref<32x125x4x80xi32, #tpu.memory_space<hbm>> -> memref<1x125x4x80xi32, #tpu.memory_space<hbm>>
      %dma_wait3A_341 = tpu.memref_squeeze %dma_wait3A_340 : memref<1x125x4x80xi32, #tpu.memory_space<hbm>> -> memref<125x4x80xi32, #tpu.memory_space<hbm>>
      tpu.wait_dma2 semaphore(%run_scoped3A : memref<!tpu.dma_semaphore, #tpu.memory_space<semaphore_mem>>) src(%arg7 : memref<125x4x80xi32, #tpu.memory_space<vmem>>) dst(%dma_wait3A_341 : memref<125x4x80xi32, #tpu.memory_space<hbm>>)
      tpu.yield
    }) : () -> ()
    return
  }
}

#map = affine_map<(d0, d1) -> (0, 0)>
#map1 = affine_map<(d0, d1) -> (0, 0, 0, 0)>
#map2 = affine_map<(d0, d1) -> (0, 0, 0)>
module attributes {stable_mosaic.version = 14 : i64} {
  func.func @_scatter_kernel(%arg0: i32, %arg1: i32, %arg2: memref<10000x128xf32, #tpu.memory_space<hbm>>, %arg3: memref<32x125x4x80xi32, #tpu.memory_space<hbm>>, %arg4: memref<2x10000x128xf32, #tpu.memory_space<hbm>>, %arg5: memref<8x4x80xi32, #tpu.memory_space<vmem>>, %arg6: memref<4x80x128xf32, #tpu.memory_space<vmem>>, %arg7: memref<10000x128xf32, #tpu.memory_space<vmem_shared>>, %arg8: memref<8x!tpu.dma_semaphore, #tpu.memory_space<semaphore_mem>>, %arg9: memref<4x!tpu.dma_semaphore, #tpu.memory_space<semaphore_mem>>, %arg10: memref<4x!tpu.dma_semaphore, #tpu.memory_space<semaphore_mem>>) attributes {dimension_semantics = [#tpu.dimension_semantics<core_parallel>, #tpu.dimension_semantics<subcore_parallel>], iteration_bounds = array<i64: 2, 16>, scalar_prefetch = 0 : i64, scratch_operands = 6 : i64, tpu.core_type = #tpu.core_type<sc_vector_subcore>, window_params = [{transform_indices = #map}, {transform_indices = #map1}, {transform_indices = #map2}]} {
    %mul3A = arith.constant 2 : i32
    %mul3A_0 = arith.muli %arg1, %mul3A : i32
    %add3A = arith.addi %mul3A_0, %arg0 : i32
    %scan3A = arith.constant 0 : i32
    %scan3A_1 = arith.constant 0 : i32
    %scan3A_2 = arith.constant 80 : i32
    %scan3A_3 = arith.addi %scan3A_1, %scan3A_2 : i32
    %scan3A_4 = arith.constant 4 : i32
    scf.for %scan3A_45 = %scan3A_1 to %scan3A_3 step %scan3A_4  : i32 {
      %broadcast_in_dim3A = arith.constant 0.000000e+00 : f32
      %broadcast_in_dim3A_46 = vector.broadcast %broadcast_in_dim3A : f32 to vector<16xf32>
      %swap3A = arith.constant 0 : i32
      %swap3A_47 = arith.index_cast %swap3A : i32 to index
      %swap3A_48 = arith.index_cast %scan3A_45 : i32 to index
      %swap3A_49 = arith.constant 0 : index
      %swap3A_50 = tpu.vector_load %arg6[%swap3A_47, %swap3A_48, %swap3A_49] {strides = array<i32>} : memref<4x80x128xf32, #tpu.memory_space<vmem>>, vector<16xf32>,
      tpu.vector_store %arg6[%swap3A_47, %swap3A_48, %swap3A_49], %broadcast_in_dim3A_46 {strides = array<i32>} : memref<4x80x128xf32, #tpu.memory_space<vmem>>, vector<16xf32>,
      %broadcast_in_dim3A_51 = arith.constant 0.000000e+00 : f32
      %broadcast_in_dim3A_52 = vector.broadcast %broadcast_in_dim3A_51 : f32 to vector<16xf32>
      %swap3A_53 = arith.constant 0 : i32
      %swap3A_54 = arith.index_cast %swap3A_53 : i32 to index
      %swap3A_55 = arith.index_cast %scan3A_45 : i32 to index
      %swap3A_56 = arith.constant 16 : index
      %swap3A_57 = tpu.vector_load %arg6[%swap3A_54, %swap3A_55, %swap3A_56] {strides = array<i32>} : memref<4x80x128xf32, #tpu.memory_space<vmem>>, vector<16xf32>,
      tpu.vector_store %arg6[%swap3A_54, %swap3A_55, %swap3A_56], %broadcast_in_dim3A_52 {strides = array<i32>} : memref<4x80x128xf32, #tpu.memory_space<vmem>>, vector<16xf32>,
      %broadcast_in_dim3A_58 = arith.constant 0.000000e+00 : f32
      %broadcast_in_dim3A_59 = vector.broadcast %broadcast_in_dim3A_58 : f32 to vector<16xf32>
      %swap3A_60 = arith.constant 0 : i32
      %swap3A_61 = arith.index_cast %swap3A_60 : i32 to index
      %swap3A_62 = arith.index_cast %scan3A_45 : i32 to index
      %swap3A_63 = arith.constant 32 : index
      %swap3A_64 = tpu.vector_load %arg6[%swap3A_61, %swap3A_62, %swap3A_63] {strides = array<i32>} : memref<4x80x128xf32, #tpu.memory_space<vmem>>, vector<16xf32>,
      tpu.vector_store %arg6[%swap3A_61, %swap3A_62, %swap3A_63], %broadcast_in_dim3A_59 {strides = array<i32>} : memref<4x80x128xf32, #tpu.memory_space<vmem>>, vector<16xf32>,
      %broadcast_in_dim3A_65 = arith.constant 0.000000e+00 : f32
      %broadcast_in_dim3A_66 = vector.broadcast %broadcast_in_dim3A_65 : f32 to vector<16xf32>
      %swap3A_67 = arith.constant 0 : i32
      %swap3A_68 = arith.index_cast %swap3A_67 : i32 to index
      %swap3A_69 = arith.index_cast %scan3A_45 : i32 to index
      %swap3A_70 = arith.constant 48 : index
      %swap3A_71 = tpu.vector_load %arg6[%swap3A_68, %swap3A_69, %swap3A_70] {strides = array<i32>} : memref<4x80x128xf32, #tpu.memory_space<vmem>>, vector<16xf32>,
      tpu.vector_store %arg6[%swap3A_68, %swap3A_69, %swap3A_70], %broadcast_in_dim3A_66 {strides = array<i32>} : memref<4x80x128xf32, #tpu.memory_space<vmem>>, vector<16xf32>,
      %broadcast_in_dim3A_72 = arith.constant 0.000000e+00 : f32
      %broadcast_in_dim3A_73 = vector.broadcast %broadcast_in_dim3A_72 : f32 to vector<16xf32>
      %swap3A_74 = arith.constant 0 : i32
      %swap3A_75 = arith.index_cast %swap3A_74 : i32 to index
      %swap3A_76 = arith.index_cast %scan3A_45 : i32 to index
      %swap3A_77 = arith.constant 64 : index
      %swap3A_78 = tpu.vector_load %arg6[%swap3A_75, %swap3A_76, %swap3A_77] {strides = array<i32>} : memref<4x80x128xf32, #tpu.memory_space<vmem>>, vector<16xf32>,
      tpu.vector_store %arg6[%swap3A_75, %swap3A_76, %swap3A_77], %broadcast_in_dim3A_73 {strides = array<i32>} : memref<4x80x128xf32, #tpu.memory_space<vmem>>, vector<16xf32>,
      %broadcast_in_dim3A_79 = arith.constant 0.000000e+00 : f32
      %broadcast_in_dim3A_80 = vector.broadcast %broadcast_in_dim3A_79 : f32 to vector<16xf32>
      %swap3A_81 = arith.constant 0 : i32
      %swap3A_82 = arith.index_cast %swap3A_81 : i32 to index
      %swap3A_83 = arith.index_cast %scan3A_45 : i32 to index
      %swap3A_84 = arith.constant 80 : index
      %swap3A_85 = tpu.vector_load %arg6[%swap3A_82, %swap3A_83, %swap3A_84] {strides = array<i32>} : memref<4x80x128xf32, #tpu.memory_space<vmem>>, vector<16xf32>,
      tpu.vector_store %arg6[%swap3A_82, %swap3A_83, %swap3A_84], %broadcast_in_dim3A_80 {strides = array<i32>} : memref<4x80x128xf32, #tpu.memory_space<vmem>>, vector<16xf32>,
      %broadcast_in_dim3A_86 = arith.constant 0.000000e+00 : f32
      %broadcast_in_dim3A_87 = vector.broadcast %broadcast_in_dim3A_86 : f32 to vector<16xf32>
      %swap3A_88 = arith.constant 0 : i32
      %swap3A_89 = arith.index_cast %swap3A_88 : i32 to index
      %swap3A_90 = arith.index_cast %scan3A_45 : i32 to index
      %swap3A_91 = arith.constant 96 : index
      %swap3A_92 = tpu.vector_load %arg6[%swap3A_89, %swap3A_90, %swap3A_91] {strides = array<i32>} : memref<4x80x128xf32, #tpu.memory_space<vmem>>, vector<16xf32>,
      tpu.vector_store %arg6[%swap3A_89, %swap3A_90, %swap3A_91], %broadcast_in_dim3A_87 {strides = array<i32>} : memref<4x80x128xf32, #tpu.memory_space<vmem>>, vector<16xf32>,
      %broadcast_in_dim3A_93 = arith.constant 0.000000e+00 : f32
      %broadcast_in_dim3A_94 = vector.broadcast %broadcast_in_dim3A_93 : f32 to vector<16xf32>
      %swap3A_95 = arith.constant 0 : i32
      %swap3A_96 = arith.index_cast %swap3A_95 : i32 to index
      %swap3A_97 = arith.index_cast %scan3A_45 : i32 to index
      %swap3A_98 = arith.constant 112 : index
      %swap3A_99 = tpu.vector_load %arg6[%swap3A_96, %swap3A_97, %swap3A_98] {strides = array<i32>} : memref<4x80x128xf32, #tpu.memory_space<vmem>>, vector<16xf32>,
      tpu.vector_store %arg6[%swap3A_96, %swap3A_97, %swap3A_98], %broadcast_in_dim3A_94 {strides = array<i32>} : memref<4x80x128xf32, #tpu.memory_space<vmem>>, vector<16xf32>,
      %scan3A_100 = arith.constant 1 : i32
      %scan3A_101 = arith.addi %scan3A_45, %scan3A_100 : i32
      %broadcast_in_dim3A_102 = arith.constant 0.000000e+00 : f32
      %broadcast_in_dim3A_103 = vector.broadcast %broadcast_in_dim3A_102 : f32 to vector<16xf32>
      %swap3A_104 = arith.constant 0 : i32
      %swap3A_105 = arith.index_cast %swap3A_104 : i32 to index
      %swap3A_106 = arith.index_cast %scan3A_101 : i32 to index
      %swap3A_107 = arith.constant 0 : index
      %swap3A_108 = tpu.vector_load %arg6[%swap3A_105, %swap3A_106, %swap3A_107] {strides = array<i32>} : memref<4x80x128xf32, #tpu.memory_space<vmem>>, vector<16xf32>,
      tpu.vector_store %arg6[%swap3A_105, %swap3A_106, %swap3A_107], %broadcast_in_dim3A_103 {strides = array<i32>} : memref<4x80x128xf32, #tpu.memory_space<vmem>>, vector<16xf32>,
      %broadcast_in_dim3A_109 = arith.constant 0.000000e+00 : f32
      %broadcast_in_dim3A_110 = vector.broadcast %broadcast_in_dim3A_109 : f32 to vector<16xf32>
      %swap3A_111 = arith.constant 0 : i32
      %swap3A_112 = arith.index_cast %swap3A_111 : i32 to index
      %swap3A_113 = arith.index_cast %scan3A_101 : i32 to index
      %swap3A_114 = arith.constant 16 : index
      %swap3A_115 = tpu.vector_load %arg6[%swap3A_112, %swap3A_113, %swap3A_114] {strides = array<i32>} : memref<4x80x128xf32, #tpu.memory_space<vmem>>, vector<16xf32>,
      tpu.vector_store %arg6[%swap3A_112, %swap3A_113, %swap3A_114], %broadcast_in_dim3A_110 {strides = array<i32>} : memref<4x80x128xf32, #tpu.memory_space<vmem>>, vector<16xf32>,
      %broadcast_in_dim3A_116 = arith.constant 0.000000e+00 : f32
      %broadcast_in_dim3A_117 = vector.broadcast %broadcast_in_dim3A_116 : f32 to vector<16xf32>
      %swap3A_118 = arith.constant 0 : i32
      %swap3A_119 = arith.index_cast %swap3A_118 : i32 to index
      %swap3A_120 = arith.index_cast %scan3A_101 : i32 to index
      %swap3A_121 = arith.constant 32 : index
      %swap3A_122 = tpu.vector_load %arg6[%swap3A_119, %swap3A_120, %swap3A_121] {strides = array<i32>} : memref<4x80x128xf32, #tpu.memory_space<vmem>>, vector<16xf32>,
      tpu.vector_store %arg6[%swap3A_119, %swap3A_120, %swap3A_121], %broadcast_in_dim3A_117 {strides = array<i32>} : memref<4x80x128xf32, #tpu.memory_space<vmem>>, vector<16xf32>,
      %broadcast_in_dim3A_123 = arith.constant 0.000000e+00 : f32
      %broadcast_in_dim3A_124 = vector.broadcast %broadcast_in_dim3A_123 : f32 to vector<16xf32>
      %swap3A_125 = arith.constant 0 : i32
      %swap3A_126 = arith.index_cast %swap3A_125 : i32 to index
      %swap3A_127 = arith.index_cast %scan3A_101 : i32 to index
      %swap3A_128 = arith.constant 48 : index
      %swap3A_129 = tpu.vector_load %arg6[%swap3A_126, %swap3A_127, %swap3A_128] {strides = array<i32>} : memref<4x80x128xf32, #tpu.memory_space<vmem>>, vector<16xf32>,
      tpu.vector_store %arg6[%swap3A_126, %swap3A_127, %swap3A_128], %broadcast_in_dim3A_124 {strides = array<i32>} : memref<4x80x128xf32, #tpu.memory_space<vmem>>, vector<16xf32>,
      %broadcast_in_dim3A_130 = arith.constant 0.000000e+00 : f32
      %broadcast_in_dim3A_131 = vector.broadcast %broadcast_in_dim3A_130 : f32 to vector<16xf32>
      %swap3A_132 = arith.constant 0 : i32
      %swap3A_133 = arith.index_cast %swap3A_132 : i32 to index
      %swap3A_134 = arith.index_cast %scan3A_101 : i32 to index
      %swap3A_135 = arith.constant 64 : index
      %swap3A_136 = tpu.vector_load %arg6[%swap3A_133, %swap3A_134, %swap3A_135] {strides = array<i32>} : memref<4x80x128xf32, #tpu.memory_space<vmem>>, vector<16xf32>,
      tpu.vector_store %arg6[%swap3A_133, %swap3A_134, %swap3A_135], %broadcast_in_dim3A_131 {strides = array<i32>} : memref<4x80x128xf32, #tpu.memory_space<vmem>>, vector<16xf32>,
      %broadcast_in_dim3A_137 = arith.constant 0.000000e+00 : f32
      %broadcast_in_dim3A_138 = vector.broadcast %broadcast_in_dim3A_137 : f32 to vector<16xf32>
      %swap3A_139 = arith.constant 0 : i32
      %swap3A_140 = arith.index_cast %swap3A_139 : i32 to index
      %swap3A_141 = arith.index_cast %scan3A_101 : i32 to index
      %swap3A_142 = arith.constant 80 : index
      %swap3A_143 = tpu.vector_load %arg6[%swap3A_140, %swap3A_141, %swap3A_142] {strides = array<i32>} : memref<4x80x128xf32, #tpu.memory_space<vmem>>, vector<16xf32>,
      tpu.vector_store %arg6[%swap3A_140, %swap3A_141, %swap3A_142], %broadcast_in_dim3A_138 {strides = array<i32>} : memref<4x80x128xf32, #tpu.memory_space<vmem>>, vector<16xf32>,
      %broadcast_in_dim3A_144 = arith.constant 0.000000e+00 : f32
      %broadcast_in_dim3A_145 = vector.broadcast %broadcast_in_dim3A_144 : f32 to vector<16xf32>
      %swap3A_146 = arith.constant 0 : i32
      %swap3A_147 = arith.index_cast %swap3A_146 : i32 to index
      %swap3A_148 = arith.index_cast %scan3A_101 : i32 to index
      %swap3A_149 = arith.constant 96 : index
      %swap3A_150 = tpu.vector_load %arg6[%swap3A_147, %swap3A_148, %swap3A_149] {strides = array<i32>} : memref<4x80x128xf32, #tpu.memory_space<vmem>>, vector<16xf32>,
      tpu.vector_store %arg6[%swap3A_147, %swap3A_148, %swap3A_149], %broadcast_in_dim3A_145 {strides = array<i32>} : memref<4x80x128xf32, #tpu.memory_space<vmem>>, vector<16xf32>,
      %broadcast_in_dim3A_151 = arith.constant 0.000000e+00 : f32
      %broadcast_in_dim3A_152 = vector.broadcast %broadcast_in_dim3A_151 : f32 to vector<16xf32>
      %swap3A_153 = arith.constant 0 : i32
      %swap3A_154 = arith.index_cast %swap3A_153 : i32 to index
      %swap3A_155 = arith.index_cast %scan3A_101 : i32 to index
      %swap3A_156 = arith.constant 112 : index
      %swap3A_157 = tpu.vector_load %arg6[%swap3A_154, %swap3A_155, %swap3A_156] {strides = array<i32>} : memref<4x80x128xf32, #tpu.memory_space<vmem>>, vector<16xf32>,
      tpu.vector_store %arg6[%swap3A_154, %swap3A_155, %swap3A_156], %broadcast_in_dim3A_152 {strides = array<i32>} : memref<4x80x128xf32, #tpu.memory_space<vmem>>, vector<16xf32>,
      %scan3A_158 = arith.constant 2 : i32
      %scan3A_159 = arith.addi %scan3A_45, %scan3A_158 : i32
      %broadcast_in_dim3A_160 = arith.constant 0.000000e+00 : f32
      %broadcast_in_dim3A_161 = vector.broadcast %broadcast_in_dim3A_160 : f32 to vector<16xf32>
      %swap3A_162 = arith.constant 0 : i32
      %swap3A_163 = arith.index_cast %swap3A_162 : i32 to index
      %swap3A_164 = arith.index_cast %scan3A_159 : i32 to index
      %swap3A_165 = arith.constant 0 : index
      %swap3A_166 = tpu.vector_load %arg6[%swap3A_163, %swap3A_164, %swap3A_165] {strides = array<i32>} : memref<4x80x128xf32, #tpu.memory_space<vmem>>, vector<16xf32>,
      tpu.vector_store %arg6[%swap3A_163, %swap3A_164, %swap3A_165], %broadcast_in_dim3A_161 {strides = array<i32>} : memref<4x80x128xf32, #tpu.memory_space<vmem>>, vector<16xf32>,
      %broadcast_in_dim3A_167 = arith.constant 0.000000e+00 : f32
      %broadcast_in_dim3A_168 = vector.broadcast %broadcast_in_dim3A_167 : f32 to vector<16xf32>
      %swap3A_169 = arith.constant 0 : i32
      %swap3A_170 = arith.index_cast %swap3A_169 : i32 to index
      %swap3A_171 = arith.index_cast %scan3A_159 : i32 to index
      %swap3A_172 = arith.constant 16 : index
      %swap3A_173 = tpu.vector_load %arg6[%swap3A_170, %swap3A_171, %swap3A_172] {strides = array<i32>} : memref<4x80x128xf32, #tpu.memory_space<vmem>>, vector<16xf32>,
      tpu.vector_store %arg6[%swap3A_170, %swap3A_171, %swap3A_172], %broadcast_in_dim3A_168 {strides = array<i32>} : memref<4x80x128xf32, #tpu.memory_space<vmem>>, vector<16xf32>,
      %broadcast_in_dim3A_174 = arith.constant 0.000000e+00 : f32
      %broadcast_in_dim3A_175 = vector.broadcast %broadcast_in_dim3A_174 : f32 to vector<16xf32>
      %swap3A_176 = arith.constant 0 : i32
      %swap3A_177 = arith.index_cast %swap3A_176 : i32 to index
      %swap3A_178 = arith.index_cast %scan3A_159 : i32 to index
      %swap3A_179 = arith.constant 32 : index
      %swap3A_180 = tpu.vector_load %arg6[%swap3A_177, %swap3A_178, %swap3A_179] {strides = array<i32>} : memref<4x80x128xf32, #tpu.memory_space<vmem>>, vector<16xf32>,
      tpu.vector_store %arg6[%swap3A_177, %swap3A_178, %swap3A_179], %broadcast_in_dim3A_175 {strides = array<i32>} : memref<4x80x128xf32, #tpu.memory_space<vmem>>, vector<16xf32>,
      %broadcast_in_dim3A_181 = arith.constant 0.000000e+00 : f32
      %broadcast_in_dim3A_182 = vector.broadcast %broadcast_in_dim3A_181 : f32 to vector<16xf32>
      %swap3A_183 = arith.constant 0 : i32
      %swap3A_184 = arith.index_cast %swap3A_183 : i32 to index
      %swap3A_185 = arith.index_cast %scan3A_159 : i32 to index
      %swap3A_186 = arith.constant 48 : index
      %swap3A_187 = tpu.vector_load %arg6[%swap3A_184, %swap3A_185, %swap3A_186] {strides = array<i32>} : memref<4x80x128xf32, #tpu.memory_space<vmem>>, vector<16xf32>,
      tpu.vector_store %arg6[%swap3A_184, %swap3A_185, %swap3A_186], %broadcast_in_dim3A_182 {strides = array<i32>} : memref<4x80x128xf32, #tpu.memory_space<vmem>>, vector<16xf32>,
      %broadcast_in_dim3A_188 = arith.constant 0.000000e+00 : f32
      %broadcast_in_dim3A_189 = vector.broadcast %broadcast_in_dim3A_188 : f32 to vector<16xf32>
      %swap3A_190 = arith.constant 0 : i32
      %swap3A_191 = arith.index_cast %swap3A_190 : i32 to index
      %swap3A_192 = arith.index_cast %scan3A_159 : i32 to index
      %swap3A_193 = arith.constant 64 : index
      %swap3A_194 = tpu.vector_load %arg6[%swap3A_191, %swap3A_192, %swap3A_193] {strides = array<i32>} : memref<4x80x128xf32, #tpu.memory_space<vmem>>, vector<16xf32>,
      tpu.vector_store %arg6[%swap3A_191, %swap3A_192, %swap3A_193], %broadcast_in_dim3A_189 {strides = array<i32>} : memref<4x80x128xf32, #tpu.memory_space<vmem>>, vector<16xf32>,
      %broadcast_in_dim3A_195 = arith.constant 0.000000e+00 : f32
      %broadcast_in_dim3A_196 = vector.broadcast %broadcast_in_dim3A_195 : f32 to vector<16xf32>
      %swap3A_197 = arith.constant 0 : i32
      %swap3A_198 = arith.index_cast %swap3A_197 : i32 to index
      %swap3A_199 = arith.index_cast %scan3A_159 : i32 to index
      %swap3A_200 = arith.constant 80 : index
      %swap3A_201 = tpu.vector_load %arg6[%swap3A_198, %swap3A_199, %swap3A_200] {strides = array<i32>} : memref<4x80x128xf32, #tpu.memory_space<vmem>>, vector<16xf32>,
      tpu.vector_store %arg6[%swap3A_198, %swap3A_199, %swap3A_200], %broadcast_in_dim3A_196 {strides = array<i32>} : memref<4x80x128xf32, #tpu.memory_space<vmem>>, vector<16xf32>,
      %broadcast_in_dim3A_202 = arith.constant 0.000000e+00 : f32
      %broadcast_in_dim3A_203 = vector.broadcast %broadcast_in_dim3A_202 : f32 to vector<16xf32>
      %swap3A_204 = arith.constant 0 : i32
      %swap3A_205 = arith.index_cast %swap3A_204 : i32 to index
      %swap3A_206 = arith.index_cast %scan3A_159 : i32 to index
      %swap3A_207 = arith.constant 96 : index
      %swap3A_208 = tpu.vector_load %arg6[%swap3A_205, %swap3A_206, %swap3A_207] {strides = array<i32>} : memref<4x80x128xf32, #tpu.memory_space<vmem>>, vector<16xf32>,
      tpu.vector_store %arg6[%swap3A_205, %swap3A_206, %swap3A_207], %broadcast_in_dim3A_203 {strides = array<i32>} : memref<4x80x128xf32, #tpu.memory_space<vmem>>, vector<16xf32>,
      %broadcast_in_dim3A_209 = arith.constant 0.000000e+00 : f32
      %broadcast_in_dim3A_210 = vector.broadcast %broadcast_in_dim3A_209 : f32 to vector<16xf32>
      %swap3A_211 = arith.constant 0 : i32
      %swap3A_212 = arith.index_cast %swap3A_211 : i32 to index
      %swap3A_213 = arith.index_cast %scan3A_159 : i32 to index
      %swap3A_214 = arith.constant 112 : index
      %swap3A_215 = tpu.vector_load %arg6[%swap3A_212, %swap3A_213, %swap3A_214] {strides = array<i32>} : memref<4x80x128xf32, #tpu.memory_space<vmem>>, vector<16xf32>,
      tpu.vector_store %arg6[%swap3A_212, %swap3A_213, %swap3A_214], %broadcast_in_dim3A_210 {strides = array<i32>} : memref<4x80x128xf32, #tpu.memory_space<vmem>>, vector<16xf32>,
      %scan3A_216 = arith.constant 3 : i32
      %scan3A_217 = arith.addi %scan3A_45, %scan3A_216 : i32
      %broadcast_in_dim3A_218 = arith.constant 0.000000e+00 : f32
      %broadcast_in_dim3A_219 = vector.broadcast %broadcast_in_dim3A_218 : f32 to vector<16xf32>
      %swap3A_220 = arith.constant 0 : i32
      %swap3A_221 = arith.index_cast %swap3A_220 : i32 to index
      %swap3A_222 = arith.index_cast %scan3A_217 : i32 to index
      %swap3A_223 = arith.constant 0 : index
      %swap3A_224 = tpu.vector_load %arg6[%swap3A_221, %swap3A_222, %swap3A_223] {strides = array<i32>} : memref<4x80x128xf32, #tpu.memory_space<vmem>>, vector<16xf32>,
      tpu.vector_store %arg6[%swap3A_221, %swap3A_222, %swap3A_223], %broadcast_in_dim3A_219 {strides = array<i32>} : memref<4x80x128xf32, #tpu.memory_space<vmem>>, vector<16xf32>,
      %broadcast_in_dim3A_225 = arith.constant 0.000000e+00 : f32
      %broadcast_in_dim3A_226 = vector.broadcast %broadcast_in_dim3A_225 : f32 to vector<16xf32>
      %swap3A_227 = arith.constant 0 : i32
      %swap3A_228 = arith.index_cast %swap3A_227 : i32 to index
      %swap3A_229 = arith.index_cast %scan3A_217 : i32 to index
      %swap3A_230 = arith.constant 16 : index
      %swap3A_231 = tpu.vector_load %arg6[%swap3A_228, %swap3A_229, %swap3A_230] {strides = array<i32>} : memref<4x80x128xf32, #tpu.memory_space<vmem>>, vector<16xf32>,
      tpu.vector_store %arg6[%swap3A_228, %swap3A_229, %swap3A_230], %broadcast_in_dim3A_226 {strides = array<i32>} : memref<4x80x128xf32, #tpu.memory_space<vmem>>, vector<16xf32>,
      %broadcast_in_dim3A_232 = arith.constant 0.000000e+00 : f32
      %broadcast_in_dim3A_233 = vector.broadcast %broadcast_in_dim3A_232 : f32 to vector<16xf32>
      %swap3A_234 = arith.constant 0 : i32
      %swap3A_235 = arith.index_cast %swap3A_234 : i32 to index
      %swap3A_236 = arith.index_cast %scan3A_217 : i32 to index
      %swap3A_237 = arith.constant 32 : index
      %swap3A_238 = tpu.vector_load %arg6[%swap3A_235, %swap3A_236, %swap3A_237] {strides = array<i32>} : memref<4x80x128xf32, #tpu.memory_space<vmem>>, vector<16xf32>,
      tpu.vector_store %arg6[%swap3A_235, %swap3A_236, %swap3A_237], %broadcast_in_dim3A_233 {strides = array<i32>} : memref<4x80x128xf32, #tpu.memory_space<vmem>>, vector<16xf32>,
      %broadcast_in_dim3A_239 = arith.constant 0.000000e+00 : f32
      %broadcast_in_dim3A_240 = vector.broadcast %broadcast_in_dim3A_239 : f32 to vector<16xf32>
      %swap3A_241 = arith.constant 0 : i32
      %swap3A_242 = arith.index_cast %swap3A_241 : i32 to index
      %swap3A_243 = arith.index_cast %scan3A_217 : i32 to index
      %swap3A_244 = arith.constant 48 : index
      %swap3A_245 = tpu.vector_load %arg6[%swap3A_242, %swap3A_243, %swap3A_244] {strides = array<i32>} : memref<4x80x128xf32, #tpu.memory_space<vmem>>, vector<16xf32>,
      tpu.vector_store %arg6[%swap3A_242, %swap3A_243, %swap3A_244], %broadcast_in_dim3A_240 {strides = array<i32>} : memref<4x80x128xf32, #tpu.memory_space<vmem>>, vector<16xf32>,
      %broadcast_in_dim3A_246 = arith.constant 0.000000e+00 : f32
      %broadcast_in_dim3A_247 = vector.broadcast %broadcast_in_dim3A_246 : f32 to vector<16xf32>
      %swap3A_248 = arith.constant 0 : i32
      %swap3A_249 = arith.index_cast %swap3A_248 : i32 to index
      %swap3A_250 = arith.index_cast %scan3A_217 : i32 to index
      %swap3A_251 = arith.constant 64 : index
      %swap3A_252 = tpu.vector_load %arg6[%swap3A_249, %swap3A_250, %swap3A_251] {strides = array<i32>} : memref<4x80x128xf32, #tpu.memory_space<vmem>>, vector<16xf32>,
      tpu.vector_store %arg6[%swap3A_249, %swap3A_250, %swap3A_251], %broadcast_in_dim3A_247 {strides = array<i32>} : memref<4x80x128xf32, #tpu.memory_space<vmem>>, vector<16xf32>,
      %broadcast_in_dim3A_253 = arith.constant 0.000000e+00 : f32
      %broadcast_in_dim3A_254 = vector.broadcast %broadcast_in_dim3A_253 : f32 to vector<16xf32>
      %swap3A_255 = arith.constant 0 : i32
      %swap3A_256 = arith.index_cast %swap3A_255 : i32 to index
      %swap3A_257 = arith.index_cast %scan3A_217 : i32 to index
      %swap3A_258 = arith.constant 80 : index
      %swap3A_259 = tpu.vector_load %arg6[%swap3A_256, %swap3A_257, %swap3A_258] {strides = array<i32>} : memref<4x80x128xf32, #tpu.memory_space<vmem>>, vector<16xf32>,
      tpu.vector_store %arg6[%swap3A_256, %swap3A_257, %swap3A_258], %broadcast_in_dim3A_254 {strides = array<i32>} : memref<4x80x128xf32, #tpu.memory_space<vmem>>, vector<16xf32>,
      %broadcast_in_dim3A_260 = arith.constant 0.000000e+00 : f32
      %broadcast_in_dim3A_261 = vector.broadcast %broadcast_in_dim3A_260 : f32 to vector<16xf32>
      %swap3A_262 = arith.constant 0 : i32
      %swap3A_263 = arith.index_cast %swap3A_262 : i32 to index
      %swap3A_264 = arith.index_cast %scan3A_217 : i32 to index
      %swap3A_265 = arith.constant 96 : index
      %swap3A_266 = tpu.vector_load %arg6[%swap3A_263, %swap3A_264, %swap3A_265] {strides = array<i32>} : memref<4x80x128xf32, #tpu.memory_space<vmem>>, vector<16xf32>,
      tpu.vector_store %arg6[%swap3A_263, %swap3A_264, %swap3A_265], %broadcast_in_dim3A_261 {strides = array<i32>} : memref<4x80x128xf32, #tpu.memory_space<vmem>>, vector<16xf32>,
      %broadcast_in_dim3A_267 = arith.constant 0.000000e+00 : f32
      %broadcast_in_dim3A_268 = vector.broadcast %broadcast_in_dim3A_267 : f32 to vector<16xf32>
      %swap3A_269 = arith.constant 0 : i32
      %swap3A_270 = arith.index_cast %swap3A_269 : i32 to index
      %swap3A_271 = arith.index_cast %scan3A_217 : i32 to index
      %swap3A_272 = arith.constant 112 : index
      %swap3A_273 = tpu.vector_load %arg6[%swap3A_270, %swap3A_271, %swap3A_272] {strides = array<i32>} : memref<4x80x128xf32, #tpu.memory_space<vmem>>, vector<16xf32>,
      tpu.vector_store %arg6[%swap3A_270, %swap3A_271, %swap3A_272], %broadcast_in_dim3A_268 {strides = array<i32>} : memref<4x80x128xf32, #tpu.memory_space<vmem>>, vector<16xf32>,
    }
    %scan3A_5 = arith.constant 80 : i32
    %scan3A_6 = arith.constant 0 : i32
    %scan3A_7 = arith.constant 0 : i32
    %scan3A_8 = arith.constant 7 : i32
    %scan3A_9 = arith.addi %scan3A_7, %scan3A_8 : i32
    %scan3A_10 = arith.constant 1 : i32
    scf.for %scan3A_45 = %scan3A_7 to %scan3A_9 step %scan3A_10  : i32 {
      %mul3A_46 = arith.constant 625 : i32
      %mul3A_47 = arith.muli %arg1, %mul3A_46 : i32
      %mul3A_48 = arith.constant 80 : i32
      %mul3A_49 = arith.muli %scan3A_45, %mul3A_48 : i32
      %add3A_50 = arith.addi %mul3A_47, %mul3A_49 : i32
      %run_scoped3A_51 = arith.constant 0 : i32
      "tpu.region"() ({
        %run_scoped3A_52 = tpu.sem_alloc : memref<!tpu.dma_semaphore, #tpu.memory_space<semaphore_mem>>
        %dma_start3A = arith.constant 0 : i32
        %dma_start3A_53 = arith.constant 0 : i32
        %dma_start3A_54 = tpu.memref_slice %arg6[%run_scoped3A_51, %dma_start3A, %dma_start3A_53] : memref<4x80x128xf32, #tpu.memory_space<vmem>> -> memref<1x80x128xf32, #tpu.memory_space<vmem>>
        %dma_start3A_55 = tpu.memref_squeeze %dma_start3A_54 : memref<1x80x128xf32, #tpu.memory_space<vmem>> -> memref<80x128xf32, #tpu.memory_space<vmem>>
        %dma_start3A_56 = arith.constant 0 : i32
        %dma_start3A_57 = tpu.memref_slice %arg7[%add3A_50, %dma_start3A_56] : memref<10000x128xf32, #tpu.memory_space<vmem_shared>> -> memref<80x128xf32, #tpu.memory_space<vmem_shared>>
        %dma_start3A_58 = arith.constant 0 : i32
        %dma_start3A_59 = tpu.memref_slice %arg7[%add3A_50, %dma_start3A_58] : memref<10000x128xf32, #tpu.memory_space<vmem_shared>> -> memref<80x128xf32, #tpu.memory_space<vmem_shared>>
        %dma_start3A_60 = arith.constant 0 : i32
        %dma_start3A_61 = arith.constant 0 : i32
        %dma_start3A_62 = tpu.memref_slice %arg6[%run_scoped3A_51, %dma_start3A_60, %dma_start3A_61] : memref<4x80x128xf32, #tpu.memory_space<vmem>> -> memref<1x80x128xf32, #tpu.memory_space<vmem>>
        %dma_start3A_63 = tpu.memref_squeeze %dma_start3A_62 : memref<1x80x128xf32, #tpu.memory_space<vmem>> -> memref<80x128xf32, #tpu.memory_space<vmem>>
        tpu.enqueue_dma source(%dma_start3A_63 : memref<80x128xf32, #tpu.memory_space<vmem>>) target(%dma_start3A_59 : memref<80x128xf32, #tpu.memory_space<vmem_shared>>) target_semaphore(%run_scoped3A_52 : memref<!tpu.dma_semaphore, #tpu.memory_space<semaphore_mem>>)
        %dma_wait3A = arith.constant 0 : i32
        %dma_wait3A_64 = arith.constant 0 : i32
        %dma_wait3A_65 = tpu.memref_slice %arg6[%run_scoped3A_51, %dma_wait3A, %dma_wait3A_64] : memref<4x80x128xf32, #tpu.memory_space<vmem>> -> memref<1x80x128xf32, #tpu.memory_space<vmem>>
        %dma_wait3A_66 = tpu.memref_squeeze %dma_wait3A_65 : memref<1x80x128xf32, #tpu.memory_space<vmem>> -> memref<80x128xf32, #tpu.memory_space<vmem>>
        %dma_wait3A_67 = arith.constant 0 : i32
        %dma_wait3A_68 = tpu.memref_slice %arg7[%add3A_50, %dma_wait3A_67] : memref<10000x128xf32, #tpu.memory_space<vmem_shared>> -> memref<80x128xf32, #tpu.memory_space<vmem_shared>>
        %dma_wait3A_69 = arith.constant 0 : i32
        %dma_wait3A_70 = tpu.memref_slice %arg7[%add3A_50, %dma_wait3A_69] : memref<10000x128xf32, #tpu.memory_space<vmem_shared>> -> memref<80x128xf32, #tpu.memory_space<vmem_shared>>
        %dma_wait3A_71 = arith.constant 0 : i32
        %dma_wait3A_72 = arith.constant 0 : i32
        %dma_wait3A_73 = tpu.memref_slice %arg6[%run_scoped3A_51, %dma_wait3A_71, %dma_wait3A_72] : memref<4x80x128xf32, #tpu.memory_space<vmem>> -> memref<1x80x128xf32, #tpu.memory_space<vmem>>
        %dma_wait3A_74 = tpu.memref_squeeze %dma_wait3A_73 : memref<1x80x128xf32, #tpu.memory_space<vmem>> -> memref<80x128xf32, #tpu.memory_space<vmem>>
        tpu.wait_dma2 semaphore(%run_scoped3A_52 : memref<!tpu.dma_semaphore, #tpu.memory_space<semaphore_mem>>) src(%dma_wait3A_74 : memref<80x128xf32, #tpu.memory_space<vmem>>) dst(%dma_wait3A_70 : memref<80x128xf32, #tpu.memory_space<vmem_shared>>)
        tpu.yield
      }) : () -> ()
    }
    %scan3A_11 = arith.constant 7 : i32
    %mul3A_12 = arith.constant 625 : i32
    %mul3A_13 = arith.muli %arg1, %mul3A_12 : i32
    %add3A_14 = arith.constant 560 : i32
    %add3A_15 = arith.addi %mul3A_13, %add3A_14 : i32
    %run_scoped3A = arith.constant 0 : i32
    "tpu.region"() ({
      %run_scoped3A_45 = tpu.sem_alloc : memref<!tpu.dma_semaphore, #tpu.memory_space<semaphore_mem>>
      %dma_start3A = arith.constant 0 : i32
      %dma_start3A_46 = arith.constant 0 : i32
      %dma_start3A_47 = tpu.memref_slice %arg6[%run_scoped3A, %dma_start3A, %dma_start3A_46] : memref<4x80x128xf32, #tpu.memory_space<vmem>> -> memref<1x65x128xf32, #tpu.memory_space<vmem>>
      %dma_start3A_48 = tpu.memref_squeeze %dma_start3A_47 : memref<1x65x128xf32, #tpu.memory_space<vmem>> -> memref<65x128xf32, #tpu.memory_space<vmem>>
      %dma_start3A_49 = arith.constant 0 : i32
      %dma_start3A_50 = tpu.memref_slice %arg7[%add3A_15, %dma_start3A_49] : memref<10000x128xf32, #tpu.memory_space<vmem_shared>> -> memref<65x128xf32, #tpu.memory_space<vmem_shared>>
      %dma_start3A_51 = arith.constant 0 : i32
      %dma_start3A_52 = tpu.memref_slice %arg7[%add3A_15, %dma_start3A_51] : memref<10000x128xf32, #tpu.memory_space<vmem_shared>> -> memref<65x128xf32, #tpu.memory_space<vmem_shared>>
      %dma_start3A_53 = arith.constant 0 : i32
      %dma_start3A_54 = arith.constant 0 : i32
      %dma_start3A_55 = tpu.memref_slice %arg6[%run_scoped3A, %dma_start3A_53, %dma_start3A_54] : memref<4x80x128xf32, #tpu.memory_space<vmem>> -> memref<1x65x128xf32, #tpu.memory_space<vmem>>
      %dma_start3A_56 = tpu.memref_squeeze %dma_start3A_55 : memref<1x65x128xf32, #tpu.memory_space<vmem>> -> memref<65x128xf32, #tpu.memory_space<vmem>>
      tpu.enqueue_dma source(%dma_start3A_56 : memref<65x128xf32, #tpu.memory_space<vmem>>) target(%dma_start3A_52 : memref<65x128xf32, #tpu.memory_space<vmem_shared>>) target_semaphore(%run_scoped3A_45 : memref<!tpu.dma_semaphore, #tpu.memory_space<semaphore_mem>>)
      %dma_wait3A = arith.constant 0 : i32
      %dma_wait3A_57 = arith.constant 0 : i32
      %dma_wait3A_58 = tpu.memref_slice %arg6[%run_scoped3A, %dma_wait3A, %dma_wait3A_57] : memref<4x80x128xf32, #tpu.memory_space<vmem>> -> memref<1x65x128xf32, #tpu.memory_space<vmem>>
      %dma_wait3A_59 = tpu.memref_squeeze %dma_wait3A_58 : memref<1x65x128xf32, #tpu.memory_space<vmem>> -> memref<65x128xf32, #tpu.memory_space<vmem>>
      %dma_wait3A_60 = arith.constant 0 : i32
      %dma_wait3A_61 = tpu.memref_slice %arg7[%add3A_15, %dma_wait3A_60] : memref<10000x128xf32, #tpu.memory_space<vmem_shared>> -> memref<65x128xf32, #tpu.memory_space<vmem_shared>>
      %dma_wait3A_62 = arith.constant 0 : i32
      %dma_wait3A_63 = tpu.memref_slice %arg7[%add3A_15, %dma_wait3A_62] : memref<10000x128xf32, #tpu.memory_space<vmem_shared>> -> memref<65x128xf32, #tpu.memory_space<vmem_shared>>
      %dma_wait3A_64 = arith.constant 0 : i32
      %dma_wait3A_65 = arith.constant 0 : i32
      %dma_wait3A_66 = tpu.memref_slice %arg6[%run_scoped3A, %dma_wait3A_64, %dma_wait3A_65] : memref<4x80x128xf32, #tpu.memory_space<vmem>> -> memref<1x65x128xf32, #tpu.memory_space<vmem>>
      %dma_wait3A_67 = tpu.memref_squeeze %dma_wait3A_66 : memref<1x65x128xf32, #tpu.memory_space<vmem>> -> memref<65x128xf32, #tpu.memory_space<vmem>>
      tpu.wait_dma2 semaphore(%run_scoped3A_45 : memref<!tpu.dma_semaphore, #tpu.memory_space<semaphore_mem>>) src(%dma_wait3A_67 : memref<65x128xf32, #tpu.memory_space<vmem>>) dst(%dma_wait3A_63 : memref<65x128xf32, #tpu.memory_space<vmem_shared>>)
      tpu.yield
    }) : () -> ()
    %barrier3A = arith.constant 0 : index
    tpu.barrier barrier_id(%barrier3A)
    %scan3A_16 = arith.constant 0 : i32
    %scan3A_17 = arith.constant 0 : i32
    %scan3A_18 = arith.constant 6 : i32
    %scan3A_19 = arith.addi %scan3A_17, %scan3A_18 : i32
    %scan3A_20 = arith.constant 1 : i32
    scf.for %scan3A_45 = %scan3A_17 to %scan3A_19 step %scan3A_20  : i32 {
      %dma_start3A = arith.constant 0 : i32
      %dma_start3A_46 = arith.constant 0 : i32
      %dma_start3A_47 = tpu.memref_slice %arg5[%scan3A_45, %dma_start3A, %dma_start3A_46] : memref<8x4x80xi32, #tpu.memory_space<vmem>> -> memref<1x4x80xi32, #tpu.memory_space<vmem>>
      %dma_start3A_48 = tpu.memref_squeeze %dma_start3A_47 : memref<1x4x80xi32, #tpu.memory_space<vmem>> -> memref<4x80xi32, #tpu.memory_space<vmem>>
      %dma_start3A_49 = arith.constant 0 : i32
      %dma_start3A_50 = arith.constant 0 : i32
      %dma_start3A_51 = tpu.memref_slice %arg3[%add3A, %scan3A_45, %dma_start3A_49, %dma_start3A_50] : memref<32x125x4x80xi32, #tpu.memory_space<hbm>> -> memref<1x1x4x80xi32, #tpu.memory_space<hbm>>
      %dma_start3A_52 = tpu.memref_squeeze %dma_start3A_51 : memref<1x1x4x80xi32, #tpu.memory_space<hbm>> -> memref<4x80xi32, #tpu.memory_space<hbm>>
      %dma_start3A_53 = tpu.memref_slice %arg8[%scan3A_45] : memref<8x!tpu.dma_semaphore, #tpu.memory_space<semaphore_mem>> -> memref<1x!tpu.dma_semaphore, #tpu.memory_space<semaphore_mem>>
      %dma_start3A_54 = tpu.memref_squeeze %dma_start3A_53 : memref<1x!tpu.dma_semaphore, #tpu.memory_space<semaphore_mem>> -> memref<!tpu.dma_semaphore, #tpu.memory_space<semaphore_mem>>
      %dma_start3A_55 = arith.constant 0 : i32
      %dma_start3A_56 = arith.constant 0 : i32
      %dma_start3A_57 = tpu.memref_slice %arg5[%scan3A_45, %dma_start3A_55, %dma_start3A_56] : memref<8x4x80xi32, #tpu.memory_space<vmem>> -> memref<1x4x80xi32, #tpu.memory_space<vmem>>
      %dma_start3A_58 = tpu.memref_squeeze %dma_start3A_57 : memref<1x4x80xi32, #tpu.memory_space<vmem>> -> memref<4x80xi32, #tpu.memory_space<vmem>>
      %dma_start3A_59 = arith.constant 0 : i32
      %dma_start3A_60 = arith.constant 0 : i32
      %dma_start3A_61 = tpu.memref_slice %arg3[%add3A, %scan3A_45, %dma_start3A_59, %dma_start3A_60] : memref<32x125x4x80xi32, #tpu.memory_space<hbm>> -> memref<1x1x4x80xi32, #tpu.memory_space<hbm>>
      %dma_start3A_62 = tpu.memref_squeeze %dma_start3A_61 : memref<1x1x4x80xi32, #tpu.memory_space<hbm>> -> memref<4x80xi32, #tpu.memory_space<hbm>>
      tpu.enqueue_dma source(%dma_start3A_62 : memref<4x80xi32, #tpu.memory_space<hbm>>) target(%dma_start3A_58 : memref<4x80xi32, #tpu.memory_space<vmem>>) target_semaphore(%dma_start3A_54 : memref<!tpu.dma_semaphore, #tpu.memory_space<semaphore_mem>>)
    }
    %scan3A_21 = arith.constant 6 : i32
    %scan3A_22 = arith.constant 0 : i32
    %scan3A_23 = arith.constant 0 : i32
    %scan3A_24 = arith.constant 2 : i32
    %scan3A_25 = arith.addi %scan3A_23, %scan3A_24 : i32
    %scan3A_26 = arith.constant 1 : i32
    scf.for %scan3A_45 = %scan3A_23 to %scan3A_25 step %scan3A_26  : i32 {
      %dma_wait3A = arith.constant 0 : i32
      %dma_wait3A_46 = arith.constant 0 : i32
      %dma_wait3A_47 = tpu.memref_slice %arg5[%scan3A_45, %dma_wait3A, %dma_wait3A_46] : memref<8x4x80xi32, #tpu.memory_space<vmem>> -> memref<1x4x80xi32, #tpu.memory_space<vmem>>
      %dma_wait3A_48 = tpu.memref_squeeze %dma_wait3A_47 : memref<1x4x80xi32, #tpu.memory_space<vmem>> -> memref<4x80xi32, #tpu.memory_space<vmem>>
      %dma_wait3A_49 = arith.constant 0 : i32
      %dma_wait3A_50 = arith.constant 0 : i32
      %dma_wait3A_51 = tpu.memref_slice %arg3[%add3A, %scan3A_45, %dma_wait3A_49, %dma_wait3A_50] : memref<32x125x4x80xi32, #tpu.memory_space<hbm>> -> memref<1x1x4x80xi32, #tpu.memory_space<hbm>>
      %dma_wait3A_52 = tpu.memref_squeeze %dma_wait3A_51 : memref<1x1x4x80xi32, #tpu.memory_space<hbm>> -> memref<4x80xi32, #tpu.memory_space<hbm>>
      %dma_wait3A_53 = tpu.memref_slice %arg8[%scan3A_45] : memref<8x!tpu.dma_semaphore, #tpu.memory_space<semaphore_mem>> -> memref<1x!tpu.dma_semaphore, #tpu.memory_space<semaphore_mem>>
      %dma_wait3A_54 = tpu.memref_squeeze %dma_wait3A_53 : memref<1x!tpu.dma_semaphore, #tpu.memory_space<semaphore_mem>> -> memref<!tpu.dma_semaphore, #tpu.memory_space<semaphore_mem>>
      %dma_wait3A_55 = arith.constant 0 : i32
      %dma_wait3A_56 = arith.constant 0 : i32
      %dma_wait3A_57 = tpu.memref_slice %arg5[%scan3A_45, %dma_wait3A_55, %dma_wait3A_56] : memref<8x4x80xi32, #tpu.memory_space<vmem>> -> memref<1x4x80xi32, #tpu.memory_space<vmem>>
      %dma_wait3A_58 = tpu.memref_squeeze %dma_wait3A_57 : memref<1x4x80xi32, #tpu.memory_space<vmem>> -> memref<4x80xi32, #tpu.memory_space<vmem>>
      %dma_wait3A_59 = arith.constant 0 : i32
      %dma_wait3A_60 = arith.constant 0 : i32
      %dma_wait3A_61 = tpu.memref_slice %arg3[%add3A, %scan3A_45, %dma_wait3A_59, %dma_wait3A_60] : memref<32x125x4x80xi32, #tpu.memory_space<hbm>> -> memref<1x1x4x80xi32, #tpu.memory_space<hbm>>
      %dma_wait3A_62 = tpu.memref_squeeze %dma_wait3A_61 : memref<1x1x4x80xi32, #tpu.memory_space<hbm>> -> memref<4x80xi32, #tpu.memory_space<hbm>>
      tpu.wait_dma2 semaphore(%dma_wait3A_54 : memref<!tpu.dma_semaphore, #tpu.memory_space<semaphore_mem>>) src(%dma_wait3A_62 : memref<4x80xi32, #tpu.memory_space<hbm>>) dst(%dma_wait3A_58 : memref<4x80xi32, #tpu.memory_space<vmem>>)
      %dma_start3A = arith.constant 0 : i32
      %dma_start3A_63 = arith.constant 0 : i32
      %dma_start3A_64 = arith.constant 0 : i32
      %dma_start3A_65 = tpu.memref_slice %arg6[%scan3A_45, %dma_start3A_63, %dma_start3A_64] : memref<4x80x128xf32, #tpu.memory_space<vmem>> -> memref<1x80x128xf32, #tpu.memory_space<vmem>>
      %dma_start3A_66 = tpu.memref_squeeze %dma_start3A_65 : memref<1x80x128xf32, #tpu.memory_space<vmem>> -> memref<80x128xf32, #tpu.memory_space<vmem>>
      %dma_start3A_67 = arith.constant 0 : i32
      %dma_start3A_68 = tpu.memref_slice %arg5[%scan3A_45, %dma_start3A, %dma_start3A_67] : memref<8x4x80xi32, #tpu.memory_space<vmem>> -> memref<1x1x80xi32, #tpu.memory_space<vmem>>
      %dma_start3A_69 = tpu.memref_squeeze %dma_start3A_68 : memref<1x1x80xi32, #tpu.memory_space<vmem>> -> memref<80xi32, #tpu.memory_space<vmem>>
      %dma_start3A_70 = arith.constant 0 : i32
      %dma_start3A_71 = arith.constant 0 : i32
      %dma_start3A_72 = tpu.memref_slice %arg2[%dma_start3A_70, %dma_start3A_71] : memref<10000x128xf32, #tpu.memory_space<hbm>> -> memref<10000x128xf32, #tpu.memory_space<hbm>>
      %dma_start3A_73 = tpu.memref_slice %arg9[%scan3A_45] : memref<4x!tpu.dma_semaphore, #tpu.memory_space<semaphore_mem>> -> memref<1x!tpu.dma_semaphore, #tpu.memory_space<semaphore_mem>>
      %dma_start3A_74 = tpu.memref_squeeze %dma_start3A_73 : memref<1x!tpu.dma_semaphore, #tpu.memory_space<semaphore_mem>> -> memref<!tpu.dma_semaphore, #tpu.memory_space<semaphore_mem>>
      tpu.enqueue_indirect_dma source(%dma_start3A_72 : memref<10000x128xf32, #tpu.memory_space<hbm>>) target(%dma_start3A_66 : memref<80x128xf32, #tpu.memory_space<vmem>>) offsets(%dma_start3A_69 : memref<80xi32, #tpu.memory_space<vmem>>) semaphore(%dma_start3A_74 : memref<!tpu.dma_semaphore, #tpu.memory_space<semaphore_mem>>)
    }
    %scan3A_27 = arith.constant 2 : i32
    %scan3A_28 = arith.constant 0 : i32
    %scan3A_29 = arith.constant 0 : i32
    %scan3A_30 = arith.constant 125 : i32
    %scan3A_31 = arith.addi %scan3A_29, %scan3A_30 : i32
    %scan3A_32 = arith.constant 1 : i32
    scf.for %scan3A_45 = %scan3A_29 to %scan3A_31 step %scan3A_32  : i32 {
      %rem3A = arith.constant 4 : i32
      %rem3A_46 = arith.remsi %scan3A_45, %rem3A : i32
      %rem3A_47 = arith.constant 8 : i32
      %rem3A_48 = arith.remsi %scan3A_45, %rem3A_47 : i32
      %ge3A = arith.constant 2 : i32
      %ge3A_49 = arith.cmpi sge, %scan3A_45, %ge3A : i32
      %convert_element_type3A_50 = arith.extui %ge3A_49 : i1 to i32
      %cond3A_51 = arith.constant 0 : i32
      %cond3A_52 = arith.cmpi ne, %convert_element_type3A_50, %cond3A_51 : i32
      scf.if %cond3A_52 {
        %sub3A = arith.constant 2 : i32
        %sub3A_96 = arith.subi %scan3A_45, %sub3A : i32
        %sub3A_97 = arith.constant 2 : i32
        %sub3A_98 = arith.subi %scan3A_45, %sub3A_97 : i32
        %rem3A_99 = arith.constant 4 : i32
        %rem3A_100 = arith.remsi %sub3A_98, %rem3A_99 : i32
        %sub3A_101 = arith.constant 2 : i32
        %sub3A_102 = arith.subi %scan3A_45, %sub3A_101 : i32
        %rem3A_103 = arith.constant 8 : i32
        %rem3A_104 = arith.remsi %sub3A_102, %rem3A_103 : i32
        %dma_wait3A_105 = arith.constant 1 : i32
        %dma_wait3A_106 = arith.constant 0 : i32
        %dma_wait3A_107 = arith.constant 0 : i32
        %dma_wait3A_108 = tpu.memref_slice %arg6[%rem3A_100, %dma_wait3A_106, %dma_wait3A_107] : memref<4x80x128xf32, #tpu.memory_space<vmem>> -> memref<1x80x128xf32, #tpu.memory_space<vmem>>
        %dma_wait3A_109 = tpu.memref_squeeze %dma_wait3A_108 : memref<1x80x128xf32, #tpu.memory_space<vmem>> -> memref<80x128xf32, #tpu.memory_space<vmem>>
        %dma_wait3A_110 = arith.constant 0 : i32
        %dma_wait3A_111 = tpu.memref_slice %arg5[%rem3A_104, %dma_wait3A_105, %dma_wait3A_110] : memref<8x4x80xi32, #tpu.memory_space<vmem>> -> memref<1x1x80xi32, #tpu.memory_space<vmem>>
        %dma_wait3A_112 = tpu.memref_squeeze %dma_wait3A_111 : memref<1x1x80xi32, #tpu.memory_space<vmem>> -> memref<80xi32, #tpu.memory_space<vmem>>
        %dma_wait3A_113 = arith.constant 0 : i32
        %dma_wait3A_114 = arith.constant 0 : i32
        %dma_wait3A_115 = tpu.memref_slice %arg7[%dma_wait3A_113, %dma_wait3A_114] : memref<10000x128xf32, #tpu.memory_space<vmem_shared>> -> memref<10000x128xf32, #tpu.memory_space<vmem_shared>>
        %dma_wait3A_116 = tpu.memref_slice %arg10[%rem3A_100] : memref<4x!tpu.dma_semaphore, #tpu.memory_space<semaphore_mem>> -> memref<1x!tpu.dma_semaphore, #tpu.memory_space<semaphore_mem>>
        %dma_wait3A_117 = tpu.memref_squeeze %dma_wait3A_116 : memref<1x!tpu.dma_semaphore, #tpu.memory_space<semaphore_mem>> -> memref<!tpu.dma_semaphore, #tpu.memory_space<semaphore_mem>>
        tpu.wait_indirect_dma semaphore(%dma_wait3A_117 : memref<!tpu.dma_semaphore, #tpu.memory_space<semaphore_mem>>) src(%dma_wait3A_109 : memref<80x128xf32, #tpu.memory_space<vmem>>) dst(%dma_wait3A_115 : memref<10000x128xf32, #tpu.memory_space<vmem_shared>>)
      } else {
      }
      %add3A_53 = arith.constant 6 : i32
      %add3A_54 = arith.addi %scan3A_45, %add3A_53 : i32
      %lt3A = arith.constant 125 : i32
      %lt3A_55 = arith.cmpi slt, %add3A_54, %lt3A : i32
      %convert_element_type3A_56 = arith.extui %lt3A_55 : i1 to i32
      %cond3A_57 = arith.constant 0 : i32
      %cond3A_58 = arith.cmpi ne, %convert_element_type3A_56, %cond3A_57 : i32
      scf.if %cond3A_58 {
        %add3A_96 = arith.constant 6 : i32
        %add3A_97 = arith.addi %scan3A_45, %add3A_96 : i32
        %add3A_98 = arith.constant 6 : i32
        %add3A_99 = arith.addi %scan3A_45, %add3A_98 : i32
        %rem3A_100 = arith.constant 8 : i32
        %rem3A_101 = arith.remsi %add3A_99, %rem3A_100 : i32
        %dma_start3A_102 = arith.constant 0 : i32
        %dma_start3A_103 = arith.constant 0 : i32
        %dma_start3A_104 = tpu.memref_slice %arg5[%rem3A_101, %dma_start3A_102, %dma_start3A_103] : memref<8x4x80xi32, #tpu.memory_space<vmem>> -> memref<1x4x80xi32, #tpu.memory_space<vmem>>
        %dma_start3A_105 = tpu.memref_squeeze %dma_start3A_104 : memref<1x4x80xi32, #tpu.memory_space<vmem>> -> memref<4x80xi32, #tpu.memory_space<vmem>>
        %dma_start3A_106 = arith.constant 0 : i32
        %dma_start3A_107 = arith.constant 0 : i32
        %dma_start3A_108 = tpu.memref_slice %arg3[%add3A, %add3A_97, %dma_start3A_106, %dma_start3A_107] : memref<32x125x4x80xi32, #tpu.memory_space<hbm>> -> memref<1x1x4x80xi32, #tpu.memory_space<hbm>>
        %dma_start3A_109 = tpu.memref_squeeze %dma_start3A_108 : memref<1x1x4x80xi32, #tpu.memory_space<hbm>> -> memref<4x80xi32, #tpu.memory_space<hbm>>
        %dma_start3A_110 = tpu.memref_slice %arg8[%rem3A_101] : memref<8x!tpu.dma_semaphore, #tpu.memory_space<semaphore_mem>> -> memref<1x!tpu.dma_semaphore, #tpu.memory_space<semaphore_mem>>
        %dma_start3A_111 = tpu.memref_squeeze %dma_start3A_110 : memref<1x!tpu.dma_semaphore, #tpu.memory_space<semaphore_mem>> -> memref<!tpu.dma_semaphore, #tpu.memory_space<semaphore_mem>>
        %dma_start3A_112 = arith.constant 0 : i32
        %dma_start3A_113 = arith.constant 0 : i32
        %dma_start3A_114 = tpu.memref_slice %arg5[%rem3A_101, %dma_start3A_112, %dma_start3A_113] : memref<8x4x80xi32, #tpu.memory_space<vmem>> -> memref<1x4x80xi32, #tpu.memory_space<vmem>>
        %dma_start3A_115 = tpu.memref_squeeze %dma_start3A_114 : memref<1x4x80xi32, #tpu.memory_space<vmem>> -> memref<4x80xi32, #tpu.memory_space<vmem>>
        %dma_start3A_116 = arith.constant 0 : i32
        %dma_start3A_117 = arith.constant 0 : i32
        %dma_start3A_118 = tpu.memref_slice %arg3[%add3A, %add3A_97, %dma_start3A_116, %dma_start3A_117] : memref<32x125x4x80xi32, #tpu.memory_space<hbm>> -> memref<1x1x4x80xi32, #tpu.memory_space<hbm>>
        %dma_start3A_119 = tpu.memref_squeeze %dma_start3A_118 : memref<1x1x4x80xi32, #tpu.memory_space<hbm>> -> memref<4x80xi32, #tpu.memory_space<hbm>>
        tpu.enqueue_dma source(%dma_start3A_119 : memref<4x80xi32, #tpu.memory_space<hbm>>) target(%dma_start3A_115 : memref<4x80xi32, #tpu.memory_space<vmem>>) target_semaphore(%dma_start3A_111 : memref<!tpu.dma_semaphore, #tpu.memory_space<semaphore_mem>>)
      } else {
      }
      %add3A_59 = arith.constant 2 : i32
      %add3A_60 = arith.addi %scan3A_45, %add3A_59 : i32
      %lt3A_61 = arith.constant 125 : i32
      %lt3A_62 = arith.cmpi slt, %add3A_60, %lt3A_61 : i32
      %convert_element_type3A_63 = arith.extui %lt3A_62 : i1 to i32
      %cond3A_64 = arith.constant 0 : i32
      %cond3A_65 = arith.cmpi ne, %convert_element_type3A_63, %cond3A_64 : i32
      scf.if %cond3A_65 {
        %add3A_96 = arith.constant 2 : i32
        %add3A_97 = arith.addi %scan3A_45, %add3A_96 : i32
        %rem3A_98 = arith.constant 4 : i32
        %rem3A_99 = arith.remsi %add3A_97, %rem3A_98 : i32
        %add3A_100 = arith.constant 2 : i32
        %add3A_101 = arith.addi %scan3A_45, %add3A_100 : i32
        %rem3A_102 = arith.constant 8 : i32
        %rem3A_103 = arith.remsi %add3A_101, %rem3A_102 : i32
        %add3A_104 = arith.constant 2 : i32
        %add3A_105 = arith.addi %scan3A_45, %add3A_104 : i32
        %dma_wait3A_106 = arith.constant 0 : i32
        %dma_wait3A_107 = arith.constant 0 : i32
        %dma_wait3A_108 = tpu.memref_slice %arg5[%rem3A_103, %dma_wait3A_106, %dma_wait3A_107] : memref<8x4x80xi32, #tpu.memory_space<vmem>> -> memref<1x4x80xi32, #tpu.memory_space<vmem>>
        %dma_wait3A_109 = tpu.memref_squeeze %dma_wait3A_108 : memref<1x4x80xi32, #tpu.memory_space<vmem>> -> memref<4x80xi32, #tpu.memory_space<vmem>>
        %dma_wait3A_110 = arith.constant 0 : i32
        %dma_wait3A_111 = arith.constant 0 : i32
        %dma_wait3A_112 = tpu.memref_slice %arg3[%add3A, %add3A_105, %dma_wait3A_110, %dma_wait3A_111] : memref<32x125x4x80xi32, #tpu.memory_space<hbm>> -> memref<1x1x4x80xi32, #tpu.memory_space<hbm>>
        %dma_wait3A_113 = tpu.memref_squeeze %dma_wait3A_112 : memref<1x1x4x80xi32, #tpu.memory_space<hbm>> -> memref<4x80xi32, #tpu.memory_space<hbm>>
        %dma_wait3A_114 = tpu.memref_slice %arg8[%rem3A_103] : memref<8x!tpu.dma_semaphore, #tpu.memory_space<semaphore_mem>> -> memref<1x!tpu.dma_semaphore, #tpu.memory_space<semaphore_mem>>
        %dma_wait3A_115 = tpu.memref_squeeze %dma_wait3A_114 : memref<1x!tpu.dma_semaphore, #tpu.memory_space<semaphore_mem>> -> memref<!tpu.dma_semaphore, #tpu.memory_space<semaphore_mem>>
        %dma_wait3A_116 = arith.constant 0 : i32
        %dma_wait3A_117 = arith.constant 0 : i32
        %dma_wait3A_118 = tpu.memref_slice %arg5[%rem3A_103, %dma_wait3A_116, %dma_wait3A_117] : memref<8x4x80xi32, #tpu.memory_space<vmem>> -> memref<1x4x80xi32, #tpu.memory_space<vmem>>
        %dma_wait3A_119 = tpu.memref_squeeze %dma_wait3A_118 : memref<1x4x80xi32, #tpu.memory_space<vmem>> -> memref<4x80xi32, #tpu.memory_space<vmem>>
        %dma_wait3A_120 = arith.constant 0 : i32
        %dma_wait3A_121 = arith.constant 0 : i32
        %dma_wait3A_122 = tpu.memref_slice %arg3[%add3A, %add3A_105, %dma_wait3A_120, %dma_wait3A_121] : memref<32x125x4x80xi32, #tpu.memory_space<hbm>> -> memref<1x1x4x80xi32, #tpu.memory_space<hbm>>
        %dma_wait3A_123 = tpu.memref_squeeze %dma_wait3A_122 : memref<1x1x4x80xi32, #tpu.memory_space<hbm>> -> memref<4x80xi32, #tpu.memory_space<hbm>>
        tpu.wait_dma2 semaphore(%dma_wait3A_115 : memref<!tpu.dma_semaphore, #tpu.memory_space<semaphore_mem>>) src(%dma_wait3A_123 : memref<4x80xi32, #tpu.memory_space<hbm>>) dst(%dma_wait3A_119 : memref<4x80xi32, #tpu.memory_space<vmem>>)
        %add3A_124 = arith.constant 2 : i32
        %add3A_125 = arith.addi %scan3A_45, %add3A_124 : i32
        %dma_start3A_126 = arith.constant 0 : i32
        %dma_start3A_127 = arith.constant 0 : i32
        %dma_start3A_128 = arith.constant 0 : i32
        %dma_start3A_129 = tpu.memref_slice %arg6[%rem3A_99, %dma_start3A_127, %dma_start3A_128] : memref<4x80x128xf32, #tpu.memory_space<vmem>> -> memref<1x80x128xf32, #tpu.memory_space<vmem>>
        %dma_start3A_130 = tpu.memref_squeeze %dma_start3A_129 : memref<1x80x128xf32, #tpu.memory_space<vmem>> -> memref<80x128xf32, #tpu.memory_space<vmem>>
        %dma_start3A_131 = arith.constant 0 : i32
        %dma_start3A_132 = tpu.memref_slice %arg5[%rem3A_103, %dma_start3A_126, %dma_start3A_131] : memref<8x4x80xi32, #tpu.memory_space<vmem>> -> memref<1x1x80xi32, #tpu.memory_space<vmem>>
        %dma_start3A_133 = tpu.memref_squeeze %dma_start3A_132 : memref<1x1x80xi32, #tpu.memory_space<vmem>> -> memref<80xi32, #tpu.memory_space<vmem>>
        %dma_start3A_134 = arith.constant 0 : i32
        %dma_start3A_135 = arith.constant 0 : i32
        %dma_start3A_136 = tpu.memref_slice %arg2[%dma_start3A_134, %dma_start3A_135] : memref<10000x128xf32, #tpu.memory_space<hbm>> -> memref<10000x128xf32, #tpu.memory_space<hbm>>
        %dma_start3A_137 = tpu.memref_slice %arg9[%rem3A_99] : memref<4x!tpu.dma_semaphore, #tpu.memory_space<semaphore_mem>> -> memref<1x!tpu.dma_semaphore, #tpu.memory_space<semaphore_mem>>
        %dma_start3A_138 = tpu.memref_squeeze %dma_start3A_137 : memref<1x!tpu.dma_semaphore, #tpu.memory_space<semaphore_mem>> -> memref<!tpu.dma_semaphore, #tpu.memory_space<semaphore_mem>>
        tpu.enqueue_indirect_dma source(%dma_start3A_136 : memref<10000x128xf32, #tpu.memory_space<hbm>>) target(%dma_start3A_130 : memref<80x128xf32, #tpu.memory_space<vmem>>) offsets(%dma_start3A_133 : memref<80xi32, #tpu.memory_space<vmem>>) semaphore(%dma_start3A_138 : memref<!tpu.dma_semaphore, #tpu.memory_space<semaphore_mem>>)
      } else {
      }
      %dma_wait3A = arith.constant 0 : i32
      %dma_wait3A_66 = arith.constant 0 : i32
      %dma_wait3A_67 = arith.constant 0 : i32
      %dma_wait3A_68 = tpu.memref_slice %arg6[%rem3A_46, %dma_wait3A_66, %dma_wait3A_67] : memref<4x80x128xf32, #tpu.memory_space<vmem>> -> memref<1x80x128xf32, #tpu.memory_space<vmem>>
      %dma_wait3A_69 = tpu.memref_squeeze %dma_wait3A_68 : memref<1x80x128xf32, #tpu.memory_space<vmem>> -> memref<80x128xf32, #tpu.memory_space<vmem>>
      %dma_wait3A_70 = arith.constant 0 : i32
      %dma_wait3A_71 = tpu.memref_slice %arg5[%rem3A_48, %dma_wait3A, %dma_wait3A_70] : memref<8x4x80xi32, #tpu.memory_space<vmem>> -> memref<1x1x80xi32, #tpu.memory_space<vmem>>
      %dma_wait3A_72 = tpu.memref_squeeze %dma_wait3A_71 : memref<1x1x80xi32, #tpu.memory_space<vmem>> -> memref<80xi32, #tpu.memory_space<vmem>>
      %dma_wait3A_73 = arith.constant 0 : i32
      %dma_wait3A_74 = arith.constant 0 : i32
      %dma_wait3A_75 = tpu.memref_slice %arg2[%dma_wait3A_73, %dma_wait3A_74] : memref<10000x128xf32, #tpu.memory_space<hbm>> -> memref<10000x128xf32, #tpu.memory_space<hbm>>
      %dma_wait3A_76 = tpu.memref_slice %arg9[%rem3A_46] : memref<4x!tpu.dma_semaphore, #tpu.memory_space<semaphore_mem>> -> memref<1x!tpu.dma_semaphore, #tpu.memory_space<semaphore_mem>>
      %dma_wait3A_77 = tpu.memref_squeeze %dma_wait3A_76 : memref<1x!tpu.dma_semaphore, #tpu.memory_space<semaphore_mem>> -> memref<!tpu.dma_semaphore, #tpu.memory_space<semaphore_mem>>
      tpu.wait_indirect_dma semaphore(%dma_wait3A_77 : memref<!tpu.dma_semaphore, #tpu.memory_space<semaphore_mem>>) src(%dma_wait3A_75 : memref<10000x128xf32, #tpu.memory_space<hbm>>) dst(%dma_wait3A_69 : memref<80x128xf32, #tpu.memory_space<vmem>>)
      %scan3A_78 = arith.constant 0 : i32
      %scan3A_79 = arith.constant 0 : i32
      %scan3A_80 = arith.constant 80 : i32
      %scan3A_81 = arith.addi %scan3A_79, %scan3A_80 : i32
      %scan3A_82 = arith.constant 4 : i32
      scf.for %scan3A_96 = %scan3A_79 to %scan3A_81 step %scan3A_82  : i32 {
        %broadcast_in_dim3A = vector.broadcast %rem3A_48 : i32 to vector<16xi32>
        %broadcast_in_dim3A_97 = arith.constant 2 : i32
        %broadcast_in_dim3A_98 = vector.broadcast %broadcast_in_dim3A_97 : i32 to vector<16xi32>
        %broadcast_in_dim3A_99 = vector.broadcast %scan3A_96 : i32 to vector<16xi32>
        %gather3A = tpu.vector_load_idx %arg5[%broadcast_in_dim3A, %broadcast_in_dim3A_98, %broadcast_in_dim3A_99] : memref<8x4x80xi32, #tpu.memory_space<vmem>>[vector<16xi32>, vector<16xi32>, vector<16xi32>], vector<16xi32>,
        %bitcast3A = vector.bitcast %gather3A : vector<16xi32> to vector<16xf32>
        %get3A = arith.index_cast %rem3A_46 : i32 to index
        %get3A_100 = arith.index_cast %scan3A_96 : i32 to index
        %get3A_101 = arith.constant 0 : index
        %get3A_102 = tpu.vector_load %arg6[%get3A, %get3A_100, %get3A_101] {strides = array<i32>} : memref<4x80x128xf32, #tpu.memory_space<vmem>>, vector<16xf32>,
        %mul3A_103 = arith.mulf %get3A_102, %bitcast3A : vector<16xf32>
        %swap3A = arith.index_cast %rem3A_46 : i32 to index
        %swap3A_104 = arith.index_cast %scan3A_96 : i32 to index
        %swap3A_105 = arith.constant 0 : index
        %swap3A_106 = tpu.vector_load %arg6[%swap3A, %swap3A_104, %swap3A_105] {strides = array<i32>} : memref<4x80x128xf32, #tpu.memory_space<vmem>>, vector<16xf32>,
        tpu.vector_store %arg6[%swap3A, %swap3A_104, %swap3A_105], %mul3A_103 {strides = array<i32>} : memref<4x80x128xf32, #tpu.memory_space<vmem>>, vector<16xf32>,
        %get3A_107 = arith.index_cast %rem3A_46 : i32 to index
        %get3A_108 = arith.index_cast %scan3A_96 : i32 to index
        %get3A_109 = arith.constant 16 : index
        %get3A_110 = tpu.vector_load %arg6[%get3A_107, %get3A_108, %get3A_109] {strides = array<i32>} : memref<4x80x128xf32, #tpu.memory_space<vmem>>, vector<16xf32>,
        %mul3A_111 = arith.mulf %get3A_110, %bitcast3A : vector<16xf32>
        %swap3A_112 = arith.index_cast %rem3A_46 : i32 to index
        %swap3A_113 = arith.index_cast %scan3A_96 : i32 to index
        %swap3A_114 = arith.constant 16 : index
        %swap3A_115 = tpu.vector_load %arg6[%swap3A_112, %swap3A_113, %swap3A_114] {strides = array<i32>} : memref<4x80x128xf32, #tpu.memory_space<vmem>>, vector<16xf32>,
        tpu.vector_store %arg6[%swap3A_112, %swap3A_113, %swap3A_114], %mul3A_111 {strides = array<i32>} : memref<4x80x128xf32, #tpu.memory_space<vmem>>, vector<16xf32>,
        %get3A_116 = arith.index_cast %rem3A_46 : i32 to index
        %get3A_117 = arith.index_cast %scan3A_96 : i32 to index
        %get3A_118 = arith.constant 32 : index
        %get3A_119 = tpu.vector_load %arg6[%get3A_116, %get3A_117, %get3A_118] {strides = array<i32>} : memref<4x80x128xf32, #tpu.memory_space<vmem>>, vector<16xf32>,
        %mul3A_120 = arith.mulf %get3A_119, %bitcast3A : vector<16xf32>
        %swap3A_121 = arith.index_cast %rem3A_46 : i32 to index
        %swap3A_122 = arith.index_cast %scan3A_96 : i32 to index
        %swap3A_123 = arith.constant 32 : index
        %swap3A_124 = tpu.vector_load %arg6[%swap3A_121, %swap3A_122, %swap3A_123] {strides = array<i32>} : memref<4x80x128xf32, #tpu.memory_space<vmem>>, vector<16xf32>,
        tpu.vector_store %arg6[%swap3A_121, %swap3A_122, %swap3A_123], %mul3A_120 {strides = array<i32>} : memref<4x80x128xf32, #tpu.memory_space<vmem>>, vector<16xf32>,
        %get3A_125 = arith.index_cast %rem3A_46 : i32 to index
        %get3A_126 = arith.index_cast %scan3A_96 : i32 to index
        %get3A_127 = arith.constant 48 : index
        %get3A_128 = tpu.vector_load %arg6[%get3A_125, %get3A_126, %get3A_127] {strides = array<i32>} : memref<4x80x128xf32, #tpu.memory_space<vmem>>, vector<16xf32>,
        %mul3A_129 = arith.mulf %get3A_128, %bitcast3A : vector<16xf32>
        %swap3A_130 = arith.index_cast %rem3A_46 : i32 to index
        %swap3A_131 = arith.index_cast %scan3A_96 : i32 to index
        %swap3A_132 = arith.constant 48 : index
        %swap3A_133 = tpu.vector_load %arg6[%swap3A_130, %swap3A_131, %swap3A_132] {strides = array<i32>} : memref<4x80x128xf32, #tpu.memory_space<vmem>>, vector<16xf32>,
        tpu.vector_store %arg6[%swap3A_130, %swap3A_131, %swap3A_132], %mul3A_129 {strides = array<i32>} : memref<4x80x128xf32, #tpu.memory_space<vmem>>, vector<16xf32>,
        %get3A_134 = arith.index_cast %rem3A_46 : i32 to index
        %get3A_135 = arith.index_cast %scan3A_96 : i32 to index
        %get3A_136 = arith.constant 64 : index
        %get3A_137 = tpu.vector_load %arg6[%get3A_134, %get3A_135, %get3A_136] {strides = array<i32>} : memref<4x80x128xf32, #tpu.memory_space<vmem>>, vector<16xf32>,
        %mul3A_138 = arith.mulf %get3A_137, %bitcast3A : vector<16xf32>
        %swap3A_139 = arith.index_cast %rem3A_46 : i32 to index
        %swap3A_140 = arith.index_cast %scan3A_96 : i32 to index
        %swap3A_141 = arith.constant 64 : index
        %swap3A_142 = tpu.vector_load %arg6[%swap3A_139, %swap3A_140, %swap3A_141] {strides = array<i32>} : memref<4x80x128xf32, #tpu.memory_space<vmem>>, vector<16xf32>,
        tpu.vector_store %arg6[%swap3A_139, %swap3A_140, %swap3A_141], %mul3A_138 {strides = array<i32>} : memref<4x80x128xf32, #tpu.memory_space<vmem>>, vector<16xf32>,
        %get3A_143 = arith.index_cast %rem3A_46 : i32 to index
        %get3A_144 = arith.index_cast %scan3A_96 : i32 to index
        %get3A_145 = arith.constant 80 : index
        %get3A_146 = tpu.vector_load %arg6[%get3A_143, %get3A_144, %get3A_145] {strides = array<i32>} : memref<4x80x128xf32, #tpu.memory_space<vmem>>, vector<16xf32>,
        %mul3A_147 = arith.mulf %get3A_146, %bitcast3A : vector<16xf32>
        %swap3A_148 = arith.index_cast %rem3A_46 : i32 to index
        %swap3A_149 = arith.index_cast %scan3A_96 : i32 to index
        %swap3A_150 = arith.constant 80 : index
        %swap3A_151 = tpu.vector_load %arg6[%swap3A_148, %swap3A_149, %swap3A_150] {strides = array<i32>} : memref<4x80x128xf32, #tpu.memory_space<vmem>>, vector<16xf32>,
        tpu.vector_store %arg6[%swap3A_148, %swap3A_149, %swap3A_150], %mul3A_147 {strides = array<i32>} : memref<4x80x128xf32, #tpu.memory_space<vmem>>, vector<16xf32>,
        %get3A_152 = arith.index_cast %rem3A_46 : i32 to index
        %get3A_153 = arith.index_cast %scan3A_96 : i32 to index
        %get3A_154 = arith.constant 96 : index
        %get3A_155 = tpu.vector_load %arg6[%get3A_152, %get3A_153, %get3A_154] {strides = array<i32>} : memref<4x80x128xf32, #tpu.memory_space<vmem>>, vector<16xf32>,
        %mul3A_156 = arith.mulf %get3A_155, %bitcast3A : vector<16xf32>
        %swap3A_157 = arith.index_cast %rem3A_46 : i32 to index
        %swap3A_158 = arith.index_cast %scan3A_96 : i32 to index
        %swap3A_159 = arith.constant 96 : index
        %swap3A_160 = tpu.vector_load %arg6[%swap3A_157, %swap3A_158, %swap3A_159] {strides = array<i32>} : memref<4x80x128xf32, #tpu.memory_space<vmem>>, vector<16xf32>,
        tpu.vector_store %arg6[%swap3A_157, %swap3A_158, %swap3A_159], %mul3A_156 {strides = array<i32>} : memref<4x80x128xf32, #tpu.memory_space<vmem>>, vector<16xf32>,
        %get3A_161 = arith.index_cast %rem3A_46 : i32 to index
        %get3A_162 = arith.index_cast %scan3A_96 : i32 to index
        %get3A_163 = arith.constant 112 : index
        %get3A_164 = tpu.vector_load %arg6[%get3A_161, %get3A_162, %get3A_163] {strides = array<i32>} : memref<4x80x128xf32, #tpu.memory_space<vmem>>, vector<16xf32>,
        %mul3A_165 = arith.mulf %get3A_164, %bitcast3A : vector<16xf32>
        %swap3A_166 = arith.index_cast %rem3A_46 : i32 to index
        %swap3A_167 = arith.index_cast %scan3A_96 : i32 to index
        %swap3A_168 = arith.constant 112 : index
        %swap3A_169 = tpu.vector_load %arg6[%swap3A_166, %swap3A_167, %swap3A_168] {strides = array<i32>} : memref<4x80x128xf32, #tpu.memory_space<vmem>>, vector<16xf32>,
        tpu.vector_store %arg6[%swap3A_166, %swap3A_167, %swap3A_168], %mul3A_165 {strides = array<i32>} : memref<4x80x128xf32, #tpu.memory_space<vmem>>, vector<16xf32>,
        %scan3A_170 = arith.constant 1 : i32
        %scan3A_171 = arith.addi %scan3A_96, %scan3A_170 : i32
        %broadcast_in_dim3A_172 = vector.broadcast %rem3A_48 : i32 to vector<16xi32>
        %broadcast_in_dim3A_173 = arith.constant 2 : i32
        %broadcast_in_dim3A_174 = vector.broadcast %broadcast_in_dim3A_173 : i32 to vector<16xi32>
        %broadcast_in_dim3A_175 = vector.broadcast %scan3A_171 : i32 to vector<16xi32>
        %gather3A_176 = tpu.vector_load_idx %arg5[%broadcast_in_dim3A_172, %broadcast_in_dim3A_174, %broadcast_in_dim3A_175] : memref<8x4x80xi32, #tpu.memory_space<vmem>>[vector<16xi32>, vector<16xi32>, vector<16xi32>], vector<16xi32>,
        %bitcast3A_177 = vector.bitcast %gather3A_176 : vector<16xi32> to vector<16xf32>
        %get3A_178 = arith.index_cast %rem3A_46 : i32 to index
        %get3A_179 = arith.index_cast %scan3A_171 : i32 to index
        %get3A_180 = arith.constant 0 : index
        %get3A_181 = tpu.vector_load %arg6[%get3A_178, %get3A_179, %get3A_180] {strides = array<i32>} : memref<4x80x128xf32, #tpu.memory_space<vmem>>, vector<16xf32>,
        %mul3A_182 = arith.mulf %get3A_181, %bitcast3A_177 : vector<16xf32>
        %swap3A_183 = arith.index_cast %rem3A_46 : i32 to index
        %swap3A_184 = arith.index_cast %scan3A_171 : i32 to index
        %swap3A_185 = arith.constant 0 : index
        %swap3A_186 = tpu.vector_load %arg6[%swap3A_183, %swap3A_184, %swap3A_185] {strides = array<i32>} : memref<4x80x128xf32, #tpu.memory_space<vmem>>, vector<16xf32>,
        tpu.vector_store %arg6[%swap3A_183, %swap3A_184, %swap3A_185], %mul3A_182 {strides = array<i32>} : memref<4x80x128xf32, #tpu.memory_space<vmem>>, vector<16xf32>,
        %get3A_187 = arith.index_cast %rem3A_46 : i32 to index
        %get3A_188 = arith.index_cast %scan3A_171 : i32 to index
        %get3A_189 = arith.constant 16 : index
        %get3A_190 = tpu.vector_load %arg6[%get3A_187, %get3A_188, %get3A_189] {strides = array<i32>} : memref<4x80x128xf32, #tpu.memory_space<vmem>>, vector<16xf32>,
        %mul3A_191 = arith.mulf %get3A_190, %bitcast3A_177 : vector<16xf32>
        %swap3A_192 = arith.index_cast %rem3A_46 : i32 to index
        %swap3A_193 = arith.index_cast %scan3A_171 : i32 to index
        %swap3A_194 = arith.constant 16 : index
        %swap3A_195 = tpu.vector_load %arg6[%swap3A_192, %swap3A_193, %swap3A_194] {strides = array<i32>} : memref<4x80x128xf32, #tpu.memory_space<vmem>>, vector<16xf32>,
        tpu.vector_store %arg6[%swap3A_192, %swap3A_193, %swap3A_194], %mul3A_191 {strides = array<i32>} : memref<4x80x128xf32, #tpu.memory_space<vmem>>, vector<16xf32>,
        %get3A_196 = arith.index_cast %rem3A_46 : i32 to index
        %get3A_197 = arith.index_cast %scan3A_171 : i32 to index
        %get3A_198 = arith.constant 32 : index
        %get3A_199 = tpu.vector_load %arg6[%get3A_196, %get3A_197, %get3A_198] {strides = array<i32>} : memref<4x80x128xf32, #tpu.memory_space<vmem>>, vector<16xf32>,
        %mul3A_200 = arith.mulf %get3A_199, %bitcast3A_177 : vector<16xf32>
        %swap3A_201 = arith.index_cast %rem3A_46 : i32 to index
        %swap3A_202 = arith.index_cast %scan3A_171 : i32 to index
        %swap3A_203 = arith.constant 32 : index
        %swap3A_204 = tpu.vector_load %arg6[%swap3A_201, %swap3A_202, %swap3A_203] {strides = array<i32>} : memref<4x80x128xf32, #tpu.memory_space<vmem>>, vector<16xf32>,
        tpu.vector_store %arg6[%swap3A_201, %swap3A_202, %swap3A_203], %mul3A_200 {strides = array<i32>} : memref<4x80x128xf32, #tpu.memory_space<vmem>>, vector<16xf32>,
        %get3A_205 = arith.index_cast %rem3A_46 : i32 to index
        %get3A_206 = arith.index_cast %scan3A_171 : i32 to index
        %get3A_207 = arith.constant 48 : index
        %get3A_208 = tpu.vector_load %arg6[%get3A_205, %get3A_206, %get3A_207] {strides = array<i32>} : memref<4x80x128xf32, #tpu.memory_space<vmem>>, vector<16xf32>,
        %mul3A_209 = arith.mulf %get3A_208, %bitcast3A_177 : vector<16xf32>
        %swap3A_210 = arith.index_cast %rem3A_46 : i32 to index
        %swap3A_211 = arith.index_cast %scan3A_171 : i32 to index
        %swap3A_212 = arith.constant 48 : index
        %swap3A_213 = tpu.vector_load %arg6[%swap3A_210, %swap3A_211, %swap3A_212] {strides = array<i32>} : memref<4x80x128xf32, #tpu.memory_space<vmem>>, vector<16xf32>,
        tpu.vector_store %arg6[%swap3A_210, %swap3A_211, %swap3A_212], %mul3A_209 {strides = array<i32>} : memref<4x80x128xf32, #tpu.memory_space<vmem>>, vector<16xf32>,
        %get3A_214 = arith.index_cast %rem3A_46 : i32 to index
        %get3A_215 = arith.index_cast %scan3A_171 : i32 to index
        %get3A_216 = arith.constant 64 : index
        %get3A_217 = tpu.vector_load %arg6[%get3A_214, %get3A_215, %get3A_216] {strides = array<i32>} : memref<4x80x128xf32, #tpu.memory_space<vmem>>, vector<16xf32>,
        %mul3A_218 = arith.mulf %get3A_217, %bitcast3A_177 : vector<16xf32>
        %swap3A_219 = arith.index_cast %rem3A_46 : i32 to index
        %swap3A_220 = arith.index_cast %scan3A_171 : i32 to index
        %swap3A_221 = arith.constant 64 : index
        %swap3A_222 = tpu.vector_load %arg6[%swap3A_219, %swap3A_220, %swap3A_221] {strides = array<i32>} : memref<4x80x128xf32, #tpu.memory_space<vmem>>, vector<16xf32>,
        tpu.vector_store %arg6[%swap3A_219, %swap3A_220, %swap3A_221], %mul3A_218 {strides = array<i32>} : memref<4x80x128xf32, #tpu.memory_space<vmem>>, vector<16xf32>,
        %get3A_223 = arith.index_cast %rem3A_46 : i32 to index
        %get3A_224 = arith.index_cast %scan3A_171 : i32 to index
        %get3A_225 = arith.constant 80 : index
        %get3A_226 = tpu.vector_load %arg6[%get3A_223, %get3A_224, %get3A_225] {strides = array<i32>} : memref<4x80x128xf32, #tpu.memory_space<vmem>>, vector<16xf32>,
        %mul3A_227 = arith.mulf %get3A_226, %bitcast3A_177 : vector<16xf32>
        %swap3A_228 = arith.index_cast %rem3A_46 : i32 to index
        %swap3A_229 = arith.index_cast %scan3A_171 : i32 to index
        %swap3A_230 = arith.constant 80 : index
        %swap3A_231 = tpu.vector_load %arg6[%swap3A_228, %swap3A_229, %swap3A_230] {strides = array<i32>} : memref<4x80x128xf32, #tpu.memory_space<vmem>>, vector<16xf32>,
        tpu.vector_store %arg6[%swap3A_228, %swap3A_229, %swap3A_230], %mul3A_227 {strides = array<i32>} : memref<4x80x128xf32, #tpu.memory_space<vmem>>, vector<16xf32>,
        %get3A_232 = arith.index_cast %rem3A_46 : i32 to index
        %get3A_233 = arith.index_cast %scan3A_171 : i32 to index
        %get3A_234 = arith.constant 96 : index
        %get3A_235 = tpu.vector_load %arg6[%get3A_232, %get3A_233, %get3A_234] {strides = array<i32>} : memref<4x80x128xf32, #tpu.memory_space<vmem>>, vector<16xf32>,
        %mul3A_236 = arith.mulf %get3A_235, %bitcast3A_177 : vector<16xf32>
        %swap3A_237 = arith.index_cast %rem3A_46 : i32 to index
        %swap3A_238 = arith.index_cast %scan3A_171 : i32 to index
        %swap3A_239 = arith.constant 96 : index
        %swap3A_240 = tpu.vector_load %arg6[%swap3A_237, %swap3A_238, %swap3A_239] {strides = array<i32>} : memref<4x80x128xf32, #tpu.memory_space<vmem>>, vector<16xf32>,
        tpu.vector_store %arg6[%swap3A_237, %swap3A_238, %swap3A_239], %mul3A_236 {strides = array<i32>} : memref<4x80x128xf32, #tpu.memory_space<vmem>>, vector<16xf32>,
        %get3A_241 = arith.index_cast %rem3A_46 : i32 to index
        %get3A_242 = arith.index_cast %scan3A_171 : i32 to index
        %get3A_243 = arith.constant 112 : index
        %get3A_244 = tpu.vector_load %arg6[%get3A_241, %get3A_242, %get3A_243] {strides = array<i32>} : memref<4x80x128xf32, #tpu.memory_space<vmem>>, vector<16xf32>,
        %mul3A_245 = arith.mulf %get3A_244, %bitcast3A_177 : vector<16xf32>
        %swap3A_246 = arith.index_cast %rem3A_46 : i32 to index
        %swap3A_247 = arith.index_cast %scan3A_171 : i32 to index
        %swap3A_248 = arith.constant 112 : index
        %swap3A_249 = tpu.vector_load %arg6[%swap3A_246, %swap3A_247, %swap3A_248] {strides = array<i32>} : memref<4x80x128xf32, #tpu.memory_space<vmem>>, vector<16xf32>,
        tpu.vector_store %arg6[%swap3A_246, %swap3A_247, %swap3A_248], %mul3A_245 {strides = array<i32>} : memref<4x80x128xf32, #tpu.memory_space<vmem>>, vector<16xf32>,
        %scan3A_250 = arith.constant 2 : i32
        %scan3A_251 = arith.addi %scan3A_96, %scan3A_250 : i32
        %broadcast_in_dim3A_252 = vector.broadcast %rem3A_48 : i32 to vector<16xi32>
        %broadcast_in_dim3A_253 = arith.constant 2 : i32
        %broadcast_in_dim3A_254 = vector.broadcast %broadcast_in_dim3A_253 : i32 to vector<16xi32>
        %broadcast_in_dim3A_255 = vector.broadcast %scan3A_251 : i32 to vector<16xi32>
        %gather3A_256 = tpu.vector_load_idx %arg5[%broadcast_in_dim3A_252, %broadcast_in_dim3A_254, %broadcast_in_dim3A_255] : memref<8x4x80xi32, #tpu.memory_space<vmem>>[vector<16xi32>, vector<16xi32>, vector<16xi32>], vector<16xi32>,
        %bitcast3A_257 = vector.bitcast %gather3A_256 : vector<16xi32> to vector<16xf32>
        %get3A_258 = arith.index_cast %rem3A_46 : i32 to index
        %get3A_259 = arith.index_cast %scan3A_251 : i32 to index
        %get3A_260 = arith.constant 0 : index
        %get3A_261 = tpu.vector_load %arg6[%get3A_258, %get3A_259, %get3A_260] {strides = array<i32>} : memref<4x80x128xf32, #tpu.memory_space<vmem>>, vector<16xf32>,
        %mul3A_262 = arith.mulf %get3A_261, %bitcast3A_257 : vector<16xf32>
        %swap3A_263 = arith.index_cast %rem3A_46 : i32 to index
        %swap3A_264 = arith.index_cast %scan3A_251 : i32 to index
        %swap3A_265 = arith.constant 0 : index
        %swap3A_266 = tpu.vector_load %arg6[%swap3A_263, %swap3A_264, %swap3A_265] {strides = array<i32>} : memref<4x80x128xf32, #tpu.memory_space<vmem>>, vector<16xf32>,
        tpu.vector_store %arg6[%swap3A_263, %swap3A_264, %swap3A_265], %mul3A_262 {strides = array<i32>} : memref<4x80x128xf32, #tpu.memory_space<vmem>>, vector<16xf32>,
        %get3A_267 = arith.index_cast %rem3A_46 : i32 to index
        %get3A_268 = arith.index_cast %scan3A_251 : i32 to index
        %get3A_269 = arith.constant 16 : index
        %get3A_270 = tpu.vector_load %arg6[%get3A_267, %get3A_268, %get3A_269] {strides = array<i32>} : memref<4x80x128xf32, #tpu.memory_space<vmem>>, vector<16xf32>,
        %mul3A_271 = arith.mulf %get3A_270, %bitcast3A_257 : vector<16xf32>
        %swap3A_272 = arith.index_cast %rem3A_46 : i32 to index
        %swap3A_273 = arith.index_cast %scan3A_251 : i32 to index
        %swap3A_274 = arith.constant 16 : index
        %swap3A_275 = tpu.vector_load %arg6[%swap3A_272, %swap3A_273, %swap3A_274] {strides = array<i32>} : memref<4x80x128xf32, #tpu.memory_space<vmem>>, vector<16xf32>,
        tpu.vector_store %arg6[%swap3A_272, %swap3A_273, %swap3A_274], %mul3A_271 {strides = array<i32>} : memref<4x80x128xf32, #tpu.memory_space<vmem>>, vector<16xf32>,
        %get3A_276 = arith.index_cast %rem3A_46 : i32 to index
        %get3A_277 = arith.index_cast %scan3A_251 : i32 to index
        %get3A_278 = arith.constant 32 : index
        %get3A_279 = tpu.vector_load %arg6[%get3A_276, %get3A_277, %get3A_278] {strides = array<i32>} : memref<4x80x128xf32, #tpu.memory_space<vmem>>, vector<16xf32>,
        %mul3A_280 = arith.mulf %get3A_279, %bitcast3A_257 : vector<16xf32>
        %swap3A_281 = arith.index_cast %rem3A_46 : i32 to index
        %swap3A_282 = arith.index_cast %scan3A_251 : i32 to index
        %swap3A_283 = arith.constant 32 : index
        %swap3A_284 = tpu.vector_load %arg6[%swap3A_281, %swap3A_282, %swap3A_283] {strides = array<i32>} : memref<4x80x128xf32, #tpu.memory_space<vmem>>, vector<16xf32>,
        tpu.vector_store %arg6[%swap3A_281, %swap3A_282, %swap3A_283], %mul3A_280 {strides = array<i32>} : memref<4x80x128xf32, #tpu.memory_space<vmem>>, vector<16xf32>,
        %get3A_285 = arith.index_cast %rem3A_46 : i32 to index
        %get3A_286 = arith.index_cast %scan3A_251 : i32 to index
        %get3A_287 = arith.constant 48 : index
        %get3A_288 = tpu.vector_load %arg6[%get3A_285, %get3A_286, %get3A_287] {strides = array<i32>} : memref<4x80x128xf32, #tpu.memory_space<vmem>>, vector<16xf32>,
        %mul3A_289 = arith.mulf %get3A_288, %bitcast3A_257 : vector<16xf32>
        %swap3A_290 = arith.index_cast %rem3A_46 : i32 to index
        %swap3A_291 = arith.index_cast %scan3A_251 : i32 to index
        %swap3A_292 = arith.constant 48 : index
        %swap3A_293 = tpu.vector_load %arg6[%swap3A_290, %swap3A_291, %swap3A_292] {strides = array<i32>} : memref<4x80x128xf32, #tpu.memory_space<vmem>>, vector<16xf32>,
        tpu.vector_store %arg6[%swap3A_290, %swap3A_291, %swap3A_292], %mul3A_289 {strides = array<i32>} : memref<4x80x128xf32, #tpu.memory_space<vmem>>, vector<16xf32>,
        %get3A_294 = arith.index_cast %rem3A_46 : i32 to index
        %get3A_295 = arith.index_cast %scan3A_251 : i32 to index
        %get3A_296 = arith.constant 64 : index
        %get3A_297 = tpu.vector_load %arg6[%get3A_294, %get3A_295, %get3A_296] {strides = array<i32>} : memref<4x80x128xf32, #tpu.memory_space<vmem>>, vector<16xf32>,
        %mul3A_298 = arith.mulf %get3A_297, %bitcast3A_257 : vector<16xf32>
        %swap3A_299 = arith.index_cast %rem3A_46 : i32 to index
        %swap3A_300 = arith.index_cast %scan3A_251 : i32 to index
        %swap3A_301 = arith.constant 64 : index
        %swap3A_302 = tpu.vector_load %arg6[%swap3A_299, %swap3A_300, %swap3A_301] {strides = array<i32>} : memref<4x80x128xf32, #tpu.memory_space<vmem>>, vector<16xf32>,
        tpu.vector_store %arg6[%swap3A_299, %swap3A_300, %swap3A_301], %mul3A_298 {strides = array<i32>} : memref<4x80x128xf32, #tpu.memory_space<vmem>>, vector<16xf32>,
        %get3A_303 = arith.index_cast %rem3A_46 : i32 to index
        %get3A_304 = arith.index_cast %scan3A_251 : i32 to index
        %get3A_305 = arith.constant 80 : index
        %get3A_306 = tpu.vector_load %arg6[%get3A_303, %get3A_304, %get3A_305] {strides = array<i32>} : memref<4x80x128xf32, #tpu.memory_space<vmem>>, vector<16xf32>,
        %mul3A_307 = arith.mulf %get3A_306, %bitcast3A_257 : vector<16xf32>
        %swap3A_308 = arith.index_cast %rem3A_46 : i32 to index
        %swap3A_309 = arith.index_cast %scan3A_251 : i32 to index
        %swap3A_310 = arith.constant 80 : index
        %swap3A_311 = tpu.vector_load %arg6[%swap3A_308, %swap3A_309, %swap3A_310] {strides = array<i32>} : memref<4x80x128xf32, #tpu.memory_space<vmem>>, vector<16xf32>,
        tpu.vector_store %arg6[%swap3A_308, %swap3A_309, %swap3A_310], %mul3A_307 {strides = array<i32>} : memref<4x80x128xf32, #tpu.memory_space<vmem>>, vector<16xf32>,
        %get3A_312 = arith.index_cast %rem3A_46 : i32 to index
        %get3A_313 = arith.index_cast %scan3A_251 : i32 to index
        %get3A_314 = arith.constant 96 : index
        %get3A_315 = tpu.vector_load %arg6[%get3A_312, %get3A_313, %get3A_314] {strides = array<i32>} : memref<4x80x128xf32, #tpu.memory_space<vmem>>, vector<16xf32>,
        %mul3A_316 = arith.mulf %get3A_315, %bitcast3A_257 : vector<16xf32>
        %swap3A_317 = arith.index_cast %rem3A_46 : i32 to index
        %swap3A_318 = arith.index_cast %scan3A_251 : i32 to index
        %swap3A_319 = arith.constant 96 : index
        %swap3A_320 = tpu.vector_load %arg6[%swap3A_317, %swap3A_318, %swap3A_319] {strides = array<i32>} : memref<4x80x128xf32, #tpu.memory_space<vmem>>, vector<16xf32>,
        tpu.vector_store %arg6[%swap3A_317, %swap3A_318, %swap3A_319], %mul3A_316 {strides = array<i32>} : memref<4x80x128xf32, #tpu.memory_space<vmem>>, vector<16xf32>,
        %get3A_321 = arith.index_cast %rem3A_46 : i32 to index
        %get3A_322 = arith.index_cast %scan3A_251 : i32 to index
        %get3A_323 = arith.constant 112 : index
        %get3A_324 = tpu.vector_load %arg6[%get3A_321, %get3A_322, %get3A_323] {strides = array<i32>} : memref<4x80x128xf32, #tpu.memory_space<vmem>>, vector<16xf32>,
        %mul3A_325 = arith.mulf %get3A_324, %bitcast3A_257 : vector<16xf32>
        %swap3A_326 = arith.index_cast %rem3A_46 : i32 to index
        %swap3A_327 = arith.index_cast %scan3A_251 : i32 to index
        %swap3A_328 = arith.constant 112 : index
        %swap3A_329 = tpu.vector_load %arg6[%swap3A_326, %swap3A_327, %swap3A_328] {strides = array<i32>} : memref<4x80x128xf32, #tpu.memory_space<vmem>>, vector<16xf32>,
        tpu.vector_store %arg6[%swap3A_326, %swap3A_327, %swap3A_328], %mul3A_325 {strides = array<i32>} : memref<4x80x128xf32, #tpu.memory_space<vmem>>, vector<16xf32>,
        %scan3A_330 = arith.constant 3 : i32
        %scan3A_331 = arith.addi %scan3A_96, %scan3A_330 : i32
        %broadcast_in_dim3A_332 = vector.broadcast %rem3A_48 : i32 to vector<16xi32>
        %broadcast_in_dim3A_333 = arith.constant 2 : i32
        %broadcast_in_dim3A_334 = vector.broadcast %broadcast_in_dim3A_333 : i32 to vector<16xi32>
        %broadcast_in_dim3A_335 = vector.broadcast %scan3A_331 : i32 to vector<16xi32>
        %gather3A_336 = tpu.vector_load_idx %arg5[%broadcast_in_dim3A_332, %broadcast_in_dim3A_334, %broadcast_in_dim3A_335] : memref<8x4x80xi32, #tpu.memory_space<vmem>>[vector<16xi32>, vector<16xi32>, vector<16xi32>], vector<16xi32>,
        %bitcast3A_337 = vector.bitcast %gather3A_336 : vector<16xi32> to vector<16xf32>
        %get3A_338 = arith.index_cast %rem3A_46 : i32 to index
        %get3A_339 = arith.index_cast %scan3A_331 : i32 to index
        %get3A_340 = arith.constant 0 : index
        %get3A_341 = tpu.vector_load %arg6[%get3A_338, %get3A_339, %get3A_340] {strides = array<i32>} : memref<4x80x128xf32, #tpu.memory_space<vmem>>, vector<16xf32>,
        %mul3A_342 = arith.mulf %get3A_341, %bitcast3A_337 : vector<16xf32>
        %swap3A_343 = arith.index_cast %rem3A_46 : i32 to index
        %swap3A_344 = arith.index_cast %scan3A_331 : i32 to index
        %swap3A_345 = arith.constant 0 : index
        %swap3A_346 = tpu.vector_load %arg6[%swap3A_343, %swap3A_344, %swap3A_345] {strides = array<i32>} : memref<4x80x128xf32, #tpu.memory_space<vmem>>, vector<16xf32>,
        tpu.vector_store %arg6[%swap3A_343, %swap3A_344, %swap3A_345], %mul3A_342 {strides = array<i32>} : memref<4x80x128xf32, #tpu.memory_space<vmem>>, vector<16xf32>,
        %get3A_347 = arith.index_cast %rem3A_46 : i32 to index
        %get3A_348 = arith.index_cast %scan3A_331 : i32 to index
        %get3A_349 = arith.constant 16 : index
        %get3A_350 = tpu.vector_load %arg6[%get3A_347, %get3A_348, %get3A_349] {strides = array<i32>} : memref<4x80x128xf32, #tpu.memory_space<vmem>>, vector<16xf32>,
        %mul3A_351 = arith.mulf %get3A_350, %bitcast3A_337 : vector<16xf32>
        %swap3A_352 = arith.index_cast %rem3A_46 : i32 to index
        %swap3A_353 = arith.index_cast %scan3A_331 : i32 to index
        %swap3A_354 = arith.constant 16 : index
        %swap3A_355 = tpu.vector_load %arg6[%swap3A_352, %swap3A_353, %swap3A_354] {strides = array<i32>} : memref<4x80x128xf32, #tpu.memory_space<vmem>>, vector<16xf32>,
        tpu.vector_store %arg6[%swap3A_352, %swap3A_353, %swap3A_354], %mul3A_351 {strides = array<i32>} : memref<4x80x128xf32, #tpu.memory_space<vmem>>, vector<16xf32>,
        %get3A_356 = arith.index_cast %rem3A_46 : i32 to index
        %get3A_357 = arith.index_cast %scan3A_331 : i32 to index
        %get3A_358 = arith.constant 32 : index
        %get3A_359 = tpu.vector_load %arg6[%get3A_356, %get3A_357, %get3A_358] {strides = array<i32>} : memref<4x80x128xf32, #tpu.memory_space<vmem>>, vector<16xf32>,
        %mul3A_360 = arith.mulf %get3A_359, %bitcast3A_337 : vector<16xf32>
        %swap3A_361 = arith.index_cast %rem3A_46 : i32 to index
        %swap3A_362 = arith.index_cast %scan3A_331 : i32 to index
        %swap3A_363 = arith.constant 32 : index
        %swap3A_364 = tpu.vector_load %arg6[%swap3A_361, %swap3A_362, %swap3A_363] {strides = array<i32>} : memref<4x80x128xf32, #tpu.memory_space<vmem>>, vector<16xf32>,
        tpu.vector_store %arg6[%swap3A_361, %swap3A_362, %swap3A_363], %mul3A_360 {strides = array<i32>} : memref<4x80x128xf32, #tpu.memory_space<vmem>>, vector<16xf32>,
        %get3A_365 = arith.index_cast %rem3A_46 : i32 to index
        %get3A_366 = arith.index_cast %scan3A_331 : i32 to index
        %get3A_367 = arith.constant 48 : index
        %get3A_368 = tpu.vector_load %arg6[%get3A_365, %get3A_366, %get3A_367] {strides = array<i32>} : memref<4x80x128xf32, #tpu.memory_space<vmem>>, vector<16xf32>,
        %mul3A_369 = arith.mulf %get3A_368, %bitcast3A_337 : vector<16xf32>
        %swap3A_370 = arith.index_cast %rem3A_46 : i32 to index
        %swap3A_371 = arith.index_cast %scan3A_331 : i32 to index
        %swap3A_372 = arith.constant 48 : index
        %swap3A_373 = tpu.vector_load %arg6[%swap3A_370, %swap3A_371, %swap3A_372] {strides = array<i32>} : memref<4x80x128xf32, #tpu.memory_space<vmem>>, vector<16xf32>,
        tpu.vector_store %arg6[%swap3A_370, %swap3A_371, %swap3A_372], %mul3A_369 {strides = array<i32>} : memref<4x80x128xf32, #tpu.memory_space<vmem>>, vector<16xf32>,
        %get3A_374 = arith.index_cast %rem3A_46 : i32 to index
        %get3A_375 = arith.index_cast %scan3A_331 : i32 to index
        %get3A_376 = arith.constant 64 : index
        %get3A_377 = tpu.vector_load %arg6[%get3A_374, %get3A_375, %get3A_376] {strides = array<i32>} : memref<4x80x128xf32, #tpu.memory_space<vmem>>, vector<16xf32>,
        %mul3A_378 = arith.mulf %get3A_377, %bitcast3A_337 : vector<16xf32>
        %swap3A_379 = arith.index_cast %rem3A_46 : i32 to index
        %swap3A_380 = arith.index_cast %scan3A_331 : i32 to index
        %swap3A_381 = arith.constant 64 : index
        %swap3A_382 = tpu.vector_load %arg6[%swap3A_379, %swap3A_380, %swap3A_381] {strides = array<i32>} : memref<4x80x128xf32, #tpu.memory_space<vmem>>, vector<16xf32>,
        tpu.vector_store %arg6[%swap3A_379, %swap3A_380, %swap3A_381], %mul3A_378 {strides = array<i32>} : memref<4x80x128xf32, #tpu.memory_space<vmem>>, vector<16xf32>,
        %get3A_383 = arith.index_cast %rem3A_46 : i32 to index
        %get3A_384 = arith.index_cast %scan3A_331 : i32 to index
        %get3A_385 = arith.constant 80 : index
        %get3A_386 = tpu.vector_load %arg6[%get3A_383, %get3A_384, %get3A_385] {strides = array<i32>} : memref<4x80x128xf32, #tpu.memory_space<vmem>>, vector<16xf32>,
        %mul3A_387 = arith.mulf %get3A_386, %bitcast3A_337 : vector<16xf32>
        %swap3A_388 = arith.index_cast %rem3A_46 : i32 to index
        %swap3A_389 = arith.index_cast %scan3A_331 : i32 to index
        %swap3A_390 = arith.constant 80 : index
        %swap3A_391 = tpu.vector_load %arg6[%swap3A_388, %swap3A_389, %swap3A_390] {strides = array<i32>} : memref<4x80x128xf32, #tpu.memory_space<vmem>>, vector<16xf32>,
        tpu.vector_store %arg6[%swap3A_388, %swap3A_389, %swap3A_390], %mul3A_387 {strides = array<i32>} : memref<4x80x128xf32, #tpu.memory_space<vmem>>, vector<16xf32>,
        %get3A_392 = arith.index_cast %rem3A_46 : i32 to index
        %get3A_393 = arith.index_cast %scan3A_331 : i32 to index
        %get3A_394 = arith.constant 96 : index
        %get3A_395 = tpu.vector_load %arg6[%get3A_392, %get3A_393, %get3A_394] {strides = array<i32>} : memref<4x80x128xf32, #tpu.memory_space<vmem>>, vector<16xf32>,
        %mul3A_396 = arith.mulf %get3A_395, %bitcast3A_337 : vector<16xf32>
        %swap3A_397 = arith.index_cast %rem3A_46 : i32 to index
        %swap3A_398 = arith.index_cast %scan3A_331 : i32 to index
        %swap3A_399 = arith.constant 96 : index
        %swap3A_400 = tpu.vector_load %arg6[%swap3A_397, %swap3A_398, %swap3A_399] {strides = array<i32>} : memref<4x80x128xf32, #tpu.memory_space<vmem>>, vector<16xf32>,
        tpu.vector_store %arg6[%swap3A_397, %swap3A_398, %swap3A_399], %mul3A_396 {strides = array<i32>} : memref<4x80x128xf32, #tpu.memory_space<vmem>>, vector<16xf32>,
        %get3A_401 = arith.index_cast %rem3A_46 : i32 to index
        %get3A_402 = arith.index_cast %scan3A_331 : i32 to index
        %get3A_403 = arith.constant 112 : index
        %get3A_404 = tpu.vector_load %arg6[%get3A_401, %get3A_402, %get3A_403] {strides = array<i32>} : memref<4x80x128xf32, #tpu.memory_space<vmem>>, vector<16xf32>,
        %mul3A_405 = arith.mulf %get3A_404, %bitcast3A_337 : vector<16xf32>
        %swap3A_406 = arith.index_cast %rem3A_46 : i32 to index
        %swap3A_407 = arith.index_cast %scan3A_331 : i32 to index
        %swap3A_408 = arith.constant 112 : index
        %swap3A_409 = tpu.vector_load %arg6[%swap3A_406, %swap3A_407, %swap3A_408] {strides = array<i32>} : memref<4x80x128xf32, #tpu.memory_space<vmem>>, vector<16xf32>,
        tpu.vector_store %arg6[%swap3A_406, %swap3A_407, %swap3A_408], %mul3A_405 {strides = array<i32>} : memref<4x80x128xf32, #tpu.memory_space<vmem>>, vector<16xf32>,
      }
      %scan3A_83 = arith.constant 80 : i32
      %dma_start3A = arith.constant 1 : i32
      %dma_start3A_84 = arith.constant 0 : i32
      %dma_start3A_85 = arith.constant 0 : i32
      %dma_start3A_86 = tpu.memref_slice %arg6[%rem3A_46, %dma_start3A_84, %dma_start3A_85] : memref<4x80x128xf32, #tpu.memory_space<vmem>> -> memref<1x80x128xf32, #tpu.memory_space<vmem>>
      %dma_start3A_87 = tpu.memref_squeeze %dma_start3A_86 : memref<1x80x128xf32, #tpu.memory_space<vmem>> -> memref<80x128xf32, #tpu.memory_space<vmem>>
      %dma_start3A_88 = arith.constant 0 : i32
      %dma_start3A_89 = tpu.memref_slice %arg5[%rem3A_48, %dma_start3A, %dma_start3A_88] : memref<8x4x80xi32, #tpu.memory_space<vmem>> -> memref<1x1x80xi32, #tpu.memory_space<vmem>>
      %dma_start3A_90 = tpu.memref_squeeze %dma_start3A_89 : memref<1x1x80xi32, #tpu.memory_space<vmem>> -> memref<80xi32, #tpu.memory_space<vmem>>
      %dma_start3A_91 = arith.constant 0 : i32
      %dma_start3A_92 = arith.constant 0 : i32
      %dma_start3A_93 = tpu.memref_slice %arg7[%dma_start3A_91, %dma_start3A_92] : memref<10000x128xf32, #tpu.memory_space<vmem_shared>> -> memref<10000x128xf32, #tpu.memory_space<vmem_shared>>
      %dma_start3A_94 = tpu.memref_slice %arg10[%rem3A_46] : memref<4x!tpu.dma_semaphore, #tpu.memory_space<semaphore_mem>> -> memref<1x!tpu.dma_semaphore, #tpu.memory_space<semaphore_mem>>
      %dma_start3A_95 = tpu.memref_squeeze %dma_start3A_94 : memref<1x!tpu.dma_semaphore, #tpu.memory_space<semaphore_mem>> -> memref<!tpu.dma_semaphore, #tpu.memory_space<semaphore_mem>>
      tpu.enqueue_indirect_dma source(%dma_start3A_87 : memref<80x128xf32, #tpu.memory_space<vmem>>) target(%dma_start3A_93 : memref<10000x128xf32, #tpu.memory_space<vmem_shared>>) offsets(%dma_start3A_90 : memref<80xi32, #tpu.memory_space<vmem>>) semaphore(%dma_start3A_95 : memref<!tpu.dma_semaphore, #tpu.memory_space<semaphore_mem>>) {add = true}
    }
    %scan3A_33 = arith.constant 125 : i32
    %scan3A_34 = arith.constant 0 : i32
    %scan3A_35 = arith.constant 123 : i32
    %scan3A_36 = arith.constant 2 : i32
    %scan3A_37 = arith.addi %scan3A_35, %scan3A_36 : i32
    %scan3A_38 = arith.constant 1 : i32
    scf.for %scan3A_45 = %scan3A_35 to %scan3A_37 step %scan3A_38  : i32 {
      %rem3A = arith.constant 4 : i32
      %rem3A_46 = arith.remsi %scan3A_45, %rem3A : i32
      %rem3A_47 = arith.constant 8 : i32
      %rem3A_48 = arith.remsi %scan3A_45, %rem3A_47 : i32
      %dma_wait3A = arith.constant 1 : i32
      %dma_wait3A_49 = arith.constant 0 : i32
      %dma_wait3A_50 = arith.constant 0 : i32
      %dma_wait3A_51 = tpu.memref_slice %arg6[%rem3A_46, %dma_wait3A_49, %dma_wait3A_50] : memref<4x80x128xf32, #tpu.memory_space<vmem>> -> memref<1x80x128xf32, #tpu.memory_space<vmem>>
      %dma_wait3A_52 = tpu.memref_squeeze %dma_wait3A_51 : memref<1x80x128xf32, #tpu.memory_space<vmem>> -> memref<80x128xf32, #tpu.memory_space<vmem>>
      %dma_wait3A_53 = arith.constant 0 : i32
      %dma_wait3A_54 = tpu.memref_slice %arg5[%rem3A_48, %dma_wait3A, %dma_wait3A_53] : memref<8x4x80xi32, #tpu.memory_space<vmem>> -> memref<1x1x80xi32, #tpu.memory_space<vmem>>
      %dma_wait3A_55 = tpu.memref_squeeze %dma_wait3A_54 : memref<1x1x80xi32, #tpu.memory_space<vmem>> -> memref<80xi32, #tpu.memory_space<vmem>>
      %dma_wait3A_56 = arith.constant 0 : i32
      %dma_wait3A_57 = arith.constant 0 : i32
      %dma_wait3A_58 = tpu.memref_slice %arg7[%dma_wait3A_56, %dma_wait3A_57] : memref<10000x128xf32, #tpu.memory_space<vmem_shared>> -> memref<10000x128xf32, #tpu.memory_space<vmem_shared>>
      %dma_wait3A_59 = tpu.memref_slice %arg10[%rem3A_46] : memref<4x!tpu.dma_semaphore, #tpu.memory_space<semaphore_mem>> -> memref<1x!tpu.dma_semaphore, #tpu.memory_space<semaphore_mem>>
      %dma_wait3A_60 = tpu.memref_squeeze %dma_wait3A_59 : memref<1x!tpu.dma_semaphore, #tpu.memory_space<semaphore_mem>> -> memref<!tpu.dma_semaphore, #tpu.memory_space<semaphore_mem>>
      tpu.wait_indirect_dma semaphore(%dma_wait3A_60 : memref<!tpu.dma_semaphore, #tpu.memory_space<semaphore_mem>>) src(%dma_wait3A_52 : memref<80x128xf32, #tpu.memory_space<vmem>>) dst(%dma_wait3A_58 : memref<10000x128xf32, #tpu.memory_space<vmem_shared>>)
    }
    %scan3A_39 = arith.constant 2 : i32
    %barrier3A_40 = arith.constant 0 : index
    tpu.barrier barrier_id(%barrier3A_40)
    %mul3A_41 = arith.constant 624 : i32
    %mul3A_42 = arith.muli %arg1, %mul3A_41 : i32
    %multiple_of3A = tpu.assume_multiple %mul3A_42, 8 : i32
    "tpu.region"() ({
      %run_scoped3A_45 = tpu.sem_alloc : memref<!tpu.dma_semaphore, #tpu.memory_space<semaphore_mem>>
      %dma_start3A = arith.constant 0 : i32
      %dma_start3A_46 = tpu.memref_slice %arg4[%arg0, %multiple_of3A, %dma_start3A] : memref<2x10000x128xf32, #tpu.memory_space<hbm>> -> memref<1x624x128xf32, #tpu.memory_space<hbm>>
      %dma_start3A_47 = tpu.memref_squeeze %dma_start3A_46 : memref<1x624x128xf32, #tpu.memory_space<hbm>> -> memref<624x128xf32, #tpu.memory_space<hbm>>
      %dma_start3A_48 = arith.constant 0 : i32
      %dma_start3A_49 = tpu.memref_slice %arg7[%multiple_of3A, %dma_start3A_48] : memref<10000x128xf32, #tpu.memory_space<vmem_shared>> -> memref<624x128xf32, #tpu.memory_space<vmem_shared>>
      tpu.enqueue_dma source(%dma_start3A_49 : memref<624x128xf32, #tpu.memory_space<vmem_shared>>) target(%dma_start3A_47 : memref<624x128xf32, #tpu.memory_space<hbm>>) target_semaphore(%run_scoped3A_45 : memref<!tpu.dma_semaphore, #tpu.memory_space<semaphore_mem>>)
      %dma_wait3A = arith.constant 0 : i32
      %dma_wait3A_50 = tpu.memref_slice %arg4[%arg0, %multiple_of3A, %dma_wait3A] : memref<2x10000x128xf32, #tpu.memory_space<hbm>> -> memref<1x624x128xf32, #tpu.memory_space<hbm>>
      %dma_wait3A_51 = tpu.memref_squeeze %dma_wait3A_50 : memref<1x624x128xf32, #tpu.memory_space<hbm>> -> memref<624x128xf32, #tpu.memory_space<hbm>>
      %dma_wait3A_52 = arith.constant 0 : i32
      %dma_wait3A_53 = tpu.memref_slice %arg7[%multiple_of3A, %dma_wait3A_52] : memref<10000x128xf32, #tpu.memory_space<vmem_shared>> -> memref<624x128xf32, #tpu.memory_space<vmem_shared>>
      tpu.wait_dma2 semaphore(%run_scoped3A_45 : memref<!tpu.dma_semaphore, #tpu.memory_space<semaphore_mem>>) src(%dma_wait3A_53 : memref<624x128xf32, #tpu.memory_space<vmem_shared>>) dst(%dma_wait3A_51 : memref<624x128xf32, #tpu.memory_space<hbm>>)
      tpu.yield
    }) : () -> ()
    %eq3A = arith.constant 15 : i32
    %eq3A_43 = arith.cmpi eq, %arg1, %eq3A : i32
    %convert_element_type3A = arith.extui %eq3A_43 : i1 to i32
    %cond3A = arith.constant 0 : i32
    %cond3A_44 = arith.cmpi ne, %convert_element_type3A, %cond3A : i32
    scf.if %cond3A_44 {
      "tpu.region"() ({
        %run_scoped3A_45 = tpu.sem_alloc : memref<!tpu.dma_semaphore, #tpu.memory_space<semaphore_mem>>
        %dma_start3A = arith.constant 9984 : i32
        %dma_start3A_46 = arith.constant 0 : i32
        %dma_start3A_47 = tpu.memref_slice %arg4[%arg0, %dma_start3A, %dma_start3A_46] : memref<2x10000x128xf32, #tpu.memory_space<hbm>> -> memref<1x16x128xf32, #tpu.memory_space<hbm>>
        %dma_start3A_48 = tpu.memref_squeeze %dma_start3A_47 : memref<1x16x128xf32, #tpu.memory_space<hbm>> -> memref<16x128xf32, #tpu.memory_space<hbm>>
        %dma_start3A_49 = arith.constant 9984 : i32
        %dma_start3A_50 = arith.constant 0 : i32
        %dma_start3A_51 = tpu.memref_slice %arg7[%dma_start3A_49, %dma_start3A_50] : memref<10000x128xf32, #tpu.memory_space<vmem_shared>> -> memref<16x128xf32, #tpu.memory_space<vmem_shared>>
        tpu.enqueue_dma source(%dma_start3A_51 : memref<16x128xf32, #tpu.memory_space<vmem_shared>>) target(%dma_start3A_48 : memref<16x128xf32, #tpu.memory_space<hbm>>) target_semaphore(%run_scoped3A_45 : memref<!tpu.dma_semaphore, #tpu.memory_space<semaphore_mem>>)
        %dma_wait3A = arith.constant 9984 : i32
        %dma_wait3A_52 = arith.constant 0 : i32
        %dma_wait3A_53 = tpu.memref_slice %arg4[%arg0, %dma_wait3A, %dma_wait3A_52] : memref<2x10000x128xf32, #tpu.memory_space<hbm>> -> memref<1x16x128xf32, #tpu.memory_space<hbm>>
        %dma_wait3A_54 = tpu.memref_squeeze %dma_wait3A_53 : memref<1x16x128xf32, #tpu.memory_space<hbm>> -> memref<16x128xf32, #tpu.memory_space<hbm>>
        %dma_wait3A_55 = arith.constant 9984 : i32
        %dma_wait3A_56 = arith.constant 0 : i32
        %dma_wait3A_57 = tpu.memref_slice %arg7[%dma_wait3A_55, %dma_wait3A_56] : memref<10000x128xf32, #tpu.memory_space<vmem_shared>> -> memref<16x128xf32, #tpu.memory_space<vmem_shared>>
        tpu.wait_dma2 semaphore(%run_scoped3A_45 : memref<!tpu.dma_semaphore, #tpu.memory_space<semaphore_mem>>) src(%dma_wait3A_57 : memref<16x128xf32, #tpu.memory_space<vmem_shared>>) dst(%dma_wait3A_54 : memref<16x128xf32, #tpu.memory_space<hbm>>)
        tpu.yield
      }) : () -> ()
    } else {
    }
    return
  }
}

module attributes {stable_mosaic.version = 14 : i64} {
  func.func @_ab_kernel(%arg0: memref<10000x128xf32, #tpu.memory_space<vmem>>, %arg1: memref<2x128xf32, #tpu.memory_space<vmem>>, %arg2: memref<2x1xf32, #tpu.memory_space<vmem>>, %arg3: memref<10000xf32, #tpu.memory_space<vmem>>, %arg4: memref<3x10000xf32, #tpu.memory_space<vmem>>) attributes {dimension_semantics = [], scalar_prefetch = 0 : i64, scratch_operands = 0 : i64, tpu.core_type = #tpu.core_type<tc>} {
    %get3A = arith.constant 0 : index
    %get3A_0 = arith.constant 0 : index
    %get3A_1 = vector.load %arg1[%get3A, %get3A_0] : memref<2x128xf32, #tpu.memory_space<vmem>>, vector<2x128xf32>
    %get3A_2 = arith.constant 0 : index
    %get3A_3 = arith.constant 0 : index
    %get3A_4 = vector.load %arg0[%get3A_2, %get3A_3] : memref<10000x128xf32, #tpu.memory_space<vmem>>, vector<10000x128xf32>
    %dot_general3A = arith.constant dense<0.000000e+00> : vector<2x10000xf32>
    %dot_general3A_5 = tpu.matmul %get3A_1, %get3A_4, %dot_general3A {dimension_numbers = #tpu.dot_dimension_numbers<[1], [1], [0], [0], [0, 0, 1, 0], [], []>, transpose_lhs_hint = false} : vector<2x128xf32>, vector<10000x128xf32>, vector<2x10000xf32> -> vector<2x10000xf32>
    %get3A_6 = arith.constant 0 : index
    %get3A_7 = arith.constant 0 : index
    %get3A_8 = vector.load %arg2[%get3A_6, %get3A_7] : memref<2x1xf32, #tpu.memory_space<vmem>>, vector<2x1xf32>
    %add3A = vector.broadcast %get3A_8 : vector<2x1xf32> to vector<2x10000xf32>
    %add3A_9 = arith.addf %dot_general3A_5, %add3A : vector<2x10000xf32>
    %swap3A = arith.constant 0 : index
    %swap3A_10 = arith.constant 0 : index
    %swap3A_11 = vector.load %arg4[%swap3A, %swap3A_10] : memref<3x10000xf32, #tpu.memory_space<vmem>>, vector<2x10000xf32>
    tpu.vector_store %arg4[%swap3A, %swap3A_10], %add3A_9 {strides = array<i32>} : memref<3x10000xf32, #tpu.memory_space<vmem>>, vector<2x10000xf32>,
    %get3A_12 = arith.constant 0 : index
    %get3A_13 = vector.load %arg3[%get3A_12] : memref<10000xf32, #tpu.memory_space<vmem>>, vector<10000xf32>
    %swap3A_14 = arith.constant 2 : index
    %swap3A_15 = arith.constant 0 : index
    %swap3A_16 = vector.load %arg4[%swap3A_14, %swap3A_15] : memref<3x10000xf32, #tpu.memory_space<vmem>>, vector<1x10000xf32>
    %swap3A_17 = vector.shape_cast %swap3A_16 : vector<1x10000xf32> to vector<10000xf32>
    %swap3A_18 = vector.shape_cast %get3A_13 : vector<10000xf32> to vector<1x10000xf32>
    tpu.vector_store %arg4[%swap3A_14, %swap3A_15], %swap3A_18 {strides = array<i32>} : memref<3x10000xf32, #tpu.memory_space<vmem>>, vector<1x10000xf32>,
    return
  }
}

module attributes {stable_mosaic.version = 14 : i64} {
  func.func @_combine_kernel(%arg0: memref<2x10000x128xf32, #tpu.memory_space<vmem>>, %arg1: memref<10000x128xf32, #tpu.memory_space<vmem>>) attributes {dimension_semantics = [], scalar_prefetch = 0 : i64, scratch_operands = 0 : i64, tpu.core_type = #tpu.core_type<tc>} {
    %get3A = arith.constant 0 : index
    %get3A_0 = arith.constant 0 : index
    %get3A_1 = arith.constant 0 : index
    %get3A_2 = vector.load %arg0[%get3A, %get3A_0, %get3A_1] : memref<2x10000x128xf32, #tpu.memory_space<vmem>>, vector<1x10000x128xf32>
    %get3A_3 = vector.shape_cast %get3A_2 : vector<1x10000x128xf32> to vector<10000x128xf32>
    %get3A_4 = arith.constant 1 : index
    %get3A_5 = arith.constant 0 : index
    %get3A_6 = arith.constant 0 : index
    %get3A_7 = vector.load %arg0[%get3A_4, %get3A_5, %get3A_6] : memref<2x10000x128xf32, #tpu.memory_space<vmem>>, vector<1x10000x128xf32>
    %get3A_8 = vector.shape_cast %get3A_7 : vector<1x10000x128xf32> to vector<10000x128xf32>
    %add3A = arith.addf %get3A_3, %get3A_8 : vector<10000x128xf32>
    %swap3A = arith.constant 0 : index
    %swap3A_9 = arith.constant 0 : index
    %swap3A_10 = vector.load %arg1[%swap3A, %swap3A_9] : memref<10000x128xf32, #tpu.memory_space<vmem>>, vector<10000x128xf32>
    tpu.vector_store %arg1[%swap3A, %swap3A_9], %add3A {strides = array<i32>} : memref<10000x128xf32, #tpu.memory_space<vmem>>, vector<10000x128xf32>,
    return
  }
}

</mosaic_0001>

<sc_bundles>
// kernel: kernel.6.cloned.1.call-start
scs
__scs_entry_jumppad:
0x0: {  	(pc) =	sbr.rel $0x88, $3  }
0x1: {  	(tag) =	ssettag $0x0;
	lr =	simm.s32 $0x1  }
0x2: {  	[smem:$0x3F9C] =	sst lr;
	_ =	strace $0xD0000000  }
0x3: {  	_ = 	snop  }
0x4: {  	_ = 	snop  }
0x5: {  	_ = 	snop  }
0x6: {  	_ = 	snop  }
0x7: {  	_ = 	snop  }
__scs_overlays_trampoline_lowered:
0x8: {  	[smem:$0x3FAB] =	sst s0  }
0x9: {  	[smem:$0x3FAC] =	sst s1  }
0xa: {  	[smem:$0x3FAD] =	sst s2  }
0xb: {  	[smem:$0x3FAE] =	sst s3  }
0xc: {  	[smem:$0x3FAF] =	sst s4  }
0xd: {  	[smem:$0x3FB0] =	sst s5  }
0xe: {  	[smem:$0x3FB1] =	sst s6  }
0xf: {  	[smem:$0x3FB2] =	sst s7  }
0x10: {  	[smem:$0x3FB3] =	sst s8  }
0x11: {  	[smem:$0x3FB4] =	sst s9;
	s0 =	simm.s32 @!p0 $0x0  }
0x12: {  	s1 =	sld [smem:$0x3F9A];
	s0 =	simm.s32 @p0 $0x1  }
0x13: {  	[smem:$0x3FB5] =	sst s0;
	s0 =	simm.s32 @!p1 $0x0  }
0x14: {  	s2 =	sld [smem:$0x3F99];
	s0 =	simm.s32 @p1 $0x1  }
0x15: {  	[smem:$0x3FB6] =	sst s0;
	s0 =	simm.s32 @!p2 $0x0  }
0x16: {  	s3 =	sld [smem:$0x3FDB];
	s0 =	simm.s32 @p2 $0x1  }
0x17: {  	s4 =	simm.s32 $0x1BF5;
	[smem:$0x3FB8] =	sst s0  }
0x18: {  	s0 =	sld [smem:$0x3F9B];
	_ =	swait.ge [sflag:s4], $0x0  }
0x19: {  	s7 =	sld [smem:$0x3F9C]  }
0x1a: {  	s8 =	sadd.s32 $0xFFFFE003, lr  }
0x1b: {  	s9 =	sadd.s32 $0xFFFFFEF7, lr;
	s5 =	simm.s32 $0xFFFFFFFF;
	p2 =	slt.u32 s8, $0xFFFFF086  }
0x1c: {  	p1 =	slt.u32 s9, $0xF7A;
	s5 =	simm.s32 @!p2 $0x0  }
0x1d: {  	s5 =	simm.s32 @p1 $0x1;
	p0 =	seq.s32 s7, s2  }
0x1e: {  	s7 =	smul.u32 @!p0 $0xF7A, s2;
	p2 =	seq.s32 @!p0 s5, $0x0  }
0x1f: {  	s9 =	smul.u32 $0xF7A, s1;
	s8 =	simm.s32 @!p0 $0x1BF5;
	p2 =	por !p2, p0  }
0x20: {  	[sflag:s8] =	ssyncset.s32 @!p0 $0xFFFFF086;
	s6 =	sadd.s32 @!p0 s3, s7;
	s7 =	simm.s32 @!p0 $0x108  }
0x21: {  	s3 =	sadd.s32 s3, s9;
	s6 =	sadd.s32 @!p0 $0x88, s6;
	s7 =	simm.s32 @p2 $0x1082  }
0x22: {  	[simem:s7], [sflag:s8] =	dma.local @!p0 [hbm:s6], $0xF7A  }
0x23: {  	s9 =	sor.u32 $0xD0000000, s2;
	s6 =	simm.s32 $0x108;
	_ =	swait.ge @!p0 [sflag:s8], $0x0  }
0x24: {  	s3 =	sadd.s32 $0x88, s3;
	s6 =	simm.s32 @!p1 $0x1082;
	[sflag:s4] =	ssyncset.s32 $0xFFFFF086  }
0x25: {  	[simem:s6], [sflag:s4] =	dma.local [hbm:s3], $0xF7A  }
0x26: {  	[smem:$0x3F9C] =	sst s1;
	(tag) =	ssettag s2;
	_ =	strace s9  }
0x27: {  	s1 =	sld [smem:$0x3FAC]  }
0x28: {  	s2 =	sld [smem:$0x3FAD]  }
0x29: {  	s4 =	sld [smem:$0x3FAF]  }
0x2a: {  	p0 =	seq.s32 s5, $0x0;
	s5 =	sld [smem:$0x3FB0]  }
0x2b: {  	s6 =	sld [smem:$0x3FB1]  }
0x2c: {  	s7 =	sld [smem:$0x3FB2]  }
0x2d: {  	s3 =	simm.s32 $0x108;
	s8 =	sld [smem:$0x3FB3]  }
0x2e: {  	s3 =	simm.s32 @!p0 $0x1082;
	s9 =	sld [smem:$0x3FB4]  }
0x2f: {  	lr =	sadd.s32 s0, s3;
	s0 =	sld [smem:$0x3FAB]  }
0x30: {  	s3 =	sld [smem:$0x3FAE]  }
0x31: {  	[smem:$0x3FB7] =	sst s10  }
0x32: {  	s10 =	sld [smem:$0x3FB5];
	_ =	sdelay $0x3  }
0x33: {  	p0 =	seq.s32 s10, $0x1;
	s10 =	sld [smem:$0x3FB7];
	_ =	sdelay $0x3  }
0x34: {  	[smem:$0x3FB7] =	sst s10  }
0x35: {  	s10 =	sld [smem:$0x3FB6];
	_ =	sdelay $0x3  }
0x36: {  	p1 =	seq.s32 s10, $0x1;
	s10 =	sld [smem:$0x3FB7];
	_ =	sdelay $0x3  }
0x37: {  	[smem:$0x3FB7] =	sst s10  }
0x38: {  	s10 =	sld [smem:$0x3FB8]  }
0x39: {  	_ = 	snop;
	(pc) =	sbr.ind lr, $3  }
0x3a: {  	_ = 	snop  }
0x3b: {  	_ = 	snop  }
0x3c: {  	p2 =	seq.s32 s10, $0x1;
	s10 =	sld [smem:$0x3FB7]  }
0x3d: {  	_ =	shalt  }
0x3e: {  	_ =	shalt  }
0x3f: {  	_ =	shalt  }
0x40: {  	_ =	shalt  }
0x41: {  	_ =	shalt  }
0x42: {  	_ =	shalt  }
0x43: {  	_ =	shalt  }
0x44: {  	_ =	shalt  }
0x45: {  	_ =	shalt  }
0x46: {  	_ =	shalt  }
0x47: {  	_ =	shalt  }
0x48: {  	_ =	shalt  }
0x49: {  	_ =	shalt  }
0x4a: {  	_ =	shalt  }
0x4b: {  	_ =	shalt  }
0x4c: {  	_ =	shalt  }
0x4d: {  	_ =	shalt  }
0x4e: {  	_ =	shalt  }
0x4f: {  	_ =	shalt  }
0x50: {  	_ =	shalt  }
0x51: {  	_ =	shalt  }
0x52: {  	_ =	shalt  }
0x53: {  	_ =	shalt  }
0x54: {  	_ =	shalt  }
0x55: {  	_ =	shalt  }
0x56: {  	_ =	shalt  }
0x57: {  	_ =	shalt  }
0x58: {  	_ =	shalt  }
0x59: {  	_ =	shalt  }
0x5a: {  	_ =	shalt  }
0x5b: {  	_ =	shalt  }
0x5c: {  	_ =	shalt  }
0x5d: {  	_ =	shalt  }
0x5e: {  	_ =	shalt  }
0x5f: {  	_ =	shalt  }
0x60: {  	_ =	shalt  }
0x61: {  	_ =	shalt  }
0x62: {  	_ =	shalt  }
0x63: {  	_ =	shalt  }
0x64: {  	_ =	shalt  }
0x65: {  	_ =	shalt  }
0x66: {  	_ =	shalt  }
0x67: {  	_ =	shalt  }
0x68: {  	_ =	shalt  }
0x69: {  	_ =	shalt  }
0x6a: {  	_ =	shalt  }
0x6b: {  	_ =	shalt  }
0x6c: {  	_ =	shalt  }
0x6d: {  	_ =	shalt  }
0x6e: {  	_ =	shalt  }
0x6f: {  	_ =	shalt  }
0x70: {  	_ =	shalt  }
0x71: {  	_ =	shalt  }
0x72: {  	_ =	shalt  }
0x73: {  	_ =	shalt  }
0x74: {  	_ =	shalt  }
0x75: {  	_ =	shalt  }
0x76: {  	_ =	shalt  }
0x77: {  	_ =	shalt  }
0x78: {  	_ =	shalt  }
0x79: {  	_ =	shalt  }
0x7a: {  	_ =	shalt  }
0x7b: {  	_ =	shalt  }
0x7c: {  	_ =	shalt  }
0x7d: {  	_ =	shalt  }
0x7e: {  	_ =	shalt  }
0x7f: {  	_ =	shalt  }
0x80: {  	_ =	shalt  }
0x81: {  	_ =	shalt  }
0x82: {  	_ =	shalt  }
0x83: {  	_ =	shalt  }
0x84: {  	_ =	shalt  }
0x85: {  	_ =	shalt  }
0x86: {  	_ =	shalt  }
0x87: {  	_ =	shalt  }
.Lfunc_end0:
.L_simem_size_0:
called_computation_lowered:
.L_overlay_start_0:
0x88: {  	s2 =	sld [smem:$0x3FD9]  }
0x89: {  	s3 =	sld [smem:$0x3FFE];
	_ =	sdelay $0x1  }
0x8a: {  	s1 =	srdreg.scid  }
0x8b: {  	s0 =	sand.u32 $0x1, s1  }
0x8c: {  	s17 =	sshll.u32 s0, $0xA;
	s2 =	sadd.s32 s3, s2  }
0x8d: {  	s2 =	sadd.s32 s2, s17  }
0x8e: {  	[smem:$0x3FC3] =	sst s2  }
0x8f: {  	_ = 	snop  }
0x90: {  	s2 =	sld [smem:$0x3FD0];
	(tm) =	ssettm $0x1  }
0x91: {  	s18 =	sld [smem:$0x3FFB];
	_ =	sdelay $0x3  }
0x92: {  	_ =	strace s18  }
0x93: {  	s3 =	sld [smem:$0x3FFC];
	_ =	sdelay $0x3  }
0x94: {  	_ =	strace s3  }
0x95: {  	s3 =	sld [smem:$0x3FFD];
	_ =	sdelay $0x3  }
0x96: {  	_ =	strace s3  }
0x97: {  	_ =	strace $0x8FFFFFFF  }
0x98: {  	s19 =	sld [smem:$0x3FDB];
	_ =	sdelay $0x1  }
0x99: {  	s4 =	simm.s32 $_scs_section_size  }
0x9a: {  	s5 =	simm.s32 $_size__tile_overlayer_lowered;
	s6 =	simm.s32 $_tile_overlayer_lowered  }
0x9b: {  	s22 =	simm.s32 $0x1BFF;
	s21 =	sshll.u32 s6, $0x1;
	s3 =	sadd.s32 s4, s19  }
0x9c: {  	s7 =	simm.s32 $0x0;
	s20 =	sshll.u32 s5, $0x1;
	s5 =	sadd.s32 s21, s3  }
0x9d: {  	[timem:s7], [sflag:s22] =	dma.local [hbm:s5], s20  }
0x9e: {  	_ =	swait.ge [sflag:s22], s20  }
0x9f: {  	s4 =	ssub.s32 $0x0, s20;
	[sflag:s22] =	ssyncset.done $0x0  }
0xa0: {  	[sflag:s22] =	ssyncadd.s32 s4;
	_ =	sdelay $0x1  }
0xa1: {  	s23 =	simm.s32 $0x1B8B  }
0xa2: {  	_ =	swait.ge [sflag:s23], $0x1  }
0xa3: {  	[sflag:s23] =	ssyncset.done $0x0  }
0xa4: {  	s25 =	simm.s32 $0x1B8E;
	s24 =	sld [smem:$0x3FFE];
	[sflag:s23] =	ssyncadd.s32 $0xFFFFFFFF  }
0xa5: {  	s26 =	simm.s32 $execute0_lowered;
	[smem:$0x3FD2] =	sst s25  }
0xa6: {  	s5 =	sshll.u32 s26, $0x1;
	_ =	strace $0x80000046;
	[dreg:$0x1] =	wrdreg $0xFFFFFFFF  }
0xa7: {  	s28 =	simm.s32 $_size_execute0_lowered;
	s3 =	sadd.s32 s3, s5;
	[dreg:$0x0] =	wrdreg $0x0  }
0xa8: {  	s5 =	sshll.u32 s28, $0x1;
	[dreg:$0x2] =	wrdreg s3  }
0xa9: {  	[dreg:$0x3] =	wrdreg s5  }
0xaa: {  	[dreg:$0x4] =	wrdreg $0xC0  }
0xab: {  	_ =	task [dreg:s7], $0x5FFFF  }
0xac: {  	[dreg:$0x1] =	wrdreg $0xFFFFFFFF  }
0xad: {  	[dreg:$0x0] =	wrdreg $0x60  }
0xae: {  	[dreg:$0x2] =	wrdreg s24  }
0xaf: {  	[dreg:$0x3] =	wrdreg s2  }
0xb0: {  	[dreg:$0x4] =	wrdreg $0x9  }
0xb1: {  	_ =	task.clear_ibuf [dreg:s7], $0x5FFFF;
	_ =	strace $0x90000046  }
0xb2: {  	s29 =	simm.s32 $0x9;
	_ =	strace $0x80000048  }
0xb3: {  	_ =	swait.ge [sflag:s29], $0x1  }
0xb4: {  	[sflag:s29] =	ssyncadd.s32 $0xFFFFFFFF  }
0xb5: {  	_ =	strace $0x90000048  }
0xb6: {  	_ =	sfence  }
0xb7: {  	s30 =	sld [smem:$0x0];
	_ =	sdelay $0x2  }
0xb8: {  	s31 =	sshll.u32 s1, $0xD;
	s1 =	sshrl.u32 s1, $0x2  }
0xb9: {  	s3 =	sand.u32 $0x4000, s31;
	s1 =	sadd.s32 s1, s30  }
0xba: {  	s0 =	sor.u32 s3, s0;
	s1 =	sshll.u32 s1, $0x11  }
0xbb: {  	s0 =	sor.u32 s1, s0  }
0xbc: {  	s0 =	sadd.s32 $0x8F2B, s0  }
0xbd: {  	[sflag:s0] =	ssyncadd.remote.s32 $0x1  }
0xbe: {  	_ =	sfence.sel $0xFFFF  }
0xbf: {  	[dreg:$0x0] =	wrdreg $0xFFFFFFFF;
	(pc) =	sbr.abs _section_cstart, $3  }
0xc0: {  	[dreg:$0x1] =	wrdreg $0xFFFFFFFF  }
0xc1: {  	_ =	task.clear_ibuf [dreg:s7], $0x2FFFF;
	_ =	strace $0x9FFFFFFF  }
0xc2: {  	(tm) =	ssettm $0x7FFFFFFF  }
0xc3: {  	_ =	shalt  }
tec
execute0_lowered:
.L_overlay_start_1:
0x0: {  	(tag) =	ssettag $0x1  }
0x1: {  	s4 =	rddreg [dreg:$0x0];
	s1 =	srdreg.scid  }
0x2: {  	s0 =	stileid.u32;
	s5 =	rddreg [dreg:$0x1];
	s2 =	simm.s32 $0x0  }
0x3: {  	s10 =	simm.s32 $0x1;
	s3 =	sand.u32 $0x1, s1;
	s6 =	sshll.u32 s0, $0x1  }
0x4: {  	s11 =	simm.s32 $0xC400;
	s12 =	simm.s32 $0x2;
	s6 =	sor.u32 s3, s6  }
0x5: {  	s13 =	simm.s32 $0x0;
	s1 =	rddreg [dreg:$0x2];
	s7 =	smul.u32 $0x2710, s6  }
0x6: {  	[smem:$0x7FF] =	sst s2;
	s8 =	ssub.s32 $0x2, s3;
	s6 =	smul.u32 $0x1F40, s6  }
0x7: {  	_ =	strace $0x80000047;
	s3 =	sadd.s32 $0x1200, s4;
	s9 =	sshrl.u32 s8, $0x1  }
0x8: {  	s8 =	ssub.s32 s8, s9;
	s7 =	sshrl.u32 s7, $0x3;
	s6 =	sadd.s32 s6, s4  }
0x9: {  	s9 =	simm.s32 $0x9C90;
	s4 =	sadd.s32 s5, s7;
	s6 =	sadd.s32 $0x2200, s6  }
0xa: {  	s7 =	smax.u32 s8, $0x1;
	s8 =	simm.s32 $0x7580;
	s5 =	sadd.s32 $0x9C40, s4  }
.LBB2_1:
0xb: {  	[tilespmem:s2], [sflag:$0x1] =	stream.linear.gather [hbm4b:s3+s2], $0x7580, $0x38;
	[tilespmem:$0x1BE00] =	vst v63  }
0xc: {  	_ = 	snop  }
0xd: {  	[tilespmem:s8], [sflag:$0x1] =	stream.linear.gather [hbm4b:s4+s2], $0x2710, $0x38;
	[tilespmem:$0x1BE00] =	vst v63  }
0xe: {  	_ = 	snop  }
0xf: {  	[tilespmem:s9], [sflag:$0x1] =	stream.linear.gather [hbm4b:s5+s2], $0x2710, $0x38;
	[tilespmem:$0x1BE00] =	vst v63  }
0x10: {  	_ =	swait.ge [sflag:s10], $0x7580  }
0x11: {  	[sflag:s10] =	ssyncset.done $0x0  }
0x12: {  	[sflag:s10] =	ssyncadd.s32 $0xFFFF8A80  }
0x13: {  	_ =	swait.ge [sflag:s10], $0x2710  }
0x14: {  	[sflag:s10] =	ssyncset.done $0x0  }
0x15: {  	[sflag:s10] =	ssyncadd.s32 $0xFFFFD8F0  }
0x16: {  	_ =	swait.ge [sflag:s10], $0x2710  }
0x17: {  	s14 =	simm.s32 $0xFFFFFFFC;
	[sflag:s10] =	ssyncset.done $0x0  }
0x18: {  	s15 =	simm.s32 $0xC800;
	s16 =	simm.s32 $0x9DC0;
	[sflag:s10] =	ssyncadd.s32 $0xFFFFD8F0  }
.LBB2_2:
0x19: {  	v0 =	vld [tilespmem:s16+$0xFFFFD7C0]  }
0x1a: {  	v1 =	vld [tilespmem:s16+$0xFFFFFED0];
	_ =	sdelay $0x3  }
0x1b: {  	v2 =	vadd.s32 $0x2710, v0;
	_ =	sdelay $0x3  }
0x1c: {  	v3 =	vld.idx.msk [tilespmem:v1+s2+$0x0], $0xffff  }
0x1d: {  	v2 =	vld.idx.msk [tilespmem:v2+s2+$0x0], $0xffff;
	_ =	sdelay $0x4  }
0x1e: {  	v2 =	vadd.f32 v2, v3;
	_ =	sdelay $0x1  }
0x1f: {  	v2 =	vadd.f32 v2, v2;
	_ =	sdelay $0x1  }
0x20: {  	v2 =	vmul.f32 $1.442695020e+00, v2;
	_ =	sdelay $0x1  }
0x21: {  	(erf) = vpow2.f32 v2;
	_ =	sdelay $0x8  }
0x22: {  	v2 =	vpop (erf)  }
0x23: {  	v2 =	vadd.f32 $1.000000000e+00, v2;
	_ =	sdelay $0x1  }
0x24: {  	(erf) = vrcp.f32 v2;
	_ =	sdelay $0x3  }
0x25: {  	v23 =	vadd.s32 $0x4E20, v1;
	_ =	sdelay $0x1  }
0x26: {  	v24 =	vadd.s32 $0x4E20, v0;
	_ =	sdelay $0x2  }
0x27: {  	v2 =	vld.idx.msk [tilespmem:v23+s2+$0x0], $0xffff;
	v4 =	vpop (erf)  }
0x28: {  	v4 =	vadd.f32 v4, v4  }
0x29: {  	v3 =	vld.idx.msk [tilespmem:v24+s2+$0x0], $0xffff  }
0x2a: {  	v4 =	vsub.f32 $1.000000000e+00, v4;
	_ =	sdelay $0x1  }
0x2b: {  	v2 =	vmul.f32 v4, v2;
	_ =	sdelay $0x1  }
0x2c: {  	[tilespmem:s15+$0xFFFFFC00] =	vst v0;
	v2 =	vmul.f32 v2, v3  }
0x2d: {  	[tilespmem:s15+$0xFFFFFC80] =	vst v1  }
0x2e: {  	[tilespmem:s15+$0xFFFFFD00] =	vst v2  }
0x2f: {  	v0 =	vld [tilespmem:s16+$0xFFFFD7D0]  }
0x30: {  	v1 =	vld [tilespmem:s16+$0xFFFFFEE0];
	_ =	sdelay $0x3  }
0x31: {  	v25 =	vadd.s32 $0x2710, v0;
	_ =	sdelay $0x3  }
0x32: {  	v26 =	vld.idx.msk [tilespmem:v1+s2+$0x0], $0xffff  }
0x33: {  	v2 =	vld.idx.msk [tilespmem:v25+s2+$0x0], $0xffff;
	_ =	sdelay $0x4  }
0x34: {  	v2 =	vadd.f32 v2, v26;
	_ =	sdelay $0x1  }
0x35: {  	v2 =	vadd.f32 v2, v2;
	_ =	sdelay $0x1  }
0x36: {  	v2 =	vmul.f32 $1.442695020e+00, v2;
	_ =	sdelay $0x1  }
0x37: {  	(erf) = vpow2.f32 v2;
	_ =	sdelay $0x8  }
0x38: {  	v2 =	vpop (erf)  }
0x39: {  	v2 =	vadd.f32 $1.000000000e+00, v2;
	_ =	sdelay $0x1  }
0x3a: {  	(erf) = vrcp.f32 v2;
	_ =	sdelay $0x3  }
0x3b: {  	v27 =	vadd.s32 $0x4E20, v1;
	_ =	sdelay $0x1  }
0x3c: {  	v28 =	vadd.s32 $0x4E20, v0;
	_ =	sdelay $0x2  }
0x3d: {  	v2 =	vld.idx.msk [tilespmem:v27+s2+$0x0], $0xffff;
	v29 =	vpop (erf)  }
0x3e: {  	v4 =	vadd.f32 v29, v29  }
0x3f: {  	v3 =	vld.idx.msk [tilespmem:v28+s2+$0x0], $0xffff  }
0x40: {  	v4 =	vsub.f32 $1.000000000e+00, v4;
	_ =	sdelay $0x1  }
0x41: {  	v2 =	vmul.f32 v4, v2;
	_ =	sdelay $0x1  }
0x42: {  	[tilespmem:s15+$0xFFFFFC10] =	vst v0;
	v2 =	vmul.f32 v2, v3  }
0x43: {  	[tilespmem:s15+$0xFFFFFC90] =	vst v1  }
0x44: {  	[tilespmem:s15+$0xFFFFFD10] =	vst v2  }
0x45: {  	v0 =	vld [tilespmem:s16+$0xFFFFD7E0]  }
0x46: {  	v1 =	vld [tilespmem:s16+$0xFFFFFEF0];
	_ =	sdelay $0x3  }
0x47: {  	v30 =	vadd.s32 $0x2710, v0;
	_ =	sdelay $0x3  }
0x48: {  	v31 =	vld.idx.msk [tilespmem:v1+s2+$0x0], $0xffff  }
0x49: {  	v2 =	vld.idx.msk [tilespmem:v30+s2+$0x0], $0xffff;
	_ =	sdelay $0x4  }
0x4a: {  	v2 =	vadd.f32 v2, v31;
	_ =	sdelay $0x1  }
0x4b: {  	v2 =	vadd.f32 v2, v2;
	_ =	sdelay $0x1  }
0x4c: {  	v2 =	vmul.f32 $1.442695020e+00, v2;
	_ =	sdelay $0x1  }
0x4d: {  	(erf) = vpow2.f32 v2;
	_ =	sdelay $0x8  }
0x4e: {  	v2 =	vpop (erf)  }
0x4f: {  	v2 =	vadd.f32 $1.000000000e+00, v2;
	_ =	sdelay $0x1  }
0x50: {  	(erf) = vrcp.f32 v2;
	_ =	sdelay $0x3  }
0x51: {  	v32 =	vadd.s32 $0x4E20, v1;
	_ =	sdelay $0x1  }
0x52: {  	v33 =	vadd.s32 $0x4E20, v0;
	_ =	sdelay $0x2  }
0x53: {  	v2 =	vld.idx.msk [tilespmem:v32+s2+$0x0], $0xffff;
	v34 =	vpop (erf)  }
0x54: {  	v4 =	vadd.f32 v34, v34  }
0x55: {  	v3 =	vld.idx.msk [tilespmem:v33+s2+$0x0], $0xffff  }
0x56: {  	v4 =	vsub.f32 $1.000000000e+00, v4;
	_ =	sdelay $0x1  }
0x57: {  	v2 =	vmul.f32 v4, v2;
	_ =	sdelay $0x1  }
0x58: {  	[tilespmem:s15+$0xFFFFFC20] =	vst v0;
	v2 =	vmul.f32 v2, v3  }
0x59: {  	[tilespmem:s15+$0xFFFFFCA0] =	vst v1  }
0x5a: {  	[tilespmem:s15+$0xFFFFFD20] =	vst v2  }
0x5b: {  	v0 =	vld [tilespmem:s16+$0xFFFFD7F0]  }
0x5c: {  	v1 =	vld [tilespmem:s16+$0xFFFFFF00];
	_ =	sdelay $0x3  }
0x5d: {  	v35 =	vadd.s32 $0x2710, v0;
	_ =	sdelay $0x3  }
0x5e: {  	v36 =	vld.idx.msk [tilespmem:v1+s2+$0x0], $0xffff  }
0x5f: {  	v2 =	vld.idx.msk [tilespmem:v35+s2+$0x0], $0xffff;
	_ =	sdelay $0x4  }
0x60: {  	v2 =	vadd.f32 v2, v36;
	_ =	sdelay $0x1  }
0x61: {  	v2 =	vadd.f32 v2, v2;
	_ =	sdelay $0x1  }
0x62: {  	v2 =	vmul.f32 $1.442695020e+00, v2;
	_ =	sdelay $0x1  }
0x63: {  	(erf) = vpow2.f32 v2;
	_ =	sdelay $0x8  }
0x64: {  	v2 =	vpop (erf)  }
0x65: {  	v2 =	vadd.f32 $1.000000000e+00, v2;
	_ =	sdelay $0x1  }
0x66: {  	(erf) = vrcp.f32 v2;
	_ =	sdelay $0x3  }
0x67: {  	v37 =	vadd.s32 $0x4E20, v1;
	_ =	sdelay $0x1  }
0x68: {  	v38 =	vadd.s32 $0x4E20, v0;
	_ =	sdelay $0x2  }
0x69: {  	v2 =	vld.idx.msk [tilespmem:v37+s2+$0x0], $0xffff;
	v39 =	vpop (erf)  }
0x6a: {  	v4 =	vadd.f32 v39, v39  }
0x6b: {  	v3 =	vld.idx.msk [tilespmem:v38+s2+$0x0], $0xffff  }
0x6c: {  	v4 =	vsub.f32 $1.000000000e+00, v4;
	_ =	sdelay $0x1  }
0x6d: {  	v2 =	vmul.f32 v4, v2;
	_ =	sdelay $0x1  }
0x6e: {  	[tilespmem:s15+$0xFFFFFC30] =	vst v0;
	v2 =	vmul.f32 v2, v3  }
0x6f: {  	[tilespmem:s15+$0xFFFFFCB0] =	vst v1  }
0x70: {  	[tilespmem:s15+$0xFFFFFD30] =	vst v2  }
0x71: {  	v0 =	vld [tilespmem:s16+$0xFFFFD800]  }
0x72: {  	v1 =	vld [tilespmem:s16+$0xFFFFFF10];
	_ =	sdelay $0x3  }
0x73: {  	v40 =	vadd.s32 $0x2710, v0;
	_ =	sdelay $0x3  }
0x74: {  	v41 =	vld.idx.msk [tilespmem:v1+s2+$0x0], $0xffff  }
0x75: {  	v2 =	vld.idx.msk [tilespmem:v40+s2+$0x0], $0xffff;
	_ =	sdelay $0x4  }
0x76: {  	v2 =	vadd.f32 v2, v41;
	_ =	sdelay $0x1  }
0x77: {  	v2 =	vadd.f32 v2, v2;
	_ =	sdelay $0x1  }
0x78: {  	v2 =	vmul.f32 $1.442695020e+00, v2;
	_ =	sdelay $0x1  }
0x79: {  	(erf) = vpow2.f32 v2;
	_ =	sdelay $0x8  }
0x7a: {  	v2 =	vpop (erf)  }
0x7b: {  	v2 =	vadd.f32 $1.000000000e+00, v2;
	_ =	sdelay $0x1  }
0x7c: {  	(erf) = vrcp.f32 v2;
	_ =	sdelay $0x3  }
0x7d: {  	v42 =	vadd.s32 $0x4E20, v1;
	_ =	sdelay $0x1  }
0x7e: {  	v43 =	vadd.s32 $0x4E20, v0;
	_ =	sdelay $0x2  }
0x7f: {  	v2 =	vld.idx.msk [tilespmem:v42+s2+$0x0], $0xffff;
	v44 =	vpop (erf)  }
0x80: {  	v4 =	vadd.f32 v44, v44  }
0x81: {  	v3 =	vld.idx.msk [tilespmem:v43+s2+$0x0], $0xffff  }
0x82: {  	v4 =	vsub.f32 $1.000000000e+00, v4;
	_ =	sdelay $0x1  }
0x83: {  	v2 =	vmul.f32 v4, v2;
	_ =	sdelay $0x1  }
0x84: {  	[tilespmem:s15+$0xFFFFFC40] =	vst v0;
	v2 =	vmul.f32 v2, v3  }
0x85: {  	[tilespmem:s15+$0xFFFFFCC0] =	vst v1  }
0x86: {  	[tilespmem:s15+$0xFFFFFD40] =	vst v2  }
0x87: {  	v0 =	vld [tilespmem:s16+$0xFFFFD810]  }
0x88: {  	v1 =	vld [tilespmem:s16+$0xFFFFFF20];
	_ =	sdelay $0x3  }
0x89: {  	v45 =	vadd.s32 $0x2710, v0;
	_ =	sdelay $0x3  }
0x8a: {  	v46 =	vld.idx.msk [tilespmem:v1+s2+$0x0], $0xffff  }
0x8b: {  	v2 =	vld.idx.msk [tilespmem:v45+s2+$0x0], $0xffff;
	_ =	sdelay $0x4  }
0x8c: {  	v2 =	vadd.f32 v2, v46;
	_ =	sdelay $0x1  }
0x8d: {  	v2 =	vadd.f32 v2, v2;
	_ =	sdelay $0x1  }
0x8e: {  	v2 =	vmul.f32 $1.442695020e+00, v2;
	_ =	sdelay $0x1  }
0x8f: {  	(erf) = vpow2.f32 v2;
	_ =	sdelay $0x8  }
0x90: {  	v2 =	vpop (erf)  }
0x91: {  	v2 =	vadd.f32 $1.000000000e+00, v2;
	_ =	sdelay $0x1  }
0x92: {  	(erf) = vrcp.f32 v2;
	_ =	sdelay $0x3  }
0x93: {  	v47 =	vadd.s32 $0x4E20, v1;
	_ =	sdelay $0x1  }
0x94: {  	v48 =	vadd.s32 $0x4E20, v0;
	_ =	sdelay $0x2  }
0x95: {  	v2 =	vld.idx.msk [tilespmem:v47+s2+$0x0], $0xffff;
	v49 =	vpop (erf)  }
0x96: {  	v4 =	vadd.f32 v49, v49  }
0x97: {  	v3 =	vld.idx.msk [tilespmem:v48+s2+$0x0], $0xffff  }
0x98: {  	v4 =	vsub.f32 $1.000000000e+00, v4;
	_ =	sdelay $0x1  }
0x99: {  	v2 =	vmul.f32 v4, v2;
	_ =	sdelay $0x1  }
0x9a: {  	[tilespmem:s15+$0xFFFFFE00] =	vst v0;
	v2 =	vmul.f32 v2, v3  }
0x9b: {  	[tilespmem:s15+$0xFFFFFE80] =	vst v1  }
0x9c: {  	[tilespmem:s15+$0xFFFFFF00] =	vst v2  }
0x9d: {  	v0 =	vld [tilespmem:s16+$0xFFFFD820]  }
0x9e: {  	v1 =	vld [tilespmem:s16+$0xFFFFFF30];
	_ =	sdelay $0x3  }
0x9f: {  	v50 =	vadd.s32 $0x2710, v0;
	_ =	sdelay $0x3  }
0xa0: {  	v51 =	vld.idx.msk [tilespmem:v1+s2+$0x0], $0xffff  }
0xa1: {  	v2 =	vld.idx.msk [tilespmem:v50+s2+$0x0], $0xffff;
	_ =	sdelay $0x4  }
0xa2: {  	v2 =	vadd.f32 v2, v51;
	_ =	sdelay $0x1  }
0xa3: {  	v2 =	vadd.f32 v2, v2;
	_ =	sdelay $0x1  }
0xa4: {  	v2 =	vmul.f32 $1.442695020e+00, v2;
	_ =	sdelay $0x1  }
0xa5: {  	(erf) = vpow2.f32 v2;
	_ =	sdelay $0x8  }
0xa6: {  	v2 =	vpop (erf)  }
0xa7: {  	v2 =	vadd.f32 $1.000000000e+00, v2;
	_ =	sdelay $0x1  }
0xa8: {  	(erf) = vrcp.f32 v2;
	_ =	sdelay $0x3  }
0xa9: {  	v52 =	vadd.s32 $0x4E20, v1;
	_ =	sdelay $0x1  }
0xaa: {  	v53 =	vadd.s32 $0x4E20, v0;
	_ =	sdelay $0x2  }
0xab: {  	v2 =	vld.idx.msk [tilespmem:v52+s2+$0x0], $0xffff;
	v54 =	vpop (erf)  }
0xac: {  	v4 =	vadd.f32 v54, v54  }
0xad: {  	v3 =	vld.idx.msk [tilespmem:v53+s2+$0x0], $0xffff  }
0xae: {  	v4 =	vsub.f32 $1.000000000e+00, v4;
	_ =	sdelay $0x1  }
0xaf: {  	v2 =	vmul.f32 v4, v2;
	_ =	sdelay $0x1  }
0xb0: {  	[tilespmem:s15+$0xFFFFFE10] =	vst v0;
	v2 =	vmul.f32 v2, v3  }
0xb1: {  	[tilespmem:s15+$0xFFFFFE90] =	vst v1  }
0xb2: {  	[tilespmem:s15+$0xFFFFFF10] =	vst v2  }
0xb3: {  	v0 =	vld [tilespmem:s16+$0xFFFFD830]  }
0xb4: {  	v1 =	vld [tilespmem:s16+$0xFFFFFF40];
	_ =	sdelay $0x3  }
0xb5: {  	v55 =	vadd.s32 $0x2710, v0;
	_ =	sdelay $0x3  }
0xb6: {  	v56 =	vld.idx.msk [tilespmem:v1+s2+$0x0], $0xffff  }
0xb7: {  	v2 =	vld.idx.msk [tilespmem:v55+s2+$0x0], $0xffff;
	_ =	sdelay $0x4  }
0xb8: {  	v2 =	vadd.f32 v2, v56;
	_ =	sdelay $0x1  }
0xb9: {  	v2 =	vadd.f32 v2, v2;
	_ =	sdelay $0x1  }
0xba: {  	v2 =	vmul.f32 $1.442695020e+00, v2;
	_ =	sdelay $0x1  }
0xbb: {  	(erf) = vpow2.f32 v2;
	_ =	sdelay $0x8  }
0xbc: {  	v2 =	vpop (erf)  }
0xbd: {  	v2 =	vadd.f32 $1.000000000e+00, v2;
	_ =	sdelay $0x1  }
0xbe: {  	(erf) = vrcp.f32 v2;
	_ =	sdelay $0x3  }
0xbf: {  	v57 =	vadd.s32 $0x4E20, v1;
	_ =	sdelay $0x1  }
0xc0: {  	v58 =	vadd.s32 $0x4E20, v0;
	_ =	sdelay $0x2  }
0xc1: {  	v2 =	vld.idx.msk [tilespmem:v57+s2+$0x0], $0xffff;
	v59 =	vpop (erf)  }
0xc2: {  	v4 =	vadd.f32 v59, v59  }
0xc3: {  	v3 =	vld.idx.msk [tilespmem:v58+s2+$0x0], $0xffff  }
0xc4: {  	v4 =	vsub.f32 $1.000000000e+00, v4;
	_ =	sdelay $0x1  }
0xc5: {  	v2 =	vmul.f32 v4, v2;
	_ =	sdelay $0x1  }
0xc6: {  	[tilespmem:s15+$0xFFFFFE20] =	vst v0;
	v2 =	vmul.f32 v2, v3  }
0xc7: {  	[tilespmem:s15+$0xFFFFFEA0] =	vst v1  }
0xc8: {  	[tilespmem:s15+$0xFFFFFF20] =	vst v2  }
0xc9: {  	v0 =	vld [tilespmem:s16+$0xFFFFD840]  }
0xca: {  	v1 =	vld [tilespmem:s16+$0xFFFFFF50];
	_ =	sdelay $0x3  }
0xcb: {  	v60 =	vadd.s32 $0x2710, v0;
	_ =	sdelay $0x3  }
0xcc: {  	v61 =	vld.idx.msk [tilespmem:v1+s2+$0x0], $0xffff  }
0xcd: {  	v2 =	vld.idx.msk [tilespmem:v60+s2+$0x0], $0xffff;
	_ =	sdelay $0x4  }
0xce: {  	v2 =	vadd.f32 v2, v61;
	_ =	sdelay $0x1  }
0xcf: {  	v2 =	vadd.f32 v2, v2;
	_ =	sdelay $0x1  }
0xd0: {  	v2 =	vmul.f32 $1.442695020e+00, v2;
	_ =	sdelay $0x1  }
0xd1: {  	(erf) = vpow2.f32 v2;
	_ =	sdelay $0x8  }
0xd2: {  	v2 =	vpop (erf)  }
0xd3: {  	v2 =	vadd.f32 $1.000000000e+00, v2;
	_ =	sdelay $0x1  }
0xd4: {  	(erf) = vrcp.f32 v2;
	_ =	sdelay $0x3  }
0xd5: {  	v62 =	vadd.s32 $0x4E20, v1;
	_ =	sdelay $0x1  }
0xd6: {  	v63 =	vadd.s32 $0x4E20, v0;
	_ =	sdelay $0x2  }
0xd7: {  	v2 =	vld.idx.msk [tilespmem:v62+s2+$0x0], $0xffff;
	v8 =	vpop (erf)  }
0xd8: {  	v4 =	vadd.f32 v8, v8  }
0xd9: {  	v3 =	vld.idx.msk [tilespmem:v63+s2+$0x0], $0xffff  }
0xda: {  	v4 =	vsub.f32 $1.000000000e+00, v4;
	_ =	sdelay $0x1  }
0xdb: {  	v2 =	vmul.f32 v4, v2;
	_ =	sdelay $0x1  }
0xdc: {  	[tilespmem:s15+$0xFFFFFE30] =	vst v0;
	v2 =	vmul.f32 v2, v3  }
0xdd: {  	[tilespmem:s15+$0xFFFFFEB0] =	vst v1  }
0xde: {  	[tilespmem:s15+$0xFFFFFF30] =	vst v2  }
0xdf: {  	v0 =	vld [tilespmem:s16+$0xFFFFD850]  }
0xe0: {  	v1 =	vld [tilespmem:s16+$0xFFFFFF60];
	_ =	sdelay $0x3  }
0xe1: {  	v9 =	vadd.s32 $0x2710, v0;
	_ =	sdelay $0x3  }
0xe2: {  	v10 =	vld.idx.msk [tilespmem:v1+s2+$0x0], $0xffff  }
0xe3: {  	v2 =	vld.idx.msk [tilespmem:v9+s2+$0x0], $0xffff;
	_ =	sdelay $0x4  }
0xe4: {  	v2 =	vadd.f32 v2, v10;
	_ =	sdelay $0x1  }
0xe5: {  	v2 =	vadd.f32 v2, v2;
	_ =	sdelay $0x1  }
0xe6: {  	v2 =	vmul.f32 $1.442695020e+00, v2;
	_ =	sdelay $0x1  }
0xe7: {  	(erf) = vpow2.f32 v2;
	_ =	sdelay $0x8  }
0xe8: {  	v2 =	vpop (erf)  }
0xe9: {  	v2 =	vadd.f32 $1.000000000e+00, v2;
	_ =	sdelay $0x1  }
0xea: {  	(erf) = vrcp.f32 v2;
	_ =	sdelay $0x3  }
0xeb: {  	v11 =	vadd.s32 $0x4E20, v1;
	_ =	sdelay $0x1  }
0xec: {  	v12 =	vadd.s32 $0x4E20, v0;
	_ =	sdelay $0x2  }
0xed: {  	v2 =	vld.idx.msk [tilespmem:v11+s2+$0x0], $0xffff;
	v13 =	vpop (erf)  }
0xee: {  	v4 =	vadd.f32 v13, v13  }
0xef: {  	v3 =	vld.idx.msk [tilespmem:v12+s2+$0x0], $0xffff  }
0xf0: {  	v4 =	vsub.f32 $1.000000000e+00, v4;
	_ =	sdelay $0x1  }
0xf1: {  	v2 =	vmul.f32 v4, v2;
	_ =	sdelay $0x1  }
0xf2: {  	[tilespmem:s15+$0xFFFFFE40] =	vst v0;
	v2 =	vmul.f32 v2, v3  }
0xf3: {  	[tilespmem:s15+$0xFFFFFEC0] =	vst v1  }
0xf4: {  	[tilespmem:s15+$0xFFFFFF40] =	vst v2  }
0xf5: {  	v0 =	vld [tilespmem:s16+$0xFFFFD860]  }
0xf6: {  	v1 =	vld [tilespmem:s16+$0xFFFFFF70];
	_ =	sdelay $0x3  }
0xf7: {  	v14 =	vadd.s32 $0x2710, v0;
	_ =	sdelay $0x3  }
0xf8: {  	v15 =	vld.idx.msk [tilespmem:v1+s2+$0x0], $0xffff  }
0xf9: {  	v2 =	vld.idx.msk [tilespmem:v14+s2+$0x0], $0xffff;
	_ =	sdelay $0x4  }
0xfa: {  	v2 =	vadd.f32 v2, v15;
	_ =	sdelay $0x1  }
0xfb: {  	v2 =	vadd.f32 v2, v2;
	_ =	sdelay $0x1  }
0xfc: {  	v2 =	vmul.f32 $1.442695020e+00, v2;
	_ =	sdelay $0x1  }
0xfd: {  	(erf) = vpow2.f32 v2;
	_ =	sdelay $0x8  }
0xfe: {  	v2 =	vpop (erf)  }
0xff: {  	v2 =	vadd.f32 $1.000000000e+00, v2;
	_ =	sdelay $0x1  }
0x100: {  	(erf) = vrcp.f32 v2;
	_ =	sdelay $0x3  }
0x101: {  	v16 =	vadd.s32 $0x4E20, v1;
	_ =	sdelay $0x1  }
0x102: {  	v17 =	vadd.s32 $0x4E20, v0;
	_ =	sdelay $0x2  }
0x103: {  	v2 =	vld.idx.msk [tilespmem:v16+s2+$0x0], $0xffff;
	v18 =	vpop (erf)  }
0x104: {  	v4 =	vadd.f32 v18, v18  }
0x105: {  	v3 =	vld.idx.msk [tilespmem:v17+s2+$0x0], $0xffff  }
0x106: {  	v4 =	vsub.f32 $1.000000000e+00, v4;
	_ =	sdelay $0x1  }
0x107: {  	v2 =	vmul.f32 v4, v2;
	_ =	sdelay $0x1  }
0x108: {  	[tilespmem:s15+$0x0] =	vst v0;
	v2 =	vmul.f32 v2, v3  }
0x109: {  	[tilespmem:s15+$0x80] =	vst v1  }
0x10a: {  	[tilespmem:s15+$0x100] =	vst v2  }
0x10b: {  	v0 =	vld [tilespmem:s16+$0xFFFFD870]  }
0x10c: {  	v1 =	vld [tilespmem:s16+$0xFFFFFF80];
	_ =	sdelay $0x3  }
0x10d: {  	v19 =	vadd.s32 $0x2710, v0;
	_ =	sdelay $0x3  }
0x10e: {  	v20 =	vld.idx.msk [tilespmem:v1+s2+$0x0], $0xffff  }
0x10f: {  	v2 =	vld.idx.msk [tilespmem:v19+s2+$0x0], $0xffff;
	_ =	sdelay $0x4  }
0x110: {  	v2 =	vadd.f32 v2, v20;
	_ =	sdelay $0x1  }
0x111: {  	v2 =	vadd.f32 v2, v2;
	_ =	sdelay $0x1  }
0x112: {  	v2 =	vmul.f32 $1.442695020e+00, v2;
	_ =	sdelay $0x1  }
0x113: {  	(erf) = vpow2.f32 v2;
	_ =	sdelay $0x8  }
0x114: {  	v2 =	vpop (erf)  }
0x115: {  	v2 =	vadd.f32 $1.000000000e+00, v2;
	_ =	sdelay $0x1  }
0x116: {  	(erf) = vrcp.f32 v2;
	_ =	sdelay $0x3  }
0x117: {  	v21 =	vadd.s32 $0x4E20, v1;
	_ =	sdelay $0x1  }
0x118: {  	v22 =	vadd.s32 $0x4E20, v0;
	_ =	sdelay $0x2  }
0x119: {  	v2 =	vld.idx.msk [tilespmem:v21+s2+$0x0], $0xffff;
	v23 =	vpop (erf)  }
0x11a: {  	v4 =	vadd.f32 v23, v23  }
0x11b: {  	v3 =	vld.idx.msk [tilespmem:v22+s2+$0x0], $0xffff  }
0x11c: {  	v4 =	vsub.f32 $1.000000000e+00, v4;
	_ =	sdelay $0x1  }
0x11d: {  	v2 =	vmul.f32 v4, v2;
	_ =	sdelay $0x1  }
0x11e: {  	[tilespmem:s15+$0x10] =	vst v0;
	v2 =	vmul.f32 v2, v3  }
0x11f: {  	[tilespmem:s15+$0x90] =	vst v1  }
0x120: {  	[tilespmem:s15+$0x110] =	vst v2  }
0x121: {  	v0 =	vld [tilespmem:s16+$0xFFFFD880]  }
0x122: {  	v1 =	vld [tilespmem:s16+$0xFFFFFF90];
	_ =	sdelay $0x3  }
0x123: {  	v24 =	vadd.s32 $0x2710, v0;
	_ =	sdelay $0x3  }
0x124: {  	v25 =	vld.idx.msk [tilespmem:v1+s2+$0x0], $0xffff  }
0x125: {  	v2 =	vld.idx.msk [tilespmem:v24+s2+$0x0], $0xffff;
	_ =	sdelay $0x4  }
0x126: {  	v2 =	vadd.f32 v2, v25;
	_ =	sdelay $0x1  }
0x127: {  	v2 =	vadd.f32 v2, v2;
	_ =	sdelay $0x1  }
0x128: {  	v2 =	vmul.f32 $1.442695020e+00, v2;
	_ =	sdelay $0x1  }
0x129: {  	(erf) = vpow2.f32 v2;
	_ =	sdelay $0x8  }
0x12a: {  	v2 =	vpop (erf)  }
0x12b: {  	v2 =	vadd.f32 $1.000000000e+00, v2;
	_ =	sdelay $0x1  }
0x12c: {  	(erf) = vrcp.f32 v2;
	_ =	sdelay $0x3  }
0x12d: {  	v26 =	vadd.s32 $0x4E20, v1;
	_ =	sdelay $0x1  }
0x12e: {  	v27 =	vadd.s32 $0x4E20, v0;
	_ =	sdelay $0x2  }
0x12f: {  	v2 =	vld.idx.msk [tilespmem:v26+s2+$0x0], $0xffff;
	v28 =	vpop (erf)  }
0x130: {  	v4 =	vadd.f32 v28, v28  }
0x131: {  	v3 =	vld.idx.msk [tilespmem:v27+s2+$0x0], $0xffff  }
0x132: {  	v4 =	vsub.f32 $1.000000000e+00, v4;
	_ =	sdelay $0x1  }
0x133: {  	v2 =	vmul.f32 v4, v2;
	_ =	sdelay $0x1  }
0x134: {  	[tilespmem:s15+$0x20] =	vst v0;
	v2 =	vmul.f32 v2, v3  }
0x135: {  	[tilespmem:s15+$0xA0] =	vst v1  }
0x136: {  	[tilespmem:s15+$0x120] =	vst v2  }
0x137: {  	v0 =	vld [tilespmem:s16+$0xFFFFD890]  }
0x138: {  	v1 =	vld [tilespmem:s16+$0xFFFFFFA0];
	_ =	sdelay $0x3  }
0x139: {  	v29 =	vadd.s32 $0x2710, v0;
	_ =	sdelay $0x3  }
0x13a: {  	v30 =	vld.idx.msk [tilespmem:v1+s2+$0x0], $0xffff  }
0x13b: {  	v2 =	vld.idx.msk [tilespmem:v29+s2+$0x0], $0xffff;
	_ =	sdelay $0x4  }
0x13c: {  	v2 =	vadd.f32 v2, v30;
	_ =	sdelay $0x1  }
0x13d: {  	v2 =	vadd.f32 v2, v2;
	_ =	sdelay $0x1  }
0x13e: {  	v2 =	vmul.f32 $1.442695020e+00, v2;
	_ =	sdelay $0x1  }
0x13f: {  	(erf) = vpow2.f32 v2;
	_ =	sdelay $0x8  }
0x140: {  	v2 =	vpop (erf)  }
0x141: {  	v2 =	vadd.f32 $1.000000000e+00, v2;
	_ =	sdelay $0x1  }
0x142: {  	(erf) = vrcp.f32 v2;
	_ =	sdelay $0x3  }
0x143: {  	v31 =	vadd.s32 $0x4E20, v1;
	_ =	sdelay $0x1  }
0x144: {  	v32 =	vadd.s32 $0x4E20, v0;
	_ =	sdelay $0x2  }
0x145: {  	v2 =	vld.idx.msk [tilespmem:v31+s2+$0x0], $0xffff;
	v33 =	vpop (erf)  }
0x146: {  	v4 =	vadd.f32 v33, v33  }
0x147: {  	v3 =	vld.idx.msk [tilespmem:v32+s2+$0x0], $0xffff  }
0x148: {  	v4 =	vsub.f32 $1.000000000e+00, v4;
	_ =	sdelay $0x1  }
0x149: {  	v2 =	vmul.f32 v4, v2;
	_ =	sdelay $0x1  }
0x14a: {  	[tilespmem:s15+$0x30] =	vst v0;
	v2 =	vmul.f32 v2, v3  }
0x14b: {  	[tilespmem:s15+$0xB0] =	vst v1  }
0x14c: {  	[tilespmem:s15+$0x130] =	vst v2  }
0x14d: {  	v0 =	vld [tilespmem:s16+$0xFFFFD8A0]  }
0x14e: {  	v1 =	vld [tilespmem:s16+$0xFFFFFFB0];
	_ =	sdelay $0x3  }
0x14f: {  	v34 =	vadd.s32 $0x2710, v0;
	_ =	sdelay $0x3  }
0x150: {  	v35 =	vld.idx.msk [tilespmem:v1+s2+$0x0], $0xffff  }
0x151: {  	v2 =	vld.idx.msk [tilespmem:v34+s2+$0x0], $0xffff;
	_ =	sdelay $0x4  }
0x152: {  	v2 =	vadd.f32 v2, v35;
	_ =	sdelay $0x1  }
0x153: {  	v2 =	vadd.f32 v2, v2;
	_ =	sdelay $0x1  }
0x154: {  	v2 =	vmul.f32 $1.442695020e+00, v2;
	_ =	sdelay $0x1  }
0x155: {  	(erf) = vpow2.f32 v2;
	_ =	sdelay $0x8  }
0x156: {  	v2 =	vpop (erf)  }
0x157: {  	v2 =	vadd.f32 $1.000000000e+00, v2;
	_ =	sdelay $0x1  }
0x158: {  	(erf) = vrcp.f32 v2;
	_ =	sdelay $0x3  }
0x159: {  	v36 =	vadd.s32 $0x4E20, v1;
	_ =	sdelay $0x1  }
0x15a: {  	v37 =	vadd.s32 $0x4E20, v0;
	_ =	sdelay $0x2  }
0x15b: {  	v2 =	vld.idx.msk [tilespmem:v36+s2+$0x0], $0xffff;
	v38 =	vpop (erf)  }
0x15c: {  	v4 =	vadd.f32 v38, v38  }
0x15d: {  	v3 =	vld.idx.msk [tilespmem:v37+s2+$0x0], $0xffff  }
0x15e: {  	v4 =	vsub.f32 $1.000000000e+00, v4;
	_ =	sdelay $0x1  }
0x15f: {  	v2 =	vmul.f32 v4, v2;
	_ =	sdelay $0x1  }
0x160: {  	[tilespmem:s15+$0x40] =	vst v0;
	v2 =	vmul.f32 v2, v3  }
0x161: {  	[tilespmem:s15+$0xC0] =	vst v1  }
0x162: {  	[tilespmem:s15+$0x140] =	vst v2  }
0x163: {  	v0 =	vld [tilespmem:s16+$0xFFFFD8B0]  }
0x164: {  	v1 =	vld [tilespmem:s16+$0xFFFFFFC0];
	_ =	sdelay $0x3  }
0x165: {  	v39 =	vadd.s32 $0x2710, v0;
	_ =	sdelay $0x3  }
0x166: {  	v40 =	vld.idx.msk [tilespmem:v1+s2+$0x0], $0xffff  }
0x167: {  	v2 =	vld.idx.msk [tilespmem:v39+s2+$0x0], $0xffff;
	_ =	sdelay $0x4  }
0x168: {  	v2 =	vadd.f32 v2, v40;
	_ =	sdelay $0x1  }
0x169: {  	v2 =	vadd.f32 v2, v2;
	_ =	sdelay $0x1  }
0x16a: {  	v2 =	vmul.f32 $1.442695020e+00, v2;
	_ =	sdelay $0x1  }
0x16b: {  	(erf) = vpow2.f32 v2;
	_ =	sdelay $0x8  }
0x16c: {  	v2 =	vpop (erf)  }
0x16d: {  	v2 =	vadd.f32 $1.000000000e+00, v2;
	_ =	sdelay $0x1  }
0x16e: {  	(erf) = vrcp.f32 v2;
	_ =	sdelay $0x3  }
0x16f: {  	v41 =	vadd.s32 $0x4E20, v1;
	_ =	sdelay $0x1  }
0x170: {  	v42 =	vadd.s32 $0x4E20, v0;
	_ =	sdelay $0x2  }
0x171: {  	v2 =	vld.idx.msk [tilespmem:v41+s2+$0x0], $0xffff;
	v43 =	vpop (erf)  }
0x172: {  	v4 =	vadd.f32 v43, v43  }
0x173: {  	v3 =	vld.idx.msk [tilespmem:v42+s2+$0x0], $0xffff  }
0x174: {  	v4 =	vsub.f32 $1.000000000e+00, v4;
	_ =	sdelay $0x1  }
0x175: {  	v2 =	vmul.f32 v4, v2;
	_ =	sdelay $0x1  }
0x176: {  	[tilespmem:s15+$0x200] =	vst v0;
	v2 =	vmul.f32 v2, v3  }
0x177: {  	[tilespmem:s15+$0x280] =	vst v1  }
0x178: {  	[tilespmem:s15+$0x300] =	vst v2  }
0x179: {  	v0 =	vld [tilespmem:s16+$0xFFFFD8C0]  }
0x17a: {  	v1 =	vld [tilespmem:s16+$0xFFFFFFD0];
	_ =	sdelay $0x3  }
0x17b: {  	v44 =	vadd.s32 $0x2710, v0;
	_ =	sdelay $0x3  }
0x17c: {  	v45 =	vld.idx.msk [tilespmem:v1+s2+$0x0], $0xffff  }
0x17d: {  	v2 =	vld.idx.msk [tilespmem:v44+s2+$0x0], $0xffff;
	_ =	sdelay $0x4  }
0x17e: {  	v2 =	vadd.f32 v2, v45;
	_ =	sdelay $0x1  }
0x17f: {  	v2 =	vadd.f32 v2, v2;
	_ =	sdelay $0x1  }
0x180: {  	v2 =	vmul.f32 $1.442695020e+00, v2;
	_ =	sdelay $0x1  }
0x181: {  	(erf) = vpow2.f32 v2;
	_ =	sdelay $0x8  }
0x182: {  	v2 =	vpop (erf)  }
0x183: {  	v2 =	vadd.f32 $1.000000000e+00, v2;
	_ =	sdelay $0x1  }
0x184: {  	(erf) = vrcp.f32 v2;
	_ =	sdelay $0x3  }
0x185: {  	v46 =	vadd.s32 $0x4E20, v1;
	_ =	sdelay $0x1  }
0x186: {  	v47 =	vadd.s32 $0x4E20, v0;
	_ =	sdelay $0x2  }
0x187: {  	v2 =	vld.idx.msk [tilespmem:v46+s2+$0x0], $0xffff;
	v48 =	vpop (erf)  }
0x188: {  	v4 =	vadd.f32 v48, v48  }
0x189: {  	v3 =	vld.idx.msk [tilespmem:v47+s2+$0x0], $0xffff  }
0x18a: {  	v4 =	vsub.f32 $1.000000000e+00, v4;
	_ =	sdelay $0x1  }
0x18b: {  	v2 =	vmul.f32 v4, v2;
	_ =	sdelay $0x1  }
0x18c: {  	[tilespmem:s15+$0x210] =	vst v0;
	v2 =	vmul.f32 v2, v3  }
0x18d: {  	[tilespmem:s15+$0x290] =	vst v1  }
0x18e: {  	[tilespmem:s15+$0x310] =	vst v2  }
0x18f: {  	v0 =	vld [tilespmem:s16+$0xFFFFD8D0]  }
0x190: {  	v1 =	vld [tilespmem:s16+$0xFFFFFFE0];
	_ =	sdelay $0x3  }
0x191: {  	v49 =	vadd.s32 $0x2710, v0;
	_ =	sdelay $0x3  }
0x192: {  	v50 =	vld.idx.msk [tilespmem:v1+s2+$0x0], $0xffff  }
0x193: {  	v2 =	vld.idx.msk [tilespmem:v49+s2+$0x0], $0xffff;
	_ =	sdelay $0x4  }
0x194: {  	v2 =	vadd.f32 v2, v50;
	_ =	sdelay $0x1  }
0x195: {  	v2 =	vadd.f32 v2, v2;
	_ =	sdelay $0x1  }
0x196: {  	v2 =	vmul.f32 $1.442695020e+00, v2;
	_ =	sdelay $0x1  }
0x197: {  	(erf) = vpow2.f32 v2;
	_ =	sdelay $0x8  }
0x198: {  	v2 =	vpop (erf)  }
0x199: {  	v2 =	vadd.f32 $1.000000000e+00, v2;
	_ =	sdelay $0x1  }
0x19a: {  	(erf) = vrcp.f32 v2;
	_ =	sdelay $0x3  }
0x19b: {  	v51 =	vadd.s32 $0x4E20, v1;
	_ =	sdelay $0x1  }
0x19c: {  	v52 =	vadd.s32 $0x4E20, v0;
	_ =	sdelay $0x2  }
0x19d: {  	v2 =	vld.idx.msk [tilespmem:v51+s2+$0x0], $0xffff;
	v53 =	vpop (erf)  }
0x19e: {  	v4 =	vadd.f32 v53, v53  }
0x19f: {  	v3 =	vld.idx.msk [tilespmem:v52+s2+$0x0], $0xffff  }
0x1a0: {  	v4 =	vsub.f32 $1.000000000e+00, v4;
	_ =	sdelay $0x1  }
0x1a1: {  	v2 =	vmul.f32 v4, v2;
	_ =	sdelay $0x1  }
0x1a2: {  	[tilespmem:s15+$0x220] =	vst v0;
	v2 =	vmul.f32 v2, v3  }
0x1a3: {  	[tilespmem:s15+$0x2A0] =	vst v1  }
0x1a4: {  	[tilespmem:s15+$0x320] =	vst v2  }
0x1a5: {  	v0 =	vld [tilespmem:s16+$0xFFFFD8E0]  }
0x1a6: {  	v1 =	vld [tilespmem:s16+$0xFFFFFFF0];
	_ =	sdelay $0x3  }
0x1a7: {  	v54 =	vadd.s32 $0x2710, v0;
	_ =	sdelay $0x3  }
0x1a8: {  	v55 =	vld.idx.msk [tilespmem:v1+s2+$0x0], $0xffff  }
0x1a9: {  	v2 =	vld.idx.msk [tilespmem:v54+s2+$0x0], $0xffff;
	_ =	sdelay $0x4  }
0x1aa: {  	v2 =	vadd.f32 v2, v55;
	_ =	sdelay $0x1  }
0x1ab: {  	v2 =	vadd.f32 v2, v2;
	_ =	sdelay $0x1  }
0x1ac: {  	v2 =	vmul.f32 $1.442695020e+00, v2;
	_ =	sdelay $0x1  }
0x1ad: {  	(erf) = vpow2.f32 v2;
	_ =	sdelay $0x8  }
0x1ae: {  	v2 =	vpop (erf)  }
0x1af: {  	v2 =	vadd.f32 $1.000000000e+00, v2;
	_ =	sdelay $0x1  }
0x1b0: {  	(erf) = vrcp.f32 v2;
	_ =	sdelay $0x3  }
0x1b1: {  	v56 =	vadd.s32 $0x4E20, v1;
	_ =	sdelay $0x1  }
0x1b2: {  	v57 =	vadd.s32 $0x4E20, v0;
	_ =	sdelay $0x2  }
0x1b3: {  	v2 =	vld.idx.msk [tilespmem:v56+s2+$0x0], $0xffff;
	v58 =	vpop (erf)  }
0x1b4: {  	v4 =	vadd.f32 v58, v58  }
0x1b5: {  	v3 =	vld.idx.msk [tilespmem:v57+s2+$0x0], $0xffff  }
0x1b6: {  	v4 =	vsub.f32 $1.000000000e+00, v4;
	_ =	sdelay $0x1  }
0x1b7: {  	v2 =	vmul.f32 v4, v2;
	_ =	sdelay $0x1  }
0x1b8: {  	[tilespmem:s15+$0x230] =	vst v0;
	v2 =	vmul.f32 v2, v3  }
0x1b9: {  	[tilespmem:s15+$0x2B0] =	vst v1  }
0x1ba: {  	[tilespmem:s15+$0x330] =	vst v2  }
0x1bb: {  	v0 =	vld [tilespmem:s16+$0xFFFFD8F0]  }
0x1bc: {  	v1 =	vld [tilespmem:s16+$0x0];
	_ =	sdelay $0x3  }
0x1bd: {  	v59 =	vadd.s32 $0x2710, v0;
	_ =	sdelay $0x3  }
0x1be: {  	v60 =	vld.idx.msk [tilespmem:v1+s2+$0x0], $0xffff  }
0x1bf: {  	v2 =	vld.idx.msk [tilespmem:v59+s2+$0x0], $0xffff;
	_ =	sdelay $0x4  }
0x1c0: {  	v2 =	vadd.f32 v2, v60;
	_ =	sdelay $0x1  }
0x1c1: {  	v2 =	vadd.f32 v2, v2;
	_ =	sdelay $0x1  }
0x1c2: {  	v2 =	vmul.f32 $1.442695020e+00, v2;
	_ =	sdelay $0x1  }
0x1c3: {  	(erf) = vpow2.f32 v2;
	_ =	sdelay $0x8  }
0x1c4: {  	v2 =	vpop (erf)  }
0x1c5: {  	v2 =	vadd.f32 $1.000000000e+00, v2;
	_ =	sdelay $0x1  }
0x1c6: {  	(erf) = vrcp.f32 v2;
	_ =	sdelay $0x3  }
0x1c7: {  	v61 =	vadd.s32 $0x4E20, v1;
	_ =	sdelay $0x1  }
0x1c8: {  	v62 =	vadd.s32 $0x4E20, v0;
	_ =	sdelay $0x2  }
0x1c9: {  	v2 =	vld.idx.msk [tilespmem:v61+s2+$0x0], $0xffff;
	v63 =	vpop (erf)  }
0x1ca: {  	v4 =	vadd.f32 v63, v63  }
0x1cb: {  	v3 =	vld.idx.msk [tilespmem:v62+s2+$0x0], $0xffff  }
0x1cc: {  	s14 =	sadd.s32 $0x4, s14;
	v4 =	vsub.f32 $1.000000000e+00, v4  }
0x1cd: {  	p0 =	slt.u32 s14, $0x78  }
.Ltmp0:
0x1ce: {  	v2 =	vmul.f32 v4, v2;
	(pc) =	sbr.rel @p0 .LBB2_2-.Ltmp0, $4  }
0x1cf: {  	_ = 	snop  }
0x1d0: {  	[tilespmem:s15+$0x240] =	vst v0;
	v2 =	vmul.f32 v2, v3  }
0x1d1: {  	[tilespmem:s15+$0x2C0] =	vst v1  }
0x1d2: {  	s16 =	sadd.s32 $0x140, s16;
	[tilespmem:s15+$0x340] =	vst v2;
	s15 =	sadd.s32 $0x800, s15  }
0x1d3: {  	v0 =	vld [tilespmem:$0x9C40]  }
0x1d4: {  	v1 =	vld [tilespmem:$0xC350];
	_ =	sdelay $0x3  }
0x1d5: {  	v2 =	vadd.s32 $0x2710, v0;
	_ =	sdelay $0x3  }
0x1d6: {  	v3 =	vld.idx.msk [tilespmem:v1+s2+$0x0], $0xffff  }
0x1d7: {  	v2 =	vld.idx.msk [tilespmem:v2+s2+$0x0], $0xffff;
	_ =	sdelay $0x4  }
0x1d8: {  	v2 =	vadd.f32 v2, v3;
	_ =	sdelay $0x1  }
0x1d9: {  	v2 =	vadd.f32 v2, v2;
	_ =	sdelay $0x1  }
0x1da: {  	v2 =	vmul.f32 $1.442695020e+00, v2;
	_ =	sdelay $0x1  }
0x1db: {  	(erf) = vpow2.f32 v2;
	_ =	sdelay $0x8  }
0x1dc: {  	v2 =	vpop (erf)  }
0x1dd: {  	v2 =	vadd.f32 $1.000000000e+00, v2;
	_ =	sdelay $0x1  }
0x1de: {  	(erf) = vrcp.f32 v2;
	_ =	sdelay $0x3  }
0x1df: {  	v37 =	vadd.s32 $0x4E20, v1;
	_ =	sdelay $0x1  }
0x1e0: {  	v38 =	vadd.s32 $0x4E20, v0;
	_ =	sdelay $0x1  }
0x1e1: {  	v5 =	vld [tilespmem:$0x9C50]  }
0x1e2: {  	v2 =	vld.idx.msk [tilespmem:v37+s2+$0x0], $0xffff;
	v4 =	vpop (erf)  }
0x1e3: {  	v6 =	vld [tilespmem:$0xC360];
	v4 =	vadd.f32 v4, v4  }
0x1e4: {  	v3 =	vld.idx.msk [tilespmem:v38+s2+$0x0], $0xffff  }
0x1e5: {  	v4 =	vsub.f32 $1.000000000e+00, v4;
	_ =	sdelay $0x1  }
0x1e6: {  	v2 =	vmul.f32 v4, v2  }
0x1e7: {  	v39 =	vadd.s32 $0x2710, v5  }
0x1e8: {  	[tilespmem:$0x1BC00] =	vst v0;
	v2 =	vmul.f32 v2, v3  }
0x1e9: {  	[tilespmem:$0x1BC80] =	vst v1  }
0x1ea: {  	[tilespmem:$0x1BD00] =	vst v2  }
0x1eb: {  	v0 =	vld.idx.msk [tilespmem:v6+s2+$0x0], $0xffff  }
0x1ec: {  	v1 =	vld.idx.msk [tilespmem:v39+s2+$0x0], $0xffff;
	_ =	sdelay $0x4  }
0x1ed: {  	v0 =	vadd.f32 v1, v0;
	_ =	sdelay $0x1  }
0x1ee: {  	v0 =	vadd.f32 v0, v0;
	_ =	sdelay $0x1  }
0x1ef: {  	v0 =	vmul.f32 $1.442695020e+00, v0;
	_ =	sdelay $0x1  }
0x1f0: {  	(erf) = vpow2.f32 v0;
	_ =	sdelay $0x8  }
0x1f1: {  	v0 =	vpop (erf)  }
0x1f2: {  	v0 =	vadd.f32 $1.000000000e+00, v0;
	_ =	sdelay $0x1  }
0x1f3: {  	(erf) = vrcp.f32 v0;
	_ =	sdelay $0x3  }
0x1f4: {  	v40 =	vadd.s32 $0x4E20, v6;
	_ =	sdelay $0x1  }
0x1f5: {  	v41 =	vadd.s32 $0x4E20, v5;
	_ =	sdelay $0x1  }
0x1f6: {  	v43 =	vld [tilespmem:$0x9C60]  }
0x1f7: {  	v0 =	vld.idx.msk [tilespmem:v40+s2+$0x0], $0xffff;
	v42 =	vpop (erf)  }
0x1f8: {  	v44 =	vld [tilespmem:$0xC370];
	v2 =	vadd.f32 v42, v42  }
0x1f9: {  	v1 =	vld.idx.msk [tilespmem:v41+s2+$0x0], $0xffff  }
0x1fa: {  	v2 =	vsub.f32 $1.000000000e+00, v2;
	_ =	sdelay $0x1  }
0x1fb: {  	v0 =	vmul.f32 v2, v0  }
0x1fc: {  	v45 =	vadd.s32 $0x2710, v43  }
0x1fd: {  	[tilespmem:$0x1BC10] =	vst v5;
	v0 =	vmul.f32 v0, v1  }
0x1fe: {  	[tilespmem:$0x1BC90] =	vst v6  }
0x1ff: {  	[tilespmem:$0x1BD10] =	vst v0  }
0x200: {  	v0 =	vld.idx.msk [tilespmem:v44+s2+$0x0], $0xffff  }
0x201: {  	v46 =	vld.idx.msk [tilespmem:v45+s2+$0x0], $0xffff;
	_ =	sdelay $0x4  }
0x202: {  	v0 =	vadd.f32 v46, v0;
	_ =	sdelay $0x1  }
0x203: {  	v0 =	vadd.f32 v0, v0;
	_ =	sdelay $0x1  }
0x204: {  	v0 =	vmul.f32 $1.442695020e+00, v0;
	_ =	sdelay $0x1  }
0x205: {  	(erf) = vpow2.f32 v0;
	_ =	sdelay $0x8  }
0x206: {  	v0 =	vpop (erf)  }
0x207: {  	v0 =	vadd.f32 $1.000000000e+00, v0;
	_ =	sdelay $0x1  }
0x208: {  	(erf) = vrcp.f32 v0;
	_ =	sdelay $0x3  }
0x209: {  	v47 =	vadd.s32 $0x4E20, v44;
	_ =	sdelay $0x1  }
0x20a: {  	v48 =	vadd.s32 $0x4E20, v43;
	_ =	sdelay $0x1  }
0x20b: {  	v50 =	vld [tilespmem:$0x9C70]  }
0x20c: {  	v0 =	vld.idx.msk [tilespmem:v47+s2+$0x0], $0xffff;
	v49 =	vpop (erf)  }
0x20d: {  	v51 =	vld [tilespmem:$0xC380];
	v2 =	vadd.f32 v49, v49  }
0x20e: {  	v1 =	vld.idx.msk [tilespmem:v48+s2+$0x0], $0xffff  }
0x20f: {  	v2 =	vsub.f32 $1.000000000e+00, v2;
	_ =	sdelay $0x1  }
0x210: {  	v0 =	vmul.f32 v2, v0  }
0x211: {  	v52 =	vadd.s32 $0x2710, v50  }
0x212: {  	[tilespmem:$0x1BC20] =	vst v43;
	v0 =	vmul.f32 v0, v1  }
0x213: {  	[tilespmem:$0x1BCA0] =	vst v44  }
0x214: {  	[tilespmem:$0x1BD20] =	vst v0  }
0x215: {  	v0 =	vld.idx.msk [tilespmem:v51+s2+$0x0], $0xffff  }
0x216: {  	v53 =	vld.idx.msk [tilespmem:v52+s2+$0x0], $0xffff;
	_ =	sdelay $0x4  }
0x217: {  	v0 =	vadd.f32 v53, v0;
	_ =	sdelay $0x1  }
0x218: {  	v0 =	vadd.f32 v0, v0;
	_ =	sdelay $0x1  }
0x219: {  	v0 =	vmul.f32 $1.442695020e+00, v0;
	_ =	sdelay $0x1  }
0x21a: {  	(erf) = vpow2.f32 v0;
	_ =	sdelay $0x8  }
0x21b: {  	v0 =	vpop (erf)  }
0x21c: {  	v0 =	vadd.f32 $1.000000000e+00, v0;
	_ =	sdelay $0x1  }
0x21d: {  	(erf) = vrcp.f32 v0;
	_ =	sdelay $0x3  }
0x21e: {  	v54 =	vadd.s32 $0x4E20, v51;
	_ =	sdelay $0x1  }
0x21f: {  	v55 =	vadd.s32 $0x4E20, v50;
	_ =	sdelay $0x1  }
0x220: {  	v57 =	vld [tilespmem:$0x9C80]  }
0x221: {  	v0 =	vld.idx.msk [tilespmem:v54+s2+$0x0], $0xffff;
	v56 =	vpop (erf)  }
0x222: {  	v58 =	vld [tilespmem:$0xC390];
	v2 =	vadd.f32 v56, v56  }
0x223: {  	v1 =	vld.idx.msk [tilespmem:v55+s2+$0x0], $0xffff  }
0x224: {  	v2 =	vsub.f32 $1.000000000e+00, v2;
	_ =	sdelay $0x1  }
0x225: {  	v0 =	vmul.f32 v2, v0  }
0x226: {  	v59 =	vadd.s32 $0x2710, v57  }
0x227: {  	[tilespmem:$0x1BC30] =	vst v50;
	v0 =	vmul.f32 v0, v1  }
0x228: {  	[tilespmem:$0x1BCB0] =	vst v51  }
0x229: {  	[tilespmem:$0x1BD30] =	vst v0  }
0x22a: {  	v0 =	vld.idx.msk [tilespmem:v58+s2+$0x0], $0xffff  }
0x22b: {  	v60 =	vld.idx.msk [tilespmem:v59+s2+$0x0], $0xffff;
	_ =	sdelay $0x4  }
0x22c: {  	v0 =	vadd.f32 v60, v0;
	_ =	sdelay $0x1  }
0x22d: {  	v0 =	vadd.f32 v0, v0;
	_ =	sdelay $0x1  }
0x22e: {  	v0 =	vmul.f32 $1.442695020e+00, v0;
	_ =	sdelay $0x1  }
0x22f: {  	(erf) = vpow2.f32 v0;
	_ =	sdelay $0x8  }
0x230: {  	v0 =	vpop (erf)  }
0x231: {  	v0 =	vadd.f32 $1.000000000e+00, v0;
	_ =	sdelay $0x1  }
0x232: {  	(erf) = vrcp.f32 v0;
	_ =	sdelay $0x3  }
0x233: {  	v61 =	vadd.s32 $0x4E20, v58;
	_ =	sdelay $0x1  }
0x234: {  	v62 =	vadd.s32 $0x4E20, v57;
	_ =	sdelay $0x2  }
0x235: {  	v0 =	vld.idx.msk [tilespmem:v61+s2+$0x0], $0xffff;
	v63 =	vpop (erf)  }
0x236: {  	v2 =	vadd.f32 v63, v63  }
0x237: {  	v1 =	vld.idx.msk [tilespmem:v62+s2+$0x0], $0xffff  }
0x238: {  	v2 =	vsub.f32 $1.000000000e+00, v2;
	_ =	sdelay $0x1  }
0x239: {  	v0 =	vmul.f32 v2, v0;
	_ =	sdelay $0x1  }
0x23a: {  	s13 =	sadd.s32 $0x1, s13;
	[tilespmem:$0x1BC40] =	vst v57;
	v0 =	vmul.f32 v0, v1  }
0x23b: {  	p0 =	sne.s32 s13, s7;
	[tilespmem:$0x1BCC0] =	vst v58  }
.Ltmp1:
0x23c: {  	[tilespmem:$0x1BD40] =	vst v0;
	(pc) =	sbr.rel @p0 .LBB2_1-.Ltmp1, $4  }
0x23d: {  	[hbm4b:s6+s2] =	stream.linear.scatter [tilespmem:s11], [sflag:$0x2], $0xFA00, $0x38;
	[tilespmem:$0x1BE00] =	vst v63  }
0x23e: {  	_ =	swait.ge [sflag:s12], $0xFA00  }
0x23f: {  	[sflag:s12] =	ssyncset.done $0x0  }
0x240: {  	[sflag:s12] =	ssyncadd.s32 $0xFFFF0600  }
0x241: {  	_ =	sfence.sel $0x180000  }
0x242: {  	[bflag:$0x0] =	sbarrier.arrive $0xFFFF  }
0x243: {  	p0 =	sne.s32 s0, $0x0;
	_ =	strace $0x90000047  }
0x244: {  	s0 =	sadd.s32 @!p0 $0x100000, s1;
	[bflag:$0x2] =	sbarrier.arrive $0xFFFF  }
0x245: {  	[sflag:s0] =	ssyncadd.tile.s32 @!p0 $0x1;
	_ =	shalt  }
.Lfunc_end2:
_tile_overlayer_lowered:
.L_overlay_start_2:
0x246: {  	(tag) =	ssettag $0x2  }
0x247: {  	s0 =	rddreg [dreg:$0x0];
	s2 =	stileid.u32  }
0x248: {  	s1 =	rddreg [dreg:$0x1];
	p0 =	sne.s32 s2, $0x0  }
0x249: {  	s3 =	rddreg [dreg:$0x2];
	[bflag:$0x3] =	sbarrier.arrive $0xFFFF;
	s2 =	simm.s32 @!p0 $0x1C02  }
0x24a: {  	[timem:s3], [sflag:s2] =	dma.local @!p0 [hbm:s0], s1  }
0x24b: {  	s0 =	simm.s32 @!p0 $0x2  }
0x24c: {  	_ =	swait.ge @!p0 [sflag:s0], s1  }
0x24d: {  	s1 =	ssub.s32 @!p0 $0x0, s1;
	[sflag:s0] =	ssyncset.done @!p0 $0x0  }
0x24e: {  	[sflag:s0] =	ssyncadd.s32 @!p0 s1  }
0x24f: {  	[bflag:$0x3] =	sbarrier.arrive $0xFFFF  }
0x250: {  	_ =	shalt  }

// kernel: kernel.9.cloned.1.call-start
scs
__scs_entry_jumppad:
0x0: {  	(pc) =	sbr.rel $0x88, $3  }
0x1: {  	(tag) =	ssettag $0x0;
	lr =	simm.s32 $0x1  }
0x2: {  	[smem:$0x3F9C] =	sst lr;
	_ =	strace $0xD0000000  }
0x3: {  	_ = 	snop  }
0x4: {  	_ = 	snop  }
0x5: {  	_ = 	snop  }
0x6: {  	_ = 	snop  }
0x7: {  	_ = 	snop  }
__scs_overlays_trampoline_lowered:
0x8: {  	[smem:$0x3FAB] =	sst s0  }
0x9: {  	[smem:$0x3FAC] =	sst s1  }
0xa: {  	[smem:$0x3FAD] =	sst s2  }
0xb: {  	[smem:$0x3FAE] =	sst s3  }
0xc: {  	[smem:$0x3FAF] =	sst s4  }
0xd: {  	[smem:$0x3FB0] =	sst s5  }
0xe: {  	[smem:$0x3FB1] =	sst s6  }
0xf: {  	[smem:$0x3FB2] =	sst s7  }
0x10: {  	[smem:$0x3FB3] =	sst s8  }
0x11: {  	[smem:$0x3FB4] =	sst s9;
	s0 =	simm.s32 @!p0 $0x0  }
0x12: {  	s1 =	sld [smem:$0x3F9A];
	s0 =	simm.s32 @p0 $0x1  }
0x13: {  	[smem:$0x3FB5] =	sst s0;
	s0 =	simm.s32 @!p1 $0x0  }
0x14: {  	s2 =	sld [smem:$0x3F99];
	s0 =	simm.s32 @p1 $0x1  }
0x15: {  	[smem:$0x3FB6] =	sst s0;
	s0 =	simm.s32 @!p2 $0x0  }
0x16: {  	s3 =	sld [smem:$0x3FDB];
	s0 =	simm.s32 @p2 $0x1  }
0x17: {  	s4 =	simm.s32 $0x1BF5;
	[smem:$0x3FB8] =	sst s0  }
0x18: {  	s0 =	sld [smem:$0x3F9B];
	_ =	swait.ge [sflag:s4], $0x0  }
0x19: {  	s7 =	sld [smem:$0x3F9C]  }
0x1a: {  	s8 =	sadd.s32 $0xFFFFE003, lr  }
0x1b: {  	s9 =	sadd.s32 $0xFFFFFEF7, lr;
	s5 =	simm.s32 $0xFFFFFFFF;
	p2 =	slt.u32 s8, $0xFFFFF086  }
0x1c: {  	p1 =	slt.u32 s9, $0xF7A;
	s5 =	simm.s32 @!p2 $0x0  }
0x1d: {  	s5 =	simm.s32 @p1 $0x1;
	p0 =	seq.s32 s7, s2  }
0x1e: {  	s7 =	smul.u32 @!p0 $0xF7A, s2;
	p2 =	seq.s32 @!p0 s5, $0x0  }
0x1f: {  	s9 =	smul.u32 $0xF7A, s1;
	s8 =	simm.s32 @!p0 $0x1BF5;
	p2 =	por !p2, p0  }
0x20: {  	[sflag:s8] =	ssyncset.s32 @!p0 $0xFFFFF086;
	s6 =	sadd.s32 @!p0 s3, s7;
	s7 =	simm.s32 @!p0 $0x108  }
0x21: {  	s3 =	sadd.s32 s3, s9;
	s6 =	sadd.s32 @!p0 $0x88, s6;
	s7 =	simm.s32 @p2 $0x1082  }
0x22: {  	[simem:s7], [sflag:s8] =	dma.local @!p0 [hbm:s6], $0xF7A  }
0x23: {  	s9 =	sor.u32 $0xD0000000, s2;
	s6 =	simm.s32 $0x108;
	_ =	swait.ge @!p0 [sflag:s8], $0x0  }
0x24: {  	s3 =	sadd.s32 $0x88, s3;
	s6 =	simm.s32 @!p1 $0x1082;
	[sflag:s4] =	ssyncset.s32 $0xFFFFF086  }
0x25: {  	[simem:s6], [sflag:s4] =	dma.local [hbm:s3], $0xF7A  }
0x26: {  	[smem:$0x3F9C] =	sst s1;
	(tag) =	ssettag s2;
	_ =	strace s9  }
0x27: {  	s1 =	sld [smem:$0x3FAC]  }
0x28: {  	s2 =	sld [smem:$0x3FAD]  }
0x29: {  	s4 =	sld [smem:$0x3FAF]  }
0x2a: {  	p0 =	seq.s32 s5, $0x0;
	s5 =	sld [smem:$0x3FB0]  }
0x2b: {  	s6 =	sld [smem:$0x3FB1]  }
0x2c: {  	s7 =	sld [smem:$0x3FB2]  }
0x2d: {  	s3 =	simm.s32 $0x108;
	s8 =	sld [smem:$0x3FB3]  }
0x2e: {  	s3 =	simm.s32 @!p0 $0x1082;
	s9 =	sld [smem:$0x3FB4]  }
0x2f: {  	lr =	sadd.s32 s0, s3;
	s0 =	sld [smem:$0x3FAB]  }
0x30: {  	s3 =	sld [smem:$0x3FAE]  }
0x31: {  	[smem:$0x3FB7] =	sst s10  }
0x32: {  	s10 =	sld [smem:$0x3FB5];
	_ =	sdelay $0x3  }
0x33: {  	p0 =	seq.s32 s10, $0x1;
	s10 =	sld [smem:$0x3FB7];
	_ =	sdelay $0x3  }
0x34: {  	[smem:$0x3FB7] =	sst s10  }
0x35: {  	s10 =	sld [smem:$0x3FB6];
	_ =	sdelay $0x3  }
0x36: {  	p1 =	seq.s32 s10, $0x1;
	s10 =	sld [smem:$0x3FB7];
	_ =	sdelay $0x3  }
0x37: {  	[smem:$0x3FB7] =	sst s10  }
0x38: {  	s10 =	sld [smem:$0x3FB8]  }
0x39: {  	_ = 	snop;
	(pc) =	sbr.ind lr, $3  }
0x3a: {  	_ = 	snop  }
0x3b: {  	_ = 	snop  }
0x3c: {  	p2 =	seq.s32 s10, $0x1;
	s10 =	sld [smem:$0x3FB7]  }
0x3d: {  	_ =	shalt  }
0x3e: {  	_ =	shalt  }
0x3f: {  	_ =	shalt  }
0x40: {  	_ =	shalt  }
0x41: {  	_ =	shalt  }
0x42: {  	_ =	shalt  }
0x43: {  	_ =	shalt  }
0x44: {  	_ =	shalt  }
0x45: {  	_ =	shalt  }
0x46: {  	_ =	shalt  }
0x47: {  	_ =	shalt  }
0x48: {  	_ =	shalt  }
0x49: {  	_ =	shalt  }
0x4a: {  	_ =	shalt  }
0x4b: {  	_ =	shalt  }
0x4c: {  	_ =	shalt  }
0x4d: {  	_ =	shalt  }
0x4e: {  	_ =	shalt  }
0x4f: {  	_ =	shalt  }
0x50: {  	_ =	shalt  }
0x51: {  	_ =	shalt  }
0x52: {  	_ =	shalt  }
0x53: {  	_ =	shalt  }
0x54: {  	_ =	shalt  }
0x55: {  	_ =	shalt  }
0x56: {  	_ =	shalt  }
0x57: {  	_ =	shalt  }
0x58: {  	_ =	shalt  }
0x59: {  	_ =	shalt  }
0x5a: {  	_ =	shalt  }
0x5b: {  	_ =	shalt  }
0x5c: {  	_ =	shalt  }
0x5d: {  	_ =	shalt  }
0x5e: {  	_ =	shalt  }
0x5f: {  	_ =	shalt  }
0x60: {  	_ =	shalt  }
0x61: {  	_ =	shalt  }
0x62: {  	_ =	shalt  }
0x63: {  	_ =	shalt  }
0x64: {  	_ =	shalt  }
0x65: {  	_ =	shalt  }
0x66: {  	_ =	shalt  }
0x67: {  	_ =	shalt  }
0x68: {  	_ =	shalt  }
0x69: {  	_ =	shalt  }
0x6a: {  	_ =	shalt  }
0x6b: {  	_ =	shalt  }
0x6c: {  	_ =	shalt  }
0x6d: {  	_ =	shalt  }
0x6e: {  	_ =	shalt  }
0x6f: {  	_ =	shalt  }
0x70: {  	_ =	shalt  }
0x71: {  	_ =	shalt  }
0x72: {  	_ =	shalt  }
0x73: {  	_ =	shalt  }
0x74: {  	_ =	shalt  }
0x75: {  	_ =	shalt  }
0x76: {  	_ =	shalt  }
0x77: {  	_ =	shalt  }
0x78: {  	_ =	shalt  }
0x79: {  	_ =	shalt  }
0x7a: {  	_ =	shalt  }
0x7b: {  	_ =	shalt  }
0x7c: {  	_ =	shalt  }
0x7d: {  	_ =	shalt  }
0x7e: {  	_ =	shalt  }
0x7f: {  	_ =	shalt  }
0x80: {  	_ =	shalt  }
0x81: {  	_ =	shalt  }
0x82: {  	_ =	shalt  }
0x83: {  	_ =	shalt  }
0x84: {  	_ =	shalt  }
0x85: {  	_ =	shalt  }
0x86: {  	_ =	shalt  }
0x87: {  	_ =	shalt  }
.Lfunc_end0:
.L_simem_size_0:
called_computation.1_lowered:
.L_overlay_start_0:
0x88: {  	s2 =	sld [smem:$0x3FD9]  }
0x89: {  	s3 =	sld [smem:$0x3FFE];
	_ =	sdelay $0x1  }
0x8a: {  	s1 =	srdreg.scid  }
0x8b: {  	s0 =	sand.u32 $0x1, s1  }
0x8c: {  	s17 =	sshll.u32 s0, $0xA;
	s2 =	sadd.s32 s3, s2  }
0x8d: {  	s2 =	sadd.s32 s2, s17  }
0x8e: {  	[smem:$0x3FC3] =	sst s2  }
0x8f: {  	_ = 	snop  }
0x90: {  	s2 =	sld [smem:$0x3FC9];
	(tm) =	ssettm $0x1  }
0x91: {  	s18 =	sld [smem:$0x3FFB];
	_ =	sdelay $0x3  }
0x92: {  	_ =	strace s18  }
0x93: {  	s3 =	sld [smem:$0x3FFC];
	_ =	sdelay $0x3  }
0x94: {  	_ =	strace s3  }
0x95: {  	s3 =	sld [smem:$0x3FFD];
	_ =	sdelay $0x3  }
0x96: {  	_ =	strace s3  }
0x97: {  	_ =	strace $0x8FFFFFFF  }
0x98: {  	s19 =	sld [smem:$0x3FDB];
	_ =	sdelay $0x1  }
0x99: {  	s4 =	simm.s32 $_scs_section_size  }
0x9a: {  	s5 =	simm.s32 $_size__tile_overlayer_lowered;
	s6 =	simm.s32 $_tile_overlayer_lowered  }
0x9b: {  	s22 =	simm.s32 $0x1BFF;
	s21 =	sshll.u32 s6, $0x1;
	s3 =	sadd.s32 s4, s19  }
0x9c: {  	s7 =	simm.s32 $0x0;
	s20 =	sshll.u32 s5, $0x1;
	s5 =	sadd.s32 s21, s3  }
0x9d: {  	[timem:s7], [sflag:s22] =	dma.local [hbm:s5], s20  }
0x9e: {  	_ =	swait.ge [sflag:s22], s20  }
0x9f: {  	s4 =	ssub.s32 $0x0, s20;
	[sflag:s22] =	ssyncset.done $0x0  }
0xa0: {  	[sflag:s22] =	ssyncadd.s32 s4;
	_ =	sdelay $0x1  }
0xa1: {  	s23 =	simm.s32 $0x1B8B  }
0xa2: {  	_ =	swait.ge [sflag:s23], $0x1  }
0xa3: {  	[sflag:s23] =	ssyncset.done $0x0  }
0xa4: {  	s25 =	simm.s32 $0x1B8E;
	s24 =	sld [smem:$0x3FFE];
	[sflag:s23] =	ssyncadd.s32 $0xFFFFFFFF  }
0xa5: {  	s26 =	simm.s32 $execute0_lowered;
	[smem:$0x3FD2] =	sst s25  }
0xa6: {  	s5 =	sshll.u32 s26, $0x1;
	_ =	strace $0x80000049;
	[dreg:$0x1] =	wrdreg $0xFFFFFFFF  }
0xa7: {  	s28 =	simm.s32 $_size_execute0_lowered;
	s3 =	sadd.s32 s3, s5;
	[dreg:$0x0] =	wrdreg $0x0  }
0xa8: {  	s5 =	sshll.u32 s28, $0x1;
	[dreg:$0x2] =	wrdreg s3  }
0xa9: {  	[dreg:$0x3] =	wrdreg s5  }
0xaa: {  	[dreg:$0x4] =	wrdreg $0xC0  }
0xab: {  	_ =	task [dreg:s7], $0x5FFFF  }
0xac: {  	[dreg:$0x1] =	wrdreg $0xFFFFFFFF  }
0xad: {  	[dreg:$0x0] =	wrdreg $0x60  }
0xae: {  	[dreg:$0x2] =	wrdreg s2  }
0xaf: {  	[dreg:$0x3] =	wrdreg s24  }
0xb0: {  	[dreg:$0x4] =	wrdreg $0xB0000  }
0xb1: {  	[dreg:$0x5] =	wrdreg $0x9  }
0xb2: {  	_ =	task.clear_ibuf [dreg:s7], $0x6FFFF;
	_ =	strace $0x90000049  }
0xb3: {  	s29 =	simm.s32 $0x9;
	_ =	strace $0x8000004B  }
0xb4: {  	_ =	swait.ge [sflag:s29], $0x1  }
0xb5: {  	[sflag:s29] =	ssyncadd.s32 $0xFFFFFFFF  }
0xb6: {  	_ =	strace $0x9000004B  }
0xb7: {  	_ =	sfence  }
0xb8: {  	s30 =	sld [smem:$0x0];
	_ =	sdelay $0x2  }
0xb9: {  	s31 =	sshll.u32 s1, $0xD;
	s1 =	sshrl.u32 s1, $0x2  }
0xba: {  	s3 =	sand.u32 $0x4000, s31;
	s1 =	sadd.s32 s1, s30  }
0xbb: {  	s0 =	sor.u32 s3, s0;
	s1 =	sshll.u32 s1, $0x11  }
0xbc: {  	s0 =	sor.u32 s1, s0  }
0xbd: {  	s0 =	sadd.s32 $0x8F2B, s0  }
0xbe: {  	[sflag:s0] =	ssyncadd.remote.s32 $0x1  }
0xbf: {  	_ =	sfence.sel $0xFFFF  }
0xc0: {  	[dreg:$0x0] =	wrdreg $0xFFFFFFFF;
	(pc) =	sbr.abs _section_cstart, $3  }
0xc1: {  	[dreg:$0x1] =	wrdreg $0xFFFFFFFF  }
0xc2: {  	_ =	task.clear_ibuf [dreg:s7], $0x2FFFF;
	_ =	strace $0x9FFFFFFF  }
0xc3: {  	(tm) =	ssettm $0x7FFFFFFF  }
tec
execute0_lowered:
.L_overlay_start_1:
0x0: {  	(tag) =	ssettag $0x1  }
0x1: {  	s1 =	rddreg [dreg:$0x0]  }
0x2: {  	s0 =	rddreg [dreg:$0x1]  }
0x3: {  	s2 =	rddreg [dreg:$0x2];
	s3 =	simm.s32 $0x0  }
0x4: {  	s4 =	srdreg.scid;
	s12 =	stileid.u32;
	s28 =	simm.s32 $0x11  }
0x5: {  	s31 =	simm.s32 $0x1;
	s30 =	simm.s32 $0x2;
	[smem:$0x7FF] =	sst s3  }
0x6: {  	s4 =	sand.u32 $0x1, s4;
	s5 =	sadd.s32 $0x2200, s0;
	s8 =	smul.u32 $0x4E200, s12  }
0x7: {  	s0 =	sadd.s32 $0x40A00, s0;
	s15 =	sshll.u32 s12, $0x1;
	s6 =	ssub.s32 $0x2, s4  }
0x8: {  	s10 =	smul.u32 $0x13800, s12;
	s7 =	sshrl.u32 s6, $0x1;
	s8 =	sshrl.u32 s8, $0x2  }
0x9: {  	s11 =	smul.u32 $0x4E000, s12;
	s7 =	ssub.s32 s6, s7;
	s6 =	sadd.s32 s8, s2  }
0xa: {  	p0 =	sne.s32 s12, $0xF;
	_ =	strace $0x8000004A;
	s8 =	sadd.s32 $0x11800, s6  }
0xb: {  	s9 =	smul.u32 $0x138800, s4;
	s7 =	smax.u32 s7, $0x1;
	[dreg:$0x4] =	wrdreg s8  }
0xc: {  	s4 =	sor.u32 s4, s15;
	s19 =	sadd.s32 $0x2800, s6;
	[dreg:$0x7] =	wrdreg s7  }
0xd: {  	s17 =	sshrl.u32 s11, $0x2;
	s20 =	sadd.s32 $0x5000, s6;
	[dreg:$0x8] =	wrdreg s19  }
0xe: {  	s16 =	sadd.s32 s10, s9;
	s22 =	sadd.s32 $0x7800, s6;
	[dreg:$0x9] =	wrdreg s20  }
0xf: {  	s9 =	sshrl.u32 s9, $0x3;
	s23 =	sadd.s32 $0xA000, s6;
	[dreg:$0xa] =	wrdreg s22  }
0x10: {  	s18 =	sadd.s32 s17, s2;
	s24 =	sadd.s32 $0xC800, s6;
	[dreg:$0xb] =	wrdreg s23  }
0x11: {  	s25 =	sadd.s32 $0xF000, s6;
	s8 =	smul.u32 $0xFA00, s4;
	[dreg:$0xc] =	wrdreg s24  }
0x12: {  	s4 =	sshrl.u32 s16, $0x3;
	[dreg:$0xd] =	wrdreg s25;
	s24 =	sshrl.u32 s18, $0x3  }
0x13: {  	s7 =	simm.s32 $0xD;
	s4 =	sadd.s32 s0, s4;
	s0 =	sadd.s32 s0, s9  }
0x14: {  	s9 =	simm.s32 $0x0;
	[dreg:$0x5] =	wrdreg s4;
	s21 =	sshrl.u32 s8, $0x3  }
0x15: {  	s0 =	sadd.s32 $0x27000, s0;
	s4 =	simm.s32 $0x10;
	s16 =	sadd.s32 s5, s21  }
0x16: {  	[dreg:$0x6] =	wrdreg s0;
	s0 =	sadd.s32 $0x138000, s2;
	s26 =	sadd.s32 $0x40, s16  }
0x17: {  	s29 =	sadd.s32 $0x80, s16;
	s21 =	sadd.s32 $0xC0, s16;
	s22 =	sadd.s32 $0x100, s16  }
0x18: {  	s23 =	sadd.s32 $0x140, s16;
	s25 =	sshrl.u32 @!p0 s0, $0x3;
	[dreg:$0xe] =	wrdreg s26  }
0x19: {  	v0 =	vimm.f32 $0.0e+00;
	s0 =	simm.s32 $0x50;
	[dreg:$0xf] =	wrdreg s29;
	s26 =	simm.s32 $0x1000  }
.LBB2_1:
0x1a: {  	s10 =	simm.s32 $0x1100  }
0x1b: {  	[tilespmem:s10+$0xFFFFFF00] =	vst v0  }
0x1c: {  	[tilespmem:s10+$0xF0] =	vst v0  }
0x1d: {  	[tilespmem:s10+$0xE0] =	vst v0  }
0x1e: {  	[tilespmem:s10+$0xD0] =	vst v0  }
0x1f: {  	[tilespmem:s10+$0xC0] =	vst v0  }
0x20: {  	[tilespmem:s10+$0xB0] =	vst v0  }
0x21: {  	[tilespmem:s10+$0xA0] =	vst v0  }
0x22: {  	[tilespmem:s10+$0x90] =	vst v0  }
0x23: {  	[tilespmem:s10+$0x80] =	vst v0  }
0x24: {  	[tilespmem:s10+$0x70] =	vst v0  }
0x25: {  	[tilespmem:s10+$0x60] =	vst v0  }
0x26: {  	[tilespmem:s10+$0x50] =	vst v0  }
0x27: {  	[tilespmem:s10+$0x40] =	vst v0  }
0x28: {  	[tilespmem:s10+$0x30] =	vst v0  }
0x29: {  	[tilespmem:s10+$0x20] =	vst v0  }
0x2a: {  	[tilespmem:s10+$0x10] =	vst v0  }
0x2b: {  	[tilespmem:s10+$0x0] =	vst v0  }
0x2c: {  	[tilespmem:s10+$0xFFFFFFF0] =	vst v0  }
0x2d: {  	[tilespmem:s10+$0xFFFFFFE0] =	vst v0  }
0x2e: {  	[tilespmem:s10+$0xFFFFFFD0] =	vst v0  }
0x2f: {  	[tilespmem:s10+$0xFFFFFFC0] =	vst v0  }
0x30: {  	[tilespmem:s10+$0xFFFFFFB0] =	vst v0  }
0x31: {  	[tilespmem:s10+$0xFFFFFFA0] =	vst v0  }
0x32: {  	[tilespmem:s10+$0xFFFFFF90] =	vst v0  }
0x33: {  	[tilespmem:s10+$0xFFFFFF80] =	vst v0  }
0x34: {  	[tilespmem:s10+$0xFFFFFF70] =	vst v0  }
0x35: {  	[tilespmem:s10+$0xFFFFFF60] =	vst v0  }
0x36: {  	[tilespmem:s10+$0xFFFFFF50] =	vst v0  }
0x37: {  	[tilespmem:s10+$0xFFFFFF40] =	vst v0  }
0x38: {  	[tilespmem:s10+$0xFFFFFF30] =	vst v0  }
0x39: {  	s11 =	simm.s32 $0x0;
	[tilespmem:s10+$0xFFFFFF20] =	vst v0  }
.LBB2_2:
0x3a: {  	s11 =	sadd.s32 $0x4, s11;
	[tilespmem:s10+$0xFFFFFF10] =	vst v0;
	s10 =	sadd.s32 $0x200, s10  }
0x3b: {  	[tilespmem:s10+$0xFFFFFF00] =	vst v0;
	p1 =	slt.u32 s11, $0x4C  }
0x3c: {  	[tilespmem:s10+$0xF0] =	vst v0  }
0x3d: {  	[tilespmem:s10+$0xE0] =	vst v0  }
0x3e: {  	[tilespmem:s10+$0xD0] =	vst v0  }
0x3f: {  	[tilespmem:s10+$0xC0] =	vst v0  }
0x40: {  	[tilespmem:s10+$0xB0] =	vst v0  }
0x41: {  	[tilespmem:s10+$0xA0] =	vst v0  }
0x42: {  	[tilespmem:s10+$0x90] =	vst v0  }
0x43: {  	[tilespmem:s10+$0x80] =	vst v0  }
0x44: {  	[tilespmem:s10+$0x70] =	vst v0  }
0x45: {  	[tilespmem:s10+$0x60] =	vst v0  }
0x46: {  	[tilespmem:s10+$0x50] =	vst v0  }
0x47: {  	[tilespmem:s10+$0x40] =	vst v0  }
0x48: {  	[tilespmem:s10+$0x30] =	vst v0  }
0x49: {  	[tilespmem:s10+$0x20] =	vst v0  }
0x4a: {  	[tilespmem:s10+$0x10] =	vst v0  }
0x4b: {  	[tilespmem:s10+$0x0] =	vst v0  }
0x4c: {  	[tilespmem:s10+$0xFFFFFFF0] =	vst v0  }
0x4d: {  	[tilespmem:s10+$0xFFFFFFE0] =	vst v0  }
0x4e: {  	[tilespmem:s10+$0xFFFFFFD0] =	vst v0  }
0x4f: {  	[tilespmem:s10+$0xFFFFFFC0] =	vst v0  }
0x50: {  	[tilespmem:s10+$0xFFFFFFB0] =	vst v0  }
0x51: {  	[tilespmem:s10+$0xFFFFFFA0] =	vst v0  }
0x52: {  	[tilespmem:s10+$0xFFFFFF90] =	vst v0  }
0x53: {  	[tilespmem:s10+$0xFFFFFF80] =	vst v0  }
0x54: {  	[tilespmem:s10+$0xFFFFFF70] =	vst v0  }
.Ltmp0:
0x55: {  	[tilespmem:s10+$0xFFFFFF60] =	vst v0;
	(pc) =	sbr.rel @p1 .LBB2_2-.Ltmp0, $4  }
0x56: {  	[tilespmem:s10+$0xFFFFFF50] =	vst v0  }
0x57: {  	[tilespmem:s10+$0xFFFFFF40] =	vst v0  }
0x58: {  	[tilespmem:s10+$0xFFFFFF30] =	vst v0  }
0x59: {  	[tilespmem:s10+$0xFFFFFF20] =	vst v0  }
0x5a: {  	[tilespmem:s10+$0xFFFFFF10] =	vst v0  }
0x5b: {  	[spmem:s6] =	stream.linear.scatter [tilespmem:s26], [sflag:$0x11], $0x2800, $0x38;
	[tilespmem:$0x1E880] =	vst v63  }
0x5c: {  	_ =	swait.ge [sflag:s28], $0x2800  }
0x5d: {  	[sflag:s28] =	ssyncset.done $0x0  }
0x5e: {  	s20 =	rddreg [dreg:$0x8];
	[sflag:s28] =	ssyncadd.s32 $0xFFFFD800  }
0x5f: {  	[spmem:s20] =	stream.linear.scatter [tilespmem:s26], [sflag:$0x11], $0x2800, $0x38;
	[tilespmem:$0x1E880] =	vst v63  }
0x60: {  	_ =	swait.ge [sflag:s28], $0x2800  }
0x61: {  	[sflag:s28] =	ssyncset.done $0x0  }
0x62: {  	s29 =	rddreg [dreg:$0x9];
	[sflag:s28] =	ssyncadd.s32 $0xFFFFD800  }
0x63: {  	[spmem:s29] =	stream.linear.scatter [tilespmem:s26], [sflag:$0x11], $0x2800, $0x38;
	[tilespmem:$0x1E880] =	vst v63  }
0x64: {  	_ =	swait.ge [sflag:s28], $0x2800  }
0x65: {  	[sflag:s28] =	ssyncset.done $0x0  }
0x66: {  	s11 =	rddreg [dreg:$0xa];
	[sflag:s28] =	ssyncadd.s32 $0xFFFFD800  }
0x67: {  	[spmem:s11] =	stream.linear.scatter [tilespmem:s26], [sflag:$0x11], $0x2800, $0x38;
	[tilespmem:$0x1E880] =	vst v63  }
0x68: {  	_ =	swait.ge [sflag:s28], $0x2800  }
0x69: {  	[sflag:s28] =	ssyncset.done $0x0  }
0x6a: {  	s12 =	rddreg [dreg:$0xb];
	[sflag:s28] =	ssyncadd.s32 $0xFFFFD800  }
0x6b: {  	[spmem:s12] =	stream.linear.scatter [tilespmem:s26], [sflag:$0x11], $0x2800, $0x38;
	[tilespmem:$0x1E880] =	vst v63  }
0x6c: {  	_ =	swait.ge [sflag:s28], $0x2800  }
0x6d: {  	[sflag:s28] =	ssyncset.done $0x0  }
0x6e: {  	s13 =	rddreg [dreg:$0xc];
	[sflag:s28] =	ssyncadd.s32 $0xFFFFD800  }
0x6f: {  	[spmem:s13] =	stream.linear.scatter [tilespmem:s26], [sflag:$0x11], $0x2800, $0x38;
	[tilespmem:$0x1E880] =	vst v63  }
0x70: {  	_ =	swait.ge [sflag:s28], $0x2800  }
0x71: {  	[sflag:s28] =	ssyncset.done $0x0  }
0x72: {  	s14 =	rddreg [dreg:$0xd];
	[sflag:s28] =	ssyncadd.s32 $0xFFFFD800  }
0x73: {  	[spmem:s14] =	stream.linear.scatter [tilespmem:s26], [sflag:$0x11], $0x2800, $0x38;
	[tilespmem:$0x1E880] =	vst v63  }
0x74: {  	_ =	swait.ge [sflag:s28], $0x2800  }
0x75: {  	[sflag:s28] =	ssyncset.done $0x0  }
0x76: {  	s15 =	rddreg [dreg:$0x4];
	[sflag:s28] =	ssyncadd.s32 $0xFFFFD800  }
0x77: {  	[spmem:s15] =	stream.linear.scatter [tilespmem:s26], [sflag:$0x11], $0x2080, $0x38;
	[tilespmem:$0x1E880] =	vst v63  }
0x78: {  	_ =	swait.ge [sflag:s28], $0x2080  }
0x79: {  	[sflag:s28] =	ssyncset.done $0x0  }
0x7a: {  	[sflag:s28] =	ssyncadd.s32 $0xFFFFDF80  }
0x7b: {  	s10 =	simm.s32 $0x0;
	[bflag:$0x0] =	sbarrier.arrive $0xFFFF  }
0x7c: {  	[tilespmem:s10], [sflag:$0x1] =	stream.linear.gather [hbm4b:s16+s10], $0x200, $0x38;
	[tilespmem:$0x1E880] =	vst v63  }
0x7d: {  	s12 =	simm.s32 $0x200;
	s11 =	rddreg [dreg:$0xe]  }
0x7e: {  	[tilespmem:s12], [sflag:$0x2] =	stream.linear.gather [hbm4b:s11+s10], $0x200, $0x38;
	[tilespmem:$0x1E880] =	vst v63  }
0x7f: {  	s13 =	simm.s32 $0x400;
	s17 =	rddreg [dreg:$0xf]  }
0x80: {  	[tilespmem:s13], [sflag:$0x3] =	stream.linear.gather [hbm4b:s17+s10], $0x200, $0x38;
	[tilespmem:$0x1E880] =	vst v63  }
0x81: {  	s18 =	simm.s32 $0x600  }
0x82: {  	[tilespmem:s18], [sflag:$0x4] =	stream.linear.gather [hbm4b:s21+s10], $0x200, $0x38;
	[tilespmem:$0x1E880] =	vst v63  }
0x83: {  	s19 =	simm.s32 $0x800  }
0x84: {  	[tilespmem:s19], [sflag:$0x5] =	stream.linear.gather [hbm4b:s22+s10], $0x200, $0x38;
	[tilespmem:$0x1E880] =	vst v63  }
0x85: {  	s20 =	simm.s32 $0xA00  }
0x86: {  	[tilespmem:s20], [sflag:$0x6] =	stream.linear.gather [hbm4b:s23+s10], $0x200, $0x38;
	[tilespmem:$0x1E880] =	vst v63  }
0x87: {  	_ =	swait.ge [sflag:s31], $0x200  }
0x88: {  	[sflag:s31] =	ssyncset.done $0x0  }
0x89: {  	[sflag:s31] =	ssyncadd.s32 $0xFFFFFE00  }
0x8a: {  	[tilespmem:s26], [sflag:$0x9] =	stream.indirect.gather [hbm4b:s1+s0], $0x80, s10, s0, $0xb8;
	[tilespmem:$0x1E880] =	vst v63  }
0x8b: {  	_ =	swait.ge [sflag:s30], $0x200  }
0x8c: {  	[sflag:s30] =	ssyncset.done $0x0  }
0x8d: {  	s29 =	simm.s32 $0x3800;
	s11 =	simm.s32 $0x0;
	[sflag:s30] =	ssyncadd.s32 $0xFFFFFE00  }
0x8e: {  	[tilespmem:s29], [sflag:$0xA] =	stream.indirect.gather [hbm4b:s1+s0], $0x80, s12, s0, $0xb8;
	[tilespmem:$0x1E880] =	vst v63  }
.LBB2_4:
0x8f: {  	p1 =	slt.u32 s11, $0x2  }
0x90: {  	p2 =	sgt.u32 @!p1 s11, $0x76  }
0x91: {  	s12 =	sand.u32 $0x3, s11;
	p2 =	por p1, !p2  }
.Ltmp1:
0x92: {  	s13 =	sxor.u32 @!p1 $0x2, s12;
	(pc) =	sbr.rel @!p2 .LBB2_6-.Ltmp1, $4  }
0x93: {  	s13 =	sadd.s32 @!p1 $0xD, s13  }
0x94: {  	_ =	swait.ge @!p1 [sflag:s13], $0x2800  }
0x95: {  	[sflag:s13] =	ssyncset.done @!p1 $0x0  }
0x96: {  	[sflag:s13] =	ssyncadd.s32 @!p1 $0xFFFFD800  }
0x97: {  	s13 =	sadd.s32 $0x6, s11  }
.Ltmp2:
0x98: {  	s14 =	sshll.u32 s13, $0x9;
	(pc) =	sbr.rel .LBB2_7-.Ltmp2, $4  }
0x99: {  	s14 =	sadd.s32 s8, s14  }
0x9a: {  	s13 =	sand.u32 $0x7, s13;
	s14 =	sshrl.u32 s14, $0x3  }
0x9b: {  	s15 =	sshll.u32 s13, $0x9;
	s13 =	sadd.s32 $0x1, s13;
	s14 =	sadd.s32 s5, s14  }
0x9c: {  	[tilespmem:s15], [sflag:s13] =	stream.linear.gather [hbm4b:s14+s3], $0x200, $0x38;
	[tilespmem:$0x1E880] =	vst v63  }
.LBB2_6:
0x9d: {  	p1 =	sgt.u32 s11, $0x7A  }
.Ltmp3:
0x9e: {  	_ = 	snop;
	(pc) =	sbr.rel @p1 .LBB2_8-.Ltmp3, $1  }
0x9f: {  	_ =	sdelay $0x3  }
.LBB2_7:
0xa0: {  	s13 =	sadd.s32 $0x2, s11  }
0xa1: {  	s14 =	sand.u32 $0x7, s13;
	s13 =	sand.u32 $0x3, s13  }
0xa2: {  	s15 =	sadd.s32 $0x1, s14;
	s17 =	smul.u32 $0xA000, s13  }
0xa3: {  	_ =	swait.ge [sflag:s15], $0x200  }
0xa4: {  	s14 =	sshll.u32 s14, $0x9;
	[sflag:s15] =	ssyncset.done $0x0;
	s29 =	sshrl.u32 s17, $0x2  }
0xa5: {  	s13 =	sadd.s32 $0x9, s13;
	[sflag:s15] =	ssyncadd.s32 $0xFFFFFE00;
	s15 =	sadd.s32 $0x1000, s29  }
0xa6: {  	[tilespmem:s15], [sflag:s13] =	stream.indirect.gather [hbm4b:s1+s0], $0x80, s14, s0, $0xb8;
	[tilespmem:$0x1E880] =	vst v63  }
.LBB2_8:
0xa7: {  	s13 =	sand.u32 $0x7, s11  }
0xa8: {  	s15 =	simm.s32 $0x0;
	s13 =	sshll.u32 s13, $0x9  }
0xa9: {  	v2 =	vmov s15;
	v1 =	vmov s13  }
0xaa: {  	v2 =	vand.u32 $0x7C, v2;
	v1 =	vor.u32 $0x100, v1  }
0xab: {  	v2 =	vor.u32 v1, v2  }
0xac: {  	s14 =	sand.u32 $0x3, s10;
	v2 =	vbroadcast v2, $0x0  }
0xad: {  	s17 =	sadd.s32 $0x9, s12;
	s14 =	smul.u32 $0xA000, s14  }
0xae: {  	_ =	swait.ge [sflag:s17], $0x2800  }
0xaf: {  	[sflag:s17] =	ssyncset.done $0x0;
	s14 =	sshrl.u32 s14, $0x2  }
0xb0: {  	[sflag:s17] =	ssyncadd.s32 $0xFFFFD800;
	s19 =	sadd.s32 $0x1100, s14  }
0xb1: {  	v4 =	vld [tilespmem:s19+$0xFFFFFF70]  }
0xb2: {  	v2 =	vld.idx.msk [tilespmem:v2+s3+$0x0], $0xffff  }
0xb3: {  	v5 =	vld [tilespmem:s19+$0xFFFFFF00]  }
0xb4: {  	v6 =	vld [tilespmem:s19+$0xFFFFFF20]  }
0xb5: {  	v7 =	vld [tilespmem:s19+$0xFFFFFF30]  }
0xb6: {  	v3 =	vld [tilespmem:s19+$0xFFFFFF50]  }
0xb7: {  	s18 =	simm.s32 $0x1;
	v9 =	vld [tilespmem:s19+$0xFFFFFF10];
	v4 =	vmul.f32 v2, v4  }
0xb8: {  	v11 =	vmov s18;
	v8 =	vld [tilespmem:s19+$0xFFFFFF60];
	v5 =	vmul.f32 v2, v5  }
0xb9: {  	v10 =	vld [tilespmem:s19+$0xFFFFFF40];
	v6 =	vmul.f32 v2, v6;
	[tilespmem:s19+$0xFFFFFF70] =	vst v4;
	v4 =	vand.u32 $0x7D, v11  }
0xba: {  	v7 =	vmul.f32 v2, v7;
	[tilespmem:s19+$0xFFFFFF00] =	vst v5;
	v4 =	vor.u32 v1, v4  }
0xbb: {  	v3 =	vmul.f32 v2, v3;
	[tilespmem:s19+$0xFFFFFF20] =	vst v6;
	v4 =	vbroadcast v4, $0x0  }
0xbc: {  	v5 =	vmul.f32 v2, v9;
	[tilespmem:s19+$0xFFFFFF30] =	vst v7  }
0xbd: {  	v6 =	vmul.f32 v2, v8;
	[tilespmem:s19+$0xFFFFFF50] =	vst v3  }
0xbe: {  	v2 =	vmul.f32 v2, v10;
	[tilespmem:s19+$0xFFFFFF10] =	vst v5  }
0xbf: {  	[tilespmem:s19+$0xFFFFFF60] =	vst v6  }
0xc0: {  	[tilespmem:s19+$0xFFFFFF40] =	vst v2;
	v2 =	vld [tilespmem:s19+$0xFFFFFF80]  }
0xc1: {  	v4 =	vld.idx.msk [tilespmem:v4+s3+$0x0], $0xffff  }
0xc2: {  	v3 =	vld [tilespmem:s19+$0xFFFFFFA0]  }
0xc3: {  	v5 =	vld [tilespmem:s19+$0xFFFFFFF0]  }
0xc4: {  	v6 =	vld [tilespmem:s19+$0xFFFFFFC0]  }
0xc5: {  	v7 =	vld [tilespmem:s19+$0xFFFFFF90]  }
0xc6: {  	s20 =	simm.s32 $0x2;
	v8 =	vld [tilespmem:s19+$0xFFFFFFD0];
	v2 =	vmul.f32 v4, v2  }
0xc7: {  	v9 =	vld [tilespmem:s19+$0xFFFFFFB0];
	v10 =	vmov s20;
	v3 =	vmul.f32 v4, v3  }
0xc8: {  	v11 =	vld [tilespmem:s19+$0xFFFFFFE0];
	v5 =	vmul.f32 v4, v5;
	[tilespmem:s19+$0xFFFFFF80] =	vst v2;
	v2 =	vand.u32 $0x7E, v10  }
0xc9: {  	v6 =	vmul.f32 v4, v6;
	[tilespmem:s19+$0xFFFFFFA0] =	vst v3;
	v2 =	vor.u32 v1, v2  }
0xca: {  	v3 =	vmul.f32 v4, v7;
	[tilespmem:s19+$0xFFFFFFF0] =	vst v5;
	v5 =	vbroadcast v2, $0x0  }
0xcb: {  	v7 =	vmul.f32 v4, v8;
	[tilespmem:s19+$0xFFFFFFC0] =	vst v6;
	v8 =	vld [tilespmem:s19+$0x30]  }
0xcc: {  	v6 =	vmul.f32 v4, v9;
	v2 =	vld [tilespmem:s19+$0x60];
	[tilespmem:s19+$0xFFFFFF90] =	vst v3  }
0xcd: {  	v4 =	vmul.f32 v4, v11;
	v3 =	vld [tilespmem:s19+$0x70];
	[tilespmem:s19+$0xFFFFFFD0] =	vst v7  }
0xce: {  	s29 =	smul.u32 $0xA000, s12;
	[tilespmem:s19+$0xFFFFFFB0] =	vst v6;
	v6 =	vld [tilespmem:s19+$0x20]  }
0xcf: {  	[tilespmem:s19+$0xFFFFFFE0] =	vst v4;
	v7 =	vld [tilespmem:s19+$0x0]  }
0xd0: {  	s14 =	sshrl.u32 s29, $0x2;
	v4 =	vld.idx.msk [tilespmem:v5+s3+$0x0], $0xffff  }
0xd1: {  	s18 =	simm.s32 $0x4;
	s17 =	sadd.s32 $0x1000, s14;
	s14 =	smov.u32 s19;
	v5 =	vld [tilespmem:s19+$0x10]  }
.LBB2_9:
0xd2: {  	p1 =	slt.u32 s18, $0x4C  }
0xd3: {  	v9 =	vld [tilespmem:s19+$0x50];
	s14 =	sadd.s32 $0x200, s14;
	s29 =	smov.u32 s18;
	s18 =	sadd.s32 $0x4, s18  }
0xd4: {  	v10 =	vld [tilespmem:s19+$0x40];
	_ =	sdelay $0x1  }
0xd5: {  	s20 =	sadd.s32 $0x3, s15;
	s15 =	smov.u32 s29;
	v8 =	vmul.f32 v4, v8;
	v7 =	vmul.f32 v4, v7  }
0xd6: {  	v11 =	vmov s20;
	v6 =	vmul.f32 v4, v6;
	v5 =	vmul.f32 v4, v5  }
0xd7: {  	v2 =	vmul.f32 v4, v2;
	v3 =	vmul.f32 v4, v3;
	[tilespmem:s19+$0x30] =	vst v8;
	v8 =	vand.u32 $0x7F, v11  }
0xd8: {  	[tilespmem:s19+$0x20] =	vst v6;
	v6 =	vmul.f32 v4, v10;
	v4 =	vmul.f32 v4, v9;
	v8 =	vor.u32 v1, v8  }
0xd9: {  	[tilespmem:s19+$0x70] =	vst v3;
	v8 =	vbroadcast v8, $0x0;
	v9 =	vld [tilespmem:s19+$0x80]  }
0xda: {  	[tilespmem:s19+$0x60] =	vst v2;
	v10 =	vld [tilespmem:s19+$0xF0]  }
0xdb: {  	v2 =	vld [tilespmem:s14+$0x60];
	[tilespmem:s19+$0x50] =	vst v4  }
0xdc: {  	v3 =	vld [tilespmem:s14+$0x70];
	[tilespmem:s19+$0x40] =	vst v6  }
0xdd: {  	[tilespmem:s19+$0x0] =	vst v7;
	v4 =	vld [tilespmem:s19+$0xD0]  }
0xde: {  	[tilespmem:s19+$0x10] =	vst v5;
	v5 =	vld [tilespmem:s19+$0xB0]  }
0xdf: {  	v6 =	vld.idx.msk [tilespmem:v8+s3+$0x0], $0xffff  }
0xe0: {  	v7 =	vld [tilespmem:s19+$0x90]  }
0xe1: {  	v8 =	vld [tilespmem:s19+$0xA0]  }
0xe2: {  	v11 =	vld [tilespmem:s19+$0xC0]  }
0xe3: {  	v12 =	vld [tilespmem:s19+$0xE0];
	_ =	sdelay $0x1  }
0xe4: {  	v9 =	vmul.f32 v6, v9;
	v7 =	vmul.f32 v6, v7  }
0xe5: {  	v13 =	vmov s15;
	v5 =	vmul.f32 v6, v5;
	v8 =	vmul.f32 v6, v8  }
0xe6: {  	v13 =	vand.u32 $0x7C, v13;
	v4 =	vmul.f32 v6, v4;
	[tilespmem:s19+$0x80] =	vst v9;
	v9 =	vmul.f32 v6, v11  }
0xe7: {  	v11 =	vor.u32 v1, v13;
	[tilespmem:s19+$0xB0] =	vst v5;
	v5 =	vmul.f32 v6, v12;
	v6 =	vmul.f32 v6, v10  }
0xe8: {  	v10 =	vbroadcast v11, $0x0;
	[tilespmem:s19+$0xA0] =	vst v8  }
0xe9: {  	[tilespmem:s19+$0xD0] =	vst v4  }
0xea: {  	v4 =	vld [tilespmem:s14+$0xFFFFFF50];
	[tilespmem:s19+$0xF0] =	vst v6  }
0xeb: {  	v6 =	vld [tilespmem:s14+$0xFFFFFF30];
	[tilespmem:s19+$0x90] =	vst v7  }
0xec: {  	v7 =	vld [tilespmem:s14+$0xFFFFFF60];
	[tilespmem:s19+$0xC0] =	vst v9  }
0xed: {  	v8 =	vld [tilespmem:s14+$0xFFFFFF70];
	[tilespmem:s19+$0xE0] =	vst v5;
	s19 =	smov.u32 s14  }
0xee: {  	v5 =	vld.idx.msk [tilespmem:v10+s3+$0x0], $0xffff  }
0xef: {  	v9 =	vld [tilespmem:s14+$0xFFFFFF00]  }
0xf0: {  	v10 =	vld [tilespmem:s14+$0xFFFFFF20]  }
0xf1: {  	v11 =	vld [tilespmem:s14+$0xFFFFFF10]  }
0xf2: {  	v12 =	vld [tilespmem:s14+$0xFFFFFF40];
	_ =	sdelay $0x1  }
0xf3: {  	s20 =	sadd.s32 $0x1, s15;
	v8 =	vmul.f32 v5, v8;
	v9 =	vmul.f32 v5, v9  }
0xf4: {  	v13 =	vmov s20;
	v7 =	vmul.f32 v5, v7;
	v10 =	vmul.f32 v5, v10  }
0xf5: {  	v6 =	vmul.f32 v5, v6;
	v11 =	vmul.f32 v5, v11;
	[tilespmem:s14+$0xFFFFFF70] =	vst v8;
	v8 =	vand.u32 $0x7D, v13  }
0xf6: {  	v4 =	vmul.f32 v5, v4;
	[tilespmem:s14+$0xFFFFFF00] =	vst v9;
	v9 =	vmul.f32 v5, v12;
	v5 =	vor.u32 v1, v8  }
0xf7: {  	[tilespmem:s14+$0xFFFFFF20] =	vst v10;
	v5 =	vbroadcast v5, $0x0  }
0xf8: {  	[tilespmem:s14+$0xFFFFFF30] =	vst v6  }
0xf9: {  	[tilespmem:s14+$0xFFFFFF50] =	vst v4;
	v4 =	vld [tilespmem:s14+$0xFFFFFFD0]  }
0xfa: {  	[tilespmem:s14+$0xFFFFFF10] =	vst v11;
	v6 =	vld [tilespmem:s14+$0xFFFFFFE0]  }
0xfb: {  	[tilespmem:s14+$0xFFFFFF60] =	vst v7;
	v7 =	vld [tilespmem:s14+$0xFFFFFFB0]  }
0xfc: {  	[tilespmem:s14+$0xFFFFFF40] =	vst v9;
	v8 =	vld [tilespmem:s14+$0xFFFFFFF0]  }
0xfd: {  	v5 =	vld.idx.msk [tilespmem:v5+s3+$0x0], $0xffff  }
0xfe: {  	v9 =	vld [tilespmem:s14+$0xFFFFFF80]  }
0xff: {  	v10 =	vld [tilespmem:s14+$0xFFFFFFA0]  }
0x100: {  	v11 =	vld [tilespmem:s14+$0xFFFFFFC0]  }
0x101: {  	v12 =	vld [tilespmem:s14+$0xFFFFFF90];
	_ =	sdelay $0x1  }
0x102: {  	s20 =	sadd.s32 $0x2, s15;
	v8 =	vmul.f32 v5, v8;
	v9 =	vmul.f32 v5, v9  }
0x103: {  	v13 =	vmov s20;
	v7 =	vmul.f32 v5, v7;
	v10 =	vmul.f32 v5, v10  }
0x104: {  	v6 =	vmul.f32 v5, v6;
	[tilespmem:s14+$0xFFFFFF80] =	vst v9;
	v9 =	vmul.f32 v5, v11;
	v11 =	vand.u32 $0x7E, v13  }
0x105: {  	v4 =	vmul.f32 v5, v4;
	v12 =	vmul.f32 v5, v12;
	[tilespmem:s14+$0xFFFFFFA0] =	vst v10;
	v5 =	vor.u32 v1, v11  }
0x106: {  	[tilespmem:s14+$0xFFFFFFF0] =	vst v8;
	v5 =	vbroadcast v5, $0x0  }
0x107: {  	[tilespmem:s14+$0xFFFFFFC0] =	vst v9  }
0x108: {  	[tilespmem:s14+$0xFFFFFF90] =	vst v12  }
0x109: {  	[tilespmem:s14+$0xFFFFFFD0] =	vst v4  }
.Ltmp4:
0x10a: {  	[tilespmem:s14+$0xFFFFFFB0] =	vst v7;
	v8 =	vld [tilespmem:s14+$0x30];
	(pc) =	sbr.rel @p1 .LBB2_9-.Ltmp4, $4  }
0x10b: {  	[tilespmem:s14+$0xFFFFFFE0] =	vst v6;
	v6 =	vld [tilespmem:s14+$0x20]  }
0x10c: {  	v4 =	vld.idx.msk [tilespmem:v5+s3+$0x0], $0xffff  }
0x10d: {  	v7 =	vld [tilespmem:s14+$0x0]  }
0x10e: {  	v5 =	vld [tilespmem:s14+$0x10]  }
0x10f: {  	_ =	sdelay $0x1  }
0x110: {  	v9 =	vld [tilespmem:s19+$0x50];
	s14 =	sadd.s32 $0x3, s15;
	v8 =	vmul.f32 v4, v8  }
0x111: {  	v10 =	vld [tilespmem:s19+$0x40];
	v11 =	vmov s14;
	v3 =	vmul.f32 v4, v3  }
0x112: {  	v55 =	vand.u32 $0x7F, v11;
	v2 =	vmul.f32 v4, v2;
	[tilespmem:s19+$0x30] =	vst v8  }
0x113: {  	v6 =	vmul.f32 v4, v6;
	v1 =	vor.u32 v1, v55;
	[tilespmem:s19+$0x70] =	vst v3  }
0x114: {  	v1 =	vbroadcast v1, $0x0;
	[tilespmem:s19+$0x60] =	vst v2;
	v2 =	vmul.f32 v4, v7  }
0x115: {  	[tilespmem:s19+$0x20] =	vst v6;
	v3 =	vmul.f32 v4, v9  }
0x116: {  	v57 =	vmul.f32 v4, v10;
	[tilespmem:s19+$0x0] =	vst v2  }
0x117: {  	[tilespmem:s19+$0x50] =	vst v3;
	v3 =	vmul.f32 v4, v5  }
0x118: {  	[tilespmem:s19+$0x40] =	vst v57  }
0x119: {  	v56 =	vld [tilespmem:s19+$0x80];
	[tilespmem:s19+$0x10] =	vst v3  }
0x11a: {  	v1 =	vld.idx.msk [tilespmem:v1+s3+$0x0], $0xffff  }
0x11b: {  	v2 =	vld [tilespmem:s19+$0xB0]  }
0x11c: {  	v3 =	vld [tilespmem:s19+$0xA0]  }
0x11d: {  	v58 =	vld [tilespmem:s19+$0xD0]  }
0x11e: {  	v61 =	vld [tilespmem:s19+$0xC0]  }
0x11f: {  	v59 =	vld [tilespmem:s19+$0xF0];
	v6 =	vmul.f32 v1, v56  }
0x120: {  	v60 =	vld [tilespmem:s19+$0x90];
	v2 =	vmul.f32 v1, v2  }
0x121: {  	v62 =	vld [tilespmem:s19+$0xE0];
	v3 =	vmul.f32 v1, v3;
	[tilespmem:s19+$0x80] =	vst v6  }
0x122: {  	v4 =	vmul.f32 v1, v58;
	[tilespmem:s19+$0xB0] =	vst v2  }
0x123: {  	s11 =	sadd.s32 $0x1, s11;
	v63 =	vmul.f32 v1, v61;
	[tilespmem:s19+$0xA0] =	vst v3  }
0x124: {  	p1 =	sne.s32 s11, $0x7D;
	v2 =	vmul.f32 v1, v59;
	[tilespmem:s19+$0xD0] =	vst v4  }
.Ltmp5:
0x125: {  	v3 =	vmul.f32 v1, v60;
	[tilespmem:s19+$0xC0] =	vst v63;
	(pc) =	sbr.rel @p1 .LBB2_4-.Ltmp5, $4  }
0x126: {  	v1 =	vmul.f32 v1, v62;
	[tilespmem:s19+$0xF0] =	vst v2  }
0x127: {  	[tilespmem:s19+$0x90] =	vst v3  }
0x128: {  	s13 =	sor.u32 $0x80, s13;
	s12 =	sadd.s32 $0xD, s12;
	s10 =	sadd.s32 $0x1, s10;
	[tilespmem:s19+$0xE0] =	vst v1  }
0x129: {  	[spmem:s2] =	stream.indirect.scatter.add.f32 [tilespmem:s17], [sflag:s12], $0x80, s13, s0, $0xb8;
	[tilespmem:$0x1E880] =	vst v63  }
0x12a: {  	_ =	swait.ge [sflag:s4], $0x2800  }
0x12b: {  	[sflag:s4] =	ssyncset.done $0x0  }
0x12c: {  	[sflag:s4] =	ssyncadd.s32 $0xFFFFD800  }
0x12d: {  	_ =	swait.ge [sflag:s7], $0x2800  }
0x12e: {  	[sflag:s7] =	ssyncset.done $0x0  }
0x12f: {  	s10 =	stileid.u32;
	[sflag:s7] =	ssyncadd.s32 $0xFFFFD800  }
0x130: {  	s10 =	sshll.u32 s10, $0x6;
	[bflag:$0x0] =	sbarrier.arrive $0xFFFF  }
0x131: {  	s10 =	sor.u32 $0x1C11, s10;
	s11 =	rddreg [dreg:$0x5]  }
0x132: {  	[hbm:s11], [sflag:s10] =	dma.local [spmem:s24], $0x2700  }
0x133: {  	_ =	swait.ge [sflag:s28], $0x2700  }
0x134: {  	[sflag:s28] =	ssyncset.done $0x0  }
0x135: {  	s11 =	rddreg [dreg:$0x6];
	[sflag:s28] =	ssyncadd.s32 $0xFFFFD900  }
0x136: {  	[hbm:s11], [sflag:s10] =	dma.local @!p0 [spmem:s25], $0x100  }
0x137: {  	s10 =	simm.s32 @!p0 $0x11  }
0x138: {  	_ =	swait.ge @!p0 [sflag:s10], $0x100  }
0x139: {  	s9 =	sadd.s32 $0x1, s9;
	s29 =	rddreg [dreg:$0x7]  }
0x13a: {  	p1 =	sne.s32 s9, s29  }
.Ltmp6:
0x13b: {  	_ = 	snop;
	(pc) =	sbr.rel @p1 .LBB2_1-.Ltmp6, $3  }
0x13c: {  	_ =	sdelay $0x1  }
0x13d: {  	[sflag:s10] =	ssyncset.done @!p0 $0x0  }
0x13e: {  	[sflag:s10] =	ssyncadd.s32 @!p0 $0xFFFFFF00  }
0x13f: {  	_ =	sfence.sel $0x180000  }
0x140: {  	[bflag:$0x0] =	sbarrier.arrive $0xFFFF  }
0x141: {  	_ =	strace $0x9000004A  }
0x142: {  	s0 =	stileid.u32;
	[bflag:$0x2] =	sbarrier.arrive $0xFFFF  }
0x143: {  	p0 =	sne.s32 s0, $0x0;
	s0 =	rddreg [dreg:$0x3]  }
0x144: {  	s0 =	sadd.s32 @!p0 $0x100000, s0  }
0x145: {  	[sflag:s0] =	ssyncadd.tile.s32 @!p0 $0x1;
	_ =	shalt  }
.Lfunc_end2:
_tile_overlayer_lowered:
.L_overlay_start_2:
0x146: {  	(tag) =	ssettag $0x2  }
0x147: {  	s0 =	rddreg [dreg:$0x0];
	s2 =	stileid.u32  }
0x148: {  	s1 =	rddreg [dreg:$0x1];
	p0 =	sne.s32 s2, $0x0  }
0x149: {  	s3 =	rddreg [dreg:$0x2];
	[bflag:$0x3] =	sbarrier.arrive $0xFFFF;
	s2 =	simm.s32 @!p0 $0x1C11  }
0x14a: {  	[timem:s3], [sflag:s2] =	dma.local @!p0 [hbm:s0], s1  }
0x14b: {  	s0 =	simm.s32 @!p0 $0x11  }
0x14c: {  	_ =	swait.ge @!p0 [sflag:s0], s1  }
0x14d: {  	s1 =	ssub.s32 @!p0 $0x0, s1;
	[sflag:s0] =	ssyncset.done @!p0 $0x0  }
0x14e: {  	[sflag:s0] =	ssyncadd.s32 @!p0 s1  }
0x14f: {  	[bflag:$0x3] =	sbarrier.arrive $0xFFFF  }
0x150: {  	_ =	shalt  }

</sc_bundles>
